<compile_context>
chip_gen: v7x
topology: tpu7x:2x2x1
jax: 0.10.2.dev20260603
libtpu: 0.0.44.dev20260713+nightly
codegen_flags: <defaults>
</compile_context>

<pallas_src>
import jax
import jax.numpy as jnp
from jax import lax
from jax.experimental import pallas as pl
from jax.experimental.pallas import tpu as pltpu
from jax.experimental.pallas import tpu_sc as plsc

B, L, D = 4, 4096, 1024
NC, NS = 2, 16
NW = NC * NS
RPW = L // NW
CH = 8
NCH = RPW // CH
LANES = 16
KPC = D // LANES
NBUF = 3


def _sc_body(x_hbm, idx_hbm, tab_hbm, out_hbm, idx_v,
             emb0, emb1, xv0, xv1, xv2,
             sg0, sg1, sx0, sx1, sx2, so0, so1, so2):
    wid = lax.axis_index("s") * NC + lax.axis_index("c")
    base = wid * RPW

    embs, sgs = (emb0, emb1), (sg0, sg1)
    xvs = (xv0, xv1, xv2)
    sxs, sos = (sx0, sx1, sx2), (so0, so1, so2)

    def gather_copy(c):
        p = c % 2
        return pltpu.make_async_copy(
            tab_hbm.at[idx_v.at[pl.ds(c * CH, CH)]], embs[p], sgs[p])

    def x_copy(c):
        p = c % NBUF
        return pltpu.make_async_copy(
            x_hbm.at[:, pl.ds(base + c * CH, CH)], xvs[p], sxs[p])

    def o_copy(c):
        p = c % NBUF
        return pltpu.make_async_copy(
            xvs[p], out_hbm.at[:, pl.ds(base + c * CH, CH)], sos[p])

    x_copy(0).start()
    x_copy(1).start()
    pltpu.sync_copy(idx_hbm.at[pl.ds(base, RPW)], idx_v)
    gather_copy(0).start()
    gather_copy(1).start()

    for c in range(NCH):
        p = c % NBUF
        if c + 2 < NCH:
            if c >= 1:
                o_copy(c - 1).wait()
            x_copy(c + 2).start()
        x_copy(c).wait()
        gather_copy(c).wait()

        xb, eb = xvs[p], embs[c % 2]

        @plsc.parallel_loop(0, CH * KPC, unroll=8)
        def _add(i):
            r = i >> 6
            sl = pl.ds((i & (KPC - 1)) * LANES, LANES)
            e = eb[r, sl]
            for b in range(B):
                plsc.addupdate(xb.at[b, r, sl], e)

        o_copy(c).start()
        if c + 2 < NCH:
            gather_copy(c + 2).start()

    o_copy(NCH - 3).wait()
    o_copy(NCH - 2).wait()
    o_copy(NCH - 1).wait()


@jax.jit
def _pembed(x, idx, tab):
    idx32 = idx.astype(jnp.int32)
    mesh = plsc.VectorSubcoreMesh(
        core_axis_name="c", subcore_axis_name="s",
        num_cores=NC, num_subcores=NS)
    fn = pl.kernel(
        _sc_body,
        out_type=jax.ShapeDtypeStruct((B, L, D), jnp.float32),
        mesh=mesh,
        scratch_types=(
            [pltpu.VMEM((RPW,), jnp.int32)]
            + [pltpu.VMEM((CH, D), jnp.float32)] * 2
            + [pltpu.VMEM((B, CH, D), jnp.float32)] * NBUF
            + [pltpu.SemaphoreType.DMA] * 8),
    )
    return fn(x, idx32, tab)


def kernel(x, idx, embed_weight):
    return _pembed(x, idx, embed_weight)

# --- scband reference (transcript-rebuilt; emitter-appended) ---
"""Pipeline reference for scband-pembeder-13314398618393 (READ-ONLY COPY).

The authoritative reference and input builder live on the scoring server;
editing this copy changes nothing except your own understanding.
"""

import jax, jax.numpy as jnp
import numpy as np


def setup_inputs(seed: int = 0) -> dict:
    key = jax.random.key(seed)
    k1, k2 = jax.random.split(key)
    x = jax.random.normal(k1, (4, 4096, 1024), dtype=jnp.float32)
    idx = jnp.arange(4096, dtype=jnp.int64)
    # embedding table: kaiming normal fan_in (fan_in = vocab_size for nn.Embedding weight [vocab, d])
    vocab_size, d_model = 8192, 1024
    std = float(np.sqrt(2.0 / vocab_size))
    embed_weight = jax.random.normal(k2, (vocab_size, d_model), dtype=jnp.float32) * std
    return {"x": x, "idx": idx, "embed_weight": embed_weight}


def reference(x, idx, embed_weight):
    # PEmbeder.forward: x + embed(idx); idx broadcasts over batch dim
    pos_emb = jnp.take(embed_weight, idx, axis=0)  # [L, d_model]
    return x + pos_emb[None, :, :]

if __name__ == "__main__":
    import jax
    _d = setup_inputs()
    print(jax.jit(kernel)(*tuple(_d.values())))

</pallas_src>

<mosaic_0001>
#map = affine_map<(d0, d1) -> (0, 0, 0)>
#map1 = affine_map<(d0, d1) -> (0)>
#map2 = affine_map<(d0, d1) -> (0, 0)>
module attributes {stable_mosaic.version = 14 : i64} {
  func.func @_sc_body(%arg0: i32, %arg1: i32, %arg2: memref<4x4096x1024xf32, #tpu.memory_space<hbm>>, %arg3: memref<4096xi32, #tpu.memory_space<hbm>>, %arg4: memref<8192x1024xf32, #tpu.memory_space<hbm>>, %arg5: memref<4x4096x1024xf32, #tpu.memory_space<hbm>>, %arg6: memref<128xi32, #tpu.memory_space<vmem>>, %arg7: memref<8x1024xf32, #tpu.memory_space<vmem>>, %arg8: memref<8x1024xf32, #tpu.memory_space<vmem>>, %arg9: memref<4x8x1024xf32, #tpu.memory_space<vmem>>, %arg10: memref<4x8x1024xf32, #tpu.memory_space<vmem>>, %arg11: memref<4x8x1024xf32, #tpu.memory_space<vmem>>, %arg12: memref<!tpu.dma_semaphore, #tpu.memory_space<semaphore_mem>>, %arg13: memref<!tpu.dma_semaphore, #tpu.memory_space<semaphore_mem>>, %arg14: memref<!tpu.dma_semaphore, #tpu.memory_space<semaphore_mem>>, %arg15: memref<!tpu.dma_semaphore, #tpu.memory_space<semaphore_mem>>, %arg16: memref<!tpu.dma_semaphore, #tpu.memory_space<semaphore_mem>>, %arg17: memref<!tpu.dma_semaphore, #tpu.memory_space<semaphore_mem>>, %arg18: memref<!tpu.dma_semaphore, #tpu.memory_space<semaphore_mem>>, %arg19: memref<!tpu.dma_semaphore, #tpu.memory_space<semaphore_mem>>) attributes {dimension_semantics = [#tpu.dimension_semantics<core_parallel>, #tpu.dimension_semantics<subcore_parallel>], iteration_bounds = array<i64: 2, 16>, scalar_prefetch = 0 : i64, scratch_operands = 14 : i64, tpu.core_type = #tpu.core_type<sc_vector_subcore>, window_params = [{transform_indices = #map}, {transform_indices = #map1}, {transform_indices = #map2}, {transform_indices = #map}]} {
    %mul3A = arith.constant 2 : i32
    %mul3A_0 = arith.muli %arg1, %mul3A : i32
    %add3A = arith.addi %mul3A_0, %arg0 : i32
    %mul3A_1 = arith.constant 128 : i32
    %mul3A_2 = arith.muli %add3A, %mul3A_1 : i32
    %add3A_3 = arith.constant 0 : i32
    %add3A_4 = arith.addi %mul3A_2, %add3A_3 : i32
    %dma_start3A = arith.constant 0 : i32
    %dma_start3A_5 = arith.constant 0 : i32
    %dma_start3A_6 = tpu.memref_slice %arg2[%dma_start3A, %add3A_4, %dma_start3A_5] : memref<4x4096x1024xf32, #tpu.memory_space<hbm>> -> memref<4x8x1024xf32, #tpu.memory_space<hbm>>
    %dma_start3A_7 = arith.constant 0 : i32
    %dma_start3A_8 = arith.constant 0 : i32
    %dma_start3A_9 = tpu.memref_slice %arg2[%dma_start3A_7, %add3A_4, %dma_start3A_8] : memref<4x4096x1024xf32, #tpu.memory_space<hbm>> -> memref<4x8x1024xf32, #tpu.memory_space<hbm>>
    tpu.enqueue_dma source(%dma_start3A_9 : memref<4x8x1024xf32, #tpu.memory_space<hbm>>) target(%arg9 : memref<4x8x1024xf32, #tpu.memory_space<vmem>>) target_semaphore(%arg14 : memref<!tpu.dma_semaphore, #tpu.memory_space<semaphore_mem>>)
    %add3A_10 = arith.constant 8 : i32
    %add3A_11 = arith.addi %mul3A_2, %add3A_10 : i32
    %dma_start3A_12 = arith.constant 0 : i32
    %dma_start3A_13 = arith.constant 0 : i32
    %dma_start3A_14 = tpu.memref_slice %arg2[%dma_start3A_12, %add3A_11, %dma_start3A_13] : memref<4x4096x1024xf32, #tpu.memory_space<hbm>> -> memref<4x8x1024xf32, #tpu.memory_space<hbm>>
    %dma_start3A_15 = arith.constant 0 : i32
    %dma_start3A_16 = arith.constant 0 : i32
    %dma_start3A_17 = tpu.memref_slice %arg2[%dma_start3A_15, %add3A_11, %dma_start3A_16] : memref<4x4096x1024xf32, #tpu.memory_space<hbm>> -> memref<4x8x1024xf32, #tpu.memory_space<hbm>>
    tpu.enqueue_dma source(%dma_start3A_17 : memref<4x8x1024xf32, #tpu.memory_space<hbm>>) target(%arg10 : memref<4x8x1024xf32, #tpu.memory_space<vmem>>) target_semaphore(%arg15 : memref<!tpu.dma_semaphore, #tpu.memory_space<semaphore_mem>>)
    "tpu.region"() ({
      %run_scoped3A = tpu.sem_alloc : memref<!tpu.dma_semaphore, #tpu.memory_space<semaphore_mem>>
      %dma_start3A_720 = tpu.memref_slice %arg3[%mul3A_2] : memref<4096xi32, #tpu.memory_space<hbm>> -> memref<128xi32, #tpu.memory_space<hbm>>
      %dma_start3A_721 = tpu.memref_slice %arg3[%mul3A_2] : memref<4096xi32, #tpu.memory_space<hbm>> -> memref<128xi32, #tpu.memory_space<hbm>>
      tpu.enqueue_dma source(%dma_start3A_721 : memref<128xi32, #tpu.memory_space<hbm>>) target(%arg6 : memref<128xi32, #tpu.memory_space<vmem>>) target_semaphore(%run_scoped3A : memref<!tpu.dma_semaphore, #tpu.memory_space<semaphore_mem>>)
      %dma_wait3A_722 = tpu.memref_slice %arg3[%mul3A_2] : memref<4096xi32, #tpu.memory_space<hbm>> -> memref<128xi32, #tpu.memory_space<hbm>>
      %dma_wait3A_723 = tpu.memref_slice %arg3[%mul3A_2] : memref<4096xi32, #tpu.memory_space<hbm>> -> memref<128xi32, #tpu.memory_space<hbm>>
      tpu.wait_dma2 semaphore(%run_scoped3A : memref<!tpu.dma_semaphore, #tpu.memory_space<semaphore_mem>>) src(%dma_wait3A_723 : memref<128xi32, #tpu.memory_space<hbm>>) dst(%arg6 : memref<128xi32, #tpu.memory_space<vmem>>)
      tpu.yield
    }) : () -> ()
    %dma_start3A_18 = arith.constant 0 : i32
    %dma_start3A_19 = tpu.memref_slice %arg6[%dma_start3A_18] : memref<128xi32, #tpu.memory_space<vmem>> -> memref<8xi32, #tpu.memory_space<vmem>>
    %dma_start3A_20 = arith.constant 0 : i32
    %dma_start3A_21 = arith.constant 0 : i32
    %dma_start3A_22 = tpu.memref_slice %arg4[%dma_start3A_20, %dma_start3A_21] : memref<8192x1024xf32, #tpu.memory_space<hbm>> -> memref<8192x1024xf32, #tpu.memory_space<hbm>>
    tpu.enqueue_indirect_dma source(%dma_start3A_22 : memref<8192x1024xf32, #tpu.memory_space<hbm>>) target(%arg7 : memref<8x1024xf32, #tpu.memory_space<vmem>>) offsets(%dma_start3A_19 : memref<8xi32, #tpu.memory_space<vmem>>) semaphore(%arg12 : memref<!tpu.dma_semaphore, #tpu.memory_space<semaphore_mem>>)
    %dma_start3A_23 = arith.constant 8 : i32
    %dma_start3A_24 = tpu.memref_slice %arg6[%dma_start3A_23] : memref<128xi32, #tpu.memory_space<vmem>> -> memref<8xi32, #tpu.memory_space<vmem>>
    %dma_start3A_25 = arith.constant 0 : i32
    %dma_start3A_26 = arith.constant 0 : i32
    %dma_start3A_27 = tpu.memref_slice %arg4[%dma_start3A_25, %dma_start3A_26] : memref<8192x1024xf32, #tpu.memory_space<hbm>> -> memref<8192x1024xf32, #tpu.memory_space<hbm>>
    tpu.enqueue_indirect_dma source(%dma_start3A_27 : memref<8192x1024xf32, #tpu.memory_space<hbm>>) target(%arg8 : memref<8x1024xf32, #tpu.memory_space<vmem>>) offsets(%dma_start3A_24 : memref<8xi32, #tpu.memory_space<vmem>>) semaphore(%arg13 : memref<!tpu.dma_semaphore, #tpu.memory_space<semaphore_mem>>)
    %add3A_28 = arith.constant 16 : i32
    %add3A_29 = arith.addi %mul3A_2, %add3A_28 : i32
    %dma_start3A_30 = arith.constant 0 : i32
    %dma_start3A_31 = arith.constant 0 : i32
    %dma_start3A_32 = tpu.memref_slice %arg2[%dma_start3A_30, %add3A_29, %dma_start3A_31] : memref<4x4096x1024xf32, #tpu.memory_space<hbm>> -> memref<4x8x1024xf32, #tpu.memory_space<hbm>>
    %dma_start3A_33 = arith.constant 0 : i32
    %dma_start3A_34 = arith.constant 0 : i32
    %dma_start3A_35 = tpu.memref_slice %arg2[%dma_start3A_33, %add3A_29, %dma_start3A_34] : memref<4x4096x1024xf32, #tpu.memory_space<hbm>> -> memref<4x8x1024xf32, #tpu.memory_space<hbm>>
    tpu.enqueue_dma source(%dma_start3A_35 : memref<4x8x1024xf32, #tpu.memory_space<hbm>>) target(%arg11 : memref<4x8x1024xf32, #tpu.memory_space<vmem>>) target_semaphore(%arg16 : memref<!tpu.dma_semaphore, #tpu.memory_space<semaphore_mem>>)
    %add3A_36 = arith.constant 0 : i32
    %add3A_37 = arith.addi %mul3A_2, %add3A_36 : i32
    %dma_wait3A = arith.constant 0 : i32
    %dma_wait3A_38 = arith.constant 0 : i32
    %dma_wait3A_39 = tpu.memref_slice %arg2[%dma_wait3A, %add3A_37, %dma_wait3A_38] : memref<4x4096x1024xf32, #tpu.memory_space<hbm>> -> memref<4x8x1024xf32, #tpu.memory_space<hbm>>
    %dma_wait3A_40 = arith.constant 0 : i32
    %dma_wait3A_41 = arith.constant 0 : i32
    %dma_wait3A_42 = tpu.memref_slice %arg2[%dma_wait3A_40, %add3A_37, %dma_wait3A_41] : memref<4x4096x1024xf32, #tpu.memory_space<hbm>> -> memref<4x8x1024xf32, #tpu.memory_space<hbm>>
    tpu.wait_dma2 semaphore(%arg14 : memref<!tpu.dma_semaphore, #tpu.memory_space<semaphore_mem>>) src(%dma_wait3A_42 : memref<4x8x1024xf32, #tpu.memory_space<hbm>>) dst(%arg9 : memref<4x8x1024xf32, #tpu.memory_space<vmem>>)
    %dma_wait3A_43 = arith.constant 0 : i32
    %dma_wait3A_44 = tpu.memref_slice %arg6[%dma_wait3A_43] : memref<128xi32, #tpu.memory_space<vmem>> -> memref<8xi32, #tpu.memory_space<vmem>>
    %dma_wait3A_45 = arith.constant 0 : i32
    %dma_wait3A_46 = arith.constant 0 : i32
    %dma_wait3A_47 = tpu.memref_slice %arg4[%dma_wait3A_45, %dma_wait3A_46] : memref<8192x1024xf32, #tpu.memory_space<hbm>> -> memref<8192x1024xf32, #tpu.memory_space<hbm>>
    tpu.wait_indirect_dma semaphore(%arg12 : memref<!tpu.dma_semaphore, #tpu.memory_space<semaphore_mem>>) src(%dma_wait3A_47 : memref<8192x1024xf32, #tpu.memory_space<hbm>>) dst(%arg7 : memref<8x1024xf32, #tpu.memory_space<vmem>>)
    %parallel_loop3A = arith.constant 0 : i32
    %parallel_loop3A_48 = arith.constant 512 : i32
    %parallel_loop3A_49 = arith.constant 1 : i32
    scf.for %parallel_loop3A_720 = %parallel_loop3A to %parallel_loop3A_48 step %parallel_loop3A_49  : i32 {
      %parallel_loop3A_721 = arith.constant 6 : i32
      %parallel_loop3A_722 = arith.shrsi %parallel_loop3A_720, %parallel_loop3A_721 : i32
      %parallel_loop3A_723 = arith.constant 63 : i32
      %parallel_loop3A_724 = arith.andi %parallel_loop3A_720, %parallel_loop3A_723 : i32
      %parallel_loop3A_725 = arith.constant 16 : i32
      %parallel_loop3A_726 = arith.muli %parallel_loop3A_724, %parallel_loop3A_725 : i32
      %parallel_loop3A_727 = arith.index_cast %parallel_loop3A_722 : i32 to index
      %parallel_loop3A_728 = arith.index_cast %parallel_loop3A_726 : i32 to index
      %parallel_loop3A_729 = tpu.vector_load %arg7[%parallel_loop3A_727, %parallel_loop3A_728] {strides = array<i32>} : memref<8x1024xf32, #tpu.memory_space<vmem>>, vector<1x16xf32>,
      %parallel_loop3A_730 = vector.shape_cast %parallel_loop3A_729 : vector<1x16xf32> to vector<16xf32>
      %parallel_loop3A_731 = arith.constant 0 : i32
      %parallel_loop3A_732 = arith.index_cast %parallel_loop3A_731 : i32 to index
      %parallel_loop3A_733 = arith.index_cast %parallel_loop3A_722 : i32 to index
      %parallel_loop3A_734 = arith.index_cast %parallel_loop3A_726 : i32 to index
      %parallel_loop3A_735 = tpu.vector_load %arg9[%parallel_loop3A_732, %parallel_loop3A_733, %parallel_loop3A_734] {strides = array<i32>} : memref<4x8x1024xf32, #tpu.memory_space<vmem>>, vector<1x1x16xf32>,
      %parallel_loop3A_736 = vector.shape_cast %parallel_loop3A_735 : vector<1x1x16xf32> to vector<16xf32>
      %parallel_loop3A_737 = vector.shape_cast %parallel_loop3A_730 : vector<16xf32> to vector<1x1x16xf32>
      tpu.vector_store %arg9[%parallel_loop3A_732, %parallel_loop3A_733, %parallel_loop3A_734], %parallel_loop3A_737 {add = true, strides = array<i32>} : memref<4x8x1024xf32, #tpu.memory_space<vmem>>, vector<1x1x16xf32>,
      %parallel_loop3A_738 = arith.constant 1 : i32
      %parallel_loop3A_739 = arith.index_cast %parallel_loop3A_738 : i32 to index
      %parallel_loop3A_740 = arith.index_cast %parallel_loop3A_722 : i32 to index
      %parallel_loop3A_741 = arith.index_cast %parallel_loop3A_726 : i32 to index
      %parallel_loop3A_742 = tpu.vector_load %arg9[%parallel_loop3A_739, %parallel_loop3A_740, %parallel_loop3A_741] {strides = array<i32>} : memref<4x8x1024xf32, #tpu.memory_space<vmem>>, vector<1x1x16xf32>,
      %parallel_loop3A_743 = vector.shape_cast %parallel_loop3A_742 : vector<1x1x16xf32> to vector<16xf32>
      %parallel_loop3A_744 = vector.shape_cast %parallel_loop3A_730 : vector<16xf32> to vector<1x1x16xf32>
      tpu.vector_store %arg9[%parallel_loop3A_739, %parallel_loop3A_740, %parallel_loop3A_741], %parallel_loop3A_744 {add = true, strides = array<i32>} : memref<4x8x1024xf32, #tpu.memory_space<vmem>>, vector<1x1x16xf32>,
      %parallel_loop3A_745 = arith.constant 2 : i32
      %parallel_loop3A_746 = arith.index_cast %parallel_loop3A_745 : i32 to index
      %parallel_loop3A_747 = arith.index_cast %parallel_loop3A_722 : i32 to index
      %parallel_loop3A_748 = arith.index_cast %parallel_loop3A_726 : i32 to index
      %parallel_loop3A_749 = tpu.vector_load %arg9[%parallel_loop3A_746, %parallel_loop3A_747, %parallel_loop3A_748] {strides = array<i32>} : memref<4x8x1024xf32, #tpu.memory_space<vmem>>, vector<1x1x16xf32>,
      %parallel_loop3A_750 = vector.shape_cast %parallel_loop3A_749 : vector<1x1x16xf32> to vector<16xf32>
      %parallel_loop3A_751 = vector.shape_cast %parallel_loop3A_730 : vector<16xf32> to vector<1x1x16xf32>
      tpu.vector_store %arg9[%parallel_loop3A_746, %parallel_loop3A_747, %parallel_loop3A_748], %parallel_loop3A_751 {add = true, strides = array<i32>} : memref<4x8x1024xf32, #tpu.memory_space<vmem>>, vector<1x1x16xf32>,
      %parallel_loop3A_752 = arith.constant 3 : i32
      %parallel_loop3A_753 = arith.index_cast %parallel_loop3A_752 : i32 to index
      %parallel_loop3A_754 = arith.index_cast %parallel_loop3A_722 : i32 to index
      %parallel_loop3A_755 = arith.index_cast %parallel_loop3A_726 : i32 to index
      %parallel_loop3A_756 = tpu.vector_load %arg9[%parallel_loop3A_753, %parallel_loop3A_754, %parallel_loop3A_755] {strides = array<i32>} : memref<4x8x1024xf32, #tpu.memory_space<vmem>>, vector<1x1x16xf32>,
      %parallel_loop3A_757 = vector.shape_cast %parallel_loop3A_756 : vector<1x1x16xf32> to vector<16xf32>
      %parallel_loop3A_758 = vector.shape_cast %parallel_loop3A_730 : vector<16xf32> to vector<1x1x16xf32>
      tpu.vector_store %arg9[%parallel_loop3A_753, %parallel_loop3A_754, %parallel_loop3A_755], %parallel_loop3A_758 {add = true, strides = array<i32>} : memref<4x8x1024xf32, #tpu.memory_space<vmem>>, vector<1x1x16xf32>,
    } {sc.loop_unroll_factor = 8 : i64, sc.parallel_access}
    %add3A_50 = arith.constant 0 : i32
    %add3A_51 = arith.addi %mul3A_2, %add3A_50 : i32
    %dma_start3A_52 = arith.constant 0 : i32
    %dma_start3A_53 = arith.constant 0 : i32
    %dma_start3A_54 = tpu.memref_slice %arg5[%dma_start3A_52, %add3A_51, %dma_start3A_53] : memref<4x4096x1024xf32, #tpu.memory_space<hbm>> -> memref<4x8x1024xf32, #tpu.memory_space<hbm>>
    %dma_start3A_55 = arith.constant 0 : i32
    %dma_start3A_56 = arith.constant 0 : i32
    %dma_start3A_57 = tpu.memref_slice %arg5[%dma_start3A_55, %add3A_51, %dma_start3A_56] : memref<4x4096x1024xf32, #tpu.memory_space<hbm>> -> memref<4x8x1024xf32, #tpu.memory_space<hbm>>
    tpu.enqueue_dma source(%arg9 : memref<4x8x1024xf32, #tpu.memory_space<vmem>>) target(%dma_start3A_57 : memref<4x8x1024xf32, #tpu.memory_space<hbm>>) target_semaphore(%arg17 : memref<!tpu.dma_semaphore, #tpu.memory_space<semaphore_mem>>)
    %dma_start3A_58 = arith.constant 16 : i32
    %dma_start3A_59 = tpu.memref_slice %arg6[%dma_start3A_58] : memref<128xi32, #tpu.memory_space<vmem>> -> memref<8xi32, #tpu.memory_space<vmem>>
    %dma_start3A_60 = arith.constant 0 : i32
    %dma_start3A_61 = arith.constant 0 : i32
    %dma_start3A_62 = tpu.memref_slice %arg4[%dma_start3A_60, %dma_start3A_61] : memref<8192x1024xf32, #tpu.memory_space<hbm>> -> memref<8192x1024xf32, #tpu.memory_space<hbm>>
    tpu.enqueue_indirect_dma source(%dma_start3A_62 : memref<8192x1024xf32, #tpu.memory_space<hbm>>) target(%arg7 : memref<8x1024xf32, #tpu.memory_space<vmem>>) offsets(%dma_start3A_59 : memref<8xi32, #tpu.memory_space<vmem>>) semaphore(%arg12 : memref<!tpu.dma_semaphore, #tpu.memory_space<semaphore_mem>>)
    %add3A_63 = arith.constant 0 : i32
    %add3A_64 = arith.addi %mul3A_2, %add3A_63 : i32
    %dma_wait3A_65 = arith.constant 0 : i32
    %dma_wait3A_66 = arith.constant 0 : i32
    %dma_wait3A_67 = tpu.memref_slice %arg5[%dma_wait3A_65, %add3A_64, %dma_wait3A_66] : memref<4x4096x1024xf32, #tpu.memory_space<hbm>> -> memref<4x8x1024xf32, #tpu.memory_space<hbm>>
    %dma_wait3A_68 = arith.constant 0 : i32
    %dma_wait3A_69 = arith.constant 0 : i32
    %dma_wait3A_70 = tpu.memref_slice %arg5[%dma_wait3A_68, %add3A_64, %dma_wait3A_69] : memref<4x4096x1024xf32, #tpu.memory_space<hbm>> -> memref<4x8x1024xf32, #tpu.memory_space<hbm>>
    tpu.wait_dma2 semaphore(%arg17 : memref<!tpu.dma_semaphore, #tpu.memory_space<semaphore_mem>>) src(%arg9 : memref<4x8x1024xf32, #tpu.memory_space<vmem>>) dst(%dma_wait3A_70 : memref<4x8x1024xf32, #tpu.memory_space<hbm>>)
    %add3A_71 = arith.constant 24 : i32
    %add3A_72 = arith.addi %mul3A_2, %add3A_71 : i32
    %dma_start3A_73 = arith.constant 0 : i32
    %dma_start3A_74 = arith.constant 0 : i32
    %dma_start3A_75 = tpu.memref_slice %arg2[%dma_start3A_73, %add3A_72, %dma_start3A_74] : memref<4x4096x1024xf32, #tpu.memory_space<hbm>> -> memref<4x8x1024xf32, #tpu.memory_space<hbm>>
    %dma_start3A_76 = arith.constant 0 : i32
    %dma_start3A_77 = arith.constant 0 : i32
    %dma_start3A_78 = tpu.memref_slice %arg2[%dma_start3A_76, %add3A_72, %dma_start3A_77] : memref<4x4096x1024xf32, #tpu.memory_space<hbm>> -> memref<4x8x1024xf32, #tpu.memory_space<hbm>>
    tpu.enqueue_dma source(%dma_start3A_78 : memref<4x8x1024xf32, #tpu.memory_space<hbm>>) target(%arg9 : memref<4x8x1024xf32, #tpu.memory_space<vmem>>) target_semaphore(%arg14 : memref<!tpu.dma_semaphore, #tpu.memory_space<semaphore_mem>>)
    %add3A_79 = arith.constant 8 : i32
    %add3A_80 = arith.addi %mul3A_2, %add3A_79 : i32
    %dma_wait3A_81 = arith.constant 0 : i32
    %dma_wait3A_82 = arith.constant 0 : i32
    %dma_wait3A_83 = tpu.memref_slice %arg2[%dma_wait3A_81, %add3A_80, %dma_wait3A_82] : memref<4x4096x1024xf32, #tpu.memory_space<hbm>> -> memref<4x8x1024xf32, #tpu.memory_space<hbm>>
    %dma_wait3A_84 = arith.constant 0 : i32
    %dma_wait3A_85 = arith.constant 0 : i32
    %dma_wait3A_86 = tpu.memref_slice %arg2[%dma_wait3A_84, %add3A_80, %dma_wait3A_85] : memref<4x4096x1024xf32, #tpu.memory_space<hbm>> -> memref<4x8x1024xf32, #tpu.memory_space<hbm>>
    tpu.wait_dma2 semaphore(%arg15 : memref<!tpu.dma_semaphore, #tpu.memory_space<semaphore_mem>>) src(%dma_wait3A_86 : memref<4x8x1024xf32, #tpu.memory_space<hbm>>) dst(%arg10 : memref<4x8x1024xf32, #tpu.memory_space<vmem>>)
    %dma_wait3A_87 = arith.constant 8 : i32
    %dma_wait3A_88 = tpu.memref_slice %arg6[%dma_wait3A_87] : memref<128xi32, #tpu.memory_space<vmem>> -> memref<8xi32, #tpu.memory_space<vmem>>
    %dma_wait3A_89 = arith.constant 0 : i32
    %dma_wait3A_90 = arith.constant 0 : i32
    %dma_wait3A_91 = tpu.memref_slice %arg4[%dma_wait3A_89, %dma_wait3A_90] : memref<8192x1024xf32, #tpu.memory_space<hbm>> -> memref<8192x1024xf32, #tpu.memory_space<hbm>>
    tpu.wait_indirect_dma semaphore(%arg13 : memref<!tpu.dma_semaphore, #tpu.memory_space<semaphore_mem>>) src(%dma_wait3A_91 : memref<8192x1024xf32, #tpu.memory_space<hbm>>) dst(%arg8 : memref<8x1024xf32, #tpu.memory_space<vmem>>)
    %parallel_loop3A_92 = arith.constant 0 : i32
    %parallel_loop3A_93 = arith.constant 512 : i32
    %parallel_loop3A_94 = arith.constant 1 : i32
    scf.for %parallel_loop3A_720 = %parallel_loop3A_92 to %parallel_loop3A_93 step %parallel_loop3A_94  : i32 {
      %parallel_loop3A_721 = arith.constant 6 : i32
      %parallel_loop3A_722 = arith.shrsi %parallel_loop3A_720, %parallel_loop3A_721 : i32
      %parallel_loop3A_723 = arith.constant 63 : i32
      %parallel_loop3A_724 = arith.andi %parallel_loop3A_720, %parallel_loop3A_723 : i32
      %parallel_loop3A_725 = arith.constant 16 : i32
      %parallel_loop3A_726 = arith.muli %parallel_loop3A_724, %parallel_loop3A_725 : i32
      %parallel_loop3A_727 = arith.index_cast %parallel_loop3A_722 : i32 to index
      %parallel_loop3A_728 = arith.index_cast %parallel_loop3A_726 : i32 to index
      %parallel_loop3A_729 = tpu.vector_load %arg8[%parallel_loop3A_727, %parallel_loop3A_728] {strides = array<i32>} : memref<8x1024xf32, #tpu.memory_space<vmem>>, vector<1x16xf32>,
      %parallel_loop3A_730 = vector.shape_cast %parallel_loop3A_729 : vector<1x16xf32> to vector<16xf32>
      %parallel_loop3A_731 = arith.constant 0 : i32
      %parallel_loop3A_732 = arith.index_cast %parallel_loop3A_731 : i32 to index
      %parallel_loop3A_733 = arith.index_cast %parallel_loop3A_722 : i32 to index
      %parallel_loop3A_734 = arith.index_cast %parallel_loop3A_726 : i32 to index
      %parallel_loop3A_735 = tpu.vector_load %arg10[%parallel_loop3A_732, %parallel_loop3A_733, %parallel_loop3A_734] {strides = array<i32>} : memref<4x8x1024xf32, #tpu.memory_space<vmem>>, vector<1x1x16xf32>,
      %parallel_loop3A_736 = vector.shape_cast %parallel_loop3A_735 : vector<1x1x16xf32> to vector<16xf32>
      %parallel_loop3A_737 = vector.shape_cast %parallel_loop3A_730 : vector<16xf32> to vector<1x1x16xf32>
      tpu.vector_store %arg10[%parallel_loop3A_732, %parallel_loop3A_733, %parallel_loop3A_734], %parallel_loop3A_737 {add = true, strides = array<i32>} : memref<4x8x1024xf32, #tpu.memory_space<vmem>>, vector<1x1x16xf32>,
      %parallel_loop3A_738 = arith.constant 1 : i32
      %parallel_loop3A_739 = arith.index_cast %parallel_loop3A_738 : i32 to index
      %parallel_loop3A_740 = arith.index_cast %parallel_loop3A_722 : i32 to index
      %parallel_loop3A_741 = arith.index_cast %parallel_loop3A_726 : i32 to index
      %parallel_loop3A_742 = tpu.vector_load %arg10[%parallel_loop3A_739, %parallel_loop3A_740, %parallel_loop3A_741] {strides = array<i32>} : memref<4x8x1024xf32, #tpu.memory_space<vmem>>, vector<1x1x16xf32>,
      %parallel_loop3A_743 = vector.shape_cast %parallel_loop3A_742 : vector<1x1x16xf32> to vector<16xf32>
      %parallel_loop3A_744 = vector.shape_cast %parallel_loop3A_730 : vector<16xf32> to vector<1x1x16xf32>
      tpu.vector_store %arg10[%parallel_loop3A_739, %parallel_loop3A_740, %parallel_loop3A_741], %parallel_loop3A_744 {add = true, strides = array<i32>} : memref<4x8x1024xf32, #tpu.memory_space<vmem>>, vector<1x1x16xf32>,
      %parallel_loop3A_745 = arith.constant 2 : i32
      %parallel_loop3A_746 = arith.index_cast %parallel_loop3A_745 : i32 to index
      %parallel_loop3A_747 = arith.index_cast %parallel_loop3A_722 : i32 to index
      %parallel_loop3A_748 = arith.index_cast %parallel_loop3A_726 : i32 to index
      %parallel_loop3A_749 = tpu.vector_load %arg10[%parallel_loop3A_746, %parallel_loop3A_747, %parallel_loop3A_748] {strides = array<i32>} : memref<4x8x1024xf32, #tpu.memory_space<vmem>>, vector<1x1x16xf32>,
      %parallel_loop3A_750 = vector.shape_cast %parallel_loop3A_749 : vector<1x1x16xf32> to vector<16xf32>
      %parallel_loop3A_751 = vector.shape_cast %parallel_loop3A_730 : vector<16xf32> to vector<1x1x16xf32>
      tpu.vector_store %arg10[%parallel_loop3A_746, %parallel_loop3A_747, %parallel_loop3A_748], %parallel_loop3A_751 {add = true, strides = array<i32>} : memref<4x8x1024xf32, #tpu.memory_space<vmem>>, vector<1x1x16xf32>,
      %parallel_loop3A_752 = arith.constant 3 : i32
      %parallel_loop3A_753 = arith.index_cast %parallel_loop3A_752 : i32 to index
      %parallel_loop3A_754 = arith.index_cast %parallel_loop3A_722 : i32 to index
      %parallel_loop3A_755 = arith.index_cast %parallel_loop3A_726 : i32 to index
      %parallel_loop3A_756 = tpu.vector_load %arg10[%parallel_loop3A_753, %parallel_loop3A_754, %parallel_loop3A_755] {strides = array<i32>} : memref<4x8x1024xf32, #tpu.memory_space<vmem>>, vector<1x1x16xf32>,
      %parallel_loop3A_757 = vector.shape_cast %parallel_loop3A_756 : vector<1x1x16xf32> to vector<16xf32>
      %parallel_loop3A_758 = vector.shape_cast %parallel_loop3A_730 : vector<16xf32> to vector<1x1x16xf32>
      tpu.vector_store %arg10[%parallel_loop3A_753, %parallel_loop3A_754, %parallel_loop3A_755], %parallel_loop3A_758 {add = true, strides = array<i32>} : memref<4x8x1024xf32, #tpu.memory_space<vmem>>, vector<1x1x16xf32>,
    } {sc.loop_unroll_factor = 8 : i64, sc.parallel_access}
    %add3A_95 = arith.constant 8 : i32
    %add3A_96 = arith.addi %mul3A_2, %add3A_95 : i32
    %dma_start3A_97 = arith.constant 0 : i32
    %dma_start3A_98 = arith.constant 0 : i32
    %dma_start3A_99 = tpu.memref_slice %arg5[%dma_start3A_97, %add3A_96, %dma_start3A_98] : memref<4x4096x1024xf32, #tpu.memory_space<hbm>> -> memref<4x8x1024xf32, #tpu.memory_space<hbm>>
    %dma_start3A_100 = arith.constant 0 : i32
    %dma_start3A_101 = arith.constant 0 : i32
    %dma_start3A_102 = tpu.memref_slice %arg5[%dma_start3A_100, %add3A_96, %dma_start3A_101] : memref<4x4096x1024xf32, #tpu.memory_space<hbm>> -> memref<4x8x1024xf32, #tpu.memory_space<hbm>>
    tpu.enqueue_dma source(%arg10 : memref<4x8x1024xf32, #tpu.memory_space<vmem>>) target(%dma_start3A_102 : memref<4x8x1024xf32, #tpu.memory_space<hbm>>) target_semaphore(%arg18 : memref<!tpu.dma_semaphore, #tpu.memory_space<semaphore_mem>>)
    %dma_start3A_103 = arith.constant 24 : i32
    %dma_start3A_104 = tpu.memref_slice %arg6[%dma_start3A_103] : memref<128xi32, #tpu.memory_space<vmem>> -> memref<8xi32, #tpu.memory_space<vmem>>
    %dma_start3A_105 = arith.constant 0 : i32
    %dma_start3A_106 = arith.constant 0 : i32
    %dma_start3A_107 = tpu.memref_slice %arg4[%dma_start3A_105, %dma_start3A_106] : memref<8192x1024xf32, #tpu.memory_space<hbm>> -> memref<8192x1024xf32, #tpu.memory_space<hbm>>
    tpu.enqueue_indirect_dma source(%dma_start3A_107 : memref<8192x1024xf32, #tpu.memory_space<hbm>>) target(%arg8 : memref<8x1024xf32, #tpu.memory_space<vmem>>) offsets(%dma_start3A_104 : memref<8xi32, #tpu.memory_space<vmem>>) semaphore(%arg13 : memref<!tpu.dma_semaphore, #tpu.memory_space<semaphore_mem>>)
    %add3A_108 = arith.constant 8 : i32
    %add3A_109 = arith.addi %mul3A_2, %add3A_108 : i32
    %dma_wait3A_110 = arith.constant 0 : i32
    %dma_wait3A_111 = arith.constant 0 : i32
    %dma_wait3A_112 = tpu.memref_slice %arg5[%dma_wait3A_110, %add3A_109, %dma_wait3A_111] : memref<4x4096x1024xf32, #tpu.memory_space<hbm>> -> memref<4x8x1024xf32, #tpu.memory_space<hbm>>
    %dma_wait3A_113 = arith.constant 0 : i32
    %dma_wait3A_114 = arith.constant 0 : i32
    %dma_wait3A_115 = tpu.memref_slice %arg5[%dma_wait3A_113, %add3A_109, %dma_wait3A_114] : memref<4x4096x1024xf32, #tpu.memory_space<hbm>> -> memref<4x8x1024xf32, #tpu.memory_space<hbm>>
    tpu.wait_dma2 semaphore(%arg18 : memref<!tpu.dma_semaphore, #tpu.memory_space<semaphore_mem>>) src(%arg10 : memref<4x8x1024xf32, #tpu.memory_space<vmem>>) dst(%dma_wait3A_115 : memref<4x8x1024xf32, #tpu.memory_space<hbm>>)
    %add3A_116 = arith.constant 32 : i32
    %add3A_117 = arith.addi %mul3A_2, %add3A_116 : i32
    %dma_start3A_118 = arith.constant 0 : i32
    %dma_start3A_119 = arith.constant 0 : i32
    %dma_start3A_120 = tpu.memref_slice %arg2[%dma_start3A_118, %add3A_117, %dma_start3A_119] : memref<4x4096x1024xf32, #tpu.memory_space<hbm>> -> memref<4x8x1024xf32, #tpu.memory_space<hbm>>
    %dma_start3A_121 = arith.constant 0 : i32
    %dma_start3A_122 = arith.constant 0 : i32
    %dma_start3A_123 = tpu.memref_slice %arg2[%dma_start3A_121, %add3A_117, %dma_start3A_122] : memref<4x4096x1024xf32, #tpu.memory_space<hbm>> -> memref<4x8x1024xf32, #tpu.memory_space<hbm>>
    tpu.enqueue_dma source(%dma_start3A_123 : memref<4x8x1024xf32, #tpu.memory_space<hbm>>) target(%arg10 : memref<4x8x1024xf32, #tpu.memory_space<vmem>>) target_semaphore(%arg15 : memref<!tpu.dma_semaphore, #tpu.memory_space<semaphore_mem>>)
    %add3A_124 = arith.constant 16 : i32
    %add3A_125 = arith.addi %mul3A_2, %add3A_124 : i32
    %dma_wait3A_126 = arith.constant 0 : i32
    %dma_wait3A_127 = arith.constant 0 : i32
    %dma_wait3A_128 = tpu.memref_slice %arg2[%dma_wait3A_126, %add3A_125, %dma_wait3A_127] : memref<4x4096x1024xf32, #tpu.memory_space<hbm>> -> memref<4x8x1024xf32, #tpu.memory_space<hbm>>
    %dma_wait3A_129 = arith.constant 0 : i32
    %dma_wait3A_130 = arith.constant 0 : i32
    %dma_wait3A_131 = tpu.memref_slice %arg2[%dma_wait3A_129, %add3A_125, %dma_wait3A_130] : memref<4x4096x1024xf32, #tpu.memory_space<hbm>> -> memref<4x8x1024xf32, #tpu.memory_space<hbm>>
    tpu.wait_dma2 semaphore(%arg16 : memref<!tpu.dma_semaphore, #tpu.memory_space<semaphore_mem>>) src(%dma_wait3A_131 : memref<4x8x1024xf32, #tpu.memory_space<hbm>>) dst(%arg11 : memref<4x8x1024xf32, #tpu.memory_space<vmem>>)
    %dma_wait3A_132 = arith.constant 16 : i32
    %dma_wait3A_133 = tpu.memref_slice %arg6[%dma_wait3A_132] : memref<128xi32, #tpu.memory_space<vmem>> -> memref<8xi32, #tpu.memory_space<vmem>>
    %dma_wait3A_134 = arith.constant 0 : i32
    %dma_wait3A_135 = arith.constant 0 : i32
    %dma_wait3A_136 = tpu.memref_slice %arg4[%dma_wait3A_134, %dma_wait3A_135] : memref<8192x1024xf32, #tpu.memory_space<hbm>> -> memref<8192x1024xf32, #tpu.memory_space<hbm>>
    tpu.wait_indirect_dma semaphore(%arg12 : memref<!tpu.dma_semaphore, #tpu.memory_space<semaphore_mem>>) src(%dma_wait3A_136 : memref<8192x1024xf32, #tpu.memory_space<hbm>>) dst(%arg7 : memref<8x1024xf32, #tpu.memory_space<vmem>>)
    %parallel_loop3A_137 = arith.constant 0 : i32
    %parallel_loop3A_138 = arith.constant 512 : i32
    %parallel_loop3A_139 = arith.constant 1 : i32
    scf.for %parallel_loop3A_720 = %parallel_loop3A_137 to %parallel_loop3A_138 step %parallel_loop3A_139  : i32 {
      %parallel_loop3A_721 = arith.constant 6 : i32
      %parallel_loop3A_722 = arith.shrsi %parallel_loop3A_720, %parallel_loop3A_721 : i32
      %parallel_loop3A_723 = arith.constant 63 : i32
      %parallel_loop3A_724 = arith.andi %parallel_loop3A_720, %parallel_loop3A_723 : i32
      %parallel_loop3A_725 = arith.constant 16 : i32
      %parallel_loop3A_726 = arith.muli %parallel_loop3A_724, %parallel_loop3A_725 : i32
      %parallel_loop3A_727 = arith.index_cast %parallel_loop3A_722 : i32 to index
      %parallel_loop3A_728 = arith.index_cast %parallel_loop3A_726 : i32 to index
      %parallel_loop3A_729 = tpu.vector_load %arg7[%parallel_loop3A_727, %parallel_loop3A_728] {strides = array<i32>} : memref<8x1024xf32, #tpu.memory_space<vmem>>, vector<1x16xf32>,
      %parallel_loop3A_730 = vector.shape_cast %parallel_loop3A_729 : vector<1x16xf32> to vector<16xf32>
      %parallel_loop3A_731 = arith.constant 0 : i32
      %parallel_loop3A_732 = arith.index_cast %parallel_loop3A_731 : i32 to index
      %parallel_loop3A_733 = arith.index_cast %parallel_loop3A_722 : i32 to index
      %parallel_loop3A_734 = arith.index_cast %parallel_loop3A_726 : i32 to index
      %parallel_loop3A_735 = tpu.vector_load %arg11[%parallel_loop3A_732, %parallel_loop3A_733, %parallel_loop3A_734] {strides = array<i32>} : memref<4x8x1024xf32, #tpu.memory_space<vmem>>, vector<1x1x16xf32>,
      %parallel_loop3A_736 = vector.shape_cast %parallel_loop3A_735 : vector<1x1x16xf32> to vector<16xf32>
      %parallel_loop3A_737 = vector.shape_cast %parallel_loop3A_730 : vector<16xf32> to vector<1x1x16xf32>
      tpu.vector_store %arg11[%parallel_loop3A_732, %parallel_loop3A_733, %parallel_loop3A_734], %parallel_loop3A_737 {add = true, strides = array<i32>} : memref<4x8x1024xf32, #tpu.memory_space<vmem>>, vector<1x1x16xf32>,
      %parallel_loop3A_738 = arith.constant 1 : i32
      %parallel_loop3A_739 = arith.index_cast %parallel_loop3A_738 : i32 to index
      %parallel_loop3A_740 = arith.index_cast %parallel_loop3A_722 : i32 to index
      %parallel_loop3A_741 = arith.index_cast %parallel_loop3A_726 : i32 to index
      %parallel_loop3A_742 = tpu.vector_load %arg11[%parallel_loop3A_739, %parallel_loop3A_740, %parallel_loop3A_741] {strides = array<i32>} : memref<4x8x1024xf32, #tpu.memory_space<vmem>>, vector<1x1x16xf32>,
      %parallel_loop3A_743 = vector.shape_cast %parallel_loop3A_742 : vector<1x1x16xf32> to vector<16xf32>
      %parallel_loop3A_744 = vector.shape_cast %parallel_loop3A_730 : vector<16xf32> to vector<1x1x16xf32>
      tpu.vector_store %arg11[%parallel_loop3A_739, %parallel_loop3A_740, %parallel_loop3A_741], %parallel_loop3A_744 {add = true, strides = array<i32>} : memref<4x8x1024xf32, #tpu.memory_space<vmem>>, vector<1x1x16xf32>,
      %parallel_loop3A_745 = arith.constant 2 : i32
      %parallel_loop3A_746 = arith.index_cast %parallel_loop3A_745 : i32 to index
      %parallel_loop3A_747 = arith.index_cast %parallel_loop3A_722 : i32 to index
      %parallel_loop3A_748 = arith.index_cast %parallel_loop3A_726 : i32 to index
      %parallel_loop3A_749 = tpu.vector_load %arg11[%parallel_loop3A_746, %parallel_loop3A_747, %parallel_loop3A_748] {strides = array<i32>} : memref<4x8x1024xf32, #tpu.memory_space<vmem>>, vector<1x1x16xf32>,
      %parallel_loop3A_750 = vector.shape_cast %parallel_loop3A_749 : vector<1x1x16xf32> to vector<16xf32>
      %parallel_loop3A_751 = vector.shape_cast %parallel_loop3A_730 : vector<16xf32> to vector<1x1x16xf32>
      tpu.vector_store %arg11[%parallel_loop3A_746, %parallel_loop3A_747, %parallel_loop3A_748], %parallel_loop3A_751 {add = true, strides = array<i32>} : memref<4x8x1024xf32, #tpu.memory_space<vmem>>, vector<1x1x16xf32>,
      %parallel_loop3A_752 = arith.constant 3 : i32
      %parallel_loop3A_753 = arith.index_cast %parallel_loop3A_752 : i32 to index
      %parallel_loop3A_754 = arith.index_cast %parallel_loop3A_722 : i32 to index
      %parallel_loop3A_755 = arith.index_cast %parallel_loop3A_726 : i32 to index
      %parallel_loop3A_756 = tpu.vector_load %arg11[%parallel_loop3A_753, %parallel_loop3A_754, %parallel_loop3A_755] {strides = array<i32>} : memref<4x8x1024xf32, #tpu.memory_space<vmem>>, vector<1x1x16xf32>,
      %parallel_loop3A_757 = vector.shape_cast %parallel_loop3A_756 : vector<1x1x16xf32> to vector<16xf32>
      %parallel_loop3A_758 = vector.shape_cast %parallel_loop3A_730 : vector<16xf32> to vector<1x1x16xf32>
      tpu.vector_store %arg11[%parallel_loop3A_753, %parallel_loop3A_754, %parallel_loop3A_755], %parallel_loop3A_758 {add = true, strides = array<i32>} : memref<4x8x1024xf32, #tpu.memory_space<vmem>>, vector<1x1x16xf32>,
    } {sc.loop_unroll_factor = 8 : i64, sc.parallel_access}
    %add3A_140 = arith.constant 16 : i32
    %add3A_141 = arith.addi %mul3A_2, %add3A_140 : i32
    %dma_start3A_142 = arith.constant 0 : i32
    %dma_start3A_143 = arith.constant 0 : i32
    %dma_start3A_144 = tpu.memref_slice %arg5[%dma_start3A_142, %add3A_141, %dma_start3A_143] : memref<4x4096x1024xf32, #tpu.memory_space<hbm>> -> memref<4x8x1024xf32, #tpu.memory_space<hbm>>
    %dma_start3A_145 = arith.constant 0 : i32
    %dma_start3A_146 = arith.constant 0 : i32
    %dma_start3A_147 = tpu.memref_slice %arg5[%dma_start3A_145, %add3A_141, %dma_start3A_146] : memref<4x4096x1024xf32, #tpu.memory_space<hbm>> -> memref<4x8x1024xf32, #tpu.memory_space<hbm>>
    tpu.enqueue_dma source(%arg11 : memref<4x8x1024xf32, #tpu.memory_space<vmem>>) target(%dma_start3A_147 : memref<4x8x1024xf32, #tpu.memory_space<hbm>>) target_semaphore(%arg19 : memref<!tpu.dma_semaphore, #tpu.memory_space<semaphore_mem>>)
    %dma_start3A_148 = arith.constant 32 : i32
    %dma_start3A_149 = tpu.memref_slice %arg6[%dma_start3A_148] : memref<128xi32, #tpu.memory_space<vmem>> -> memref<8xi32, #tpu.memory_space<vmem>>
    %dma_start3A_150 = arith.constant 0 : i32
    %dma_start3A_151 = arith.constant 0 : i32
    %dma_start3A_152 = tpu.memref_slice %arg4[%dma_start3A_150, %dma_start3A_151] : memref<8192x1024xf32, #tpu.memory_space<hbm>> -> memref<8192x1024xf32, #tpu.memory_space<hbm>>
    tpu.enqueue_indirect_dma source(%dma_start3A_152 : memref<8192x1024xf32, #tpu.memory_space<hbm>>) target(%arg7 : memref<8x1024xf32, #tpu.memory_space<vmem>>) offsets(%dma_start3A_149 : memref<8xi32, #tpu.memory_space<vmem>>) semaphore(%arg12 : memref<!tpu.dma_semaphore, #tpu.memory_space<semaphore_mem>>)
    %add3A_153 = arith.constant 16 : i32
    %add3A_154 = arith.addi %mul3A_2, %add3A_153 : i32
    %dma_wait3A_155 = arith.constant 0 : i32
    %dma_wait3A_156 = arith.constant 0 : i32
    %dma_wait3A_157 = tpu.memref_slice %arg5[%dma_wait3A_155, %add3A_154, %dma_wait3A_156] : memref<4x4096x1024xf32, #tpu.memory_space<hbm>> -> memref<4x8x1024xf32, #tpu.memory_space<hbm>>
    %dma_wait3A_158 = arith.constant 0 : i32
    %dma_wait3A_159 = arith.constant 0 : i32
    %dma_wait3A_160 = tpu.memref_slice %arg5[%dma_wait3A_158, %add3A_154, %dma_wait3A_159] : memref<4x4096x1024xf32, #tpu.memory_space<hbm>> -> memref<4x8x1024xf32, #tpu.memory_space<hbm>>
    tpu.wait_dma2 semaphore(%arg19 : memref<!tpu.dma_semaphore, #tpu.memory_space<semaphore_mem>>) src(%arg11 : memref<4x8x1024xf32, #tpu.memory_space<vmem>>) dst(%dma_wait3A_160 : memref<4x8x1024xf32, #tpu.memory_space<hbm>>)
    %add3A_161 = arith.constant 40 : i32
    %add3A_162 = arith.addi %mul3A_2, %add3A_161 : i32
    %dma_start3A_163 = arith.constant 0 : i32
    %dma_start3A_164 = arith.constant 0 : i32
    %dma_start3A_165 = tpu.memref_slice %arg2[%dma_start3A_163, %add3A_162, %dma_start3A_164] : memref<4x4096x1024xf32, #tpu.memory_space<hbm>> -> memref<4x8x1024xf32, #tpu.memory_space<hbm>>
    %dma_start3A_166 = arith.constant 0 : i32
    %dma_start3A_167 = arith.constant 0 : i32
    %dma_start3A_168 = tpu.memref_slice %arg2[%dma_start3A_166, %add3A_162, %dma_start3A_167] : memref<4x4096x1024xf32, #tpu.memory_space<hbm>> -> memref<4x8x1024xf32, #tpu.memory_space<hbm>>
    tpu.enqueue_dma source(%dma_start3A_168 : memref<4x8x1024xf32, #tpu.memory_space<hbm>>) target(%arg11 : memref<4x8x1024xf32, #tpu.memory_space<vmem>>) target_semaphore(%arg16 : memref<!tpu.dma_semaphore, #tpu.memory_space<semaphore_mem>>)
    %add3A_169 = arith.constant 24 : i32
    %add3A_170 = arith.addi %mul3A_2, %add3A_169 : i32
    %dma_wait3A_171 = arith.constant 0 : i32
    %dma_wait3A_172 = arith.constant 0 : i32
    %dma_wait3A_173 = tpu.memref_slice %arg2[%dma_wait3A_171, %add3A_170, %dma_wait3A_172] : memref<4x4096x1024xf32, #tpu.memory_space<hbm>> -> memref<4x8x1024xf32, #tpu.memory_space<hbm>>
    %dma_wait3A_174 = arith.constant 0 : i32
    %dma_wait3A_175 = arith.constant 0 : i32
    %dma_wait3A_176 = tpu.memref_slice %arg2[%dma_wait3A_174, %add3A_170, %dma_wait3A_175] : memref<4x4096x1024xf32, #tpu.memory_space<hbm>> -> memref<4x8x1024xf32, #tpu.memory_space<hbm>>
    tpu.wait_dma2 semaphore(%arg14 : memref<!tpu.dma_semaphore, #tpu.memory_space<semaphore_mem>>) src(%dma_wait3A_176 : memref<4x8x1024xf32, #tpu.memory_space<hbm>>) dst(%arg9 : memref<4x8x1024xf32, #tpu.memory_space<vmem>>)
    %dma_wait3A_177 = arith.constant 24 : i32
    %dma_wait3A_178 = tpu.memref_slice %arg6[%dma_wait3A_177] : memref<128xi32, #tpu.memory_space<vmem>> -> memref<8xi32, #tpu.memory_space<vmem>>
    %dma_wait3A_179 = arith.constant 0 : i32
    %dma_wait3A_180 = arith.constant 0 : i32
    %dma_wait3A_181 = tpu.memref_slice %arg4[%dma_wait3A_179, %dma_wait3A_180] : memref<8192x1024xf32, #tpu.memory_space<hbm>> -> memref<8192x1024xf32, #tpu.memory_space<hbm>>
    tpu.wait_indirect_dma semaphore(%arg13 : memref<!tpu.dma_semaphore, #tpu.memory_space<semaphore_mem>>) src(%dma_wait3A_181 : memref<8192x1024xf32, #tpu.memory_space<hbm>>) dst(%arg8 : memref<8x1024xf32, #tpu.memory_space<vmem>>)
    %parallel_loop3A_182 = arith.constant 0 : i32
    %parallel_loop3A_183 = arith.constant 512 : i32
    %parallel_loop3A_184 = arith.constant 1 : i32
    scf.for %parallel_loop3A_720 = %parallel_loop3A_182 to %parallel_loop3A_183 step %parallel_loop3A_184  : i32 {
      %parallel_loop3A_721 = arith.constant 6 : i32
      %parallel_loop3A_722 = arith.shrsi %parallel_loop3A_720, %parallel_loop3A_721 : i32
      %parallel_loop3A_723 = arith.constant 63 : i32
      %parallel_loop3A_724 = arith.andi %parallel_loop3A_720, %parallel_loop3A_723 : i32
      %parallel_loop3A_725 = arith.constant 16 : i32
      %parallel_loop3A_726 = arith.muli %parallel_loop3A_724, %parallel_loop3A_725 : i32
      %parallel_loop3A_727 = arith.index_cast %parallel_loop3A_722 : i32 to index
      %parallel_loop3A_728 = arith.index_cast %parallel_loop3A_726 : i32 to index
      %parallel_loop3A_729 = tpu.vector_load %arg8[%parallel_loop3A_727, %parallel_loop3A_728] {strides = array<i32>} : memref<8x1024xf32, #tpu.memory_space<vmem>>, vector<1x16xf32>,
      %parallel_loop3A_730 = vector.shape_cast %parallel_loop3A_729 : vector<1x16xf32> to vector<16xf32>
      %parallel_loop3A_731 = arith.constant 0 : i32
      %parallel_loop3A_732 = arith.index_cast %parallel_loop3A_731 : i32 to index
      %parallel_loop3A_733 = arith.index_cast %parallel_loop3A_722 : i32 to index
      %parallel_loop3A_734 = arith.index_cast %parallel_loop3A_726 : i32 to index
      %parallel_loop3A_735 = tpu.vector_load %arg9[%parallel_loop3A_732, %parallel_loop3A_733, %parallel_loop3A_734] {strides = array<i32>} : memref<4x8x1024xf32, #tpu.memory_space<vmem>>, vector<1x1x16xf32>,
      %parallel_loop3A_736 = vector.shape_cast %parallel_loop3A_735 : vector<1x1x16xf32> to vector<16xf32>
      %parallel_loop3A_737 = vector.shape_cast %parallel_loop3A_730 : vector<16xf32> to vector<1x1x16xf32>
      tpu.vector_store %arg9[%parallel_loop3A_732, %parallel_loop3A_733, %parallel_loop3A_734], %parallel_loop3A_737 {add = true, strides = array<i32>} : memref<4x8x1024xf32, #tpu.memory_space<vmem>>, vector<1x1x16xf32>,
      %parallel_loop3A_738 = arith.constant 1 : i32
      %parallel_loop3A_739 = arith.index_cast %parallel_loop3A_738 : i32 to index
      %parallel_loop3A_740 = arith.index_cast %parallel_loop3A_722 : i32 to index
      %parallel_loop3A_741 = arith.index_cast %parallel_loop3A_726 : i32 to index
      %parallel_loop3A_742 = tpu.vector_load %arg9[%parallel_loop3A_739, %parallel_loop3A_740, %parallel_loop3A_741] {strides = array<i32>} : memref<4x8x1024xf32, #tpu.memory_space<vmem>>, vector<1x1x16xf32>,
      %parallel_loop3A_743 = vector.shape_cast %parallel_loop3A_742 : vector<1x1x16xf32> to vector<16xf32>
      %parallel_loop3A_744 = vector.shape_cast %parallel_loop3A_730 : vector<16xf32> to vector<1x1x16xf32>
      tpu.vector_store %arg9[%parallel_loop3A_739, %parallel_loop3A_740, %parallel_loop3A_741], %parallel_loop3A_744 {add = true, strides = array<i32>} : memref<4x8x1024xf32, #tpu.memory_space<vmem>>, vector<1x1x16xf32>,
      %parallel_loop3A_745 = arith.constant 2 : i32
      %parallel_loop3A_746 = arith.index_cast %parallel_loop3A_745 : i32 to index
      %parallel_loop3A_747 = arith.index_cast %parallel_loop3A_722 : i32 to index
      %parallel_loop3A_748 = arith.index_cast %parallel_loop3A_726 : i32 to index
      %parallel_loop3A_749 = tpu.vector_load %arg9[%parallel_loop3A_746, %parallel_loop3A_747, %parallel_loop3A_748] {strides = array<i32>} : memref<4x8x1024xf32, #tpu.memory_space<vmem>>, vector<1x1x16xf32>,
      %parallel_loop3A_750 = vector.shape_cast %parallel_loop3A_749 : vector<1x1x16xf32> to vector<16xf32>
      %parallel_loop3A_751 = vector.shape_cast %parallel_loop3A_730 : vector<16xf32> to vector<1x1x16xf32>
      tpu.vector_store %arg9[%parallel_loop3A_746, %parallel_loop3A_747, %parallel_loop3A_748], %parallel_loop3A_751 {add = true, strides = array<i32>} : memref<4x8x1024xf32, #tpu.memory_space<vmem>>, vector<1x1x16xf32>,
      %parallel_loop3A_752 = arith.constant 3 : i32
      %parallel_loop3A_753 = arith.index_cast %parallel_loop3A_752 : i32 to index
      %parallel_loop3A_754 = arith.index_cast %parallel_loop3A_722 : i32 to index
      %parallel_loop3A_755 = arith.index_cast %parallel_loop3A_726 : i32 to index
      %parallel_loop3A_756 = tpu.vector_load %arg9[%parallel_loop3A_753, %parallel_loop3A_754, %parallel_loop3A_755] {strides = array<i32>} : memref<4x8x1024xf32, #tpu.memory_space<vmem>>, vector<1x1x16xf32>,
      %parallel_loop3A_757 = vector.shape_cast %parallel_loop3A_756 : vector<1x1x16xf32> to vector<16xf32>
      %parallel_loop3A_758 = vector.shape_cast %parallel_loop3A_730 : vector<16xf32> to vector<1x1x16xf32>
      tpu.vector_store %arg9[%parallel_loop3A_753, %parallel_loop3A_754, %parallel_loop3A_755], %parallel_loop3A_758 {add = true, strides = array<i32>} : memref<4x8x1024xf32, #tpu.memory_space<vmem>>, vector<1x1x16xf32>,
    } {sc.loop_unroll_factor = 8 : i64, sc.parallel_access}
    %add3A_185 = arith.constant 24 : i32
    %add3A_186 = arith.addi %mul3A_2, %add3A_185 : i32
    %dma_start3A_187 = arith.constant 0 : i32
    %dma_start3A_188 = arith.constant 0 : i32
    %dma_start3A_189 = tpu.memref_slice %arg5[%dma_start3A_187, %add3A_186, %dma_start3A_188] : memref<4x4096x1024xf32, #tpu.memory_space<hbm>> -> memref<4x8x1024xf32, #tpu.memory_space<hbm>>
    %dma_start3A_190 = arith.constant 0 : i32
    %dma_start3A_191 = arith.constant 0 : i32
    %dma_start3A_192 = tpu.memref_slice %arg5[%dma_start3A_190, %add3A_186, %dma_start3A_191] : memref<4x4096x1024xf32, #tpu.memory_space<hbm>> -> memref<4x8x1024xf32, #tpu.memory_space<hbm>>
    tpu.enqueue_dma source(%arg9 : memref<4x8x1024xf32, #tpu.memory_space<vmem>>) target(%dma_start3A_192 : memref<4x8x1024xf32, #tpu.memory_space<hbm>>) target_semaphore(%arg17 : memref<!tpu.dma_semaphore, #tpu.memory_space<semaphore_mem>>)
    %dma_start3A_193 = arith.constant 40 : i32
    %dma_start3A_194 = tpu.memref_slice %arg6[%dma_start3A_193] : memref<128xi32, #tpu.memory_space<vmem>> -> memref<8xi32, #tpu.memory_space<vmem>>
    %dma_start3A_195 = arith.constant 0 : i32
    %dma_start3A_196 = arith.constant 0 : i32
    %dma_start3A_197 = tpu.memref_slice %arg4[%dma_start3A_195, %dma_start3A_196] : memref<8192x1024xf32, #tpu.memory_space<hbm>> -> memref<8192x1024xf32, #tpu.memory_space<hbm>>
    tpu.enqueue_indirect_dma source(%dma_start3A_197 : memref<8192x1024xf32, #tpu.memory_space<hbm>>) target(%arg8 : memref<8x1024xf32, #tpu.memory_space<vmem>>) offsets(%dma_start3A_194 : memref<8xi32, #tpu.memory_space<vmem>>) semaphore(%arg13 : memref<!tpu.dma_semaphore, #tpu.memory_space<semaphore_mem>>)
    %add3A_198 = arith.constant 24 : i32
    %add3A_199 = arith.addi %mul3A_2, %add3A_198 : i32
    %dma_wait3A_200 = arith.constant 0 : i32
    %dma_wait3A_201 = arith.constant 0 : i32
    %dma_wait3A_202 = tpu.memref_slice %arg5[%dma_wait3A_200, %add3A_199, %dma_wait3A_201] : memref<4x4096x1024xf32, #tpu.memory_space<hbm>> -> memref<4x8x1024xf32, #tpu.memory_space<hbm>>
    %dma_wait3A_203 = arith.constant 0 : i32
    %dma_wait3A_204 = arith.constant 0 : i32
    %dma_wait3A_205 = tpu.memref_slice %arg5[%dma_wait3A_203, %add3A_199, %dma_wait3A_204] : memref<4x4096x1024xf32, #tpu.memory_space<hbm>> -> memref<4x8x1024xf32, #tpu.memory_space<hbm>>
    tpu.wait_dma2 semaphore(%arg17 : memref<!tpu.dma_semaphore, #tpu.memory_space<semaphore_mem>>) src(%arg9 : memref<4x8x1024xf32, #tpu.memory_space<vmem>>) dst(%dma_wait3A_205 : memref<4x8x1024xf32, #tpu.memory_space<hbm>>)
    %add3A_206 = arith.constant 48 : i32
    %add3A_207 = arith.addi %mul3A_2, %add3A_206 : i32
    %dma_start3A_208 = arith.constant 0 : i32
    %dma_start3A_209 = arith.constant 0 : i32
    %dma_start3A_210 = tpu.memref_slice %arg2[%dma_start3A_208, %add3A_207, %dma_start3A_209] : memref<4x4096x1024xf32, #tpu.memory_space<hbm>> -> memref<4x8x1024xf32, #tpu.memory_space<hbm>>
    %dma_start3A_211 = arith.constant 0 : i32
    %dma_start3A_212 = arith.constant 0 : i32
    %dma_start3A_213 = tpu.memref_slice %arg2[%dma_start3A_211, %add3A_207, %dma_start3A_212] : memref<4x4096x1024xf32, #tpu.memory_space<hbm>> -> memref<4x8x1024xf32, #tpu.memory_space<hbm>>
    tpu.enqueue_dma source(%dma_start3A_213 : memref<4x8x1024xf32, #tpu.memory_space<hbm>>) target(%arg9 : memref<4x8x1024xf32, #tpu.memory_space<vmem>>) target_semaphore(%arg14 : memref<!tpu.dma_semaphore, #tpu.memory_space<semaphore_mem>>)
    %add3A_214 = arith.constant 32 : i32
    %add3A_215 = arith.addi %mul3A_2, %add3A_214 : i32
    %dma_wait3A_216 = arith.constant 0 : i32
    %dma_wait3A_217 = arith.constant 0 : i32
    %dma_wait3A_218 = tpu.memref_slice %arg2[%dma_wait3A_216, %add3A_215, %dma_wait3A_217] : memref<4x4096x1024xf32, #tpu.memory_space<hbm>> -> memref<4x8x1024xf32, #tpu.memory_space<hbm>>
    %dma_wait3A_219 = arith.constant 0 : i32
    %dma_wait3A_220 = arith.constant 0 : i32
    %dma_wait3A_221 = tpu.memref_slice %arg2[%dma_wait3A_219, %add3A_215, %dma_wait3A_220] : memref<4x4096x1024xf32, #tpu.memory_space<hbm>> -> memref<4x8x1024xf32, #tpu.memory_space<hbm>>
    tpu.wait_dma2 semaphore(%arg15 : memref<!tpu.dma_semaphore, #tpu.memory_space<semaphore_mem>>) src(%dma_wait3A_221 : memref<4x8x1024xf32, #tpu.memory_space<hbm>>) dst(%arg10 : memref<4x8x1024xf32, #tpu.memory_space<vmem>>)
    %dma_wait3A_222 = arith.constant 32 : i32
    %dma_wait3A_223 = tpu.memref_slice %arg6[%dma_wait3A_222] : memref<128xi32, #tpu.memory_space<vmem>> -> memref<8xi32, #tpu.memory_space<vmem>>
    %dma_wait3A_224 = arith.constant 0 : i32
    %dma_wait3A_225 = arith.constant 0 : i32
    %dma_wait3A_226 = tpu.memref_slice %arg4[%dma_wait3A_224, %dma_wait3A_225] : memref<8192x1024xf32, #tpu.memory_space<hbm>> -> memref<8192x1024xf32, #tpu.memory_space<hbm>>
    tpu.wait_indirect_dma semaphore(%arg12 : memref<!tpu.dma_semaphore, #tpu.memory_space<semaphore_mem>>) src(%dma_wait3A_226 : memref<8192x1024xf32, #tpu.memory_space<hbm>>) dst(%arg7 : memref<8x1024xf32, #tpu.memory_space<vmem>>)
    %parallel_loop3A_227 = arith.constant 0 : i32
    %parallel_loop3A_228 = arith.constant 512 : i32
    %parallel_loop3A_229 = arith.constant 1 : i32
    scf.for %parallel_loop3A_720 = %parallel_loop3A_227 to %parallel_loop3A_228 step %parallel_loop3A_229  : i32 {
      %parallel_loop3A_721 = arith.constant 6 : i32
      %parallel_loop3A_722 = arith.shrsi %parallel_loop3A_720, %parallel_loop3A_721 : i32
      %parallel_loop3A_723 = arith.constant 63 : i32
      %parallel_loop3A_724 = arith.andi %parallel_loop3A_720, %parallel_loop3A_723 : i32
      %parallel_loop3A_725 = arith.constant 16 : i32
      %parallel_loop3A_726 = arith.muli %parallel_loop3A_724, %parallel_loop3A_725 : i32
      %parallel_loop3A_727 = arith.index_cast %parallel_loop3A_722 : i32 to index
      %parallel_loop3A_728 = arith.index_cast %parallel_loop3A_726 : i32 to index
      %parallel_loop3A_729 = tpu.vector_load %arg7[%parallel_loop3A_727, %parallel_loop3A_728] {strides = array<i32>} : memref<8x1024xf32, #tpu.memory_space<vmem>>, vector<1x16xf32>,
      %parallel_loop3A_730 = vector.shape_cast %parallel_loop3A_729 : vector<1x16xf32> to vector<16xf32>
      %parallel_loop3A_731 = arith.constant 0 : i32
      %parallel_loop3A_732 = arith.index_cast %parallel_loop3A_731 : i32 to index
      %parallel_loop3A_733 = arith.index_cast %parallel_loop3A_722 : i32 to index
      %parallel_loop3A_734 = arith.index_cast %parallel_loop3A_726 : i32 to index
      %parallel_loop3A_735 = tpu.vector_load %arg10[%parallel_loop3A_732, %parallel_loop3A_733, %parallel_loop3A_734] {strides = array<i32>} : memref<4x8x1024xf32, #tpu.memory_space<vmem>>, vector<1x1x16xf32>,
      %parallel_loop3A_736 = vector.shape_cast %parallel_loop3A_735 : vector<1x1x16xf32> to vector<16xf32>
      %parallel_loop3A_737 = vector.shape_cast %parallel_loop3A_730 : vector<16xf32> to vector<1x1x16xf32>
      tpu.vector_store %arg10[%parallel_loop3A_732, %parallel_loop3A_733, %parallel_loop3A_734], %parallel_loop3A_737 {add = true, strides = array<i32>} : memref<4x8x1024xf32, #tpu.memory_space<vmem>>, vector<1x1x16xf32>,
      %parallel_loop3A_738 = arith.constant 1 : i32
      %parallel_loop3A_739 = arith.index_cast %parallel_loop3A_738 : i32 to index
      %parallel_loop3A_740 = arith.index_cast %parallel_loop3A_722 : i32 to index
      %parallel_loop3A_741 = arith.index_cast %parallel_loop3A_726 : i32 to index
      %parallel_loop3A_742 = tpu.vector_load %arg10[%parallel_loop3A_739, %parallel_loop3A_740, %parallel_loop3A_741] {strides = array<i32>} : memref<4x8x1024xf32, #tpu.memory_space<vmem>>, vector<1x1x16xf32>,
      %parallel_loop3A_743 = vector.shape_cast %parallel_loop3A_742 : vector<1x1x16xf32> to vector<16xf32>
      %parallel_loop3A_744 = vector.shape_cast %parallel_loop3A_730 : vector<16xf32> to vector<1x1x16xf32>
      tpu.vector_store %arg10[%parallel_loop3A_739, %parallel_loop3A_740, %parallel_loop3A_741], %parallel_loop3A_744 {add = true, strides = array<i32>} : memref<4x8x1024xf32, #tpu.memory_space<vmem>>, vector<1x1x16xf32>,
      %parallel_loop3A_745 = arith.constant 2 : i32
      %parallel_loop3A_746 = arith.index_cast %parallel_loop3A_745 : i32 to index
      %parallel_loop3A_747 = arith.index_cast %parallel_loop3A_722 : i32 to index
      %parallel_loop3A_748 = arith.index_cast %parallel_loop3A_726 : i32 to index
      %parallel_loop3A_749 = tpu.vector_load %arg10[%parallel_loop3A_746, %parallel_loop3A_747, %parallel_loop3A_748] {strides = array<i32>} : memref<4x8x1024xf32, #tpu.memory_space<vmem>>, vector<1x1x16xf32>,
      %parallel_loop3A_750 = vector.shape_cast %parallel_loop3A_749 : vector<1x1x16xf32> to vector<16xf32>
      %parallel_loop3A_751 = vector.shape_cast %parallel_loop3A_730 : vector<16xf32> to vector<1x1x16xf32>
      tpu.vector_store %arg10[%parallel_loop3A_746, %parallel_loop3A_747, %parallel_loop3A_748], %parallel_loop3A_751 {add = true, strides = array<i32>} : memref<4x8x1024xf32, #tpu.memory_space<vmem>>, vector<1x1x16xf32>,
      %parallel_loop3A_752 = arith.constant 3 : i32
      %parallel_loop3A_753 = arith.index_cast %parallel_loop3A_752 : i32 to index
      %parallel_loop3A_754 = arith.index_cast %parallel_loop3A_722 : i32 to index
      %parallel_loop3A_755 = arith.index_cast %parallel_loop3A_726 : i32 to index
      %parallel_loop3A_756 = tpu.vector_load %arg10[%parallel_loop3A_753, %parallel_loop3A_754, %parallel_loop3A_755] {strides = array<i32>} : memref<4x8x1024xf32, #tpu.memory_space<vmem>>, vector<1x1x16xf32>,
      %parallel_loop3A_757 = vector.shape_cast %parallel_loop3A_756 : vector<1x1x16xf32> to vector<16xf32>
      %parallel_loop3A_758 = vector.shape_cast %parallel_loop3A_730 : vector<16xf32> to vector<1x1x16xf32>
      tpu.vector_store %arg10[%parallel_loop3A_753, %parallel_loop3A_754, %parallel_loop3A_755], %parallel_loop3A_758 {add = true, strides = array<i32>} : memref<4x8x1024xf32, #tpu.memory_space<vmem>>, vector<1x1x16xf32>,
    } {sc.loop_unroll_factor = 8 : i64, sc.parallel_access}
    %add3A_230 = arith.constant 32 : i32
    %add3A_231 = arith.addi %mul3A_2, %add3A_230 : i32
    %dma_start3A_232 = arith.constant 0 : i32
    %dma_start3A_233 = arith.constant 0 : i32
    %dma_start3A_234 = tpu.memref_slice %arg5[%dma_start3A_232, %add3A_231, %dma_start3A_233] : memref<4x4096x1024xf32, #tpu.memory_space<hbm>> -> memref<4x8x1024xf32, #tpu.memory_space<hbm>>
    %dma_start3A_235 = arith.constant 0 : i32
    %dma_start3A_236 = arith.constant 0 : i32
    %dma_start3A_237 = tpu.memref_slice %arg5[%dma_start3A_235, %add3A_231, %dma_start3A_236] : memref<4x4096x1024xf32, #tpu.memory_space<hbm>> -> memref<4x8x1024xf32, #tpu.memory_space<hbm>>
    tpu.enqueue_dma source(%arg10 : memref<4x8x1024xf32, #tpu.memory_space<vmem>>) target(%dma_start3A_237 : memref<4x8x1024xf32, #tpu.memory_space<hbm>>) target_semaphore(%arg18 : memref<!tpu.dma_semaphore, #tpu.memory_space<semaphore_mem>>)
    %dma_start3A_238 = arith.constant 48 : i32
    %dma_start3A_239 = tpu.memref_slice %arg6[%dma_start3A_238] : memref<128xi32, #tpu.memory_space<vmem>> -> memref<8xi32, #tpu.memory_space<vmem>>
    %dma_start3A_240 = arith.constant 0 : i32
    %dma_start3A_241 = arith.constant 0 : i32
    %dma_start3A_242 = tpu.memref_slice %arg4[%dma_start3A_240, %dma_start3A_241] : memref<8192x1024xf32, #tpu.memory_space<hbm>> -> memref<8192x1024xf32, #tpu.memory_space<hbm>>
    tpu.enqueue_indirect_dma source(%dma_start3A_242 : memref<8192x1024xf32, #tpu.memory_space<hbm>>) target(%arg7 : memref<8x1024xf32, #tpu.memory_space<vmem>>) offsets(%dma_start3A_239 : memref<8xi32, #tpu.memory_space<vmem>>) semaphore(%arg12 : memref<!tpu.dma_semaphore, #tpu.memory_space<semaphore_mem>>)
    %add3A_243 = arith.constant 32 : i32
    %add3A_244 = arith.addi %mul3A_2, %add3A_243 : i32
    %dma_wait3A_245 = arith.constant 0 : i32
    %dma_wait3A_246 = arith.constant 0 : i32
    %dma_wait3A_247 = tpu.memref_slice %arg5[%dma_wait3A_245, %add3A_244, %dma_wait3A_246] : memref<4x4096x1024xf32, #tpu.memory_space<hbm>> -> memref<4x8x1024xf32, #tpu.memory_space<hbm>>
    %dma_wait3A_248 = arith.constant 0 : i32
    %dma_wait3A_249 = arith.constant 0 : i32
    %dma_wait3A_250 = tpu.memref_slice %arg5[%dma_wait3A_248, %add3A_244, %dma_wait3A_249] : memref<4x4096x1024xf32, #tpu.memory_space<hbm>> -> memref<4x8x1024xf32, #tpu.memory_space<hbm>>
    tpu.wait_dma2 semaphore(%arg18 : memref<!tpu.dma_semaphore, #tpu.memory_space<semaphore_mem>>) src(%arg10 : memref<4x8x1024xf32, #tpu.memory_space<vmem>>) dst(%dma_wait3A_250 : memref<4x8x1024xf32, #tpu.memory_space<hbm>>)
    %add3A_251 = arith.constant 56 : i32
    %add3A_252 = arith.addi %mul3A_2, %add3A_251 : i32
    %dma_start3A_253 = arith.constant 0 : i32
    %dma_start3A_254 = arith.constant 0 : i32
    %dma_start3A_255 = tpu.memref_slice %arg2[%dma_start3A_253, %add3A_252, %dma_start3A_254] : memref<4x4096x1024xf32, #tpu.memory_space<hbm>> -> memref<4x8x1024xf32, #tpu.memory_space<hbm>>
    %dma_start3A_256 = arith.constant 0 : i32
    %dma_start3A_257 = arith.constant 0 : i32
    %dma_start3A_258 = tpu.memref_slice %arg2[%dma_start3A_256, %add3A_252, %dma_start3A_257] : memref<4x4096x1024xf32, #tpu.memory_space<hbm>> -> memref<4x8x1024xf32, #tpu.memory_space<hbm>>
    tpu.enqueue_dma source(%dma_start3A_258 : memref<4x8x1024xf32, #tpu.memory_space<hbm>>) target(%arg10 : memref<4x8x1024xf32, #tpu.memory_space<vmem>>) target_semaphore(%arg15 : memref<!tpu.dma_semaphore, #tpu.memory_space<semaphore_mem>>)
    %add3A_259 = arith.constant 40 : i32
    %add3A_260 = arith.addi %mul3A_2, %add3A_259 : i32
    %dma_wait3A_261 = arith.constant 0 : i32
    %dma_wait3A_262 = arith.constant 0 : i32
    %dma_wait3A_263 = tpu.memref_slice %arg2[%dma_wait3A_261, %add3A_260, %dma_wait3A_262] : memref<4x4096x1024xf32, #tpu.memory_space<hbm>> -> memref<4x8x1024xf32, #tpu.memory_space<hbm>>
    %dma_wait3A_264 = arith.constant 0 : i32
    %dma_wait3A_265 = arith.constant 0 : i32
    %dma_wait3A_266 = tpu.memref_slice %arg2[%dma_wait3A_264, %add3A_260, %dma_wait3A_265] : memref<4x4096x1024xf32, #tpu.memory_space<hbm>> -> memref<4x8x1024xf32, #tpu.memory_space<hbm>>
    tpu.wait_dma2 semaphore(%arg16 : memref<!tpu.dma_semaphore, #tpu.memory_space<semaphore_mem>>) src(%dma_wait3A_266 : memref<4x8x1024xf32, #tpu.memory_space<hbm>>) dst(%arg11 : memref<4x8x1024xf32, #tpu.memory_space<vmem>>)
    %dma_wait3A_267 = arith.constant 40 : i32
    %dma_wait3A_268 = tpu.memref_slice %arg6[%dma_wait3A_267] : memref<128xi32, #tpu.memory_space<vmem>> -> memref<8xi32, #tpu.memory_space<vmem>>
    %dma_wait3A_269 = arith.constant 0 : i32
    %dma_wait3A_270 = arith.constant 0 : i32
    %dma_wait3A_271 = tpu.memref_slice %arg4[%dma_wait3A_269, %dma_wait3A_270] : memref<8192x1024xf32, #tpu.memory_space<hbm>> -> memref<8192x1024xf32, #tpu.memory_space<hbm>>
    tpu.wait_indirect_dma semaphore(%arg13 : memref<!tpu.dma_semaphore, #tpu.memory_space<semaphore_mem>>) src(%dma_wait3A_271 : memref<8192x1024xf32, #tpu.memory_space<hbm>>) dst(%arg8 : memref<8x1024xf32, #tpu.memory_space<vmem>>)
    %parallel_loop3A_272 = arith.constant 0 : i32
    %parallel_loop3A_273 = arith.constant 512 : i32
    %parallel_loop3A_274 = arith.constant 1 : i32
    scf.for %parallel_loop3A_720 = %parallel_loop3A_272 to %parallel_loop3A_273 step %parallel_loop3A_274  : i32 {
      %parallel_loop3A_721 = arith.constant 6 : i32
      %parallel_loop3A_722 = arith.shrsi %parallel_loop3A_720, %parallel_loop3A_721 : i32
      %parallel_loop3A_723 = arith.constant 63 : i32
      %parallel_loop3A_724 = arith.andi %parallel_loop3A_720, %parallel_loop3A_723 : i32
      %parallel_loop3A_725 = arith.constant 16 : i32
      %parallel_loop3A_726 = arith.muli %parallel_loop3A_724, %parallel_loop3A_725 : i32
      %parallel_loop3A_727 = arith.index_cast %parallel_loop3A_722 : i32 to index
      %parallel_loop3A_728 = arith.index_cast %parallel_loop3A_726 : i32 to index
      %parallel_loop3A_729 = tpu.vector_load %arg8[%parallel_loop3A_727, %parallel_loop3A_728] {strides = array<i32>} : memref<8x1024xf32, #tpu.memory_space<vmem>>, vector<1x16xf32>,
      %parallel_loop3A_730 = vector.shape_cast %parallel_loop3A_729 : vector<1x16xf32> to vector<16xf32>
      %parallel_loop3A_731 = arith.constant 0 : i32
      %parallel_loop3A_732 = arith.index_cast %parallel_loop3A_731 : i32 to index
      %parallel_loop3A_733 = arith.index_cast %parallel_loop3A_722 : i32 to index
      %parallel_loop3A_734 = arith.index_cast %parallel_loop3A_726 : i32 to index
      %parallel_loop3A_735 = tpu.vector_load %arg11[%parallel_loop3A_732, %parallel_loop3A_733, %parallel_loop3A_734] {strides = array<i32>} : memref<4x8x1024xf32, #tpu.memory_space<vmem>>, vector<1x1x16xf32>,
      %parallel_loop3A_736 = vector.shape_cast %parallel_loop3A_735 : vector<1x1x16xf32> to vector<16xf32>
      %parallel_loop3A_737 = vector.shape_cast %parallel_loop3A_730 : vector<16xf32> to vector<1x1x16xf32>
      tpu.vector_store %arg11[%parallel_loop3A_732, %parallel_loop3A_733, %parallel_loop3A_734], %parallel_loop3A_737 {add = true, strides = array<i32>} : memref<4x8x1024xf32, #tpu.memory_space<vmem>>, vector<1x1x16xf32>,
      %parallel_loop3A_738 = arith.constant 1 : i32
      %parallel_loop3A_739 = arith.index_cast %parallel_loop3A_738 : i32 to index
      %parallel_loop3A_740 = arith.index_cast %parallel_loop3A_722 : i32 to index
      %parallel_loop3A_741 = arith.index_cast %parallel_loop3A_726 : i32 to index
      %parallel_loop3A_742 = tpu.vector_load %arg11[%parallel_loop3A_739, %parallel_loop3A_740, %parallel_loop3A_741] {strides = array<i32>} : memref<4x8x1024xf32, #tpu.memory_space<vmem>>, vector<1x1x16xf32>,
      %parallel_loop3A_743 = vector.shape_cast %parallel_loop3A_742 : vector<1x1x16xf32> to vector<16xf32>
      %parallel_loop3A_744 = vector.shape_cast %parallel_loop3A_730 : vector<16xf32> to vector<1x1x16xf32>
      tpu.vector_store %arg11[%parallel_loop3A_739, %parallel_loop3A_740, %parallel_loop3A_741], %parallel_loop3A_744 {add = true, strides = array<i32>} : memref<4x8x1024xf32, #tpu.memory_space<vmem>>, vector<1x1x16xf32>,
      %parallel_loop3A_745 = arith.constant 2 : i32
      %parallel_loop3A_746 = arith.index_cast %parallel_loop3A_745 : i32 to index
      %parallel_loop3A_747 = arith.index_cast %parallel_loop3A_722 : i32 to index
      %parallel_loop3A_748 = arith.index_cast %parallel_loop3A_726 : i32 to index
      %parallel_loop3A_749 = tpu.vector_load %arg11[%parallel_loop3A_746, %parallel_loop3A_747, %parallel_loop3A_748] {strides = array<i32>} : memref<4x8x1024xf32, #tpu.memory_space<vmem>>, vector<1x1x16xf32>,
      %parallel_loop3A_750 = vector.shape_cast %parallel_loop3A_749 : vector<1x1x16xf32> to vector<16xf32>
      %parallel_loop3A_751 = vector.shape_cast %parallel_loop3A_730 : vector<16xf32> to vector<1x1x16xf32>
      tpu.vector_store %arg11[%parallel_loop3A_746, %parallel_loop3A_747, %parallel_loop3A_748], %parallel_loop3A_751 {add = true, strides = array<i32>} : memref<4x8x1024xf32, #tpu.memory_space<vmem>>, vector<1x1x16xf32>,
      %parallel_loop3A_752 = arith.constant 3 : i32
      %parallel_loop3A_753 = arith.index_cast %parallel_loop3A_752 : i32 to index
      %parallel_loop3A_754 = arith.index_cast %parallel_loop3A_722 : i32 to index
      %parallel_loop3A_755 = arith.index_cast %parallel_loop3A_726 : i32 to index
      %parallel_loop3A_756 = tpu.vector_load %arg11[%parallel_loop3A_753, %parallel_loop3A_754, %parallel_loop3A_755] {strides = array<i32>} : memref<4x8x1024xf32, #tpu.memory_space<vmem>>, vector<1x1x16xf32>,
      %parallel_loop3A_757 = vector.shape_cast %parallel_loop3A_756 : vector<1x1x16xf32> to vector<16xf32>
      %parallel_loop3A_758 = vector.shape_cast %parallel_loop3A_730 : vector<16xf32> to vector<1x1x16xf32>
      tpu.vector_store %arg11[%parallel_loop3A_753, %parallel_loop3A_754, %parallel_loop3A_755], %parallel_loop3A_758 {add = true, strides = array<i32>} : memref<4x8x1024xf32, #tpu.memory_space<vmem>>, vector<1x1x16xf32>,
    } {sc.loop_unroll_factor = 8 : i64, sc.parallel_access}
    %add3A_275 = arith.constant 40 : i32
    %add3A_276 = arith.addi %mul3A_2, %add3A_275 : i32
    %dma_start3A_277 = arith.constant 0 : i32
    %dma_start3A_278 = arith.constant 0 : i32
    %dma_start3A_279 = tpu.memref_slice %arg5[%dma_start3A_277, %add3A_276, %dma_start3A_278] : memref<4x4096x1024xf32, #tpu.memory_space<hbm>> -> memref<4x8x1024xf32, #tpu.memory_space<hbm>>
    %dma_start3A_280 = arith.constant 0 : i32
    %dma_start3A_281 = arith.constant 0 : i32
    %dma_start3A_282 = tpu.memref_slice %arg5[%dma_start3A_280, %add3A_276, %dma_start3A_281] : memref<4x4096x1024xf32, #tpu.memory_space<hbm>> -> memref<4x8x1024xf32, #tpu.memory_space<hbm>>
    tpu.enqueue_dma source(%arg11 : memref<4x8x1024xf32, #tpu.memory_space<vmem>>) target(%dma_start3A_282 : memref<4x8x1024xf32, #tpu.memory_space<hbm>>) target_semaphore(%arg19 : memref<!tpu.dma_semaphore, #tpu.memory_space<semaphore_mem>>)
    %dma_start3A_283 = arith.constant 56 : i32
    %dma_start3A_284 = tpu.memref_slice %arg6[%dma_start3A_283] : memref<128xi32, #tpu.memory_space<vmem>> -> memref<8xi32, #tpu.memory_space<vmem>>
    %dma_start3A_285 = arith.constant 0 : i32
    %dma_start3A_286 = arith.constant 0 : i32
    %dma_start3A_287 = tpu.memref_slice %arg4[%dma_start3A_285, %dma_start3A_286] : memref<8192x1024xf32, #tpu.memory_space<hbm>> -> memref<8192x1024xf32, #tpu.memory_space<hbm>>
    tpu.enqueue_indirect_dma source(%dma_start3A_287 : memref<8192x1024xf32, #tpu.memory_space<hbm>>) target(%arg8 : memref<8x1024xf32, #tpu.memory_space<vmem>>) offsets(%dma_start3A_284 : memref<8xi32, #tpu.memory_space<vmem>>) semaphore(%arg13 : memref<!tpu.dma_semaphore, #tpu.memory_space<semaphore_mem>>)
    %add3A_288 = arith.constant 40 : i32
    %add3A_289 = arith.addi %mul3A_2, %add3A_288 : i32
    %dma_wait3A_290 = arith.constant 0 : i32
    %dma_wait3A_291 = arith.constant 0 : i32
    %dma_wait3A_292 = tpu.memref_slice %arg5[%dma_wait3A_290, %add3A_289, %dma_wait3A_291] : memref<4x4096x1024xf32, #tpu.memory_space<hbm>> -> memref<4x8x1024xf32, #tpu.memory_space<hbm>>
    %dma_wait3A_293 = arith.constant 0 : i32
    %dma_wait3A_294 = arith.constant 0 : i32
    %dma_wait3A_295 = tpu.memref_slice %arg5[%dma_wait3A_293, %add3A_289, %dma_wait3A_294] : memref<4x4096x1024xf32, #tpu.memory_space<hbm>> -> memref<4x8x1024xf32, #tpu.memory_space<hbm>>
    tpu.wait_dma2 semaphore(%arg19 : memref<!tpu.dma_semaphore, #tpu.memory_space<semaphore_mem>>) src(%arg11 : memref<4x8x1024xf32, #tpu.memory_space<vmem>>) dst(%dma_wait3A_295 : memref<4x8x1024xf32, #tpu.memory_space<hbm>>)
    %add3A_296 = arith.constant 64 : i32
    %add3A_297 = arith.addi %mul3A_2, %add3A_296 : i32
    %dma_start3A_298 = arith.constant 0 : i32
    %dma_start3A_299 = arith.constant 0 : i32
    %dma_start3A_300 = tpu.memref_slice %arg2[%dma_start3A_298, %add3A_297, %dma_start3A_299] : memref<4x4096x1024xf32, #tpu.memory_space<hbm>> -> memref<4x8x1024xf32, #tpu.memory_space<hbm>>
    %dma_start3A_301 = arith.constant 0 : i32
    %dma_start3A_302 = arith.constant 0 : i32
    %dma_start3A_303 = tpu.memref_slice %arg2[%dma_start3A_301, %add3A_297, %dma_start3A_302] : memref<4x4096x1024xf32, #tpu.memory_space<hbm>> -> memref<4x8x1024xf32, #tpu.memory_space<hbm>>
    tpu.enqueue_dma source(%dma_start3A_303 : memref<4x8x1024xf32, #tpu.memory_space<hbm>>) target(%arg11 : memref<4x8x1024xf32, #tpu.memory_space<vmem>>) target_semaphore(%arg16 : memref<!tpu.dma_semaphore, #tpu.memory_space<semaphore_mem>>)
    %add3A_304 = arith.constant 48 : i32
    %add3A_305 = arith.addi %mul3A_2, %add3A_304 : i32
    %dma_wait3A_306 = arith.constant 0 : i32
    %dma_wait3A_307 = arith.constant 0 : i32
    %dma_wait3A_308 = tpu.memref_slice %arg2[%dma_wait3A_306, %add3A_305, %dma_wait3A_307] : memref<4x4096x1024xf32, #tpu.memory_space<hbm>> -> memref<4x8x1024xf32, #tpu.memory_space<hbm>>
    %dma_wait3A_309 = arith.constant 0 : i32
    %dma_wait3A_310 = arith.constant 0 : i32
    %dma_wait3A_311 = tpu.memref_slice %arg2[%dma_wait3A_309, %add3A_305, %dma_wait3A_310] : memref<4x4096x1024xf32, #tpu.memory_space<hbm>> -> memref<4x8x1024xf32, #tpu.memory_space<hbm>>
    tpu.wait_dma2 semaphore(%arg14 : memref<!tpu.dma_semaphore, #tpu.memory_space<semaphore_mem>>) src(%dma_wait3A_311 : memref<4x8x1024xf32, #tpu.memory_space<hbm>>) dst(%arg9 : memref<4x8x1024xf32, #tpu.memory_space<vmem>>)
    %dma_wait3A_312 = arith.constant 48 : i32
    %dma_wait3A_313 = tpu.memref_slice %arg6[%dma_wait3A_312] : memref<128xi32, #tpu.memory_space<vmem>> -> memref<8xi32, #tpu.memory_space<vmem>>
    %dma_wait3A_314 = arith.constant 0 : i32
    %dma_wait3A_315 = arith.constant 0 : i32
    %dma_wait3A_316 = tpu.memref_slice %arg4[%dma_wait3A_314, %dma_wait3A_315] : memref<8192x1024xf32, #tpu.memory_space<hbm>> -> memref<8192x1024xf32, #tpu.memory_space<hbm>>
    tpu.wait_indirect_dma semaphore(%arg12 : memref<!tpu.dma_semaphore, #tpu.memory_space<semaphore_mem>>) src(%dma_wait3A_316 : memref<8192x1024xf32, #tpu.memory_space<hbm>>) dst(%arg7 : memref<8x1024xf32, #tpu.memory_space<vmem>>)
    %parallel_loop3A_317 = arith.constant 0 : i32
    %parallel_loop3A_318 = arith.constant 512 : i32
    %parallel_loop3A_319 = arith.constant 1 : i32
    scf.for %parallel_loop3A_720 = %parallel_loop3A_317 to %parallel_loop3A_318 step %parallel_loop3A_319  : i32 {
      %parallel_loop3A_721 = arith.constant 6 : i32
      %parallel_loop3A_722 = arith.shrsi %parallel_loop3A_720, %parallel_loop3A_721 : i32
      %parallel_loop3A_723 = arith.constant 63 : i32
      %parallel_loop3A_724 = arith.andi %parallel_loop3A_720, %parallel_loop3A_723 : i32
      %parallel_loop3A_725 = arith.constant 16 : i32
      %parallel_loop3A_726 = arith.muli %parallel_loop3A_724, %parallel_loop3A_725 : i32
      %parallel_loop3A_727 = arith.index_cast %parallel_loop3A_722 : i32 to index
      %parallel_loop3A_728 = arith.index_cast %parallel_loop3A_726 : i32 to index
      %parallel_loop3A_729 = tpu.vector_load %arg7[%parallel_loop3A_727, %parallel_loop3A_728] {strides = array<i32>} : memref<8x1024xf32, #tpu.memory_space<vmem>>, vector<1x16xf32>,
      %parallel_loop3A_730 = vector.shape_cast %parallel_loop3A_729 : vector<1x16xf32> to vector<16xf32>
      %parallel_loop3A_731 = arith.constant 0 : i32
      %parallel_loop3A_732 = arith.index_cast %parallel_loop3A_731 : i32 to index
      %parallel_loop3A_733 = arith.index_cast %parallel_loop3A_722 : i32 to index
      %parallel_loop3A_734 = arith.index_cast %parallel_loop3A_726 : i32 to index
      %parallel_loop3A_735 = tpu.vector_load %arg9[%parallel_loop3A_732, %parallel_loop3A_733, %parallel_loop3A_734] {strides = array<i32>} : memref<4x8x1024xf32, #tpu.memory_space<vmem>>, vector<1x1x16xf32>,
      %parallel_loop3A_736 = vector.shape_cast %parallel_loop3A_735 : vector<1x1x16xf32> to vector<16xf32>
      %parallel_loop3A_737 = vector.shape_cast %parallel_loop3A_730 : vector<16xf32> to vector<1x1x16xf32>
      tpu.vector_store %arg9[%parallel_loop3A_732, %parallel_loop3A_733, %parallel_loop3A_734], %parallel_loop3A_737 {add = true, strides = array<i32>} : memref<4x8x1024xf32, #tpu.memory_space<vmem>>, vector<1x1x16xf32>,
      %parallel_loop3A_738 = arith.constant 1 : i32
      %parallel_loop3A_739 = arith.index_cast %parallel_loop3A_738 : i32 to index
      %parallel_loop3A_740 = arith.index_cast %parallel_loop3A_722 : i32 to index
      %parallel_loop3A_741 = arith.index_cast %parallel_loop3A_726 : i32 to index
      %parallel_loop3A_742 = tpu.vector_load %arg9[%parallel_loop3A_739, %parallel_loop3A_740, %parallel_loop3A_741] {strides = array<i32>} : memref<4x8x1024xf32, #tpu.memory_space<vmem>>, vector<1x1x16xf32>,
      %parallel_loop3A_743 = vector.shape_cast %parallel_loop3A_742 : vector<1x1x16xf32> to vector<16xf32>
      %parallel_loop3A_744 = vector.shape_cast %parallel_loop3A_730 : vector<16xf32> to vector<1x1x16xf32>
      tpu.vector_store %arg9[%parallel_loop3A_739, %parallel_loop3A_740, %parallel_loop3A_741], %parallel_loop3A_744 {add = true, strides = array<i32>} : memref<4x8x1024xf32, #tpu.memory_space<vmem>>, vector<1x1x16xf32>,
      %parallel_loop3A_745 = arith.constant 2 : i32
      %parallel_loop3A_746 = arith.index_cast %parallel_loop3A_745 : i32 to index
      %parallel_loop3A_747 = arith.index_cast %parallel_loop3A_722 : i32 to index
      %parallel_loop3A_748 = arith.index_cast %parallel_loop3A_726 : i32 to index
      %parallel_loop3A_749 = tpu.vector_load %arg9[%parallel_loop3A_746, %parallel_loop3A_747, %parallel_loop3A_748] {strides = array<i32>} : memref<4x8x1024xf32, #tpu.memory_space<vmem>>, vector<1x1x16xf32>,
      %parallel_loop3A_750 = vector.shape_cast %parallel_loop3A_749 : vector<1x1x16xf32> to vector<16xf32>
      %parallel_loop3A_751 = vector.shape_cast %parallel_loop3A_730 : vector<16xf32> to vector<1x1x16xf32>
      tpu.vector_store %arg9[%parallel_loop3A_746, %parallel_loop3A_747, %parallel_loop3A_748], %parallel_loop3A_751 {add = true, strides = array<i32>} : memref<4x8x1024xf32, #tpu.memory_space<vmem>>, vector<1x1x16xf32>,
      %parallel_loop3A_752 = arith.constant 3 : i32
      %parallel_loop3A_753 = arith.index_cast %parallel_loop3A_752 : i32 to index
      %parallel_loop3A_754 = arith.index_cast %parallel_loop3A_722 : i32 to index
      %parallel_loop3A_755 = arith.index_cast %parallel_loop3A_726 : i32 to index
      %parallel_loop3A_756 = tpu.vector_load %arg9[%parallel_loop3A_753, %parallel_loop3A_754, %parallel_loop3A_755] {strides = array<i32>} : memref<4x8x1024xf32, #tpu.memory_space<vmem>>, vector<1x1x16xf32>,
      %parallel_loop3A_757 = vector.shape_cast %parallel_loop3A_756 : vector<1x1x16xf32> to vector<16xf32>
      %parallel_loop3A_758 = vector.shape_cast %parallel_loop3A_730 : vector<16xf32> to vector<1x1x16xf32>
      tpu.vector_store %arg9[%parallel_loop3A_753, %parallel_loop3A_754, %parallel_loop3A_755], %parallel_loop3A_758 {add = true, strides = array<i32>} : memref<4x8x1024xf32, #tpu.memory_space<vmem>>, vector<1x1x16xf32>,
    } {sc.loop_unroll_factor = 8 : i64, sc.parallel_access}
    %add3A_320 = arith.constant 48 : i32
    %add3A_321 = arith.addi %mul3A_2, %add3A_320 : i32
    %dma_start3A_322 = arith.constant 0 : i32
    %dma_start3A_323 = arith.constant 0 : i32
    %dma_start3A_324 = tpu.memref_slice %arg5[%dma_start3A_322, %add3A_321, %dma_start3A_323] : memref<4x4096x1024xf32, #tpu.memory_space<hbm>> -> memref<4x8x1024xf32, #tpu.memory_space<hbm>>
    %dma_start3A_325 = arith.constant 0 : i32
    %dma_start3A_326 = arith.constant 0 : i32
    %dma_start3A_327 = tpu.memref_slice %arg5[%dma_start3A_325, %add3A_321, %dma_start3A_326] : memref<4x4096x1024xf32, #tpu.memory_space<hbm>> -> memref<4x8x1024xf32, #tpu.memory_space<hbm>>
    tpu.enqueue_dma source(%arg9 : memref<4x8x1024xf32, #tpu.memory_space<vmem>>) target(%dma_start3A_327 : memref<4x8x1024xf32, #tpu.memory_space<hbm>>) target_semaphore(%arg17 : memref<!tpu.dma_semaphore, #tpu.memory_space<semaphore_mem>>)
    %dma_start3A_328 = arith.constant 64 : i32
    %dma_start3A_329 = tpu.memref_slice %arg6[%dma_start3A_328] : memref<128xi32, #tpu.memory_space<vmem>> -> memref<8xi32, #tpu.memory_space<vmem>>
    %dma_start3A_330 = arith.constant 0 : i32
    %dma_start3A_331 = arith.constant 0 : i32
    %dma_start3A_332 = tpu.memref_slice %arg4[%dma_start3A_330, %dma_start3A_331] : memref<8192x1024xf32, #tpu.memory_space<hbm>> -> memref<8192x1024xf32, #tpu.memory_space<hbm>>
    tpu.enqueue_indirect_dma source(%dma_start3A_332 : memref<8192x1024xf32, #tpu.memory_space<hbm>>) target(%arg7 : memref<8x1024xf32, #tpu.memory_space<vmem>>) offsets(%dma_start3A_329 : memref<8xi32, #tpu.memory_space<vmem>>) semaphore(%arg12 : memref<!tpu.dma_semaphore, #tpu.memory_space<semaphore_mem>>)
    %add3A_333 = arith.constant 48 : i32
    %add3A_334 = arith.addi %mul3A_2, %add3A_333 : i32
    %dma_wait3A_335 = arith.constant 0 : i32
    %dma_wait3A_336 = arith.constant 0 : i32
    %dma_wait3A_337 = tpu.memref_slice %arg5[%dma_wait3A_335, %add3A_334, %dma_wait3A_336] : memref<4x4096x1024xf32, #tpu.memory_space<hbm>> -> memref<4x8x1024xf32, #tpu.memory_space<hbm>>
    %dma_wait3A_338 = arith.constant 0 : i32
    %dma_wait3A_339 = arith.constant 0 : i32
    %dma_wait3A_340 = tpu.memref_slice %arg5[%dma_wait3A_338, %add3A_334, %dma_wait3A_339] : memref<4x4096x1024xf32, #tpu.memory_space<hbm>> -> memref<4x8x1024xf32, #tpu.memory_space<hbm>>
    tpu.wait_dma2 semaphore(%arg17 : memref<!tpu.dma_semaphore, #tpu.memory_space<semaphore_mem>>) src(%arg9 : memref<4x8x1024xf32, #tpu.memory_space<vmem>>) dst(%dma_wait3A_340 : memref<4x8x1024xf32, #tpu.memory_space<hbm>>)
    %add3A_341 = arith.constant 72 : i32
    %add3A_342 = arith.addi %mul3A_2, %add3A_341 : i32
    %dma_start3A_343 = arith.constant 0 : i32
    %dma_start3A_344 = arith.constant 0 : i32
    %dma_start3A_345 = tpu.memref_slice %arg2[%dma_start3A_343, %add3A_342, %dma_start3A_344] : memref<4x4096x1024xf32, #tpu.memory_space<hbm>> -> memref<4x8x1024xf32, #tpu.memory_space<hbm>>
    %dma_start3A_346 = arith.constant 0 : i32
    %dma_start3A_347 = arith.constant 0 : i32
    %dma_start3A_348 = tpu.memref_slice %arg2[%dma_start3A_346, %add3A_342, %dma_start3A_347] : memref<4x4096x1024xf32, #tpu.memory_space<hbm>> -> memref<4x8x1024xf32, #tpu.memory_space<hbm>>
    tpu.enqueue_dma source(%dma_start3A_348 : memref<4x8x1024xf32, #tpu.memory_space<hbm>>) target(%arg9 : memref<4x8x1024xf32, #tpu.memory_space<vmem>>) target_semaphore(%arg14 : memref<!tpu.dma_semaphore, #tpu.memory_space<semaphore_mem>>)
    %add3A_349 = arith.constant 56 : i32
    %add3A_350 = arith.addi %mul3A_2, %add3A_349 : i32
    %dma_wait3A_351 = arith.constant 0 : i32
    %dma_wait3A_352 = arith.constant 0 : i32
    %dma_wait3A_353 = tpu.memref_slice %arg2[%dma_wait3A_351, %add3A_350, %dma_wait3A_352] : memref<4x4096x1024xf32, #tpu.memory_space<hbm>> -> memref<4x8x1024xf32, #tpu.memory_space<hbm>>
    %dma_wait3A_354 = arith.constant 0 : i32
    %dma_wait3A_355 = arith.constant 0 : i32
    %dma_wait3A_356 = tpu.memref_slice %arg2[%dma_wait3A_354, %add3A_350, %dma_wait3A_355] : memref<4x4096x1024xf32, #tpu.memory_space<hbm>> -> memref<4x8x1024xf32, #tpu.memory_space<hbm>>
    tpu.wait_dma2 semaphore(%arg15 : memref<!tpu.dma_semaphore, #tpu.memory_space<semaphore_mem>>) src(%dma_wait3A_356 : memref<4x8x1024xf32, #tpu.memory_space<hbm>>) dst(%arg10 : memref<4x8x1024xf32, #tpu.memory_space<vmem>>)
    %dma_wait3A_357 = arith.constant 56 : i32
    %dma_wait3A_358 = tpu.memref_slice %arg6[%dma_wait3A_357] : memref<128xi32, #tpu.memory_space<vmem>> -> memref<8xi32, #tpu.memory_space<vmem>>
    %dma_wait3A_359 = arith.constant 0 : i32
    %dma_wait3A_360 = arith.constant 0 : i32
    %dma_wait3A_361 = tpu.memref_slice %arg4[%dma_wait3A_359, %dma_wait3A_360] : memref<8192x1024xf32, #tpu.memory_space<hbm>> -> memref<8192x1024xf32, #tpu.memory_space<hbm>>
    tpu.wait_indirect_dma semaphore(%arg13 : memref<!tpu.dma_semaphore, #tpu.memory_space<semaphore_mem>>) src(%dma_wait3A_361 : memref<8192x1024xf32, #tpu.memory_space<hbm>>) dst(%arg8 : memref<8x1024xf32, #tpu.memory_space<vmem>>)
    %parallel_loop3A_362 = arith.constant 0 : i32
    %parallel_loop3A_363 = arith.constant 512 : i32
    %parallel_loop3A_364 = arith.constant 1 : i32
    scf.for %parallel_loop3A_720 = %parallel_loop3A_362 to %parallel_loop3A_363 step %parallel_loop3A_364  : i32 {
      %parallel_loop3A_721 = arith.constant 6 : i32
      %parallel_loop3A_722 = arith.shrsi %parallel_loop3A_720, %parallel_loop3A_721 : i32
      %parallel_loop3A_723 = arith.constant 63 : i32
      %parallel_loop3A_724 = arith.andi %parallel_loop3A_720, %parallel_loop3A_723 : i32
      %parallel_loop3A_725 = arith.constant 16 : i32
      %parallel_loop3A_726 = arith.muli %parallel_loop3A_724, %parallel_loop3A_725 : i32
      %parallel_loop3A_727 = arith.index_cast %parallel_loop3A_722 : i32 to index
      %parallel_loop3A_728 = arith.index_cast %parallel_loop3A_726 : i32 to index
      %parallel_loop3A_729 = tpu.vector_load %arg8[%parallel_loop3A_727, %parallel_loop3A_728] {strides = array<i32>} : memref<8x1024xf32, #tpu.memory_space<vmem>>, vector<1x16xf32>,
      %parallel_loop3A_730 = vector.shape_cast %parallel_loop3A_729 : vector<1x16xf32> to vector<16xf32>
      %parallel_loop3A_731 = arith.constant 0 : i32
      %parallel_loop3A_732 = arith.index_cast %parallel_loop3A_731 : i32 to index
      %parallel_loop3A_733 = arith.index_cast %parallel_loop3A_722 : i32 to index
      %parallel_loop3A_734 = arith.index_cast %parallel_loop3A_726 : i32 to index
      %parallel_loop3A_735 = tpu.vector_load %arg10[%parallel_loop3A_732, %parallel_loop3A_733, %parallel_loop3A_734] {strides = array<i32>} : memref<4x8x1024xf32, #tpu.memory_space<vmem>>, vector<1x1x16xf32>,
      %parallel_loop3A_736 = vector.shape_cast %parallel_loop3A_735 : vector<1x1x16xf32> to vector<16xf32>
      %parallel_loop3A_737 = vector.shape_cast %parallel_loop3A_730 : vector<16xf32> to vector<1x1x16xf32>
      tpu.vector_store %arg10[%parallel_loop3A_732, %parallel_loop3A_733, %parallel_loop3A_734], %parallel_loop3A_737 {add = true, strides = array<i32>} : memref<4x8x1024xf32, #tpu.memory_space<vmem>>, vector<1x1x16xf32>,
      %parallel_loop3A_738 = arith.constant 1 : i32
      %parallel_loop3A_739 = arith.index_cast %parallel_loop3A_738 : i32 to index
      %parallel_loop3A_740 = arith.index_cast %parallel_loop3A_722 : i32 to index
      %parallel_loop3A_741 = arith.index_cast %parallel_loop3A_726 : i32 to index
      %parallel_loop3A_742 = tpu.vector_load %arg10[%parallel_loop3A_739, %parallel_loop3A_740, %parallel_loop3A_741] {strides = array<i32>} : memref<4x8x1024xf32, #tpu.memory_space<vmem>>, vector<1x1x16xf32>,
      %parallel_loop3A_743 = vector.shape_cast %parallel_loop3A_742 : vector<1x1x16xf32> to vector<16xf32>
      %parallel_loop3A_744 = vector.shape_cast %parallel_loop3A_730 : vector<16xf32> to vector<1x1x16xf32>
      tpu.vector_store %arg10[%parallel_loop3A_739, %parallel_loop3A_740, %parallel_loop3A_741], %parallel_loop3A_744 {add = true, strides = array<i32>} : memref<4x8x1024xf32, #tpu.memory_space<vmem>>, vector<1x1x16xf32>,
      %parallel_loop3A_745 = arith.constant 2 : i32
      %parallel_loop3A_746 = arith.index_cast %parallel_loop3A_745 : i32 to index
      %parallel_loop3A_747 = arith.index_cast %parallel_loop3A_722 : i32 to index
      %parallel_loop3A_748 = arith.index_cast %parallel_loop3A_726 : i32 to index
      %parallel_loop3A_749 = tpu.vector_load %arg10[%parallel_loop3A_746, %parallel_loop3A_747, %parallel_loop3A_748] {strides = array<i32>} : memref<4x8x1024xf32, #tpu.memory_space<vmem>>, vector<1x1x16xf32>,
      %parallel_loop3A_750 = vector.shape_cast %parallel_loop3A_749 : vector<1x1x16xf32> to vector<16xf32>
      %parallel_loop3A_751 = vector.shape_cast %parallel_loop3A_730 : vector<16xf32> to vector<1x1x16xf32>
      tpu.vector_store %arg10[%parallel_loop3A_746, %parallel_loop3A_747, %parallel_loop3A_748], %parallel_loop3A_751 {add = true, strides = array<i32>} : memref<4x8x1024xf32, #tpu.memory_space<vmem>>, vector<1x1x16xf32>,
      %parallel_loop3A_752 = arith.constant 3 : i32
      %parallel_loop3A_753 = arith.index_cast %parallel_loop3A_752 : i32 to index
      %parallel_loop3A_754 = arith.index_cast %parallel_loop3A_722 : i32 to index
      %parallel_loop3A_755 = arith.index_cast %parallel_loop3A_726 : i32 to index
      %parallel_loop3A_756 = tpu.vector_load %arg10[%parallel_loop3A_753, %parallel_loop3A_754, %parallel_loop3A_755] {strides = array<i32>} : memref<4x8x1024xf32, #tpu.memory_space<vmem>>, vector<1x1x16xf32>,
      %parallel_loop3A_757 = vector.shape_cast %parallel_loop3A_756 : vector<1x1x16xf32> to vector<16xf32>
      %parallel_loop3A_758 = vector.shape_cast %parallel_loop3A_730 : vector<16xf32> to vector<1x1x16xf32>
      tpu.vector_store %arg10[%parallel_loop3A_753, %parallel_loop3A_754, %parallel_loop3A_755], %parallel_loop3A_758 {add = true, strides = array<i32>} : memref<4x8x1024xf32, #tpu.memory_space<vmem>>, vector<1x1x16xf32>,
    } {sc.loop_unroll_factor = 8 : i64, sc.parallel_access}
    %add3A_365 = arith.constant 56 : i32
    %add3A_366 = arith.addi %mul3A_2, %add3A_365 : i32
    %dma_start3A_367 = arith.constant 0 : i32
    %dma_start3A_368 = arith.constant 0 : i32
    %dma_start3A_369 = tpu.memref_slice %arg5[%dma_start3A_367, %add3A_366, %dma_start3A_368] : memref<4x4096x1024xf32, #tpu.memory_space<hbm>> -> memref<4x8x1024xf32, #tpu.memory_space<hbm>>
    %dma_start3A_370 = arith.constant 0 : i32
    %dma_start3A_371 = arith.constant 0 : i32
    %dma_start3A_372 = tpu.memref_slice %arg5[%dma_start3A_370, %add3A_366, %dma_start3A_371] : memref<4x4096x1024xf32, #tpu.memory_space<hbm>> -> memref<4x8x1024xf32, #tpu.memory_space<hbm>>
    tpu.enqueue_dma source(%arg10 : memref<4x8x1024xf32, #tpu.memory_space<vmem>>) target(%dma_start3A_372 : memref<4x8x1024xf32, #tpu.memory_space<hbm>>) target_semaphore(%arg18 : memref<!tpu.dma_semaphore, #tpu.memory_space<semaphore_mem>>)
    %dma_start3A_373 = arith.constant 72 : i32
    %dma_start3A_374 = tpu.memref_slice %arg6[%dma_start3A_373] : memref<128xi32, #tpu.memory_space<vmem>> -> memref<8xi32, #tpu.memory_space<vmem>>
    %dma_start3A_375 = arith.constant 0 : i32
    %dma_start3A_376 = arith.constant 0 : i32
    %dma_start3A_377 = tpu.memref_slice %arg4[%dma_start3A_375, %dma_start3A_376] : memref<8192x1024xf32, #tpu.memory_space<hbm>> -> memref<8192x1024xf32, #tpu.memory_space<hbm>>
    tpu.enqueue_indirect_dma source(%dma_start3A_377 : memref<8192x1024xf32, #tpu.memory_space<hbm>>) target(%arg8 : memref<8x1024xf32, #tpu.memory_space<vmem>>) offsets(%dma_start3A_374 : memref<8xi32, #tpu.memory_space<vmem>>) semaphore(%arg13 : memref<!tpu.dma_semaphore, #tpu.memory_space<semaphore_mem>>)
    %add3A_378 = arith.constant 56 : i32
    %add3A_379 = arith.addi %mul3A_2, %add3A_378 : i32
    %dma_wait3A_380 = arith.constant 0 : i32
    %dma_wait3A_381 = arith.constant 0 : i32
    %dma_wait3A_382 = tpu.memref_slice %arg5[%dma_wait3A_380, %add3A_379, %dma_wait3A_381] : memref<4x4096x1024xf32, #tpu.memory_space<hbm>> -> memref<4x8x1024xf32, #tpu.memory_space<hbm>>
    %dma_wait3A_383 = arith.constant 0 : i32
    %dma_wait3A_384 = arith.constant 0 : i32
    %dma_wait3A_385 = tpu.memref_slice %arg5[%dma_wait3A_383, %add3A_379, %dma_wait3A_384] : memref<4x4096x1024xf32, #tpu.memory_space<hbm>> -> memref<4x8x1024xf32, #tpu.memory_space<hbm>>
    tpu.wait_dma2 semaphore(%arg18 : memref<!tpu.dma_semaphore, #tpu.memory_space<semaphore_mem>>) src(%arg10 : memref<4x8x1024xf32, #tpu.memory_space<vmem>>) dst(%dma_wait3A_385 : memref<4x8x1024xf32, #tpu.memory_space<hbm>>)
    %add3A_386 = arith.constant 80 : i32
    %add3A_387 = arith.addi %mul3A_2, %add3A_386 : i32
    %dma_start3A_388 = arith.constant 0 : i32
    %dma_start3A_389 = arith.constant 0 : i32
    %dma_start3A_390 = tpu.memref_slice %arg2[%dma_start3A_388, %add3A_387, %dma_start3A_389] : memref<4x4096x1024xf32, #tpu.memory_space<hbm>> -> memref<4x8x1024xf32, #tpu.memory_space<hbm>>
    %dma_start3A_391 = arith.constant 0 : i32
    %dma_start3A_392 = arith.constant 0 : i32
    %dma_start3A_393 = tpu.memref_slice %arg2[%dma_start3A_391, %add3A_387, %dma_start3A_392] : memref<4x4096x1024xf32, #tpu.memory_space<hbm>> -> memref<4x8x1024xf32, #tpu.memory_space<hbm>>
    tpu.enqueue_dma source(%dma_start3A_393 : memref<4x8x1024xf32, #tpu.memory_space<hbm>>) target(%arg10 : memref<4x8x1024xf32, #tpu.memory_space<vmem>>) target_semaphore(%arg15 : memref<!tpu.dma_semaphore, #tpu.memory_space<semaphore_mem>>)
    %add3A_394 = arith.constant 64 : i32
    %add3A_395 = arith.addi %mul3A_2, %add3A_394 : i32
    %dma_wait3A_396 = arith.constant 0 : i32
    %dma_wait3A_397 = arith.constant 0 : i32
    %dma_wait3A_398 = tpu.memref_slice %arg2[%dma_wait3A_396, %add3A_395, %dma_wait3A_397] : memref<4x4096x1024xf32, #tpu.memory_space<hbm>> -> memref<4x8x1024xf32, #tpu.memory_space<hbm>>
    %dma_wait3A_399 = arith.constant 0 : i32
    %dma_wait3A_400 = arith.constant 0 : i32
    %dma_wait3A_401 = tpu.memref_slice %arg2[%dma_wait3A_399, %add3A_395, %dma_wait3A_400] : memref<4x4096x1024xf32, #tpu.memory_space<hbm>> -> memref<4x8x1024xf32, #tpu.memory_space<hbm>>
    tpu.wait_dma2 semaphore(%arg16 : memref<!tpu.dma_semaphore, #tpu.memory_space<semaphore_mem>>) src(%dma_wait3A_401 : memref<4x8x1024xf32, #tpu.memory_space<hbm>>) dst(%arg11 : memref<4x8x1024xf32, #tpu.memory_space<vmem>>)
    %dma_wait3A_402 = arith.constant 64 : i32
    %dma_wait3A_403 = tpu.memref_slice %arg6[%dma_wait3A_402] : memref<128xi32, #tpu.memory_space<vmem>> -> memref<8xi32, #tpu.memory_space<vmem>>
    %dma_wait3A_404 = arith.constant 0 : i32
    %dma_wait3A_405 = arith.constant 0 : i32
    %dma_wait3A_406 = tpu.memref_slice %arg4[%dma_wait3A_404, %dma_wait3A_405] : memref<8192x1024xf32, #tpu.memory_space<hbm>> -> memref<8192x1024xf32, #tpu.memory_space<hbm>>
    tpu.wait_indirect_dma semaphore(%arg12 : memref<!tpu.dma_semaphore, #tpu.memory_space<semaphore_mem>>) src(%dma_wait3A_406 : memref<8192x1024xf32, #tpu.memory_space<hbm>>) dst(%arg7 : memref<8x1024xf32, #tpu.memory_space<vmem>>)
    %parallel_loop3A_407 = arith.constant 0 : i32
    %parallel_loop3A_408 = arith.constant 512 : i32
    %parallel_loop3A_409 = arith.constant 1 : i32
    scf.for %parallel_loop3A_720 = %parallel_loop3A_407 to %parallel_loop3A_408 step %parallel_loop3A_409  : i32 {
      %parallel_loop3A_721 = arith.constant 6 : i32
      %parallel_loop3A_722 = arith.shrsi %parallel_loop3A_720, %parallel_loop3A_721 : i32
      %parallel_loop3A_723 = arith.constant 63 : i32
      %parallel_loop3A_724 = arith.andi %parallel_loop3A_720, %parallel_loop3A_723 : i32
      %parallel_loop3A_725 = arith.constant 16 : i32
      %parallel_loop3A_726 = arith.muli %parallel_loop3A_724, %parallel_loop3A_725 : i32
      %parallel_loop3A_727 = arith.index_cast %parallel_loop3A_722 : i32 to index
      %parallel_loop3A_728 = arith.index_cast %parallel_loop3A_726 : i32 to index
      %parallel_loop3A_729 = tpu.vector_load %arg7[%parallel_loop3A_727, %parallel_loop3A_728] {strides = array<i32>} : memref<8x1024xf32, #tpu.memory_space<vmem>>, vector<1x16xf32>,
      %parallel_loop3A_730 = vector.shape_cast %parallel_loop3A_729 : vector<1x16xf32> to vector<16xf32>
      %parallel_loop3A_731 = arith.constant 0 : i32
      %parallel_loop3A_732 = arith.index_cast %parallel_loop3A_731 : i32 to index
      %parallel_loop3A_733 = arith.index_cast %parallel_loop3A_722 : i32 to index
      %parallel_loop3A_734 = arith.index_cast %parallel_loop3A_726 : i32 to index
      %parallel_loop3A_735 = tpu.vector_load %arg11[%parallel_loop3A_732, %parallel_loop3A_733, %parallel_loop3A_734] {strides = array<i32>} : memref<4x8x1024xf32, #tpu.memory_space<vmem>>, vector<1x1x16xf32>,
      %parallel_loop3A_736 = vector.shape_cast %parallel_loop3A_735 : vector<1x1x16xf32> to vector<16xf32>
      %parallel_loop3A_737 = vector.shape_cast %parallel_loop3A_730 : vector<16xf32> to vector<1x1x16xf32>
      tpu.vector_store %arg11[%parallel_loop3A_732, %parallel_loop3A_733, %parallel_loop3A_734], %parallel_loop3A_737 {add = true, strides = array<i32>} : memref<4x8x1024xf32, #tpu.memory_space<vmem>>, vector<1x1x16xf32>,
      %parallel_loop3A_738 = arith.constant 1 : i32
      %parallel_loop3A_739 = arith.index_cast %parallel_loop3A_738 : i32 to index
      %parallel_loop3A_740 = arith.index_cast %parallel_loop3A_722 : i32 to index
      %parallel_loop3A_741 = arith.index_cast %parallel_loop3A_726 : i32 to index
      %parallel_loop3A_742 = tpu.vector_load %arg11[%parallel_loop3A_739, %parallel_loop3A_740, %parallel_loop3A_741] {strides = array<i32>} : memref<4x8x1024xf32, #tpu.memory_space<vmem>>, vector<1x1x16xf32>,
      %parallel_loop3A_743 = vector.shape_cast %parallel_loop3A_742 : vector<1x1x16xf32> to vector<16xf32>
      %parallel_loop3A_744 = vector.shape_cast %parallel_loop3A_730 : vector<16xf32> to vector<1x1x16xf32>
      tpu.vector_store %arg11[%parallel_loop3A_739, %parallel_loop3A_740, %parallel_loop3A_741], %parallel_loop3A_744 {add = true, strides = array<i32>} : memref<4x8x1024xf32, #tpu.memory_space<vmem>>, vector<1x1x16xf32>,
      %parallel_loop3A_745 = arith.constant 2 : i32
      %parallel_loop3A_746 = arith.index_cast %parallel_loop3A_745 : i32 to index
      %parallel_loop3A_747 = arith.index_cast %parallel_loop3A_722 : i32 to index
      %parallel_loop3A_748 = arith.index_cast %parallel_loop3A_726 : i32 to index
      %parallel_loop3A_749 = tpu.vector_load %arg11[%parallel_loop3A_746, %parallel_loop3A_747, %parallel_loop3A_748] {strides = array<i32>} : memref<4x8x1024xf32, #tpu.memory_space<vmem>>, vector<1x1x16xf32>,
      %parallel_loop3A_750 = vector.shape_cast %parallel_loop3A_749 : vector<1x1x16xf32> to vector<16xf32>
      %parallel_loop3A_751 = vector.shape_cast %parallel_loop3A_730 : vector<16xf32> to vector<1x1x16xf32>
      tpu.vector_store %arg11[%parallel_loop3A_746, %parallel_loop3A_747, %parallel_loop3A_748], %parallel_loop3A_751 {add = true, strides = array<i32>} : memref<4x8x1024xf32, #tpu.memory_space<vmem>>, vector<1x1x16xf32>,
      %parallel_loop3A_752 = arith.constant 3 : i32
      %parallel_loop3A_753 = arith.index_cast %parallel_loop3A_752 : i32 to index
      %parallel_loop3A_754 = arith.index_cast %parallel_loop3A_722 : i32 to index
      %parallel_loop3A_755 = arith.index_cast %parallel_loop3A_726 : i32 to index
      %parallel_loop3A_756 = tpu.vector_load %arg11[%parallel_loop3A_753, %parallel_loop3A_754, %parallel_loop3A_755] {strides = array<i32>} : memref<4x8x1024xf32, #tpu.memory_space<vmem>>, vector<1x1x16xf32>,
      %parallel_loop3A_757 = vector.shape_cast %parallel_loop3A_756 : vector<1x1x16xf32> to vector<16xf32>
      %parallel_loop3A_758 = vector.shape_cast %parallel_loop3A_730 : vector<16xf32> to vector<1x1x16xf32>
      tpu.vector_store %arg11[%parallel_loop3A_753, %parallel_loop3A_754, %parallel_loop3A_755], %parallel_loop3A_758 {add = true, strides = array<i32>} : memref<4x8x1024xf32, #tpu.memory_space<vmem>>, vector<1x1x16xf32>,
    } {sc.loop_unroll_factor = 8 : i64, sc.parallel_access}
    %add3A_410 = arith.constant 64 : i32
    %add3A_411 = arith.addi %mul3A_2, %add3A_410 : i32
    %dma_start3A_412 = arith.constant 0 : i32
    %dma_start3A_413 = arith.constant 0 : i32
    %dma_start3A_414 = tpu.memref_slice %arg5[%dma_start3A_412, %add3A_411, %dma_start3A_413] : memref<4x4096x1024xf32, #tpu.memory_space<hbm>> -> memref<4x8x1024xf32, #tpu.memory_space<hbm>>
    %dma_start3A_415 = arith.constant 0 : i32
    %dma_start3A_416 = arith.constant 0 : i32
    %dma_start3A_417 = tpu.memref_slice %arg5[%dma_start3A_415, %add3A_411, %dma_start3A_416] : memref<4x4096x1024xf32, #tpu.memory_space<hbm>> -> memref<4x8x1024xf32, #tpu.memory_space<hbm>>
    tpu.enqueue_dma source(%arg11 : memref<4x8x1024xf32, #tpu.memory_space<vmem>>) target(%dma_start3A_417 : memref<4x8x1024xf32, #tpu.memory_space<hbm>>) target_semaphore(%arg19 : memref<!tpu.dma_semaphore, #tpu.memory_space<semaphore_mem>>)
    %dma_start3A_418 = arith.constant 80 : i32
    %dma_start3A_419 = tpu.memref_slice %arg6[%dma_start3A_418] : memref<128xi32, #tpu.memory_space<vmem>> -> memref<8xi32, #tpu.memory_space<vmem>>
    %dma_start3A_420 = arith.constant 0 : i32
    %dma_start3A_421 = arith.constant 0 : i32
    %dma_start3A_422 = tpu.memref_slice %arg4[%dma_start3A_420, %dma_start3A_421] : memref<8192x1024xf32, #tpu.memory_space<hbm>> -> memref<8192x1024xf32, #tpu.memory_space<hbm>>
    tpu.enqueue_indirect_dma source(%dma_start3A_422 : memref<8192x1024xf32, #tpu.memory_space<hbm>>) target(%arg7 : memref<8x1024xf32, #tpu.memory_space<vmem>>) offsets(%dma_start3A_419 : memref<8xi32, #tpu.memory_space<vmem>>) semaphore(%arg12 : memref<!tpu.dma_semaphore, #tpu.memory_space<semaphore_mem>>)
    %add3A_423 = arith.constant 64 : i32
    %add3A_424 = arith.addi %mul3A_2, %add3A_423 : i32
    %dma_wait3A_425 = arith.constant 0 : i32
    %dma_wait3A_426 = arith.constant 0 : i32
    %dma_wait3A_427 = tpu.memref_slice %arg5[%dma_wait3A_425, %add3A_424, %dma_wait3A_426] : memref<4x4096x1024xf32, #tpu.memory_space<hbm>> -> memref<4x8x1024xf32, #tpu.memory_space<hbm>>
    %dma_wait3A_428 = arith.constant 0 : i32
    %dma_wait3A_429 = arith.constant 0 : i32
    %dma_wait3A_430 = tpu.memref_slice %arg5[%dma_wait3A_428, %add3A_424, %dma_wait3A_429] : memref<4x4096x1024xf32, #tpu.memory_space<hbm>> -> memref<4x8x1024xf32, #tpu.memory_space<hbm>>
    tpu.wait_dma2 semaphore(%arg19 : memref<!tpu.dma_semaphore, #tpu.memory_space<semaphore_mem>>) src(%arg11 : memref<4x8x1024xf32, #tpu.memory_space<vmem>>) dst(%dma_wait3A_430 : memref<4x8x1024xf32, #tpu.memory_space<hbm>>)
    %add3A_431 = arith.constant 88 : i32
    %add3A_432 = arith.addi %mul3A_2, %add3A_431 : i32
    %dma_start3A_433 = arith.constant 0 : i32
    %dma_start3A_434 = arith.constant 0 : i32
    %dma_start3A_435 = tpu.memref_slice %arg2[%dma_start3A_433, %add3A_432, %dma_start3A_434] : memref<4x4096x1024xf32, #tpu.memory_space<hbm>> -> memref<4x8x1024xf32, #tpu.memory_space<hbm>>
    %dma_start3A_436 = arith.constant 0 : i32
    %dma_start3A_437 = arith.constant 0 : i32
    %dma_start3A_438 = tpu.memref_slice %arg2[%dma_start3A_436, %add3A_432, %dma_start3A_437] : memref<4x4096x1024xf32, #tpu.memory_space<hbm>> -> memref<4x8x1024xf32, #tpu.memory_space<hbm>>
    tpu.enqueue_dma source(%dma_start3A_438 : memref<4x8x1024xf32, #tpu.memory_space<hbm>>) target(%arg11 : memref<4x8x1024xf32, #tpu.memory_space<vmem>>) target_semaphore(%arg16 : memref<!tpu.dma_semaphore, #tpu.memory_space<semaphore_mem>>)
    %add3A_439 = arith.constant 72 : i32
    %add3A_440 = arith.addi %mul3A_2, %add3A_439 : i32
    %dma_wait3A_441 = arith.constant 0 : i32
    %dma_wait3A_442 = arith.constant 0 : i32
    %dma_wait3A_443 = tpu.memref_slice %arg2[%dma_wait3A_441, %add3A_440, %dma_wait3A_442] : memref<4x4096x1024xf32, #tpu.memory_space<hbm>> -> memref<4x8x1024xf32, #tpu.memory_space<hbm>>
    %dma_wait3A_444 = arith.constant 0 : i32
    %dma_wait3A_445 = arith.constant 0 : i32
    %dma_wait3A_446 = tpu.memref_slice %arg2[%dma_wait3A_444, %add3A_440, %dma_wait3A_445] : memref<4x4096x1024xf32, #tpu.memory_space<hbm>> -> memref<4x8x1024xf32, #tpu.memory_space<hbm>>
    tpu.wait_dma2 semaphore(%arg14 : memref<!tpu.dma_semaphore, #tpu.memory_space<semaphore_mem>>) src(%dma_wait3A_446 : memref<4x8x1024xf32, #tpu.memory_space<hbm>>) dst(%arg9 : memref<4x8x1024xf32, #tpu.memory_space<vmem>>)
    %dma_wait3A_447 = arith.constant 72 : i32
    %dma_wait3A_448 = tpu.memref_slice %arg6[%dma_wait3A_447] : memref<128xi32, #tpu.memory_space<vmem>> -> memref<8xi32, #tpu.memory_space<vmem>>
    %dma_wait3A_449 = arith.constant 0 : i32
    %dma_wait3A_450 = arith.constant 0 : i32
    %dma_wait3A_451 = tpu.memref_slice %arg4[%dma_wait3A_449, %dma_wait3A_450] : memref<8192x1024xf32, #tpu.memory_space<hbm>> -> memref<8192x1024xf32, #tpu.memory_space<hbm>>
    tpu.wait_indirect_dma semaphore(%arg13 : memref<!tpu.dma_semaphore, #tpu.memory_space<semaphore_mem>>) src(%dma_wait3A_451 : memref<8192x1024xf32, #tpu.memory_space<hbm>>) dst(%arg8 : memref<8x1024xf32, #tpu.memory_space<vmem>>)
    %parallel_loop3A_452 = arith.constant 0 : i32
    %parallel_loop3A_453 = arith.constant 512 : i32
    %parallel_loop3A_454 = arith.constant 1 : i32
    scf.for %parallel_loop3A_720 = %parallel_loop3A_452 to %parallel_loop3A_453 step %parallel_loop3A_454  : i32 {
      %parallel_loop3A_721 = arith.constant 6 : i32
      %parallel_loop3A_722 = arith.shrsi %parallel_loop3A_720, %parallel_loop3A_721 : i32
      %parallel_loop3A_723 = arith.constant 63 : i32
      %parallel_loop3A_724 = arith.andi %parallel_loop3A_720, %parallel_loop3A_723 : i32
      %parallel_loop3A_725 = arith.constant 16 : i32
      %parallel_loop3A_726 = arith.muli %parallel_loop3A_724, %parallel_loop3A_725 : i32
      %parallel_loop3A_727 = arith.index_cast %parallel_loop3A_722 : i32 to index
      %parallel_loop3A_728 = arith.index_cast %parallel_loop3A_726 : i32 to index
      %parallel_loop3A_729 = tpu.vector_load %arg8[%parallel_loop3A_727, %parallel_loop3A_728] {strides = array<i32>} : memref<8x1024xf32, #tpu.memory_space<vmem>>, vector<1x16xf32>,
      %parallel_loop3A_730 = vector.shape_cast %parallel_loop3A_729 : vector<1x16xf32> to vector<16xf32>
      %parallel_loop3A_731 = arith.constant 0 : i32
      %parallel_loop3A_732 = arith.index_cast %parallel_loop3A_731 : i32 to index
      %parallel_loop3A_733 = arith.index_cast %parallel_loop3A_722 : i32 to index
      %parallel_loop3A_734 = arith.index_cast %parallel_loop3A_726 : i32 to index
      %parallel_loop3A_735 = tpu.vector_load %arg9[%parallel_loop3A_732, %parallel_loop3A_733, %parallel_loop3A_734] {strides = array<i32>} : memref<4x8x1024xf32, #tpu.memory_space<vmem>>, vector<1x1x16xf32>,
      %parallel_loop3A_736 = vector.shape_cast %parallel_loop3A_735 : vector<1x1x16xf32> to vector<16xf32>
      %parallel_loop3A_737 = vector.shape_cast %parallel_loop3A_730 : vector<16xf32> to vector<1x1x16xf32>
      tpu.vector_store %arg9[%parallel_loop3A_732, %parallel_loop3A_733, %parallel_loop3A_734], %parallel_loop3A_737 {add = true, strides = array<i32>} : memref<4x8x1024xf32, #tpu.memory_space<vmem>>, vector<1x1x16xf32>,
      %parallel_loop3A_738 = arith.constant 1 : i32
      %parallel_loop3A_739 = arith.index_cast %parallel_loop3A_738 : i32 to index
      %parallel_loop3A_740 = arith.index_cast %parallel_loop3A_722 : i32 to index
      %parallel_loop3A_741 = arith.index_cast %parallel_loop3A_726 : i32 to index
      %parallel_loop3A_742 = tpu.vector_load %arg9[%parallel_loop3A_739, %parallel_loop3A_740, %parallel_loop3A_741] {strides = array<i32>} : memref<4x8x1024xf32, #tpu.memory_space<vmem>>, vector<1x1x16xf32>,
      %parallel_loop3A_743 = vector.shape_cast %parallel_loop3A_742 : vector<1x1x16xf32> to vector<16xf32>
      %parallel_loop3A_744 = vector.shape_cast %parallel_loop3A_730 : vector<16xf32> to vector<1x1x16xf32>
      tpu.vector_store %arg9[%parallel_loop3A_739, %parallel_loop3A_740, %parallel_loop3A_741], %parallel_loop3A_744 {add = true, strides = array<i32>} : memref<4x8x1024xf32, #tpu.memory_space<vmem>>, vector<1x1x16xf32>,
      %parallel_loop3A_745 = arith.constant 2 : i32
      %parallel_loop3A_746 = arith.index_cast %parallel_loop3A_745 : i32 to index
      %parallel_loop3A_747 = arith.index_cast %parallel_loop3A_722 : i32 to index
      %parallel_loop3A_748 = arith.index_cast %parallel_loop3A_726 : i32 to index
      %parallel_loop3A_749 = tpu.vector_load %arg9[%parallel_loop3A_746, %parallel_loop3A_747, %parallel_loop3A_748] {strides = array<i32>} : memref<4x8x1024xf32, #tpu.memory_space<vmem>>, vector<1x1x16xf32>,
      %parallel_loop3A_750 = vector.shape_cast %parallel_loop3A_749 : vector<1x1x16xf32> to vector<16xf32>
      %parallel_loop3A_751 = vector.shape_cast %parallel_loop3A_730 : vector<16xf32> to vector<1x1x16xf32>
      tpu.vector_store %arg9[%parallel_loop3A_746, %parallel_loop3A_747, %parallel_loop3A_748], %parallel_loop3A_751 {add = true, strides = array<i32>} : memref<4x8x1024xf32, #tpu.memory_space<vmem>>, vector<1x1x16xf32>,
      %parallel_loop3A_752 = arith.constant 3 : i32
      %parallel_loop3A_753 = arith.index_cast %parallel_loop3A_752 : i32 to index
      %parallel_loop3A_754 = arith.index_cast %parallel_loop3A_722 : i32 to index
      %parallel_loop3A_755 = arith.index_cast %parallel_loop3A_726 : i32 to index
      %parallel_loop3A_756 = tpu.vector_load %arg9[%parallel_loop3A_753, %parallel_loop3A_754, %parallel_loop3A_755] {strides = array<i32>} : memref<4x8x1024xf32, #tpu.memory_space<vmem>>, vector<1x1x16xf32>,
      %parallel_loop3A_757 = vector.shape_cast %parallel_loop3A_756 : vector<1x1x16xf32> to vector<16xf32>
      %parallel_loop3A_758 = vector.shape_cast %parallel_loop3A_730 : vector<16xf32> to vector<1x1x16xf32>
      tpu.vector_store %arg9[%parallel_loop3A_753, %parallel_loop3A_754, %parallel_loop3A_755], %parallel_loop3A_758 {add = true, strides = array<i32>} : memref<4x8x1024xf32, #tpu.memory_space<vmem>>, vector<1x1x16xf32>,
    } {sc.loop_unroll_factor = 8 : i64, sc.parallel_access}
    %add3A_455 = arith.constant 72 : i32
    %add3A_456 = arith.addi %mul3A_2, %add3A_455 : i32
    %dma_start3A_457 = arith.constant 0 : i32
    %dma_start3A_458 = arith.constant 0 : i32
    %dma_start3A_459 = tpu.memref_slice %arg5[%dma_start3A_457, %add3A_456, %dma_start3A_458] : memref<4x4096x1024xf32, #tpu.memory_space<hbm>> -> memref<4x8x1024xf32, #tpu.memory_space<hbm>>
    %dma_start3A_460 = arith.constant 0 : i32
    %dma_start3A_461 = arith.constant 0 : i32
    %dma_start3A_462 = tpu.memref_slice %arg5[%dma_start3A_460, %add3A_456, %dma_start3A_461] : memref<4x4096x1024xf32, #tpu.memory_space<hbm>> -> memref<4x8x1024xf32, #tpu.memory_space<hbm>>
    tpu.enqueue_dma source(%arg9 : memref<4x8x1024xf32, #tpu.memory_space<vmem>>) target(%dma_start3A_462 : memref<4x8x1024xf32, #tpu.memory_space<hbm>>) target_semaphore(%arg17 : memref<!tpu.dma_semaphore, #tpu.memory_space<semaphore_mem>>)
    %dma_start3A_463 = arith.constant 88 : i32
    %dma_start3A_464 = tpu.memref_slice %arg6[%dma_start3A_463] : memref<128xi32, #tpu.memory_space<vmem>> -> memref<8xi32, #tpu.memory_space<vmem>>
    %dma_start3A_465 = arith.constant 0 : i32
    %dma_start3A_466 = arith.constant 0 : i32
    %dma_start3A_467 = tpu.memref_slice %arg4[%dma_start3A_465, %dma_start3A_466] : memref<8192x1024xf32, #tpu.memory_space<hbm>> -> memref<8192x1024xf32, #tpu.memory_space<hbm>>
    tpu.enqueue_indirect_dma source(%dma_start3A_467 : memref<8192x1024xf32, #tpu.memory_space<hbm>>) target(%arg8 : memref<8x1024xf32, #tpu.memory_space<vmem>>) offsets(%dma_start3A_464 : memref<8xi32, #tpu.memory_space<vmem>>) semaphore(%arg13 : memref<!tpu.dma_semaphore, #tpu.memory_space<semaphore_mem>>)
    %add3A_468 = arith.constant 72 : i32
    %add3A_469 = arith.addi %mul3A_2, %add3A_468 : i32
    %dma_wait3A_470 = arith.constant 0 : i32
    %dma_wait3A_471 = arith.constant 0 : i32
    %dma_wait3A_472 = tpu.memref_slice %arg5[%dma_wait3A_470, %add3A_469, %dma_wait3A_471] : memref<4x4096x1024xf32, #tpu.memory_space<hbm>> -> memref<4x8x1024xf32, #tpu.memory_space<hbm>>
    %dma_wait3A_473 = arith.constant 0 : i32
    %dma_wait3A_474 = arith.constant 0 : i32
    %dma_wait3A_475 = tpu.memref_slice %arg5[%dma_wait3A_473, %add3A_469, %dma_wait3A_474] : memref<4x4096x1024xf32, #tpu.memory_space<hbm>> -> memref<4x8x1024xf32, #tpu.memory_space<hbm>>
    tpu.wait_dma2 semaphore(%arg17 : memref<!tpu.dma_semaphore, #tpu.memory_space<semaphore_mem>>) src(%arg9 : memref<4x8x1024xf32, #tpu.memory_space<vmem>>) dst(%dma_wait3A_475 : memref<4x8x1024xf32, #tpu.memory_space<hbm>>)
    %add3A_476 = arith.constant 96 : i32
    %add3A_477 = arith.addi %mul3A_2, %add3A_476 : i32
    %dma_start3A_478 = arith.constant 0 : i32
    %dma_start3A_479 = arith.constant 0 : i32
    %dma_start3A_480 = tpu.memref_slice %arg2[%dma_start3A_478, %add3A_477, %dma_start3A_479] : memref<4x4096x1024xf32, #tpu.memory_space<hbm>> -> memref<4x8x1024xf32, #tpu.memory_space<hbm>>
    %dma_start3A_481 = arith.constant 0 : i32
    %dma_start3A_482 = arith.constant 0 : i32
    %dma_start3A_483 = tpu.memref_slice %arg2[%dma_start3A_481, %add3A_477, %dma_start3A_482] : memref<4x4096x1024xf32, #tpu.memory_space<hbm>> -> memref<4x8x1024xf32, #tpu.memory_space<hbm>>
    tpu.enqueue_dma source(%dma_start3A_483 : memref<4x8x1024xf32, #tpu.memory_space<hbm>>) target(%arg9 : memref<4x8x1024xf32, #tpu.memory_space<vmem>>) target_semaphore(%arg14 : memref<!tpu.dma_semaphore, #tpu.memory_space<semaphore_mem>>)
    %add3A_484 = arith.constant 80 : i32
    %add3A_485 = arith.addi %mul3A_2, %add3A_484 : i32
    %dma_wait3A_486 = arith.constant 0 : i32
    %dma_wait3A_487 = arith.constant 0 : i32
    %dma_wait3A_488 = tpu.memref_slice %arg2[%dma_wait3A_486, %add3A_485, %dma_wait3A_487] : memref<4x4096x1024xf32, #tpu.memory_space<hbm>> -> memref<4x8x1024xf32, #tpu.memory_space<hbm>>
    %dma_wait3A_489 = arith.constant 0 : i32
    %dma_wait3A_490 = arith.constant 0 : i32
    %dma_wait3A_491 = tpu.memref_slice %arg2[%dma_wait3A_489, %add3A_485, %dma_wait3A_490] : memref<4x4096x1024xf32, #tpu.memory_space<hbm>> -> memref<4x8x1024xf32, #tpu.memory_space<hbm>>
    tpu.wait_dma2 semaphore(%arg15 : memref<!tpu.dma_semaphore, #tpu.memory_space<semaphore_mem>>) src(%dma_wait3A_491 : memref<4x8x1024xf32, #tpu.memory_space<hbm>>) dst(%arg10 : memref<4x8x1024xf32, #tpu.memory_space<vmem>>)
    %dma_wait3A_492 = arith.constant 80 : i32
    %dma_wait3A_493 = tpu.memref_slice %arg6[%dma_wait3A_492] : memref<128xi32, #tpu.memory_space<vmem>> -> memref<8xi32, #tpu.memory_space<vmem>>
    %dma_wait3A_494 = arith.constant 0 : i32
    %dma_wait3A_495 = arith.constant 0 : i32
    %dma_wait3A_496 = tpu.memref_slice %arg4[%dma_wait3A_494, %dma_wait3A_495] : memref<8192x1024xf32, #tpu.memory_space<hbm>> -> memref<8192x1024xf32, #tpu.memory_space<hbm>>
    tpu.wait_indirect_dma semaphore(%arg12 : memref<!tpu.dma_semaphore, #tpu.memory_space<semaphore_mem>>) src(%dma_wait3A_496 : memref<8192x1024xf32, #tpu.memory_space<hbm>>) dst(%arg7 : memref<8x1024xf32, #tpu.memory_space<vmem>>)
    %parallel_loop3A_497 = arith.constant 0 : i32
    %parallel_loop3A_498 = arith.constant 512 : i32
    %parallel_loop3A_499 = arith.constant 1 : i32
    scf.for %parallel_loop3A_720 = %parallel_loop3A_497 to %parallel_loop3A_498 step %parallel_loop3A_499  : i32 {
      %parallel_loop3A_721 = arith.constant 6 : i32
      %parallel_loop3A_722 = arith.shrsi %parallel_loop3A_720, %parallel_loop3A_721 : i32
      %parallel_loop3A_723 = arith.constant 63 : i32
      %parallel_loop3A_724 = arith.andi %parallel_loop3A_720, %parallel_loop3A_723 : i32
      %parallel_loop3A_725 = arith.constant 16 : i32
      %parallel_loop3A_726 = arith.muli %parallel_loop3A_724, %parallel_loop3A_725 : i32
      %parallel_loop3A_727 = arith.index_cast %parallel_loop3A_722 : i32 to index
      %parallel_loop3A_728 = arith.index_cast %parallel_loop3A_726 : i32 to index
      %parallel_loop3A_729 = tpu.vector_load %arg7[%parallel_loop3A_727, %parallel_loop3A_728] {strides = array<i32>} : memref<8x1024xf32, #tpu.memory_space<vmem>>, vector<1x16xf32>,
      %parallel_loop3A_730 = vector.shape_cast %parallel_loop3A_729 : vector<1x16xf32> to vector<16xf32>
      %parallel_loop3A_731 = arith.constant 0 : i32
      %parallel_loop3A_732 = arith.index_cast %parallel_loop3A_731 : i32 to index
      %parallel_loop3A_733 = arith.index_cast %parallel_loop3A_722 : i32 to index
      %parallel_loop3A_734 = arith.index_cast %parallel_loop3A_726 : i32 to index
      %parallel_loop3A_735 = tpu.vector_load %arg10[%parallel_loop3A_732, %parallel_loop3A_733, %parallel_loop3A_734] {strides = array<i32>} : memref<4x8x1024xf32, #tpu.memory_space<vmem>>, vector<1x1x16xf32>,
      %parallel_loop3A_736 = vector.shape_cast %parallel_loop3A_735 : vector<1x1x16xf32> to vector<16xf32>
      %parallel_loop3A_737 = vector.shape_cast %parallel_loop3A_730 : vector<16xf32> to vector<1x1x16xf32>
      tpu.vector_store %arg10[%parallel_loop3A_732, %parallel_loop3A_733, %parallel_loop3A_734], %parallel_loop3A_737 {add = true, strides = array<i32>} : memref<4x8x1024xf32, #tpu.memory_space<vmem>>, vector<1x1x16xf32>,
      %parallel_loop3A_738 = arith.constant 1 : i32
      %parallel_loop3A_739 = arith.index_cast %parallel_loop3A_738 : i32 to index
      %parallel_loop3A_740 = arith.index_cast %parallel_loop3A_722 : i32 to index
      %parallel_loop3A_741 = arith.index_cast %parallel_loop3A_726 : i32 to index
      %parallel_loop3A_742 = tpu.vector_load %arg10[%parallel_loop3A_739, %parallel_loop3A_740, %parallel_loop3A_741] {strides = array<i32>} : memref<4x8x1024xf32, #tpu.memory_space<vmem>>, vector<1x1x16xf32>,
      %parallel_loop3A_743 = vector.shape_cast %parallel_loop3A_742 : vector<1x1x16xf32> to vector<16xf32>
      %parallel_loop3A_744 = vector.shape_cast %parallel_loop3A_730 : vector<16xf32> to vector<1x1x16xf32>
      tpu.vector_store %arg10[%parallel_loop3A_739, %parallel_loop3A_740, %parallel_loop3A_741], %parallel_loop3A_744 {add = true, strides = array<i32>} : memref<4x8x1024xf32, #tpu.memory_space<vmem>>, vector<1x1x16xf32>,
      %parallel_loop3A_745 = arith.constant 2 : i32
      %parallel_loop3A_746 = arith.index_cast %parallel_loop3A_745 : i32 to index
      %parallel_loop3A_747 = arith.index_cast %parallel_loop3A_722 : i32 to index
      %parallel_loop3A_748 = arith.index_cast %parallel_loop3A_726 : i32 to index
      %parallel_loop3A_749 = tpu.vector_load %arg10[%parallel_loop3A_746, %parallel_loop3A_747, %parallel_loop3A_748] {strides = array<i32>} : memref<4x8x1024xf32, #tpu.memory_space<vmem>>, vector<1x1x16xf32>,
      %parallel_loop3A_750 = vector.shape_cast %parallel_loop3A_749 : vector<1x1x16xf32> to vector<16xf32>
      %parallel_loop3A_751 = vector.shape_cast %parallel_loop3A_730 : vector<16xf32> to vector<1x1x16xf32>
      tpu.vector_store %arg10[%parallel_loop3A_746, %parallel_loop3A_747, %parallel_loop3A_748], %parallel_loop3A_751 {add = true, strides = array<i32>} : memref<4x8x1024xf32, #tpu.memory_space<vmem>>, vector<1x1x16xf32>,
      %parallel_loop3A_752 = arith.constant 3 : i32
      %parallel_loop3A_753 = arith.index_cast %parallel_loop3A_752 : i32 to index
      %parallel_loop3A_754 = arith.index_cast %parallel_loop3A_722 : i32 to index
      %parallel_loop3A_755 = arith.index_cast %parallel_loop3A_726 : i32 to index
      %parallel_loop3A_756 = tpu.vector_load %arg10[%parallel_loop3A_753, %parallel_loop3A_754, %parallel_loop3A_755] {strides = array<i32>} : memref<4x8x1024xf32, #tpu.memory_space<vmem>>, vector<1x1x16xf32>,
      %parallel_loop3A_757 = vector.shape_cast %parallel_loop3A_756 : vector<1x1x16xf32> to vector<16xf32>
      %parallel_loop3A_758 = vector.shape_cast %parallel_loop3A_730 : vector<16xf32> to vector<1x1x16xf32>
      tpu.vector_store %arg10[%parallel_loop3A_753, %parallel_loop3A_754, %parallel_loop3A_755], %parallel_loop3A_758 {add = true, strides = array<i32>} : memref<4x8x1024xf32, #tpu.memory_space<vmem>>, vector<1x1x16xf32>,
    } {sc.loop_unroll_factor = 8 : i64, sc.parallel_access}
    %add3A_500 = arith.constant 80 : i32
    %add3A_501 = arith.addi %mul3A_2, %add3A_500 : i32
    %dma_start3A_502 = arith.constant 0 : i32
    %dma_start3A_503 = arith.constant 0 : i32
    %dma_start3A_504 = tpu.memref_slice %arg5[%dma_start3A_502, %add3A_501, %dma_start3A_503] : memref<4x4096x1024xf32, #tpu.memory_space<hbm>> -> memref<4x8x1024xf32, #tpu.memory_space<hbm>>
    %dma_start3A_505 = arith.constant 0 : i32
    %dma_start3A_506 = arith.constant 0 : i32
    %dma_start3A_507 = tpu.memref_slice %arg5[%dma_start3A_505, %add3A_501, %dma_start3A_506] : memref<4x4096x1024xf32, #tpu.memory_space<hbm>> -> memref<4x8x1024xf32, #tpu.memory_space<hbm>>
    tpu.enqueue_dma source(%arg10 : memref<4x8x1024xf32, #tpu.memory_space<vmem>>) target(%dma_start3A_507 : memref<4x8x1024xf32, #tpu.memory_space<hbm>>) target_semaphore(%arg18 : memref<!tpu.dma_semaphore, #tpu.memory_space<semaphore_mem>>)
    %dma_start3A_508 = arith.constant 96 : i32
    %dma_start3A_509 = tpu.memref_slice %arg6[%dma_start3A_508] : memref<128xi32, #tpu.memory_space<vmem>> -> memref<8xi32, #tpu.memory_space<vmem>>
    %dma_start3A_510 = arith.constant 0 : i32
    %dma_start3A_511 = arith.constant 0 : i32
    %dma_start3A_512 = tpu.memref_slice %arg4[%dma_start3A_510, %dma_start3A_511] : memref<8192x1024xf32, #tpu.memory_space<hbm>> -> memref<8192x1024xf32, #tpu.memory_space<hbm>>
    tpu.enqueue_indirect_dma source(%dma_start3A_512 : memref<8192x1024xf32, #tpu.memory_space<hbm>>) target(%arg7 : memref<8x1024xf32, #tpu.memory_space<vmem>>) offsets(%dma_start3A_509 : memref<8xi32, #tpu.memory_space<vmem>>) semaphore(%arg12 : memref<!tpu.dma_semaphore, #tpu.memory_space<semaphore_mem>>)
    %add3A_513 = arith.constant 80 : i32
    %add3A_514 = arith.addi %mul3A_2, %add3A_513 : i32
    %dma_wait3A_515 = arith.constant 0 : i32
    %dma_wait3A_516 = arith.constant 0 : i32
    %dma_wait3A_517 = tpu.memref_slice %arg5[%dma_wait3A_515, %add3A_514, %dma_wait3A_516] : memref<4x4096x1024xf32, #tpu.memory_space<hbm>> -> memref<4x8x1024xf32, #tpu.memory_space<hbm>>
    %dma_wait3A_518 = arith.constant 0 : i32
    %dma_wait3A_519 = arith.constant 0 : i32
    %dma_wait3A_520 = tpu.memref_slice %arg5[%dma_wait3A_518, %add3A_514, %dma_wait3A_519] : memref<4x4096x1024xf32, #tpu.memory_space<hbm>> -> memref<4x8x1024xf32, #tpu.memory_space<hbm>>
    tpu.wait_dma2 semaphore(%arg18 : memref<!tpu.dma_semaphore, #tpu.memory_space<semaphore_mem>>) src(%arg10 : memref<4x8x1024xf32, #tpu.memory_space<vmem>>) dst(%dma_wait3A_520 : memref<4x8x1024xf32, #tpu.memory_space<hbm>>)
    %add3A_521 = arith.constant 104 : i32
    %add3A_522 = arith.addi %mul3A_2, %add3A_521 : i32
    %dma_start3A_523 = arith.constant 0 : i32
    %dma_start3A_524 = arith.constant 0 : i32
    %dma_start3A_525 = tpu.memref_slice %arg2[%dma_start3A_523, %add3A_522, %dma_start3A_524] : memref<4x4096x1024xf32, #tpu.memory_space<hbm>> -> memref<4x8x1024xf32, #tpu.memory_space<hbm>>
    %dma_start3A_526 = arith.constant 0 : i32
    %dma_start3A_527 = arith.constant 0 : i32
    %dma_start3A_528 = tpu.memref_slice %arg2[%dma_start3A_526, %add3A_522, %dma_start3A_527] : memref<4x4096x1024xf32, #tpu.memory_space<hbm>> -> memref<4x8x1024xf32, #tpu.memory_space<hbm>>
    tpu.enqueue_dma source(%dma_start3A_528 : memref<4x8x1024xf32, #tpu.memory_space<hbm>>) target(%arg10 : memref<4x8x1024xf32, #tpu.memory_space<vmem>>) target_semaphore(%arg15 : memref<!tpu.dma_semaphore, #tpu.memory_space<semaphore_mem>>)
    %add3A_529 = arith.constant 88 : i32
    %add3A_530 = arith.addi %mul3A_2, %add3A_529 : i32
    %dma_wait3A_531 = arith.constant 0 : i32
    %dma_wait3A_532 = arith.constant 0 : i32
    %dma_wait3A_533 = tpu.memref_slice %arg2[%dma_wait3A_531, %add3A_530, %dma_wait3A_532] : memref<4x4096x1024xf32, #tpu.memory_space<hbm>> -> memref<4x8x1024xf32, #tpu.memory_space<hbm>>
    %dma_wait3A_534 = arith.constant 0 : i32
    %dma_wait3A_535 = arith.constant 0 : i32
    %dma_wait3A_536 = tpu.memref_slice %arg2[%dma_wait3A_534, %add3A_530, %dma_wait3A_535] : memref<4x4096x1024xf32, #tpu.memory_space<hbm>> -> memref<4x8x1024xf32, #tpu.memory_space<hbm>>
    tpu.wait_dma2 semaphore(%arg16 : memref<!tpu.dma_semaphore, #tpu.memory_space<semaphore_mem>>) src(%dma_wait3A_536 : memref<4x8x1024xf32, #tpu.memory_space<hbm>>) dst(%arg11 : memref<4x8x1024xf32, #tpu.memory_space<vmem>>)
    %dma_wait3A_537 = arith.constant 88 : i32
    %dma_wait3A_538 = tpu.memref_slice %arg6[%dma_wait3A_537] : memref<128xi32, #tpu.memory_space<vmem>> -> memref<8xi32, #tpu.memory_space<vmem>>
    %dma_wait3A_539 = arith.constant 0 : i32
    %dma_wait3A_540 = arith.constant 0 : i32
    %dma_wait3A_541 = tpu.memref_slice %arg4[%dma_wait3A_539, %dma_wait3A_540] : memref<8192x1024xf32, #tpu.memory_space<hbm>> -> memref<8192x1024xf32, #tpu.memory_space<hbm>>
    tpu.wait_indirect_dma semaphore(%arg13 : memref<!tpu.dma_semaphore, #tpu.memory_space<semaphore_mem>>) src(%dma_wait3A_541 : memref<8192x1024xf32, #tpu.memory_space<hbm>>) dst(%arg8 : memref<8x1024xf32, #tpu.memory_space<vmem>>)
    %parallel_loop3A_542 = arith.constant 0 : i32
    %parallel_loop3A_543 = arith.constant 512 : i32
    %parallel_loop3A_544 = arith.constant 1 : i32
    scf.for %parallel_loop3A_720 = %parallel_loop3A_542 to %parallel_loop3A_543 step %parallel_loop3A_544  : i32 {
      %parallel_loop3A_721 = arith.constant 6 : i32
      %parallel_loop3A_722 = arith.shrsi %parallel_loop3A_720, %parallel_loop3A_721 : i32
      %parallel_loop3A_723 = arith.constant 63 : i32
      %parallel_loop3A_724 = arith.andi %parallel_loop3A_720, %parallel_loop3A_723 : i32
      %parallel_loop3A_725 = arith.constant 16 : i32
      %parallel_loop3A_726 = arith.muli %parallel_loop3A_724, %parallel_loop3A_725 : i32
      %parallel_loop3A_727 = arith.index_cast %parallel_loop3A_722 : i32 to index
      %parallel_loop3A_728 = arith.index_cast %parallel_loop3A_726 : i32 to index
      %parallel_loop3A_729 = tpu.vector_load %arg8[%parallel_loop3A_727, %parallel_loop3A_728] {strides = array<i32>} : memref<8x1024xf32, #tpu.memory_space<vmem>>, vector<1x16xf32>,
      %parallel_loop3A_730 = vector.shape_cast %parallel_loop3A_729 : vector<1x16xf32> to vector<16xf32>
      %parallel_loop3A_731 = arith.constant 0 : i32
      %parallel_loop3A_732 = arith.index_cast %parallel_loop3A_731 : i32 to index
      %parallel_loop3A_733 = arith.index_cast %parallel_loop3A_722 : i32 to index
      %parallel_loop3A_734 = arith.index_cast %parallel_loop3A_726 : i32 to index
      %parallel_loop3A_735 = tpu.vector_load %arg11[%parallel_loop3A_732, %parallel_loop3A_733, %parallel_loop3A_734] {strides = array<i32>} : memref<4x8x1024xf32, #tpu.memory_space<vmem>>, vector<1x1x16xf32>,
      %parallel_loop3A_736 = vector.shape_cast %parallel_loop3A_735 : vector<1x1x16xf32> to vector<16xf32>
      %parallel_loop3A_737 = vector.shape_cast %parallel_loop3A_730 : vector<16xf32> to vector<1x1x16xf32>
      tpu.vector_store %arg11[%parallel_loop3A_732, %parallel_loop3A_733, %parallel_loop3A_734], %parallel_loop3A_737 {add = true, strides = array<i32>} : memref<4x8x1024xf32, #tpu.memory_space<vmem>>, vector<1x1x16xf32>,
      %parallel_loop3A_738 = arith.constant 1 : i32
      %parallel_loop3A_739 = arith.index_cast %parallel_loop3A_738 : i32 to index
      %parallel_loop3A_740 = arith.index_cast %parallel_loop3A_722 : i32 to index
      %parallel_loop3A_741 = arith.index_cast %parallel_loop3A_726 : i32 to index
      %parallel_loop3A_742 = tpu.vector_load %arg11[%parallel_loop3A_739, %parallel_loop3A_740, %parallel_loop3A_741] {strides = array<i32>} : memref<4x8x1024xf32, #tpu.memory_space<vmem>>, vector<1x1x16xf32>,
      %parallel_loop3A_743 = vector.shape_cast %parallel_loop3A_742 : vector<1x1x16xf32> to vector<16xf32>
      %parallel_loop3A_744 = vector.shape_cast %parallel_loop3A_730 : vector<16xf32> to vector<1x1x16xf32>
      tpu.vector_store %arg11[%parallel_loop3A_739, %parallel_loop3A_740, %parallel_loop3A_741], %parallel_loop3A_744 {add = true, strides = array<i32>} : memref<4x8x1024xf32, #tpu.memory_space<vmem>>, vector<1x1x16xf32>,
      %parallel_loop3A_745 = arith.constant 2 : i32
      %parallel_loop3A_746 = arith.index_cast %parallel_loop3A_745 : i32 to index
      %parallel_loop3A_747 = arith.index_cast %parallel_loop3A_722 : i32 to index
      %parallel_loop3A_748 = arith.index_cast %parallel_loop3A_726 : i32 to index
      %parallel_loop3A_749 = tpu.vector_load %arg11[%parallel_loop3A_746, %parallel_loop3A_747, %parallel_loop3A_748] {strides = array<i32>} : memref<4x8x1024xf32, #tpu.memory_space<vmem>>, vector<1x1x16xf32>,
      %parallel_loop3A_750 = vector.shape_cast %parallel_loop3A_749 : vector<1x1x16xf32> to vector<16xf32>
      %parallel_loop3A_751 = vector.shape_cast %parallel_loop3A_730 : vector<16xf32> to vector<1x1x16xf32>
      tpu.vector_store %arg11[%parallel_loop3A_746, %parallel_loop3A_747, %parallel_loop3A_748], %parallel_loop3A_751 {add = true, strides = array<i32>} : memref<4x8x1024xf32, #tpu.memory_space<vmem>>, vector<1x1x16xf32>,
      %parallel_loop3A_752 = arith.constant 3 : i32
      %parallel_loop3A_753 = arith.index_cast %parallel_loop3A_752 : i32 to index
      %parallel_loop3A_754 = arith.index_cast %parallel_loop3A_722 : i32 to index
      %parallel_loop3A_755 = arith.index_cast %parallel_loop3A_726 : i32 to index
      %parallel_loop3A_756 = tpu.vector_load %arg11[%parallel_loop3A_753, %parallel_loop3A_754, %parallel_loop3A_755] {strides = array<i32>} : memref<4x8x1024xf32, #tpu.memory_space<vmem>>, vector<1x1x16xf32>,
      %parallel_loop3A_757 = vector.shape_cast %parallel_loop3A_756 : vector<1x1x16xf32> to vector<16xf32>
      %parallel_loop3A_758 = vector.shape_cast %parallel_loop3A_730 : vector<16xf32> to vector<1x1x16xf32>
      tpu.vector_store %arg11[%parallel_loop3A_753, %parallel_loop3A_754, %parallel_loop3A_755], %parallel_loop3A_758 {add = true, strides = array<i32>} : memref<4x8x1024xf32, #tpu.memory_space<vmem>>, vector<1x1x16xf32>,
    } {sc.loop_unroll_factor = 8 : i64, sc.parallel_access}
    %add3A_545 = arith.constant 88 : i32
    %add3A_546 = arith.addi %mul3A_2, %add3A_545 : i32
    %dma_start3A_547 = arith.constant 0 : i32
    %dma_start3A_548 = arith.constant 0 : i32
    %dma_start3A_549 = tpu.memref_slice %arg5[%dma_start3A_547, %add3A_546, %dma_start3A_548] : memref<4x4096x1024xf32, #tpu.memory_space<hbm>> -> memref<4x8x1024xf32, #tpu.memory_space<hbm>>
    %dma_start3A_550 = arith.constant 0 : i32
    %dma_start3A_551 = arith.constant 0 : i32
    %dma_start3A_552 = tpu.memref_slice %arg5[%dma_start3A_550, %add3A_546, %dma_start3A_551] : memref<4x4096x1024xf32, #tpu.memory_space<hbm>> -> memref<4x8x1024xf32, #tpu.memory_space<hbm>>
    tpu.enqueue_dma source(%arg11 : memref<4x8x1024xf32, #tpu.memory_space<vmem>>) target(%dma_start3A_552 : memref<4x8x1024xf32, #tpu.memory_space<hbm>>) target_semaphore(%arg19 : memref<!tpu.dma_semaphore, #tpu.memory_space<semaphore_mem>>)
    %dma_start3A_553 = arith.constant 104 : i32
    %dma_start3A_554 = tpu.memref_slice %arg6[%dma_start3A_553] : memref<128xi32, #tpu.memory_space<vmem>> -> memref<8xi32, #tpu.memory_space<vmem>>
    %dma_start3A_555 = arith.constant 0 : i32
    %dma_start3A_556 = arith.constant 0 : i32
    %dma_start3A_557 = tpu.memref_slice %arg4[%dma_start3A_555, %dma_start3A_556] : memref<8192x1024xf32, #tpu.memory_space<hbm>> -> memref<8192x1024xf32, #tpu.memory_space<hbm>>
    tpu.enqueue_indirect_dma source(%dma_start3A_557 : memref<8192x1024xf32, #tpu.memory_space<hbm>>) target(%arg8 : memref<8x1024xf32, #tpu.memory_space<vmem>>) offsets(%dma_start3A_554 : memref<8xi32, #tpu.memory_space<vmem>>) semaphore(%arg13 : memref<!tpu.dma_semaphore, #tpu.memory_space<semaphore_mem>>)
    %add3A_558 = arith.constant 88 : i32
    %add3A_559 = arith.addi %mul3A_2, %add3A_558 : i32
    %dma_wait3A_560 = arith.constant 0 : i32
    %dma_wait3A_561 = arith.constant 0 : i32
    %dma_wait3A_562 = tpu.memref_slice %arg5[%dma_wait3A_560, %add3A_559, %dma_wait3A_561] : memref<4x4096x1024xf32, #tpu.memory_space<hbm>> -> memref<4x8x1024xf32, #tpu.memory_space<hbm>>
    %dma_wait3A_563 = arith.constant 0 : i32
    %dma_wait3A_564 = arith.constant 0 : i32
    %dma_wait3A_565 = tpu.memref_slice %arg5[%dma_wait3A_563, %add3A_559, %dma_wait3A_564] : memref<4x4096x1024xf32, #tpu.memory_space<hbm>> -> memref<4x8x1024xf32, #tpu.memory_space<hbm>>
    tpu.wait_dma2 semaphore(%arg19 : memref<!tpu.dma_semaphore, #tpu.memory_space<semaphore_mem>>) src(%arg11 : memref<4x8x1024xf32, #tpu.memory_space<vmem>>) dst(%dma_wait3A_565 : memref<4x8x1024xf32, #tpu.memory_space<hbm>>)
    %add3A_566 = arith.constant 112 : i32
    %add3A_567 = arith.addi %mul3A_2, %add3A_566 : i32
    %dma_start3A_568 = arith.constant 0 : i32
    %dma_start3A_569 = arith.constant 0 : i32
    %dma_start3A_570 = tpu.memref_slice %arg2[%dma_start3A_568, %add3A_567, %dma_start3A_569] : memref<4x4096x1024xf32, #tpu.memory_space<hbm>> -> memref<4x8x1024xf32, #tpu.memory_space<hbm>>
    %dma_start3A_571 = arith.constant 0 : i32
    %dma_start3A_572 = arith.constant 0 : i32
    %dma_start3A_573 = tpu.memref_slice %arg2[%dma_start3A_571, %add3A_567, %dma_start3A_572] : memref<4x4096x1024xf32, #tpu.memory_space<hbm>> -> memref<4x8x1024xf32, #tpu.memory_space<hbm>>
    tpu.enqueue_dma source(%dma_start3A_573 : memref<4x8x1024xf32, #tpu.memory_space<hbm>>) target(%arg11 : memref<4x8x1024xf32, #tpu.memory_space<vmem>>) target_semaphore(%arg16 : memref<!tpu.dma_semaphore, #tpu.memory_space<semaphore_mem>>)
    %add3A_574 = arith.constant 96 : i32
    %add3A_575 = arith.addi %mul3A_2, %add3A_574 : i32
    %dma_wait3A_576 = arith.constant 0 : i32
    %dma_wait3A_577 = arith.constant 0 : i32
    %dma_wait3A_578 = tpu.memref_slice %arg2[%dma_wait3A_576, %add3A_575, %dma_wait3A_577] : memref<4x4096x1024xf32, #tpu.memory_space<hbm>> -> memref<4x8x1024xf32, #tpu.memory_space<hbm>>
    %dma_wait3A_579 = arith.constant 0 : i32
    %dma_wait3A_580 = arith.constant 0 : i32
    %dma_wait3A_581 = tpu.memref_slice %arg2[%dma_wait3A_579, %add3A_575, %dma_wait3A_580] : memref<4x4096x1024xf32, #tpu.memory_space<hbm>> -> memref<4x8x1024xf32, #tpu.memory_space<hbm>>
    tpu.wait_dma2 semaphore(%arg14 : memref<!tpu.dma_semaphore, #tpu.memory_space<semaphore_mem>>) src(%dma_wait3A_581 : memref<4x8x1024xf32, #tpu.memory_space<hbm>>) dst(%arg9 : memref<4x8x1024xf32, #tpu.memory_space<vmem>>)
    %dma_wait3A_582 = arith.constant 96 : i32
    %dma_wait3A_583 = tpu.memref_slice %arg6[%dma_wait3A_582] : memref<128xi32, #tpu.memory_space<vmem>> -> memref<8xi32, #tpu.memory_space<vmem>>
    %dma_wait3A_584 = arith.constant 0 : i32
    %dma_wait3A_585 = arith.constant 0 : i32
    %dma_wait3A_586 = tpu.memref_slice %arg4[%dma_wait3A_584, %dma_wait3A_585] : memref<8192x1024xf32, #tpu.memory_space<hbm>> -> memref<8192x1024xf32, #tpu.memory_space<hbm>>
    tpu.wait_indirect_dma semaphore(%arg12 : memref<!tpu.dma_semaphore, #tpu.memory_space<semaphore_mem>>) src(%dma_wait3A_586 : memref<8192x1024xf32, #tpu.memory_space<hbm>>) dst(%arg7 : memref<8x1024xf32, #tpu.memory_space<vmem>>)
    %parallel_loop3A_587 = arith.constant 0 : i32
    %parallel_loop3A_588 = arith.constant 512 : i32
    %parallel_loop3A_589 = arith.constant 1 : i32
    scf.for %parallel_loop3A_720 = %parallel_loop3A_587 to %parallel_loop3A_588 step %parallel_loop3A_589  : i32 {
      %parallel_loop3A_721 = arith.constant 6 : i32
      %parallel_loop3A_722 = arith.shrsi %parallel_loop3A_720, %parallel_loop3A_721 : i32
      %parallel_loop3A_723 = arith.constant 63 : i32
      %parallel_loop3A_724 = arith.andi %parallel_loop3A_720, %parallel_loop3A_723 : i32
      %parallel_loop3A_725 = arith.constant 16 : i32
      %parallel_loop3A_726 = arith.muli %parallel_loop3A_724, %parallel_loop3A_725 : i32
      %parallel_loop3A_727 = arith.index_cast %parallel_loop3A_722 : i32 to index
      %parallel_loop3A_728 = arith.index_cast %parallel_loop3A_726 : i32 to index
      %parallel_loop3A_729 = tpu.vector_load %arg7[%parallel_loop3A_727, %parallel_loop3A_728] {strides = array<i32>} : memref<8x1024xf32, #tpu.memory_space<vmem>>, vector<1x16xf32>,
      %parallel_loop3A_730 = vector.shape_cast %parallel_loop3A_729 : vector<1x16xf32> to vector<16xf32>
      %parallel_loop3A_731 = arith.constant 0 : i32
      %parallel_loop3A_732 = arith.index_cast %parallel_loop3A_731 : i32 to index
      %parallel_loop3A_733 = arith.index_cast %parallel_loop3A_722 : i32 to index
      %parallel_loop3A_734 = arith.index_cast %parallel_loop3A_726 : i32 to index
      %parallel_loop3A_735 = tpu.vector_load %arg9[%parallel_loop3A_732, %parallel_loop3A_733, %parallel_loop3A_734] {strides = array<i32>} : memref<4x8x1024xf32, #tpu.memory_space<vmem>>, vector<1x1x16xf32>,
      %parallel_loop3A_736 = vector.shape_cast %parallel_loop3A_735 : vector<1x1x16xf32> to vector<16xf32>
      %parallel_loop3A_737 = vector.shape_cast %parallel_loop3A_730 : vector<16xf32> to vector<1x1x16xf32>
      tpu.vector_store %arg9[%parallel_loop3A_732, %parallel_loop3A_733, %parallel_loop3A_734], %parallel_loop3A_737 {add = true, strides = array<i32>} : memref<4x8x1024xf32, #tpu.memory_space<vmem>>, vector<1x1x16xf32>,
      %parallel_loop3A_738 = arith.constant 1 : i32
      %parallel_loop3A_739 = arith.index_cast %parallel_loop3A_738 : i32 to index
      %parallel_loop3A_740 = arith.index_cast %parallel_loop3A_722 : i32 to index
      %parallel_loop3A_741 = arith.index_cast %parallel_loop3A_726 : i32 to index
      %parallel_loop3A_742 = tpu.vector_load %arg9[%parallel_loop3A_739, %parallel_loop3A_740, %parallel_loop3A_741] {strides = array<i32>} : memref<4x8x1024xf32, #tpu.memory_space<vmem>>, vector<1x1x16xf32>,
      %parallel_loop3A_743 = vector.shape_cast %parallel_loop3A_742 : vector<1x1x16xf32> to vector<16xf32>
      %parallel_loop3A_744 = vector.shape_cast %parallel_loop3A_730 : vector<16xf32> to vector<1x1x16xf32>
      tpu.vector_store %arg9[%parallel_loop3A_739, %parallel_loop3A_740, %parallel_loop3A_741], %parallel_loop3A_744 {add = true, strides = array<i32>} : memref<4x8x1024xf32, #tpu.memory_space<vmem>>, vector<1x1x16xf32>,
      %parallel_loop3A_745 = arith.constant 2 : i32
      %parallel_loop3A_746 = arith.index_cast %parallel_loop3A_745 : i32 to index
      %parallel_loop3A_747 = arith.index_cast %parallel_loop3A_722 : i32 to index
      %parallel_loop3A_748 = arith.index_cast %parallel_loop3A_726 : i32 to index
      %parallel_loop3A_749 = tpu.vector_load %arg9[%parallel_loop3A_746, %parallel_loop3A_747, %parallel_loop3A_748] {strides = array<i32>} : memref<4x8x1024xf32, #tpu.memory_space<vmem>>, vector<1x1x16xf32>,
      %parallel_loop3A_750 = vector.shape_cast %parallel_loop3A_749 : vector<1x1x16xf32> to vector<16xf32>
      %parallel_loop3A_751 = vector.shape_cast %parallel_loop3A_730 : vector<16xf32> to vector<1x1x16xf32>
      tpu.vector_store %arg9[%parallel_loop3A_746, %parallel_loop3A_747, %parallel_loop3A_748], %parallel_loop3A_751 {add = true, strides = array<i32>} : memref<4x8x1024xf32, #tpu.memory_space<vmem>>, vector<1x1x16xf32>,
      %parallel_loop3A_752 = arith.constant 3 : i32
      %parallel_loop3A_753 = arith.index_cast %parallel_loop3A_752 : i32 to index
      %parallel_loop3A_754 = arith.index_cast %parallel_loop3A_722 : i32 to index
      %parallel_loop3A_755 = arith.index_cast %parallel_loop3A_726 : i32 to index
      %parallel_loop3A_756 = tpu.vector_load %arg9[%parallel_loop3A_753, %parallel_loop3A_754, %parallel_loop3A_755] {strides = array<i32>} : memref<4x8x1024xf32, #tpu.memory_space<vmem>>, vector<1x1x16xf32>,
      %parallel_loop3A_757 = vector.shape_cast %parallel_loop3A_756 : vector<1x1x16xf32> to vector<16xf32>
      %parallel_loop3A_758 = vector.shape_cast %parallel_loop3A_730 : vector<16xf32> to vector<1x1x16xf32>
      tpu.vector_store %arg9[%parallel_loop3A_753, %parallel_loop3A_754, %parallel_loop3A_755], %parallel_loop3A_758 {add = true, strides = array<i32>} : memref<4x8x1024xf32, #tpu.memory_space<vmem>>, vector<1x1x16xf32>,
    } {sc.loop_unroll_factor = 8 : i64, sc.parallel_access}
    %add3A_590 = arith.constant 96 : i32
    %add3A_591 = arith.addi %mul3A_2, %add3A_590 : i32
    %dma_start3A_592 = arith.constant 0 : i32
    %dma_start3A_593 = arith.constant 0 : i32
    %dma_start3A_594 = tpu.memref_slice %arg5[%dma_start3A_592, %add3A_591, %dma_start3A_593] : memref<4x4096x1024xf32, #tpu.memory_space<hbm>> -> memref<4x8x1024xf32, #tpu.memory_space<hbm>>
    %dma_start3A_595 = arith.constant 0 : i32
    %dma_start3A_596 = arith.constant 0 : i32
    %dma_start3A_597 = tpu.memref_slice %arg5[%dma_start3A_595, %add3A_591, %dma_start3A_596] : memref<4x4096x1024xf32, #tpu.memory_space<hbm>> -> memref<4x8x1024xf32, #tpu.memory_space<hbm>>
    tpu.enqueue_dma source(%arg9 : memref<4x8x1024xf32, #tpu.memory_space<vmem>>) target(%dma_start3A_597 : memref<4x8x1024xf32, #tpu.memory_space<hbm>>) target_semaphore(%arg17 : memref<!tpu.dma_semaphore, #tpu.memory_space<semaphore_mem>>)
    %dma_start3A_598 = arith.constant 112 : i32
    %dma_start3A_599 = tpu.memref_slice %arg6[%dma_start3A_598] : memref<128xi32, #tpu.memory_space<vmem>> -> memref<8xi32, #tpu.memory_space<vmem>>
    %dma_start3A_600 = arith.constant 0 : i32
    %dma_start3A_601 = arith.constant 0 : i32
    %dma_start3A_602 = tpu.memref_slice %arg4[%dma_start3A_600, %dma_start3A_601] : memref<8192x1024xf32, #tpu.memory_space<hbm>> -> memref<8192x1024xf32, #tpu.memory_space<hbm>>
    tpu.enqueue_indirect_dma source(%dma_start3A_602 : memref<8192x1024xf32, #tpu.memory_space<hbm>>) target(%arg7 : memref<8x1024xf32, #tpu.memory_space<vmem>>) offsets(%dma_start3A_599 : memref<8xi32, #tpu.memory_space<vmem>>) semaphore(%arg12 : memref<!tpu.dma_semaphore, #tpu.memory_space<semaphore_mem>>)
    %add3A_603 = arith.constant 96 : i32
    %add3A_604 = arith.addi %mul3A_2, %add3A_603 : i32
    %dma_wait3A_605 = arith.constant 0 : i32
    %dma_wait3A_606 = arith.constant 0 : i32
    %dma_wait3A_607 = tpu.memref_slice %arg5[%dma_wait3A_605, %add3A_604, %dma_wait3A_606] : memref<4x4096x1024xf32, #tpu.memory_space<hbm>> -> memref<4x8x1024xf32, #tpu.memory_space<hbm>>
    %dma_wait3A_608 = arith.constant 0 : i32
    %dma_wait3A_609 = arith.constant 0 : i32
    %dma_wait3A_610 = tpu.memref_slice %arg5[%dma_wait3A_608, %add3A_604, %dma_wait3A_609] : memref<4x4096x1024xf32, #tpu.memory_space<hbm>> -> memref<4x8x1024xf32, #tpu.memory_space<hbm>>
    tpu.wait_dma2 semaphore(%arg17 : memref<!tpu.dma_semaphore, #tpu.memory_space<semaphore_mem>>) src(%arg9 : memref<4x8x1024xf32, #tpu.memory_space<vmem>>) dst(%dma_wait3A_610 : memref<4x8x1024xf32, #tpu.memory_space<hbm>>)
    %add3A_611 = arith.constant 120 : i32
    %add3A_612 = arith.addi %mul3A_2, %add3A_611 : i32
    %dma_start3A_613 = arith.constant 0 : i32
    %dma_start3A_614 = arith.constant 0 : i32
    %dma_start3A_615 = tpu.memref_slice %arg2[%dma_start3A_613, %add3A_612, %dma_start3A_614] : memref<4x4096x1024xf32, #tpu.memory_space<hbm>> -> memref<4x8x1024xf32, #tpu.memory_space<hbm>>
    %dma_start3A_616 = arith.constant 0 : i32
    %dma_start3A_617 = arith.constant 0 : i32
    %dma_start3A_618 = tpu.memref_slice %arg2[%dma_start3A_616, %add3A_612, %dma_start3A_617] : memref<4x4096x1024xf32, #tpu.memory_space<hbm>> -> memref<4x8x1024xf32, #tpu.memory_space<hbm>>
    tpu.enqueue_dma source(%dma_start3A_618 : memref<4x8x1024xf32, #tpu.memory_space<hbm>>) target(%arg9 : memref<4x8x1024xf32, #tpu.memory_space<vmem>>) target_semaphore(%arg14 : memref<!tpu.dma_semaphore, #tpu.memory_space<semaphore_mem>>)
    %add3A_619 = arith.constant 104 : i32
    %add3A_620 = arith.addi %mul3A_2, %add3A_619 : i32
    %dma_wait3A_621 = arith.constant 0 : i32
    %dma_wait3A_622 = arith.constant 0 : i32
    %dma_wait3A_623 = tpu.memref_slice %arg2[%dma_wait3A_621, %add3A_620, %dma_wait3A_622] : memref<4x4096x1024xf32, #tpu.memory_space<hbm>> -> memref<4x8x1024xf32, #tpu.memory_space<hbm>>
    %dma_wait3A_624 = arith.constant 0 : i32
    %dma_wait3A_625 = arith.constant 0 : i32
    %dma_wait3A_626 = tpu.memref_slice %arg2[%dma_wait3A_624, %add3A_620, %dma_wait3A_625] : memref<4x4096x1024xf32, #tpu.memory_space<hbm>> -> memref<4x8x1024xf32, #tpu.memory_space<hbm>>
    tpu.wait_dma2 semaphore(%arg15 : memref<!tpu.dma_semaphore, #tpu.memory_space<semaphore_mem>>) src(%dma_wait3A_626 : memref<4x8x1024xf32, #tpu.memory_space<hbm>>) dst(%arg10 : memref<4x8x1024xf32, #tpu.memory_space<vmem>>)
    %dma_wait3A_627 = arith.constant 104 : i32
    %dma_wait3A_628 = tpu.memref_slice %arg6[%dma_wait3A_627] : memref<128xi32, #tpu.memory_space<vmem>> -> memref<8xi32, #tpu.memory_space<vmem>>
    %dma_wait3A_629 = arith.constant 0 : i32
    %dma_wait3A_630 = arith.constant 0 : i32
    %dma_wait3A_631 = tpu.memref_slice %arg4[%dma_wait3A_629, %dma_wait3A_630] : memref<8192x1024xf32, #tpu.memory_space<hbm>> -> memref<8192x1024xf32, #tpu.memory_space<hbm>>
    tpu.wait_indirect_dma semaphore(%arg13 : memref<!tpu.dma_semaphore, #tpu.memory_space<semaphore_mem>>) src(%dma_wait3A_631 : memref<8192x1024xf32, #tpu.memory_space<hbm>>) dst(%arg8 : memref<8x1024xf32, #tpu.memory_space<vmem>>)
    %parallel_loop3A_632 = arith.constant 0 : i32
    %parallel_loop3A_633 = arith.constant 512 : i32
    %parallel_loop3A_634 = arith.constant 1 : i32
    scf.for %parallel_loop3A_720 = %parallel_loop3A_632 to %parallel_loop3A_633 step %parallel_loop3A_634  : i32 {
      %parallel_loop3A_721 = arith.constant 6 : i32
      %parallel_loop3A_722 = arith.shrsi %parallel_loop3A_720, %parallel_loop3A_721 : i32
      %parallel_loop3A_723 = arith.constant 63 : i32
      %parallel_loop3A_724 = arith.andi %parallel_loop3A_720, %parallel_loop3A_723 : i32
      %parallel_loop3A_725 = arith.constant 16 : i32
      %parallel_loop3A_726 = arith.muli %parallel_loop3A_724, %parallel_loop3A_725 : i32
      %parallel_loop3A_727 = arith.index_cast %parallel_loop3A_722 : i32 to index
      %parallel_loop3A_728 = arith.index_cast %parallel_loop3A_726 : i32 to index
      %parallel_loop3A_729 = tpu.vector_load %arg8[%parallel_loop3A_727, %parallel_loop3A_728] {strides = array<i32>} : memref<8x1024xf32, #tpu.memory_space<vmem>>, vector<1x16xf32>,
      %parallel_loop3A_730 = vector.shape_cast %parallel_loop3A_729 : vector<1x16xf32> to vector<16xf32>
      %parallel_loop3A_731 = arith.constant 0 : i32
      %parallel_loop3A_732 = arith.index_cast %parallel_loop3A_731 : i32 to index
      %parallel_loop3A_733 = arith.index_cast %parallel_loop3A_722 : i32 to index
      %parallel_loop3A_734 = arith.index_cast %parallel_loop3A_726 : i32 to index
      %parallel_loop3A_735 = tpu.vector_load %arg10[%parallel_loop3A_732, %parallel_loop3A_733, %parallel_loop3A_734] {strides = array<i32>} : memref<4x8x1024xf32, #tpu.memory_space<vmem>>, vector<1x1x16xf32>,
      %parallel_loop3A_736 = vector.shape_cast %parallel_loop3A_735 : vector<1x1x16xf32> to vector<16xf32>
      %parallel_loop3A_737 = vector.shape_cast %parallel_loop3A_730 : vector<16xf32> to vector<1x1x16xf32>
      tpu.vector_store %arg10[%parallel_loop3A_732, %parallel_loop3A_733, %parallel_loop3A_734], %parallel_loop3A_737 {add = true, strides = array<i32>} : memref<4x8x1024xf32, #tpu.memory_space<vmem>>, vector<1x1x16xf32>,
      %parallel_loop3A_738 = arith.constant 1 : i32
      %parallel_loop3A_739 = arith.index_cast %parallel_loop3A_738 : i32 to index
      %parallel_loop3A_740 = arith.index_cast %parallel_loop3A_722 : i32 to index
      %parallel_loop3A_741 = arith.index_cast %parallel_loop3A_726 : i32 to index
      %parallel_loop3A_742 = tpu.vector_load %arg10[%parallel_loop3A_739, %parallel_loop3A_740, %parallel_loop3A_741] {strides = array<i32>} : memref<4x8x1024xf32, #tpu.memory_space<vmem>>, vector<1x1x16xf32>,
      %parallel_loop3A_743 = vector.shape_cast %parallel_loop3A_742 : vector<1x1x16xf32> to vector<16xf32>
      %parallel_loop3A_744 = vector.shape_cast %parallel_loop3A_730 : vector<16xf32> to vector<1x1x16xf32>
      tpu.vector_store %arg10[%parallel_loop3A_739, %parallel_loop3A_740, %parallel_loop3A_741], %parallel_loop3A_744 {add = true, strides = array<i32>} : memref<4x8x1024xf32, #tpu.memory_space<vmem>>, vector<1x1x16xf32>,
      %parallel_loop3A_745 = arith.constant 2 : i32
      %parallel_loop3A_746 = arith.index_cast %parallel_loop3A_745 : i32 to index
      %parallel_loop3A_747 = arith.index_cast %parallel_loop3A_722 : i32 to index
      %parallel_loop3A_748 = arith.index_cast %parallel_loop3A_726 : i32 to index
      %parallel_loop3A_749 = tpu.vector_load %arg10[%parallel_loop3A_746, %parallel_loop3A_747, %parallel_loop3A_748] {strides = array<i32>} : memref<4x8x1024xf32, #tpu.memory_space<vmem>>, vector<1x1x16xf32>,
      %parallel_loop3A_750 = vector.shape_cast %parallel_loop3A_749 : vector<1x1x16xf32> to vector<16xf32>
      %parallel_loop3A_751 = vector.shape_cast %parallel_loop3A_730 : vector<16xf32> to vector<1x1x16xf32>
      tpu.vector_store %arg10[%parallel_loop3A_746, %parallel_loop3A_747, %parallel_loop3A_748], %parallel_loop3A_751 {add = true, strides = array<i32>} : memref<4x8x1024xf32, #tpu.memory_space<vmem>>, vector<1x1x16xf32>,
      %parallel_loop3A_752 = arith.constant 3 : i32
      %parallel_loop3A_753 = arith.index_cast %parallel_loop3A_752 : i32 to index
      %parallel_loop3A_754 = arith.index_cast %parallel_loop3A_722 : i32 to index
      %parallel_loop3A_755 = arith.index_cast %parallel_loop3A_726 : i32 to index
      %parallel_loop3A_756 = tpu.vector_load %arg10[%parallel_loop3A_753, %parallel_loop3A_754, %parallel_loop3A_755] {strides = array<i32>} : memref<4x8x1024xf32, #tpu.memory_space<vmem>>, vector<1x1x16xf32>,
      %parallel_loop3A_757 = vector.shape_cast %parallel_loop3A_756 : vector<1x1x16xf32> to vector<16xf32>
      %parallel_loop3A_758 = vector.shape_cast %parallel_loop3A_730 : vector<16xf32> to vector<1x1x16xf32>
      tpu.vector_store %arg10[%parallel_loop3A_753, %parallel_loop3A_754, %parallel_loop3A_755], %parallel_loop3A_758 {add = true, strides = array<i32>} : memref<4x8x1024xf32, #tpu.memory_space<vmem>>, vector<1x1x16xf32>,
    } {sc.loop_unroll_factor = 8 : i64, sc.parallel_access}
    %add3A_635 = arith.constant 104 : i32
    %add3A_636 = arith.addi %mul3A_2, %add3A_635 : i32
    %dma_start3A_637 = arith.constant 0 : i32
    %dma_start3A_638 = arith.constant 0 : i32
    %dma_start3A_639 = tpu.memref_slice %arg5[%dma_start3A_637, %add3A_636, %dma_start3A_638] : memref<4x4096x1024xf32, #tpu.memory_space<hbm>> -> memref<4x8x1024xf32, #tpu.memory_space<hbm>>
    %dma_start3A_640 = arith.constant 0 : i32
    %dma_start3A_641 = arith.constant 0 : i32
    %dma_start3A_642 = tpu.memref_slice %arg5[%dma_start3A_640, %add3A_636, %dma_start3A_641] : memref<4x4096x1024xf32, #tpu.memory_space<hbm>> -> memref<4x8x1024xf32, #tpu.memory_space<hbm>>
    tpu.enqueue_dma source(%arg10 : memref<4x8x1024xf32, #tpu.memory_space<vmem>>) target(%dma_start3A_642 : memref<4x8x1024xf32, #tpu.memory_space<hbm>>) target_semaphore(%arg18 : memref<!tpu.dma_semaphore, #tpu.memory_space<semaphore_mem>>)
    %dma_start3A_643 = arith.constant 120 : i32
    %dma_start3A_644 = tpu.memref_slice %arg6[%dma_start3A_643] : memref<128xi32, #tpu.memory_space<vmem>> -> memref<8xi32, #tpu.memory_space<vmem>>
    %dma_start3A_645 = arith.constant 0 : i32
    %dma_start3A_646 = arith.constant 0 : i32
    %dma_start3A_647 = tpu.memref_slice %arg4[%dma_start3A_645, %dma_start3A_646] : memref<8192x1024xf32, #tpu.memory_space<hbm>> -> memref<8192x1024xf32, #tpu.memory_space<hbm>>
    tpu.enqueue_indirect_dma source(%dma_start3A_647 : memref<8192x1024xf32, #tpu.memory_space<hbm>>) target(%arg8 : memref<8x1024xf32, #tpu.memory_space<vmem>>) offsets(%dma_start3A_644 : memref<8xi32, #tpu.memory_space<vmem>>) semaphore(%arg13 : memref<!tpu.dma_semaphore, #tpu.memory_space<semaphore_mem>>)
    %add3A_648 = arith.constant 112 : i32
    %add3A_649 = arith.addi %mul3A_2, %add3A_648 : i32
    %dma_wait3A_650 = arith.constant 0 : i32
    %dma_wait3A_651 = arith.constant 0 : i32
    %dma_wait3A_652 = tpu.memref_slice %arg2[%dma_wait3A_650, %add3A_649, %dma_wait3A_651] : memref<4x4096x1024xf32, #tpu.memory_space<hbm>> -> memref<4x8x1024xf32, #tpu.memory_space<hbm>>
    %dma_wait3A_653 = arith.constant 0 : i32
    %dma_wait3A_654 = arith.constant 0 : i32
    %dma_wait3A_655 = tpu.memref_slice %arg2[%dma_wait3A_653, %add3A_649, %dma_wait3A_654] : memref<4x4096x1024xf32, #tpu.memory_space<hbm>> -> memref<4x8x1024xf32, #tpu.memory_space<hbm>>
    tpu.wait_dma2 semaphore(%arg16 : memref<!tpu.dma_semaphore, #tpu.memory_space<semaphore_mem>>) src(%dma_wait3A_655 : memref<4x8x1024xf32, #tpu.memory_space<hbm>>) dst(%arg11 : memref<4x8x1024xf32, #tpu.memory_space<vmem>>)
    %dma_wait3A_656 = arith.constant 112 : i32
    %dma_wait3A_657 = tpu.memref_slice %arg6[%dma_wait3A_656] : memref<128xi32, #tpu.memory_space<vmem>> -> memref<8xi32, #tpu.memory_space<vmem>>
    %dma_wait3A_658 = arith.constant 0 : i32
    %dma_wait3A_659 = arith.constant 0 : i32
    %dma_wait3A_660 = tpu.memref_slice %arg4[%dma_wait3A_658, %dma_wait3A_659] : memref<8192x1024xf32, #tpu.memory_space<hbm>> -> memref<8192x1024xf32, #tpu.memory_space<hbm>>
    tpu.wait_indirect_dma semaphore(%arg12 : memref<!tpu.dma_semaphore, #tpu.memory_space<semaphore_mem>>) src(%dma_wait3A_660 : memref<8192x1024xf32, #tpu.memory_space<hbm>>) dst(%arg7 : memref<8x1024xf32, #tpu.memory_space<vmem>>)
    %parallel_loop3A_661 = arith.constant 0 : i32
    %parallel_loop3A_662 = arith.constant 512 : i32
    %parallel_loop3A_663 = arith.constant 1 : i32
    scf.for %parallel_loop3A_720 = %parallel_loop3A_661 to %parallel_loop3A_662 step %parallel_loop3A_663  : i32 {
      %parallel_loop3A_721 = arith.constant 6 : i32
      %parallel_loop3A_722 = arith.shrsi %parallel_loop3A_720, %parallel_loop3A_721 : i32
      %parallel_loop3A_723 = arith.constant 63 : i32
      %parallel_loop3A_724 = arith.andi %parallel_loop3A_720, %parallel_loop3A_723 : i32
      %parallel_loop3A_725 = arith.constant 16 : i32
      %parallel_loop3A_726 = arith.muli %parallel_loop3A_724, %parallel_loop3A_725 : i32
      %parallel_loop3A_727 = arith.index_cast %parallel_loop3A_722 : i32 to index
      %parallel_loop3A_728 = arith.index_cast %parallel_loop3A_726 : i32 to index
      %parallel_loop3A_729 = tpu.vector_load %arg7[%parallel_loop3A_727, %parallel_loop3A_728] {strides = array<i32>} : memref<8x1024xf32, #tpu.memory_space<vmem>>, vector<1x16xf32>,
      %parallel_loop3A_730 = vector.shape_cast %parallel_loop3A_729 : vector<1x16xf32> to vector<16xf32>
      %parallel_loop3A_731 = arith.constant 0 : i32
      %parallel_loop3A_732 = arith.index_cast %parallel_loop3A_731 : i32 to index
      %parallel_loop3A_733 = arith.index_cast %parallel_loop3A_722 : i32 to index
      %parallel_loop3A_734 = arith.index_cast %parallel_loop3A_726 : i32 to index
      %parallel_loop3A_735 = tpu.vector_load %arg11[%parallel_loop3A_732, %parallel_loop3A_733, %parallel_loop3A_734] {strides = array<i32>} : memref<4x8x1024xf32, #tpu.memory_space<vmem>>, vector<1x1x16xf32>,
      %parallel_loop3A_736 = vector.shape_cast %parallel_loop3A_735 : vector<1x1x16xf32> to vector<16xf32>
      %parallel_loop3A_737 = vector.shape_cast %parallel_loop3A_730 : vector<16xf32> to vector<1x1x16xf32>
      tpu.vector_store %arg11[%parallel_loop3A_732, %parallel_loop3A_733, %parallel_loop3A_734], %parallel_loop3A_737 {add = true, strides = array<i32>} : memref<4x8x1024xf32, #tpu.memory_space<vmem>>, vector<1x1x16xf32>,
      %parallel_loop3A_738 = arith.constant 1 : i32
      %parallel_loop3A_739 = arith.index_cast %parallel_loop3A_738 : i32 to index
      %parallel_loop3A_740 = arith.index_cast %parallel_loop3A_722 : i32 to index
      %parallel_loop3A_741 = arith.index_cast %parallel_loop3A_726 : i32 to index
      %parallel_loop3A_742 = tpu.vector_load %arg11[%parallel_loop3A_739, %parallel_loop3A_740, %parallel_loop3A_741] {strides = array<i32>} : memref<4x8x1024xf32, #tpu.memory_space<vmem>>, vector<1x1x16xf32>,
      %parallel_loop3A_743 = vector.shape_cast %parallel_loop3A_742 : vector<1x1x16xf32> to vector<16xf32>
      %parallel_loop3A_744 = vector.shape_cast %parallel_loop3A_730 : vector<16xf32> to vector<1x1x16xf32>
      tpu.vector_store %arg11[%parallel_loop3A_739, %parallel_loop3A_740, %parallel_loop3A_741], %parallel_loop3A_744 {add = true, strides = array<i32>} : memref<4x8x1024xf32, #tpu.memory_space<vmem>>, vector<1x1x16xf32>,
      %parallel_loop3A_745 = arith.constant 2 : i32
      %parallel_loop3A_746 = arith.index_cast %parallel_loop3A_745 : i32 to index
      %parallel_loop3A_747 = arith.index_cast %parallel_loop3A_722 : i32 to index
      %parallel_loop3A_748 = arith.index_cast %parallel_loop3A_726 : i32 to index
      %parallel_loop3A_749 = tpu.vector_load %arg11[%parallel_loop3A_746, %parallel_loop3A_747, %parallel_loop3A_748] {strides = array<i32>} : memref<4x8x1024xf32, #tpu.memory_space<vmem>>, vector<1x1x16xf32>,
      %parallel_loop3A_750 = vector.shape_cast %parallel_loop3A_749 : vector<1x1x16xf32> to vector<16xf32>
      %parallel_loop3A_751 = vector.shape_cast %parallel_loop3A_730 : vector<16xf32> to vector<1x1x16xf32>
      tpu.vector_store %arg11[%parallel_loop3A_746, %parallel_loop3A_747, %parallel_loop3A_748], %parallel_loop3A_751 {add = true, strides = array<i32>} : memref<4x8x1024xf32, #tpu.memory_space<vmem>>, vector<1x1x16xf32>,
      %parallel_loop3A_752 = arith.constant 3 : i32
      %parallel_loop3A_753 = arith.index_cast %parallel_loop3A_752 : i32 to index
      %parallel_loop3A_754 = arith.index_cast %parallel_loop3A_722 : i32 to index
      %parallel_loop3A_755 = arith.index_cast %parallel_loop3A_726 : i32 to index
      %parallel_loop3A_756 = tpu.vector_load %arg11[%parallel_loop3A_753, %parallel_loop3A_754, %parallel_loop3A_755] {strides = array<i32>} : memref<4x8x1024xf32, #tpu.memory_space<vmem>>, vector<1x1x16xf32>,
      %parallel_loop3A_757 = vector.shape_cast %parallel_loop3A_756 : vector<1x1x16xf32> to vector<16xf32>
      %parallel_loop3A_758 = vector.shape_cast %parallel_loop3A_730 : vector<16xf32> to vector<1x1x16xf32>
      tpu.vector_store %arg11[%parallel_loop3A_753, %parallel_loop3A_754, %parallel_loop3A_755], %parallel_loop3A_758 {add = true, strides = array<i32>} : memref<4x8x1024xf32, #tpu.memory_space<vmem>>, vector<1x1x16xf32>,
    } {sc.loop_unroll_factor = 8 : i64, sc.parallel_access}
    %add3A_664 = arith.constant 112 : i32
    %add3A_665 = arith.addi %mul3A_2, %add3A_664 : i32
    %dma_start3A_666 = arith.constant 0 : i32
    %dma_start3A_667 = arith.constant 0 : i32
    %dma_start3A_668 = tpu.memref_slice %arg5[%dma_start3A_666, %add3A_665, %dma_start3A_667] : memref<4x4096x1024xf32, #tpu.memory_space<hbm>> -> memref<4x8x1024xf32, #tpu.memory_space<hbm>>
    %dma_start3A_669 = arith.constant 0 : i32
    %dma_start3A_670 = arith.constant 0 : i32
    %dma_start3A_671 = tpu.memref_slice %arg5[%dma_start3A_669, %add3A_665, %dma_start3A_670] : memref<4x4096x1024xf32, #tpu.memory_space<hbm>> -> memref<4x8x1024xf32, #tpu.memory_space<hbm>>
    tpu.enqueue_dma source(%arg11 : memref<4x8x1024xf32, #tpu.memory_space<vmem>>) target(%dma_start3A_671 : memref<4x8x1024xf32, #tpu.memory_space<hbm>>) target_semaphore(%arg19 : memref<!tpu.dma_semaphore, #tpu.memory_space<semaphore_mem>>)
    %add3A_672 = arith.constant 120 : i32
    %add3A_673 = arith.addi %mul3A_2, %add3A_672 : i32
    %dma_wait3A_674 = arith.constant 0 : i32
    %dma_wait3A_675 = arith.constant 0 : i32
    %dma_wait3A_676 = tpu.memref_slice %arg2[%dma_wait3A_674, %add3A_673, %dma_wait3A_675] : memref<4x4096x1024xf32, #tpu.memory_space<hbm>> -> memref<4x8x1024xf32, #tpu.memory_space<hbm>>
    %dma_wait3A_677 = arith.constant 0 : i32
    %dma_wait3A_678 = arith.constant 0 : i32
    %dma_wait3A_679 = tpu.memref_slice %arg2[%dma_wait3A_677, %add3A_673, %dma_wait3A_678] : memref<4x4096x1024xf32, #tpu.memory_space<hbm>> -> memref<4x8x1024xf32, #tpu.memory_space<hbm>>
    tpu.wait_dma2 semaphore(%arg14 : memref<!tpu.dma_semaphore, #tpu.memory_space<semaphore_mem>>) src(%dma_wait3A_679 : memref<4x8x1024xf32, #tpu.memory_space<hbm>>) dst(%arg9 : memref<4x8x1024xf32, #tpu.memory_space<vmem>>)
    %dma_wait3A_680 = arith.constant 120 : i32
    %dma_wait3A_681 = tpu.memref_slice %arg6[%dma_wait3A_680] : memref<128xi32, #tpu.memory_space<vmem>> -> memref<8xi32, #tpu.memory_space<vmem>>
    %dma_wait3A_682 = arith.constant 0 : i32
    %dma_wait3A_683 = arith.constant 0 : i32
    %dma_wait3A_684 = tpu.memref_slice %arg4[%dma_wait3A_682, %dma_wait3A_683] : memref<8192x1024xf32, #tpu.memory_space<hbm>> -> memref<8192x1024xf32, #tpu.memory_space<hbm>>
    tpu.wait_indirect_dma semaphore(%arg13 : memref<!tpu.dma_semaphore, #tpu.memory_space<semaphore_mem>>) src(%dma_wait3A_684 : memref<8192x1024xf32, #tpu.memory_space<hbm>>) dst(%arg8 : memref<8x1024xf32, #tpu.memory_space<vmem>>)
    %parallel_loop3A_685 = arith.constant 0 : i32
    %parallel_loop3A_686 = arith.constant 512 : i32
    %parallel_loop3A_687 = arith.constant 1 : i32
    scf.for %parallel_loop3A_720 = %parallel_loop3A_685 to %parallel_loop3A_686 step %parallel_loop3A_687  : i32 {
      %parallel_loop3A_721 = arith.constant 6 : i32
      %parallel_loop3A_722 = arith.shrsi %parallel_loop3A_720, %parallel_loop3A_721 : i32
      %parallel_loop3A_723 = arith.constant 63 : i32
      %parallel_loop3A_724 = arith.andi %parallel_loop3A_720, %parallel_loop3A_723 : i32
      %parallel_loop3A_725 = arith.constant 16 : i32
      %parallel_loop3A_726 = arith.muli %parallel_loop3A_724, %parallel_loop3A_725 : i32
      %parallel_loop3A_727 = arith.index_cast %parallel_loop3A_722 : i32 to index
      %parallel_loop3A_728 = arith.index_cast %parallel_loop3A_726 : i32 to index
      %parallel_loop3A_729 = tpu.vector_load %arg8[%parallel_loop3A_727, %parallel_loop3A_728] {strides = array<i32>} : memref<8x1024xf32, #tpu.memory_space<vmem>>, vector<1x16xf32>,
      %parallel_loop3A_730 = vector.shape_cast %parallel_loop3A_729 : vector<1x16xf32> to vector<16xf32>
      %parallel_loop3A_731 = arith.constant 0 : i32
      %parallel_loop3A_732 = arith.index_cast %parallel_loop3A_731 : i32 to index
      %parallel_loop3A_733 = arith.index_cast %parallel_loop3A_722 : i32 to index
      %parallel_loop3A_734 = arith.index_cast %parallel_loop3A_726 : i32 to index
      %parallel_loop3A_735 = tpu.vector_load %arg9[%parallel_loop3A_732, %parallel_loop3A_733, %parallel_loop3A_734] {strides = array<i32>} : memref<4x8x1024xf32, #tpu.memory_space<vmem>>, vector<1x1x16xf32>,
      %parallel_loop3A_736 = vector.shape_cast %parallel_loop3A_735 : vector<1x1x16xf32> to vector<16xf32>
      %parallel_loop3A_737 = vector.shape_cast %parallel_loop3A_730 : vector<16xf32> to vector<1x1x16xf32>
      tpu.vector_store %arg9[%parallel_loop3A_732, %parallel_loop3A_733, %parallel_loop3A_734], %parallel_loop3A_737 {add = true, strides = array<i32>} : memref<4x8x1024xf32, #tpu.memory_space<vmem>>, vector<1x1x16xf32>,
      %parallel_loop3A_738 = arith.constant 1 : i32
      %parallel_loop3A_739 = arith.index_cast %parallel_loop3A_738 : i32 to index
      %parallel_loop3A_740 = arith.index_cast %parallel_loop3A_722 : i32 to index
      %parallel_loop3A_741 = arith.index_cast %parallel_loop3A_726 : i32 to index
      %parallel_loop3A_742 = tpu.vector_load %arg9[%parallel_loop3A_739, %parallel_loop3A_740, %parallel_loop3A_741] {strides = array<i32>} : memref<4x8x1024xf32, #tpu.memory_space<vmem>>, vector<1x1x16xf32>,
      %parallel_loop3A_743 = vector.shape_cast %parallel_loop3A_742 : vector<1x1x16xf32> to vector<16xf32>
      %parallel_loop3A_744 = vector.shape_cast %parallel_loop3A_730 : vector<16xf32> to vector<1x1x16xf32>
      tpu.vector_store %arg9[%parallel_loop3A_739, %parallel_loop3A_740, %parallel_loop3A_741], %parallel_loop3A_744 {add = true, strides = array<i32>} : memref<4x8x1024xf32, #tpu.memory_space<vmem>>, vector<1x1x16xf32>,
      %parallel_loop3A_745 = arith.constant 2 : i32
      %parallel_loop3A_746 = arith.index_cast %parallel_loop3A_745 : i32 to index
      %parallel_loop3A_747 = arith.index_cast %parallel_loop3A_722 : i32 to index
      %parallel_loop3A_748 = arith.index_cast %parallel_loop3A_726 : i32 to index
      %parallel_loop3A_749 = tpu.vector_load %arg9[%parallel_loop3A_746, %parallel_loop3A_747, %parallel_loop3A_748] {strides = array<i32>} : memref<4x8x1024xf32, #tpu.memory_space<vmem>>, vector<1x1x16xf32>,
      %parallel_loop3A_750 = vector.shape_cast %parallel_loop3A_749 : vector<1x1x16xf32> to vector<16xf32>
      %parallel_loop3A_751 = vector.shape_cast %parallel_loop3A_730 : vector<16xf32> to vector<1x1x16xf32>
      tpu.vector_store %arg9[%parallel_loop3A_746, %parallel_loop3A_747, %parallel_loop3A_748], %parallel_loop3A_751 {add = true, strides = array<i32>} : memref<4x8x1024xf32, #tpu.memory_space<vmem>>, vector<1x1x16xf32>,
      %parallel_loop3A_752 = arith.constant 3 : i32
      %parallel_loop3A_753 = arith.index_cast %parallel_loop3A_752 : i32 to index
      %parallel_loop3A_754 = arith.index_cast %parallel_loop3A_722 : i32 to index
      %parallel_loop3A_755 = arith.index_cast %parallel_loop3A_726 : i32 to index
      %parallel_loop3A_756 = tpu.vector_load %arg9[%parallel_loop3A_753, %parallel_loop3A_754, %parallel_loop3A_755] {strides = array<i32>} : memref<4x8x1024xf32, #tpu.memory_space<vmem>>, vector<1x1x16xf32>,
      %parallel_loop3A_757 = vector.shape_cast %parallel_loop3A_756 : vector<1x1x16xf32> to vector<16xf32>
      %parallel_loop3A_758 = vector.shape_cast %parallel_loop3A_730 : vector<16xf32> to vector<1x1x16xf32>
      tpu.vector_store %arg9[%parallel_loop3A_753, %parallel_loop3A_754, %parallel_loop3A_755], %parallel_loop3A_758 {add = true, strides = array<i32>} : memref<4x8x1024xf32, #tpu.memory_space<vmem>>, vector<1x1x16xf32>,
    } {sc.loop_unroll_factor = 8 : i64, sc.parallel_access}
    %add3A_688 = arith.constant 120 : i32
    %add3A_689 = arith.addi %mul3A_2, %add3A_688 : i32
    %dma_start3A_690 = arith.constant 0 : i32
    %dma_start3A_691 = arith.constant 0 : i32
    %dma_start3A_692 = tpu.memref_slice %arg5[%dma_start3A_690, %add3A_689, %dma_start3A_691] : memref<4x4096x1024xf32, #tpu.memory_space<hbm>> -> memref<4x8x1024xf32, #tpu.memory_space<hbm>>
    %dma_start3A_693 = arith.constant 0 : i32
    %dma_start3A_694 = arith.constant 0 : i32
    %dma_start3A_695 = tpu.memref_slice %arg5[%dma_start3A_693, %add3A_689, %dma_start3A_694] : memref<4x4096x1024xf32, #tpu.memory_space<hbm>> -> memref<4x8x1024xf32, #tpu.memory_space<hbm>>
    tpu.enqueue_dma source(%arg9 : memref<4x8x1024xf32, #tpu.memory_space<vmem>>) target(%dma_start3A_695 : memref<4x8x1024xf32, #tpu.memory_space<hbm>>) target_semaphore(%arg17 : memref<!tpu.dma_semaphore, #tpu.memory_space<semaphore_mem>>)
    %add3A_696 = arith.constant 104 : i32
    %add3A_697 = arith.addi %mul3A_2, %add3A_696 : i32
    %dma_wait3A_698 = arith.constant 0 : i32
    %dma_wait3A_699 = arith.constant 0 : i32
    %dma_wait3A_700 = tpu.memref_slice %arg5[%dma_wait3A_698, %add3A_697, %dma_wait3A_699] : memref<4x4096x1024xf32, #tpu.memory_space<hbm>> -> memref<4x8x1024xf32, #tpu.memory_space<hbm>>
    %dma_wait3A_701 = arith.constant 0 : i32
    %dma_wait3A_702 = arith.constant 0 : i32
    %dma_wait3A_703 = tpu.memref_slice %arg5[%dma_wait3A_701, %add3A_697, %dma_wait3A_702] : memref<4x4096x1024xf32, #tpu.memory_space<hbm>> -> memref<4x8x1024xf32, #tpu.memory_space<hbm>>
    tpu.wait_dma2 semaphore(%arg18 : memref<!tpu.dma_semaphore, #tpu.memory_space<semaphore_mem>>) src(%arg10 : memref<4x8x1024xf32, #tpu.memory_space<vmem>>) dst(%dma_wait3A_703 : memref<4x8x1024xf32, #tpu.memory_space<hbm>>)
    %add3A_704 = arith.constant 112 : i32
    %add3A_705 = arith.addi %mul3A_2, %add3A_704 : i32
    %dma_wait3A_706 = arith.constant 0 : i32
    %dma_wait3A_707 = arith.constant 0 : i32
    %dma_wait3A_708 = tpu.memref_slice %arg5[%dma_wait3A_706, %add3A_705, %dma_wait3A_707] : memref<4x4096x1024xf32, #tpu.memory_space<hbm>> -> memref<4x8x1024xf32, #tpu.memory_space<hbm>>
    %dma_wait3A_709 = arith.constant 0 : i32
    %dma_wait3A_710 = arith.constant 0 : i32
    %dma_wait3A_711 = tpu.memref_slice %arg5[%dma_wait3A_709, %add3A_705, %dma_wait3A_710] : memref<4x4096x1024xf32, #tpu.memory_space<hbm>> -> memref<4x8x1024xf32, #tpu.memory_space<hbm>>
    tpu.wait_dma2 semaphore(%arg19 : memref<!tpu.dma_semaphore, #tpu.memory_space<semaphore_mem>>) src(%arg11 : memref<4x8x1024xf32, #tpu.memory_space<vmem>>) dst(%dma_wait3A_711 : memref<4x8x1024xf32, #tpu.memory_space<hbm>>)
    %add3A_712 = arith.constant 120 : i32
    %add3A_713 = arith.addi %mul3A_2, %add3A_712 : i32
    %dma_wait3A_714 = arith.constant 0 : i32
    %dma_wait3A_715 = arith.constant 0 : i32
    %dma_wait3A_716 = tpu.memref_slice %arg5[%dma_wait3A_714, %add3A_713, %dma_wait3A_715] : memref<4x4096x1024xf32, #tpu.memory_space<hbm>> -> memref<4x8x1024xf32, #tpu.memory_space<hbm>>
    %dma_wait3A_717 = arith.constant 0 : i32
    %dma_wait3A_718 = arith.constant 0 : i32
    %dma_wait3A_719 = tpu.memref_slice %arg5[%dma_wait3A_717, %add3A_713, %dma_wait3A_718] : memref<4x4096x1024xf32, #tpu.memory_space<hbm>> -> memref<4x8x1024xf32, #tpu.memory_space<hbm>>
    tpu.wait_dma2 semaphore(%arg17 : memref<!tpu.dma_semaphore, #tpu.memory_space<semaphore_mem>>) src(%arg9 : memref<4x8x1024xf32, #tpu.memory_space<vmem>>) dst(%dma_wait3A_719 : memref<4x8x1024xf32, #tpu.memory_space<hbm>>)
    return
  }
}

</mosaic_0001>

<sc_bundles>
// kernel: _pembed.3.cloned.1.call-start
scs
__scs_entry_jumppad:
0x0: {  	(pc) =	sbr.rel $0x88, $3  }
0x1: {  	(tag) =	ssettag $0x0;
	lr =	simm.s32 $0x1  }
0x2: {  	[smem:$0x3F9E] =	sst lr;
	_ =	strace $0xD0000000  }
0x3: {  	_ = 	snop  }
0x4: {  	_ = 	snop  }
0x5: {  	_ = 	snop  }
0x6: {  	_ = 	snop  }
0x7: {  	_ = 	snop  }
__scs_overlays_trampoline_lowered:
0x8: {  	[smem:$0x3FAD] =	sst s0  }
0x9: {  	[smem:$0x3FAE] =	sst s1  }
0xa: {  	[smem:$0x3FAF] =	sst s2  }
0xb: {  	[smem:$0x3FB0] =	sst s3  }
0xc: {  	[smem:$0x3FB1] =	sst s4  }
0xd: {  	[smem:$0x3FB2] =	sst s5  }
0xe: {  	[smem:$0x3FB3] =	sst s6  }
0xf: {  	[smem:$0x3FB4] =	sst s7  }
0x10: {  	[smem:$0x3FB5] =	sst s8  }
0x11: {  	[smem:$0x3FB6] =	sst s9;
	s0 =	simm.s32 @!p0 $0x0  }
0x12: {  	s1 =	sld [smem:$0x3F9C];
	s0 =	simm.s32 @p0 $0x1  }
0x13: {  	[smem:$0x3FB7] =	sst s0;
	s0 =	simm.s32 @!p1 $0x0  }
0x14: {  	s2 =	sld [smem:$0x3F9B];
	s0 =	simm.s32 @p1 $0x1  }
0x15: {  	[smem:$0x3FB8] =	sst s0;
	s0 =	simm.s32 @!p2 $0x0  }
0x16: {  	s3 =	sld [smem:$0x3FDB];
	s0 =	simm.s32 @p2 $0x1  }
0x17: {  	s4 =	simm.s32 $0x1BF5;
	[smem:$0x3FBA] =	sst s0  }
0x18: {  	s0 =	sld [smem:$0x3F9D];
	_ =	swait.ge [sflag:s4], $0x0  }
0x19: {  	s7 =	sld [smem:$0x3F9E]  }
0x1a: {  	s8 =	sadd.s32 $0xFFFFE003, lr  }
0x1b: {  	s9 =	sadd.s32 $0xFFFFFEF7, lr;
	s5 =	simm.s32 $0xFFFFFFFF;
	p2 =	slt.u32 s8, $0xFFFFF086  }
0x1c: {  	p1 =	slt.u32 s9, $0xF7A;
	s5 =	simm.s32 @!p2 $0x0  }
0x1d: {  	s5 =	simm.s32 @p1 $0x1;
	p0 =	seq.s32 s7, s2  }
0x1e: {  	s7 =	smul.u32 @!p0 $0xF7A, s2;
	p2 =	seq.s32 @!p0 s5, $0x0  }
0x1f: {  	s9 =	smul.u32 $0xF7A, s1;
	s8 =	simm.s32 @!p0 $0x1BF5;
	p2 =	por !p2, p0  }
0x20: {  	[sflag:s8] =	ssyncset.s32 @!p0 $0xFFFFF086;
	s6 =	sadd.s32 @!p0 s3, s7;
	s7 =	simm.s32 @!p0 $0x108  }
0x21: {  	s3 =	sadd.s32 s3, s9;
	s6 =	sadd.s32 @!p0 $0x88, s6;
	s7 =	simm.s32 @p2 $0x1082  }
0x22: {  	[simem:s7], [sflag:s8] =	dma.local @!p0 [hbm:s6], $0xF7A  }
0x23: {  	s9 =	sor.u32 $0xD0000000, s2;
	s6 =	simm.s32 $0x108;
	_ =	swait.ge @!p0 [sflag:s8], $0x0  }
0x24: {  	s3 =	sadd.s32 $0x88, s3;
	s6 =	simm.s32 @!p1 $0x1082;
	[sflag:s4] =	ssyncset.s32 $0xFFFFF086  }
0x25: {  	[simem:s6], [sflag:s4] =	dma.local [hbm:s3], $0xF7A  }
0x26: {  	[smem:$0x3F9E] =	sst s1;
	(tag) =	ssettag s2;
	_ =	strace s9  }
0x27: {  	s1 =	sld [smem:$0x3FAE]  }
0x28: {  	s2 =	sld [smem:$0x3FAF]  }
0x29: {  	s4 =	sld [smem:$0x3FB1]  }
0x2a: {  	p0 =	seq.s32 s5, $0x0;
	s5 =	sld [smem:$0x3FB2]  }
0x2b: {  	s6 =	sld [smem:$0x3FB3]  }
0x2c: {  	s7 =	sld [smem:$0x3FB4]  }
0x2d: {  	s3 =	simm.s32 $0x108;
	s8 =	sld [smem:$0x3FB5]  }
0x2e: {  	s3 =	simm.s32 @!p0 $0x1082;
	s9 =	sld [smem:$0x3FB6]  }
0x2f: {  	lr =	sadd.s32 s0, s3;
	s0 =	sld [smem:$0x3FAD]  }
0x30: {  	s3 =	sld [smem:$0x3FB0]  }
0x31: {  	[smem:$0x3FB9] =	sst s10  }
0x32: {  	s10 =	sld [smem:$0x3FB7];
	_ =	sdelay $0x3  }
0x33: {  	p0 =	seq.s32 s10, $0x1;
	s10 =	sld [smem:$0x3FB9];
	_ =	sdelay $0x3  }
0x34: {  	[smem:$0x3FB9] =	sst s10  }
0x35: {  	s10 =	sld [smem:$0x3FB8];
	_ =	sdelay $0x3  }
0x36: {  	p1 =	seq.s32 s10, $0x1;
	s10 =	sld [smem:$0x3FB9];
	_ =	sdelay $0x3  }
0x37: {  	[smem:$0x3FB9] =	sst s10  }
0x38: {  	s10 =	sld [smem:$0x3FBA]  }
0x39: {  	_ = 	snop;
	(pc) =	sbr.ind lr, $3  }
0x3a: {  	_ = 	snop  }
0x3b: {  	_ = 	snop  }
0x3c: {  	p2 =	seq.s32 s10, $0x1;
	s10 =	sld [smem:$0x3FB9]  }
0x3d: {  	_ =	shalt  }
0x3e: {  	_ =	shalt  }
0x3f: {  	_ =	shalt  }
0x40: {  	_ =	shalt  }
0x41: {  	_ =	shalt  }
0x42: {  	_ =	shalt  }
0x43: {  	_ =	shalt  }
0x44: {  	_ =	shalt  }
0x45: {  	_ =	shalt  }
0x46: {  	_ =	shalt  }
0x47: {  	_ =	shalt  }
0x48: {  	_ =	shalt  }
0x49: {  	_ =	shalt  }
0x4a: {  	_ =	shalt  }
0x4b: {  	_ =	shalt  }
0x4c: {  	_ =	shalt  }
0x4d: {  	_ =	shalt  }
0x4e: {  	_ =	shalt  }
0x4f: {  	_ =	shalt  }
0x50: {  	_ =	shalt  }
0x51: {  	_ =	shalt  }
0x52: {  	_ =	shalt  }
0x53: {  	_ =	shalt  }
0x54: {  	_ =	shalt  }
0x55: {  	_ =	shalt  }
0x56: {  	_ =	shalt  }
0x57: {  	_ =	shalt  }
0x58: {  	_ =	shalt  }
0x59: {  	_ =	shalt  }
0x5a: {  	_ =	shalt  }
0x5b: {  	_ =	shalt  }
0x5c: {  	_ =	shalt  }
0x5d: {  	_ =	shalt  }
0x5e: {  	_ =	shalt  }
0x5f: {  	_ =	shalt  }
0x60: {  	_ =	shalt  }
0x61: {  	_ =	shalt  }
0x62: {  	_ =	shalt  }
0x63: {  	_ =	shalt  }
0x64: {  	_ =	shalt  }
0x65: {  	_ =	shalt  }
0x66: {  	_ =	shalt  }
0x67: {  	_ =	shalt  }
0x68: {  	_ =	shalt  }
0x69: {  	_ =	shalt  }
0x6a: {  	_ =	shalt  }
0x6b: {  	_ =	shalt  }
0x6c: {  	_ =	shalt  }
0x6d: {  	_ =	shalt  }
0x6e: {  	_ =	shalt  }
0x6f: {  	_ =	shalt  }
0x70: {  	_ =	shalt  }
0x71: {  	_ =	shalt  }
0x72: {  	_ =	shalt  }
0x73: {  	_ =	shalt  }
0x74: {  	_ =	shalt  }
0x75: {  	_ =	shalt  }
0x76: {  	_ =	shalt  }
0x77: {  	_ =	shalt  }
0x78: {  	_ =	shalt  }
0x79: {  	_ =	shalt  }
0x7a: {  	_ =	shalt  }
0x7b: {  	_ =	shalt  }
0x7c: {  	_ =	shalt  }
0x7d: {  	_ =	shalt  }
0x7e: {  	_ =	shalt  }
0x7f: {  	_ =	shalt  }
0x80: {  	_ =	shalt  }
0x81: {  	_ =	shalt  }
0x82: {  	_ =	shalt  }
0x83: {  	_ =	shalt  }
0x84: {  	_ =	shalt  }
0x85: {  	_ =	shalt  }
0x86: {  	_ =	shalt  }
0x87: {  	_ =	shalt  }
.Lfunc_end0:
.L_simem_size_0:
called_computation_lowered:
.L_overlay_start_0:
0x88: {  	s2 =	sld [smem:$0x3FD9]  }
0x89: {  	s3 =	sld [smem:$0x3FFE];
	_ =	sdelay $0x1  }
0x8a: {  	s1 =	srdreg.scid  }
0x8b: {  	s0 =	sand.u32 $0x1, s1  }
0x8c: {  	s18 =	sshll.u32 s0, $0xA;
	s2 =	sadd.s32 s3, s2  }
0x8d: {  	s2 =	sadd.s32 s2, s18  }
0x8e: {  	[smem:$0x3FC5] =	sst s2  }
0x8f: {  	_ = 	snop  }
0x90: {  	s2 =	sld [smem:$0x3FC9]  }
0x91: {  	s19 =	sld [smem:$0x3FC8]  }
0x92: {  	s4 =	sld [smem:$0x3FC7]  }
0x93: {  	s5 =	sld [smem:$0x3FD0];
	(tm) =	ssettm $0x1  }
0x94: {  	s6 =	sld [smem:$0x3FFB];
	_ =	sdelay $0x3  }
0x95: {  	_ =	strace s6  }
0x96: {  	s6 =	sld [smem:$0x3FFC];
	_ =	sdelay $0x3  }
0x97: {  	_ =	strace s6  }
0x98: {  	s6 =	sld [smem:$0x3FFD];
	_ =	sdelay $0x3  }
0x99: {  	_ =	strace s6  }
0x9a: {  	_ =	strace $0x8FFFFFFF  }
0x9b: {  	s20 =	sld [smem:$0x3FDB];
	_ =	sdelay $0x1  }
0x9c: {  	s7 =	simm.s32 $_scs_section_size  }
0x9d: {  	s8 =	simm.s32 $_size__tile_overlayer_lowered;
	s9 =	simm.s32 $_tile_overlayer_lowered  }
0x9e: {  	s23 =	simm.s32 $0x1BFF;
	s22 =	sshll.u32 s9, $0x1;
	s6 =	sadd.s32 s7, s20  }
0x9f: {  	s10 =	simm.s32 $0x0;
	s21 =	sshll.u32 s8, $0x1;
	s8 =	sadd.s32 s22, s6  }
0xa0: {  	[timem:s10], [sflag:s23] =	dma.local [hbm:s8], s21  }
0xa1: {  	_ =	swait.ge [sflag:s23], s21  }
0xa2: {  	s7 =	ssub.s32 $0x0, s21;
	[sflag:s23] =	ssyncset.done $0x0  }
0xa3: {  	[sflag:s23] =	ssyncadd.s32 s7;
	_ =	sdelay $0x1  }
0xa4: {  	s24 =	simm.s32 $0x1B8B  }
0xa5: {  	_ =	swait.ge [sflag:s24], $0x1  }
0xa6: {  	[sflag:s24] =	ssyncset.done $0x0  }
0xa7: {  	s25 =	simm.s32 $0x1B8E;
	[sflag:s24] =	ssyncadd.s32 $0xFFFFFFFF  }
0xa8: {  	s26 =	simm.s32 $execute0_lowered;
	[smem:$0x3FD2] =	sst s25  }
0xa9: {  	s7 =	sshll.u32 s26, $0x1;
	_ =	strace $0x80000046;
	[dreg:$0x1] =	wrdreg $0xFFFFFFFF  }
0xaa: {  	s28 =	simm.s32 $_size_execute0_lowered;
	s6 =	sadd.s32 s6, s7;
	[dreg:$0x0] =	wrdreg $0x0  }
0xab: {  	s7 =	sshll.u32 s28, $0x1;
	[dreg:$0x2] =	wrdreg s6  }
0xac: {  	[dreg:$0x3] =	wrdreg s7  }
0xad: {  	[dreg:$0x4] =	wrdreg $0xC0  }
0xae: {  	_ =	task [dreg:s10], $0x5FFFF  }
0xaf: {  	[dreg:$0x1] =	wrdreg $0xFFFFFFFF  }
0xb0: {  	[dreg:$0x0] =	wrdreg $0x60  }
0xb1: {  	[dreg:$0x2] =	wrdreg s2  }
0xb2: {  	[dreg:$0x3] =	wrdreg s19  }
0xb3: {  	[dreg:$0x4] =	wrdreg s4  }
0xb4: {  	[dreg:$0x5] =	wrdreg s5  }
0xb5: {  	[dreg:$0x6] =	wrdreg $0x9  }
0xb6: {  	_ =	task.clear_ibuf [dreg:s10], $0x7FFFF;
	_ =	strace $0x90000046  }
0xb7: {  	s29 =	simm.s32 $0x9;
	_ =	strace $0x80000048  }
0xb8: {  	_ =	swait.ge [sflag:s29], $0x1  }
0xb9: {  	[sflag:s29] =	ssyncadd.s32 $0xFFFFFFFF  }
0xba: {  	_ =	strace $0x90000048  }
0xbb: {  	_ =	sfence  }
0xbc: {  	s30 =	sld [smem:$0x0];
	_ =	sdelay $0x2  }
0xbd: {  	s31 =	sshll.u32 s1, $0xD;
	s1 =	sshrl.u32 s1, $0x2  }
0xbe: {  	s3 =	sand.u32 $0x4000, s31;
	s1 =	sadd.s32 s1, s30  }
0xbf: {  	s0 =	sor.u32 s3, s0;
	s1 =	sshll.u32 s1, $0x11  }
0xc0: {  	s0 =	sor.u32 s1, s0  }
0xc1: {  	s0 =	sadd.s32 $0x8F2B, s0  }
0xc2: {  	[sflag:s0] =	ssyncadd.remote.s32 $0x1  }
0xc3: {  	_ =	sfence.sel $0xFFFF  }
0xc4: {  	[dreg:$0x0] =	wrdreg $0xFFFFFFFF;
	(pc) =	sbr.abs _section_cstart, $3  }
0xc5: {  	[dreg:$0x1] =	wrdreg $0xFFFFFFFF  }
0xc6: {  	_ =	task.clear_ibuf [dreg:s10], $0x2FFFF;
	_ =	strace $0x9FFFFFFF  }
0xc7: {  	(tm) =	ssettm $0x7FFFFFFF  }
tec
execute0_lowered:
.L_overlay_start_1:
0x0: {  	(tag) =	ssettag $0x1  }
0x1: {  	s0 =	srdreg.scid;
	s2 =	rddreg [dreg:$0x0]  }
0x2: {  	s1 =	stileid.u32;
	s3 =	rddreg [dreg:$0x1];
	s0 =	sand.u32 $0x1, s0  }
0x3: {  	s5 =	rddreg [dreg:$0x3];
	s1 =	sshll.u32 s1, $0x8;
	s4 =	sshll.u32 s0, $0x7  }
0x4: {  	s31 =	rddreg [dreg:$0x2];
	s4 =	sor.u32 s4, s1  }
0x5: {  	s1 =	simm.s32 $0x0;
	s7 =	sshll.u32 s4, $0x7;
	s4 =	sshrl.u32 s4, $0x3  }
0x6: {  	[smem:$0x7FF] =	sst s1;
	s26 =	sor.u32 $0x400, s7;
	s3 =	sadd.s32 s3, s4  }
0x7: {  	s9 =	sor.u32 $0x800, s7;
	s8 =	sadd.s32 s2, s26;
	[dreg:$0x6] =	wrdreg s3  }
0x8: {  	s11 =	sor.u32 $0xC00, s7;
	s10 =	sadd.s32 s2, s9;
	[dreg:$0x5] =	wrdreg s8  }
0x9: {  	s12 =	sadd.s32 s2, s11;
	[dreg:$0x7] =	wrdreg s10  }
0xa: {  	s14 =	sor.u32 $0x1000, s7;
	s13 =	sadd.s32 s5, s26;
	[dreg:$0x8] =	wrdreg s12  }
0xb: {  	s28 =	simm.s32 $0x4;
	s15 =	sadd.s32 s2, s14;
	[dreg:$0x9] =	wrdreg s13  }
0xc: {  	s17 =	sor.u32 $0x1400, s7;
	s16 =	sadd.s32 s5, s9;
	[dreg:$0xa] =	wrdreg s15  }
0xd: {  	s0 =	ssub.s32 $0x2, s0;
	s18 =	sadd.s32 s2, s17;
	[dreg:$0xb] =	wrdreg s16  }
0xe: {  	s19 =	sor.u32 $0x1800, s7;
	s3 =	sadd.s32 s5, s11;
	[dreg:$0xc] =	wrdreg s18  }
0xf: {  	s6 =	sshrl.u32 s0, $0x1;
	s20 =	sadd.s32 s2, s19;
	[dreg:$0xd] =	wrdreg s3  }
0x10: {  	s21 =	sor.u32 $0x1C00, s7;
	s4 =	sadd.s32 s5, s14;
	[dreg:$0xe] =	wrdreg s20  }
0x11: {  	s0 =	ssub.s32 s0, s6;
	s22 =	sadd.s32 s2, s21;
	[dreg:$0xf] =	wrdreg s4  }
0x12: {  	s23 =	sor.u32 $0x2000, s7;
	s6 =	sadd.s32 s5, s17;
	[dreg:$0x10] =	wrdreg s22  }
0x13: {  	s25 =	sor.u32 $0x2400, s7;
	s24 =	sadd.s32 s2, s23;
	[dreg:$0x11] =	wrdreg s6  }
0x14: {  	s29 =	simm.s32 $0x2;
	s26 =	sadd.s32 s2, s25;
	[dreg:$0x12] =	wrdreg s24  }
0x15: {  	s30 =	simm.s32 $0x7;
	s17 =	sadd.s32 s2, s7;
	[dreg:$0x14] =	wrdreg s26  }
0x16: {  	s0 =	smax.u32 s0, $0x1;
	s3 =	sadd.s32 s5, s19;
	[dreg:$0x1e] =	wrdreg s17  }
0x17: {  	s9 =	sor.u32 $0x2800, s7;
	s4 =	sadd.s32 s5, s21;
	[dreg:$0x13] =	wrdreg s3  }
0x18: {  	s6 =	sadd.s32 s5, s23;
	s10 =	sadd.s32 s2, s9;
	[dreg:$0x15] =	wrdreg s4  }
0x19: {  	s11 =	sadd.s32 s5, s9;
	s12 =	sor.u32 $0x2C00, s7;
	[dreg:$0x16] =	wrdreg s6  }
0x1a: {  	s13 =	sor.u32 $0x3000, s7;
	s18 =	sadd.s32 s5, s7;
	[dreg:$0x18] =	wrdreg s10  }
0x1b: {  	s19 =	sor.u32 $0x3400, s7;
	s20 =	sor.u32 $0x3800, s7;
	[dreg:$0x19] =	wrdreg s11  }
0x1c: {  	s21 =	sor.u32 $0x3C00, s7;
	s3 =	sadd.s32 s5, s25;
	[dreg:$0x1f] =	wrdreg s18  }
0x1d: {  	s7 =	sadd.s32 $0x100, s31;
	s14 =	sadd.s32 s2, s12;
	[dreg:$0x17] =	wrdreg s3  }
0x1e: {  	s8 =	sadd.s32 $0x200, s31;
	s15 =	sadd.s32 s2, s13;
	[dreg:$0x1a] =	wrdreg s14  }
0x1f: {  	s9 =	sadd.s32 $0x300, s31;
	s16 =	sadd.s32 s5, s13;
	[dreg:$0x1c] =	wrdreg s15  }
0x20: {  	s22 =	sadd.s32 s2, s19;
	s23 =	sadd.s32 s2, s20;
	[dreg:$0x1d] =	wrdreg s16  }
0x21: {  	s2 =	sadd.s32 s2, s21;
	s24 =	sadd.s32 s5, s19;
	[smem:$0x7F7] =	sst s22  }
0x22: {  	s25 =	sadd.s32 s5, s20;
	s26 =	sadd.s32 s5, s21;
	[smem:$0x7F8] =	sst s23  }
0x23: {  	s10 =	simm.s32 $0x2000;
	s11 =	simm.s32 $0x400000;
	[smem:$0x7F9] =	sst s2  }
0x24: {  	s13 =	simm.s32 $0xC080;
	s18 =	simm.s32 $0x1880;
	[smem:$0x7FA] =	sst s24  }
0x25: {  	s19 =	simm.s32 $0x2080;
	s20 =	simm.s32 $0x2880;
	[smem:$0x7FB] =	sst s25  }
0x26: {  	s21 =	simm.s32 $0x3080;
	s3 =	sadd.s32 s5, s12;
	[smem:$0x7FC] =	sst s26  }
0x27: {  	s12 =	simm.s32 $0x4080;
	s22 =	simm.s32 $0x3880;
	s23 =	simm.s32 $0x14080  }
0x28: {  	v0 =	vlaneseq.u32;
	s24 =	simm.s32 $0x3;
	s25 =	simm.s32 $0x1;
	s26 =	simm.s32 $0x6  }
0x29: {  	v1 =	vshrl.u32 v0, $0x3;
	s2 =	simm.s32 $0x8;
	[dreg:$0x1b] =	wrdreg s3;
	s3 =	simm.s32 $0x0  }
0x2a: {  	vm0 =	vmmov $0xffff;
	v0 =	vand.u32 $0x7, v0;
	v1 =	vmul.u32 $0x8, v1;
	_ =	strace $0x80000047;
	[smem:$0x7FD] =	sst s0;
	s0 =	simm.s32 $0x5  }
.LBB2_1:
0x2b: {  	s4 =	rddreg [dreg:$0x1e]  }
0x2c: {  	[tilespmem:s12], [sflag:$0x3] =	stream.strided.gather [hbm4b:s4+s10], $0x8000, s11, s10, $0x38;
	[tilespmem:$0x1C080] =	vst v63  }
0x2d: {  	s16 =	rddreg [dreg:$0x5]  }
0x2e: {  	[tilespmem:s13], [sflag:$0x4] =	stream.strided.gather [hbm4b:s16+s10], $0x8000, s11, s10, $0x38;
	[tilespmem:$0x1C080] =	vst v63  }
0x2f: {  	s17 =	rddreg [dreg:$0x6];
	s5 =	simm.s32 $0x9  }
0x30: {  	[tilespmem:s1], [sflag:$0x9] =	stream.linear.gather [hbm4b:s17+s1], $0x80, $0x38;
	[tilespmem:$0x1C080] =	vst v63  }
0x31: {  	_ =	swait.ge [sflag:s5], $0x80  }
0x32: {  	[sflag:s5] =	ssyncset.done $0x0  }
0x33: {  	[sflag:s5] =	ssyncadd.s32 $0xFFFFFF80  }
0x34: {  	v2 =	vld.msk [tilespmem:$0x0], $0xff;
	_ =	sdelay $0x4  }
0x35: {  	v3 =	vshll.u32 v2, $0x3  }
0x36: {  	v2 =	vand.u32 $0x7, v2;
	v3 =	vand.u32 $0xFFFFFFC0, v3  }
0x37: {  	v2 =	vor.u32 v2, v3  }
0x38: {  	v2 =	vperm.xlane v2, v0;
	_ =	sdelay $0x1  }
0x39: {  	v2 =	vadd.s32 v1, v2;
	_ =	sdelay $0x3  }
0x3a: {  	s6 =	simm.s32 $0x80  }
0x3b: {  	[tilespmem:s6], [sflag:$0x1] =	stream.indirect_vreg.gather [hbm4b:s31+s1], $0x80, v2, vm0, $0xb8;
	[tilespmem:$0x1C080] =	vst v63  }
0x3c: {  	s14 =	simm.s32 $0x880  }
0x3d: {  	[tilespmem:s14], [sflag:$0x1] =	stream.indirect_vreg.gather [hbm4b:s7+s1], $0x80, v2, vm0, $0xb8;
	[tilespmem:$0x1C080] =	vst v63  }
0x3e: {  	s15 =	simm.s32 $0x1080  }
0x3f: {  	[tilespmem:s15], [sflag:$0x1] =	stream.indirect_vreg.gather [hbm4b:s8+s1], $0x80, v2, vm0, $0xb8;
	[tilespmem:$0x1C080] =	vst v63  }
0x40: {  	_ = 	snop  }
0x41: {  	[tilespmem:s18], [sflag:$0x1] =	stream.indirect_vreg.gather [hbm4b:s9+s1], $0x80, v2, vm0, $0xb8;
	[tilespmem:$0x1C080] =	vst v63  }
0x42: {  	v2 =	vld.msk [tilespmem:$0x8], $0xff;
	_ =	sdelay $0x4  }
0x43: {  	v3 =	vshll.u32 v2, $0x3  }
0x44: {  	v2 =	vand.u32 $0x7, v2;
	v3 =	vand.u32 $0xFFFFFFC0, v3  }
0x45: {  	v2 =	vor.u32 v2, v3  }
0x46: {  	v2 =	vperm.xlane v2, v0;
	_ =	sdelay $0x1  }
0x47: {  	v2 =	vadd.s32 v1, v2;
	_ =	sdelay $0x4  }
0x48: {  	[tilespmem:s19], [sflag:$0x2] =	stream.indirect_vreg.gather [hbm4b:s31+s1], $0x80, v2, vm0, $0xb8;
	[tilespmem:$0x1C080] =	vst v63  }
0x49: {  	_ = 	snop  }
0x4a: {  	[tilespmem:s20], [sflag:$0x2] =	stream.indirect_vreg.gather [hbm4b:s7+s1], $0x80, v2, vm0, $0xb8;
	[tilespmem:$0x1C080] =	vst v63  }
0x4b: {  	_ = 	snop  }
0x4c: {  	[tilespmem:s21], [sflag:$0x2] =	stream.indirect_vreg.gather [hbm4b:s8+s1], $0x80, v2, vm0, $0xb8;
	[tilespmem:$0x1C080] =	vst v63  }
0x4d: {  	_ = 	snop  }
0x4e: {  	[tilespmem:s22], [sflag:$0x2] =	stream.indirect_vreg.gather [hbm4b:s9+s1], $0x80, v2, vm0, $0xb8;
	[tilespmem:$0x1C080] =	vst v63  }
0x4f: {  	s16 =	rddreg [dreg:$0x7]  }
0x50: {  	[tilespmem:s23], [sflag:$0x5] =	stream.strided.gather [hbm4b:s16+s10], $0x8000, s11, s10, $0x38;
	[tilespmem:$0x1C080] =	vst v63  }
0x51: {  	_ =	swait.ge [sflag:s24], $0x8000  }
0x52: {  	[sflag:s24] =	ssyncset.done $0x0  }
0x53: {  	[sflag:s24] =	ssyncadd.s32 $0xFFFF8000  }
0x54: {  	s17 =	sand.u32 $0x1C00, s1;
	_ =	swait.ge [sflag:s25], $0x2000  }
0x55: {  	s5 =	sor.u32 s17, s1;
	[sflag:s25] =	ssyncset.done $0x0  }
0x56: {  	s5 =	sor.u32 $0x70, s5;
	s6 =	sand.u32 $0x380, s1;
	[sflag:s25] =	ssyncadd.s32 $0xFFFFE000  }
0x57: {  	s4 =	sor.u32 s6, s17;
	v4 =	vld [tilespmem:s5+$0x80]  }
0x58: {  	v5 =	vld [tilespmem:s4+$0x80]  }
0x59: {  	v6 =	vld [tilespmem:s4+$0x90]  }
0x5a: {  	v7 =	vld [tilespmem:s4+$0xA0]  }
0x5b: {  	v8 =	vld [tilespmem:s4+$0xB0]  }
0x5c: {  	v9 =	vld [tilespmem:s4+$0xC0]  }
0x5d: {  	v3 =	vld [tilespmem:s4+$0xD0]  }
0x5e: {  	v2 =	vld [tilespmem:s4+$0xE0]  }
0x5f: {  	[tilespmem:s5+$0x4080] =	vst.add.f32.msk $0xffff, v4  }
0x60: {  	[tilespmem:s4+$0x4080] =	vst.add.f32.msk $0xffff, v5  }
0x61: {  	[tilespmem:s4+$0x6080] =	vst.add.f32.msk $0xffff, v5  }
0x62: {  	[tilespmem:s4+$0x8080] =	vst.add.f32.msk $0xffff, v5  }
0x63: {  	[tilespmem:s4+$0xA080] =	vst.add.f32.msk $0xffff, v5  }
0x64: {  	[tilespmem:s4+$0x4090] =	vst.add.f32.msk $0xffff, v6  }
0x65: {  	[tilespmem:s4+$0x6090] =	vst.add.f32.msk $0xffff, v6  }
0x66: {  	[tilespmem:s4+$0x8090] =	vst.add.f32.msk $0xffff, v6  }
0x67: {  	[tilespmem:s4+$0xA090] =	vst.add.f32.msk $0xffff, v6  }
0x68: {  	[tilespmem:s4+$0x40A0] =	vst.add.f32.msk $0xffff, v7  }
0x69: {  	[tilespmem:s4+$0x60A0] =	vst.add.f32.msk $0xffff, v7  }
0x6a: {  	[tilespmem:s4+$0x80A0] =	vst.add.f32.msk $0xffff, v7  }
0x6b: {  	[tilespmem:s4+$0xA0A0] =	vst.add.f32.msk $0xffff, v7  }
0x6c: {  	[tilespmem:s4+$0x40B0] =	vst.add.f32.msk $0xffff, v8  }
0x6d: {  	[tilespmem:s4+$0x60B0] =	vst.add.f32.msk $0xffff, v8  }
0x6e: {  	[tilespmem:s4+$0x80B0] =	vst.add.f32.msk $0xffff, v8  }
0x6f: {  	[tilespmem:s4+$0xA0B0] =	vst.add.f32.msk $0xffff, v8  }
0x70: {  	[tilespmem:s4+$0x40C0] =	vst.add.f32.msk $0xffff, v9  }
0x71: {  	[tilespmem:s4+$0x60C0] =	vst.add.f32.msk $0xffff, v9  }
0x72: {  	[tilespmem:s4+$0x80C0] =	vst.add.f32.msk $0xffff, v9  }
0x73: {  	[tilespmem:s4+$0xA0C0] =	vst.add.f32.msk $0xffff, v9  }
0x74: {  	[tilespmem:s4+$0x40D0] =	vst.add.f32.msk $0xffff, v3  }
0x75: {  	[tilespmem:s4+$0xA0F0] =	vst.add.f32.msk $0xffff, v4  }
0x76: {  	[tilespmem:s4+$0x60F0] =	vst.add.f32.msk $0xffff, v4  }
0x77: {  	s6 =	simm.s32 $0x400;
	s14 =	simm.s32 $0x0;
	s5 =	simm.s32 $0x0;
	[tilespmem:s4+$0x80F0] =	vst.add.f32.msk $0xffff, v4  }
.LBB2_2:
0x78: {  	s15 =	sand.u32 $0x1C00, s6;
	[tilespmem:s4+$0x60D0] =	vst.add.f32.msk $0xffff, v3;
	s14 =	sadd.s32 $0x10, s14  }
0x79: {  	s5 =	sadd.s32 $0x8, s5;
	s16 =	sor.u32 s15, s14;
	[tilespmem:s4+$0x80D0] =	vst.add.f32.msk $0xffff, v3  }
0x7a: {  	p0 =	slt.u32 s5, $0x1F8;
	s16 =	sor.u32 $0x70, s16;
	[tilespmem:s4+$0xA0D0] =	vst.add.f32.msk $0xffff, v3  }
0x7b: {  	v4 =	vld [tilespmem:s16+$0x80]  }
0x7c: {  	[tilespmem:s4+$0x40E0] =	vst.add.f32.msk $0xffff, v2  }
0x7d: {  	[tilespmem:s4+$0x60E0] =	vst.add.f32.msk $0xffff, v2  }
0x7e: {  	[tilespmem:s4+$0x80E0] =	vst.add.f32.msk $0xffff, v2  }
0x7f: {  	s17 =	sand.u32 $0x380, s14;
	[tilespmem:s4+$0xA0E0] =	vst.add.f32.msk $0xffff, v2  }
0x80: {  	s4 =	sor.u32 s17, s15;
	[tilespmem:s16+$0x4080] =	vst.add.f32.msk $0xffff, v4  }
0x81: {  	[tilespmem:s4+$0xA0F0] =	vst.add.f32.msk $0xffff, v4  }
0x82: {  	v5 =	vld [tilespmem:s4+$0x80]  }
0x83: {  	v6 =	vld [tilespmem:s4+$0x90]  }
0x84: {  	v7 =	vld [tilespmem:s4+$0xA0]  }
0x85: {  	v8 =	vld [tilespmem:s4+$0xB0]  }
0x86: {  	v9 =	vld [tilespmem:s4+$0xC0]  }
0x87: {  	v3 =	vld [tilespmem:s4+$0xD0]  }
0x88: {  	v2 =	vld [tilespmem:s4+$0xE0]  }
0x89: {  	[tilespmem:s4+$0x60F0] =	vst.add.f32.msk $0xffff, v4  }
0x8a: {  	[tilespmem:s4+$0x80F0] =	vst.add.f32.msk $0xffff, v4  }
0x8b: {  	[tilespmem:s4+$0x4080] =	vst.add.f32.msk $0xffff, v5  }
0x8c: {  	[tilespmem:s4+$0x6080] =	vst.add.f32.msk $0xffff, v5  }
0x8d: {  	[tilespmem:s4+$0x8080] =	vst.add.f32.msk $0xffff, v5  }
0x8e: {  	[tilespmem:s4+$0xA080] =	vst.add.f32.msk $0xffff, v5  }
0x8f: {  	[tilespmem:s4+$0x4090] =	vst.add.f32.msk $0xffff, v6  }
0x90: {  	[tilespmem:s4+$0x6090] =	vst.add.f32.msk $0xffff, v6  }
0x91: {  	[tilespmem:s4+$0x8090] =	vst.add.f32.msk $0xffff, v6  }
0x92: {  	[tilespmem:s4+$0xA090] =	vst.add.f32.msk $0xffff, v6  }
0x93: {  	[tilespmem:s4+$0x40A0] =	vst.add.f32.msk $0xffff, v7  }
0x94: {  	[tilespmem:s4+$0x60A0] =	vst.add.f32.msk $0xffff, v7  }
0x95: {  	[tilespmem:s4+$0x80A0] =	vst.add.f32.msk $0xffff, v7  }
0x96: {  	[tilespmem:s4+$0xA0A0] =	vst.add.f32.msk $0xffff, v7  }
0x97: {  	[tilespmem:s4+$0x40B0] =	vst.add.f32.msk $0xffff, v8  }
0x98: {  	[tilespmem:s4+$0x60B0] =	vst.add.f32.msk $0xffff, v8  }
0x99: {  	[tilespmem:s4+$0x80B0] =	vst.add.f32.msk $0xffff, v8  }
0x9a: {  	[tilespmem:s4+$0xA0B0] =	vst.add.f32.msk $0xffff, v8  }
.Ltmp0:
0x9b: {  	[tilespmem:s4+$0x40C0] =	vst.add.f32.msk $0xffff, v9;
	(pc) =	sbr.rel @p0 .LBB2_2-.Ltmp0, $4  }
0x9c: {  	[tilespmem:s4+$0x60C0] =	vst.add.f32.msk $0xffff, v9  }
0x9d: {  	[tilespmem:s4+$0x80C0] =	vst.add.f32.msk $0xffff, v9  }
0x9e: {  	[tilespmem:s4+$0xA0C0] =	vst.add.f32.msk $0xffff, v9  }
0x9f: {  	s6 =	sadd.s32 $0x400, s6;
	[tilespmem:s4+$0x40D0] =	vst.add.f32.msk $0xffff, v3  }
0xa0: {  	[tilespmem:s4+$0x60D0] =	vst.add.f32.msk $0xffff, v3  }
0xa1: {  	[tilespmem:s4+$0x80D0] =	vst.add.f32.msk $0xffff, v3  }
0xa2: {  	[tilespmem:s4+$0xA0D0] =	vst.add.f32.msk $0xffff, v3  }
0xa3: {  	[tilespmem:s4+$0x40E0] =	vst.add.f32.msk $0xffff, v2  }
0xa4: {  	[tilespmem:s4+$0x60E0] =	vst.add.f32.msk $0xffff, v2  }
0xa5: {  	[tilespmem:s4+$0x80E0] =	vst.add.f32.msk $0xffff, v2  }
0xa6: {  	[tilespmem:s4+$0xA0E0] =	vst.add.f32.msk $0xffff, v2  }
0xa7: {  	s4 =	rddreg [dreg:$0x1f]  }
0xa8: {  	[hbm4b:s4+s10] =	stream.strided.scatter [tilespmem:s12], [sflag:$0x6], $0x8000, s11, s10, $0x38;
	[tilespmem:$0x1C080] =	vst v63  }
0xa9: {  	v2 =	vld.msk [tilespmem:$0x10], $0xff;
	_ =	sdelay $0x4  }
0xaa: {  	v3 =	vshll.u32 v2, $0x3  }
0xab: {  	v2 =	vand.u32 $0x7, v2;
	v3 =	vand.u32 $0xFFFFFFC0, v3  }
0xac: {  	v2 =	vor.u32 v2, v3  }
0xad: {  	v2 =	vperm.xlane v2, v0;
	_ =	sdelay $0x1  }
0xae: {  	v2 =	vadd.s32 v1, v2;
	_ =	sdelay $0x3  }
0xaf: {  	s5 =	simm.s32 $0x80;
	s4 =	simm.s32 $0x0  }
0xb0: {  	[tilespmem:s5], [sflag:$0x1] =	stream.indirect_vreg.gather [hbm4b:s31+s4], $0x80, v2, vm0, $0xb8;
	[tilespmem:$0x1C080] =	vst v63  }
0xb1: {  	s6 =	simm.s32 $0x880  }
0xb2: {  	[tilespmem:s6], [sflag:$0x1] =	stream.indirect_vreg.gather [hbm4b:s7+s4], $0x80, v2, vm0, $0xb8;
	[tilespmem:$0x1C080] =	vst v63  }
0xb3: {  	s14 =	simm.s32 $0x1080  }
0xb4: {  	[tilespmem:s14], [sflag:$0x1] =	stream.indirect_vreg.gather [hbm4b:s8+s4], $0x80, v2, vm0, $0xb8;
	[tilespmem:$0x1C080] =	vst v63  }
0xb5: {  	_ = 	snop  }
0xb6: {  	[tilespmem:s18], [sflag:$0x1] =	stream.indirect_vreg.gather [hbm4b:s9+s4], $0x80, v2, vm0, $0xb8;
	[tilespmem:$0x1C080] =	vst v63  }
0xb7: {  	_ =	swait.ge [sflag:s26], $0x8000  }
0xb8: {  	[sflag:s26] =	ssyncset.done $0x0  }
0xb9: {  	s15 =	rddreg [dreg:$0x8];
	[sflag:s26] =	ssyncadd.s32 $0xFFFF8000  }
0xba: {  	[tilespmem:s12], [sflag:$0x3] =	stream.strided.gather [hbm4b:s15+s10], $0x8000, s11, s10, $0x38;
	[tilespmem:$0x1C080] =	vst v63  }
0xbb: {  	_ =	swait.ge [sflag:s28], $0x8000  }
0xbc: {  	[sflag:s28] =	ssyncset.done $0x0  }
0xbd: {  	[sflag:s28] =	ssyncadd.s32 $0xFFFF8000  }
0xbe: {  	s16 =	sand.u32 $0x1C00, s4;
	_ =	swait.ge [sflag:s29], $0x2000  }
0xbf: {  	s6 =	sor.u32 s16, s4;
	[sflag:s29] =	ssyncset.done $0x0  }
0xc0: {  	s17 =	sand.u32 $0x380, s4;
	s14 =	sor.u32 $0x70, s6;
	[sflag:s29] =	ssyncadd.s32 $0xFFFFE000  }
0xc1: {  	s6 =	sor.u32 s17, s16;
	v4 =	vld [tilespmem:s14+$0x2080]  }
0xc2: {  	v5 =	vld [tilespmem:s6+$0x2080]  }
0xc3: {  	v6 =	vld [tilespmem:s6+$0x2090]  }
0xc4: {  	v7 =	vld [tilespmem:s6+$0x20A0]  }
0xc5: {  	v8 =	vld [tilespmem:s6+$0x20B0]  }
0xc6: {  	v9 =	vld [tilespmem:s6+$0x20C0]  }
0xc7: {  	v3 =	vld [tilespmem:s6+$0x20D0]  }
0xc8: {  	v2 =	vld [tilespmem:s6+$0x20E0]  }
0xc9: {  	[tilespmem:s14+$0xC080] =	vst.add.f32.msk $0xffff, v4  }
0xca: {  	[tilespmem:s6+$0xC080] =	vst.add.f32.msk $0xffff, v5  }
0xcb: {  	[tilespmem:s6+$0xE080] =	vst.add.f32.msk $0xffff, v5  }
0xcc: {  	[tilespmem:s6+$0x10080] =	vst.add.f32.msk $0xffff, v5  }
0xcd: {  	[tilespmem:s6+$0x12080] =	vst.add.f32.msk $0xffff, v5  }
0xce: {  	[tilespmem:s6+$0xC090] =	vst.add.f32.msk $0xffff, v6  }
0xcf: {  	[tilespmem:s6+$0xE090] =	vst.add.f32.msk $0xffff, v6  }
0xd0: {  	[tilespmem:s6+$0xC0A0] =	vst.add.f32.msk $0xffff, v7  }
0xd1: {  	[tilespmem:s6+$0xE0A0] =	vst.add.f32.msk $0xffff, v7  }
0xd2: {  	[tilespmem:s6+$0xC0B0] =	vst.add.f32.msk $0xffff, v8  }
0xd3: {  	[tilespmem:s6+$0xE0B0] =	vst.add.f32.msk $0xffff, v8  }
0xd4: {  	[tilespmem:s6+$0xC0C0] =	vst.add.f32.msk $0xffff, v9  }
0xd5: {  	[tilespmem:s6+$0xE0C0] =	vst.add.f32.msk $0xffff, v9  }
0xd6: {  	[tilespmem:s6+$0xC0D0] =	vst.add.f32.msk $0xffff, v3  }
0xd7: {  	s5 =	sadd.s32 $0xC080, s6;
	[tilespmem:s6+$0xE0F0] =	vst.add.f32.msk $0xffff, v4  }
0xd8: {  	[tilespmem:s5+$0x4010] =	vst.add.f32.msk $0xffff, v6  }
0xd9: {  	[tilespmem:s5+$0x6010] =	vst.add.f32.msk $0xffff, v6  }
0xda: {  	[tilespmem:s5+$0x4020] =	vst.add.f32.msk $0xffff, v7  }
0xdb: {  	[tilespmem:s5+$0x6020] =	vst.add.f32.msk $0xffff, v7  }
0xdc: {  	[tilespmem:s5+$0x4030] =	vst.add.f32.msk $0xffff, v8  }
0xdd: {  	[tilespmem:s5+$0x6030] =	vst.add.f32.msk $0xffff, v8  }
0xde: {  	[tilespmem:s5+$0x4040] =	vst.add.f32.msk $0xffff, v9  }
0xdf: {  	[tilespmem:s5+$0x6040] =	vst.add.f32.msk $0xffff, v9  }
0xe0: {  	[tilespmem:s5+$0x6070] =	vst.add.f32.msk $0xffff, v4  }
0xe1: {  	s15 =	simm.s32 $0x400;
	s14 =	simm.s32 $0x0;
	[tilespmem:s5+$0x4070] =	vst.add.f32.msk $0xffff, v4  }
.LBB2_4:
0xe2: {  	s16 =	sand.u32 $0x1C00, s15;
	[tilespmem:s6+$0xE0D0] =	vst.add.f32.msk $0xffff, v3;
	s4 =	sadd.s32 $0x10, s4  }
0xe3: {  	s17 =	sor.u32 s16, s4;
	[tilespmem:s5+$0x4050] =	vst.add.f32.msk $0xffff, v3  }
0xe4: {  	s14 =	sadd.s32 $0x8, s14;
	s17 =	sor.u32 $0x70, s17;
	[tilespmem:s5+$0x6050] =	vst.add.f32.msk $0xffff, v3  }
0xe5: {  	p0 =	slt.u32 s14, $0x1F8;
	v4 =	vld [tilespmem:s17+$0x2080]  }
0xe6: {  	[tilespmem:s6+$0xC0E0] =	vst.add.f32.msk $0xffff, v2  }
0xe7: {  	[tilespmem:s6+$0xE0E0] =	vst.add.f32.msk $0xffff, v2  }
0xe8: {  	[tilespmem:s5+$0x4060] =	vst.add.f32.msk $0xffff, v2  }
0xe9: {  	s6 =	sand.u32 $0x380, s4;
	[tilespmem:s5+$0x6060] =	vst.add.f32.msk $0xffff, v2  }
0xea: {  	s6 =	sor.u32 s6, s16;
	[tilespmem:s17+$0xC080] =	vst.add.f32.msk $0xffff, v4  }
0xeb: {  	s5 =	sadd.s32 $0xC080, s6;
	[tilespmem:s6+$0xE0F0] =	vst.add.f32.msk $0xffff, v4  }
0xec: {  	[tilespmem:s5+$0x6070] =	vst.add.f32.msk $0xffff, v4  }
0xed: {  	v5 =	vld [tilespmem:s6+$0x2080]  }
0xee: {  	v6 =	vld [tilespmem:s6+$0x2090]  }
0xef: {  	v7 =	vld [tilespmem:s6+$0x20A0]  }
0xf0: {  	v8 =	vld [tilespmem:s6+$0x20B0]  }
0xf1: {  	v9 =	vld [tilespmem:s6+$0x20C0]  }
0xf2: {  	v3 =	vld [tilespmem:s6+$0x20D0]  }
0xf3: {  	v2 =	vld [tilespmem:s6+$0x20E0]  }
0xf4: {  	[tilespmem:s5+$0x4070] =	vst.add.f32.msk $0xffff, v4  }
0xf5: {  	[tilespmem:s6+$0xC080] =	vst.add.f32.msk $0xffff, v5  }
0xf6: {  	[tilespmem:s6+$0xE080] =	vst.add.f32.msk $0xffff, v5  }
0xf7: {  	[tilespmem:s6+$0x10080] =	vst.add.f32.msk $0xffff, v5  }
0xf8: {  	[tilespmem:s6+$0x12080] =	vst.add.f32.msk $0xffff, v5  }
0xf9: {  	[tilespmem:s6+$0xC090] =	vst.add.f32.msk $0xffff, v6  }
0xfa: {  	[tilespmem:s6+$0xE090] =	vst.add.f32.msk $0xffff, v6  }
0xfb: {  	[tilespmem:s5+$0x4010] =	vst.add.f32.msk $0xffff, v6  }
0xfc: {  	[tilespmem:s5+$0x6010] =	vst.add.f32.msk $0xffff, v6  }
0xfd: {  	[tilespmem:s6+$0xC0A0] =	vst.add.f32.msk $0xffff, v7  }
0xfe: {  	[tilespmem:s6+$0xE0A0] =	vst.add.f32.msk $0xffff, v7  }
0xff: {  	[tilespmem:s5+$0x4020] =	vst.add.f32.msk $0xffff, v7  }
0x100: {  	[tilespmem:s5+$0x6020] =	vst.add.f32.msk $0xffff, v7  }
0x101: {  	[tilespmem:s6+$0xC0B0] =	vst.add.f32.msk $0xffff, v8  }
0x102: {  	[tilespmem:s6+$0xE0B0] =	vst.add.f32.msk $0xffff, v8  }
0x103: {  	[tilespmem:s5+$0x4030] =	vst.add.f32.msk $0xffff, v8  }
0x104: {  	[tilespmem:s5+$0x6030] =	vst.add.f32.msk $0xffff, v8  }
.Ltmp1:
0x105: {  	[tilespmem:s6+$0xC0C0] =	vst.add.f32.msk $0xffff, v9;
	(pc) =	sbr.rel @p0 .LBB2_4-.Ltmp1, $4  }
0x106: {  	[tilespmem:s6+$0xE0C0] =	vst.add.f32.msk $0xffff, v9  }
0x107: {  	[tilespmem:s5+$0x4040] =	vst.add.f32.msk $0xffff, v9  }
0x108: {  	[tilespmem:s5+$0x6040] =	vst.add.f32.msk $0xffff, v9  }
0x109: {  	s15 =	sadd.s32 $0x400, s15;
	[tilespmem:s6+$0xC0D0] =	vst.add.f32.msk $0xffff, v3  }
0x10a: {  	[tilespmem:s6+$0xE0D0] =	vst.add.f32.msk $0xffff, v3  }
0x10b: {  	[tilespmem:s6+$0xC0E0] =	vst.add.f32.msk $0xffff, v2  }
0x10c: {  	[tilespmem:s6+$0xE0E0] =	vst.add.f32.msk $0xffff, v2  }
0x10d: {  	[tilespmem:s5+$0x4050] =	vst.add.f32.msk $0xffff, v3  }
0x10e: {  	[tilespmem:s5+$0x6050] =	vst.add.f32.msk $0xffff, v3  }
0x10f: {  	[tilespmem:s5+$0x4060] =	vst.add.f32.msk $0xffff, v2  }
0x110: {  	[tilespmem:s5+$0x6060] =	vst.add.f32.msk $0xffff, v2  }
0x111: {  	s4 =	rddreg [dreg:$0x9]  }
0x112: {  	[hbm4b:s4+s10] =	stream.strided.scatter [tilespmem:s13], [sflag:$0x7], $0x8000, s11, s10, $0x38;
	[tilespmem:$0x1C080] =	vst v63  }
0x113: {  	v2 =	vld.msk [tilespmem:$0x18], $0xff;
	_ =	sdelay $0x4  }
0x114: {  	v3 =	vshll.u32 v2, $0x3  }
0x115: {  	v2 =	vand.u32 $0x7, v2;
	v3 =	vand.u32 $0xFFFFFFC0, v3  }
0x116: {  	v2 =	vor.u32 v2, v3  }
0x117: {  	v2 =	vperm.xlane v2, v0;
	_ =	sdelay $0x1  }
0x118: {  	v2 =	vadd.s32 v1, v2;
	_ =	sdelay $0x3  }
0x119: {  	s4 =	simm.s32 $0x0  }
0x11a: {  	[tilespmem:s19], [sflag:$0x2] =	stream.indirect_vreg.gather [hbm4b:s31+s4], $0x80, v2, vm0, $0xb8;
	[tilespmem:$0x1C080] =	vst v63  }
0x11b: {  	_ = 	snop  }
0x11c: {  	[tilespmem:s20], [sflag:$0x2] =	stream.indirect_vreg.gather [hbm4b:s7+s4], $0x80, v2, vm0, $0xb8;
	[tilespmem:$0x1C080] =	vst v63  }
0x11d: {  	_ = 	snop  }
0x11e: {  	[tilespmem:s21], [sflag:$0x2] =	stream.indirect_vreg.gather [hbm4b:s8+s4], $0x80, v2, vm0, $0xb8;
	[tilespmem:$0x1C080] =	vst v63  }
0x11f: {  	_ = 	snop  }
0x120: {  	[tilespmem:s22], [sflag:$0x2] =	stream.indirect_vreg.gather [hbm4b:s9+s4], $0x80, v2, vm0, $0xb8;
	[tilespmem:$0x1C080] =	vst v63  }
0x121: {  	_ =	swait.ge [sflag:s30], $0x8000  }
0x122: {  	[sflag:s30] =	ssyncset.done $0x0  }
0x123: {  	s14 =	rddreg [dreg:$0xa];
	[sflag:s30] =	ssyncadd.s32 $0xFFFF8000  }
0x124: {  	[tilespmem:s13], [sflag:$0x4] =	stream.strided.gather [hbm4b:s14+s10], $0x8000, s11, s10, $0x38;
	[tilespmem:$0x1C080] =	vst v63  }
0x125: {  	_ =	swait.ge [sflag:s0], $0x8000  }
0x126: {  	[sflag:s0] =	ssyncset.done $0x0  }
0x127: {  	[sflag:s0] =	ssyncadd.s32 $0xFFFF8000  }
0x128: {  	s15 =	sand.u32 $0x1C00, s4;
	_ =	swait.ge [sflag:s25], $0x2000  }
0x129: {  	s16 =	sor.u32 s15, s4;
	[sflag:s25] =	ssyncset.done $0x0  }
0x12a: {  	s17 =	sand.u32 $0x380, s4;
	s14 =	sor.u32 $0x70, s16;
	[sflag:s25] =	ssyncadd.s32 $0xFFFFE000  }
0x12b: {  	s6 =	sor.u32 s17, s15;
	v4 =	vld [tilespmem:s14+$0x80]  }
0x12c: {  	v5 =	vld [tilespmem:s6+$0x80]  }
0x12d: {  	v6 =	vld [tilespmem:s6+$0x90]  }
0x12e: {  	v7 =	vld [tilespmem:s6+$0xA0]  }
0x12f: {  	v8 =	vld [tilespmem:s6+$0xB0]  }
0x130: {  	v9 =	vld [tilespmem:s6+$0xC0]  }
0x131: {  	v3 =	vld [tilespmem:s6+$0xD0]  }
0x132: {  	v2 =	vld [tilespmem:s6+$0xE0]  }
0x133: {  	[tilespmem:s14+$0x14080] =	vst.add.f32.msk $0xffff, v4  }
0x134: {  	[tilespmem:s6+$0x14080] =	vst.add.f32.msk $0xffff, v5  }
0x135: {  	[tilespmem:s6+$0x16080] =	vst.add.f32.msk $0xffff, v5  }
0x136: {  	[tilespmem:s6+$0x18080] =	vst.add.f32.msk $0xffff, v5  }
0x137: {  	[tilespmem:s6+$0x1A080] =	vst.add.f32.msk $0xffff, v5  }
0x138: {  	[tilespmem:s6+$0x14090] =	vst.add.f32.msk $0xffff, v6  }
0x139: {  	[tilespmem:s6+$0x140A0] =	vst.add.f32.msk $0xffff, v7  }
0x13a: {  	[tilespmem:s6+$0x140B0] =	vst.add.f32.msk $0xffff, v8  }
0x13b: {  	[tilespmem:s6+$0x140C0] =	vst.add.f32.msk $0xffff, v9  }
0x13c: {  	s5 =	sadd.s32 $0x14080, s6;
	[tilespmem:s6+$0x140D0] =	vst.add.f32.msk $0xffff, v3  }
0x13d: {  	[tilespmem:s5+$0x6070] =	vst.add.f32.msk $0xffff, v4  }
0x13e: {  	[tilespmem:s5+$0x2070] =	vst.add.f32.msk $0xffff, v4  }
0x13f: {  	[tilespmem:s5+$0x4070] =	vst.add.f32.msk $0xffff, v4  }
0x140: {  	[tilespmem:s5+$0x2010] =	vst.add.f32.msk $0xffff, v6  }
0x141: {  	[tilespmem:s5+$0x4010] =	vst.add.f32.msk $0xffff, v6  }
0x142: {  	[tilespmem:s5+$0x6010] =	vst.add.f32.msk $0xffff, v6  }
0x143: {  	[tilespmem:s5+$0x2020] =	vst.add.f32.msk $0xffff, v7  }
0x144: {  	[tilespmem:s5+$0x4020] =	vst.add.f32.msk $0xffff, v7  }
0x145: {  	[tilespmem:s5+$0x6020] =	vst.add.f32.msk $0xffff, v7  }
0x146: {  	[tilespmem:s5+$0x2030] =	vst.add.f32.msk $0xffff, v8  }
0x147: {  	[tilespmem:s5+$0x4030] =	vst.add.f32.msk $0xffff, v8  }
0x148: {  	[tilespmem:s5+$0x6030] =	vst.add.f32.msk $0xffff, v8  }
0x149: {  	[tilespmem:s5+$0x2040] =	vst.add.f32.msk $0xffff, v9  }
0x14a: {  	[tilespmem:s5+$0x4040] =	vst.add.f32.msk $0xffff, v9  }
0x14b: {  	s15 =	simm.s32 $0x400;
	s14 =	simm.s32 $0x0;
	[tilespmem:s5+$0x6040] =	vst.add.f32.msk $0xffff, v9  }
.LBB2_6:
0x14c: {  	s16 =	sand.u32 $0x1C00, s15;
	[tilespmem:s5+$0x2050] =	vst.add.f32.msk $0xffff, v3;
	s4 =	sadd.s32 $0x10, s4  }
0x14d: {  	s14 =	sadd.s32 $0x8, s14;
	s17 =	sor.u32 s16, s4;
	[tilespmem:s5+$0x4050] =	vst.add.f32.msk $0xffff, v3  }
0x14e: {  	p0 =	slt.u32 s14, $0x1F8;
	s17 =	sor.u32 $0x70, s17;
	[tilespmem:s5+$0x6050] =	vst.add.f32.msk $0xffff, v3  }
0x14f: {  	v4 =	vld [tilespmem:s17+$0x80]  }
0x150: {  	[tilespmem:s6+$0x140E0] =	vst.add.f32.msk $0xffff, v2  }
0x151: {  	[tilespmem:s5+$0x2060] =	vst.add.f32.msk $0xffff, v2  }
0x152: {  	s6 =	sand.u32 $0x380, s4;
	[tilespmem:s5+$0x4060] =	vst.add.f32.msk $0xffff, v2  }
0x153: {  	s6 =	sor.u32 s6, s16;
	[tilespmem:s5+$0x6060] =	vst.add.f32.msk $0xffff, v2  }
0x154: {  	s5 =	sadd.s32 $0x14080, s6;
	[tilespmem:s17+$0x14080] =	vst.add.f32.msk $0xffff, v4  }
0x155: {  	[tilespmem:s5+$0x6070] =	vst.add.f32.msk $0xffff, v4  }
0x156: {  	v5 =	vld [tilespmem:s6+$0x80]  }
0x157: {  	v6 =	vld [tilespmem:s6+$0x90]  }
0x158: {  	v7 =	vld [tilespmem:s6+$0xA0]  }
0x159: {  	v8 =	vld [tilespmem:s6+$0xB0]  }
0x15a: {  	v9 =	vld [tilespmem:s6+$0xC0]  }
0x15b: {  	v3 =	vld [tilespmem:s6+$0xD0]  }
0x15c: {  	v2 =	vld [tilespmem:s6+$0xE0]  }
0x15d: {  	[tilespmem:s5+$0x2070] =	vst.add.f32.msk $0xffff, v4  }
0x15e: {  	[tilespmem:s5+$0x4070] =	vst.add.f32.msk $0xffff, v4  }
0x15f: {  	[tilespmem:s6+$0x14080] =	vst.add.f32.msk $0xffff, v5  }
0x160: {  	[tilespmem:s6+$0x16080] =	vst.add.f32.msk $0xffff, v5  }
0x161: {  	[tilespmem:s6+$0x18080] =	vst.add.f32.msk $0xffff, v5  }
0x162: {  	[tilespmem:s6+$0x1A080] =	vst.add.f32.msk $0xffff, v5  }
0x163: {  	[tilespmem:s6+$0x14090] =	vst.add.f32.msk $0xffff, v6  }
0x164: {  	[tilespmem:s5+$0x2010] =	vst.add.f32.msk $0xffff, v6  }
0x165: {  	[tilespmem:s5+$0x4010] =	vst.add.f32.msk $0xffff, v6  }
0x166: {  	[tilespmem:s5+$0x6010] =	vst.add.f32.msk $0xffff, v6  }
0x167: {  	[tilespmem:s6+$0x140A0] =	vst.add.f32.msk $0xffff, v7  }
0x168: {  	[tilespmem:s5+$0x2020] =	vst.add.f32.msk $0xffff, v7  }
0x169: {  	[tilespmem:s5+$0x4020] =	vst.add.f32.msk $0xffff, v7  }
0x16a: {  	[tilespmem:s5+$0x6020] =	vst.add.f32.msk $0xffff, v7  }
0x16b: {  	[tilespmem:s6+$0x140B0] =	vst.add.f32.msk $0xffff, v8  }
0x16c: {  	[tilespmem:s5+$0x2030] =	vst.add.f32.msk $0xffff, v8  }
0x16d: {  	[tilespmem:s5+$0x4030] =	vst.add.f32.msk $0xffff, v8  }
0x16e: {  	[tilespmem:s5+$0x6030] =	vst.add.f32.msk $0xffff, v8  }
.Ltmp2:
0x16f: {  	[tilespmem:s6+$0x140C0] =	vst.add.f32.msk $0xffff, v9;
	(pc) =	sbr.rel @p0 .LBB2_6-.Ltmp2, $4  }
0x170: {  	[tilespmem:s5+$0x2040] =	vst.add.f32.msk $0xffff, v9  }
0x171: {  	[tilespmem:s5+$0x4040] =	vst.add.f32.msk $0xffff, v9  }
0x172: {  	[tilespmem:s5+$0x6040] =	vst.add.f32.msk $0xffff, v9  }
0x173: {  	s15 =	sadd.s32 $0x400, s15;
	[tilespmem:s6+$0x140D0] =	vst.add.f32.msk $0xffff, v3  }
0x174: {  	[tilespmem:s5+$0x2050] =	vst.add.f32.msk $0xffff, v3  }
0x175: {  	[tilespmem:s5+$0x4050] =	vst.add.f32.msk $0xffff, v3  }
0x176: {  	[tilespmem:s5+$0x6050] =	vst.add.f32.msk $0xffff, v3  }
0x177: {  	[tilespmem:s6+$0x140E0] =	vst.add.f32.msk $0xffff, v2  }
0x178: {  	[tilespmem:s5+$0x2060] =	vst.add.f32.msk $0xffff, v2  }
0x179: {  	[tilespmem:s5+$0x4060] =	vst.add.f32.msk $0xffff, v2  }
0x17a: {  	[tilespmem:s5+$0x6060] =	vst.add.f32.msk $0xffff, v2  }
0x17b: {  	s4 =	rddreg [dreg:$0xb]  }
0x17c: {  	[hbm4b:s4+s10] =	stream.strided.scatter [tilespmem:s23], [sflag:$0x8], $0x8000, s11, s10, $0x38;
	[tilespmem:$0x1C080] =	vst v63  }
0x17d: {  	v2 =	vld.msk [tilespmem:$0x20], $0xff;
	_ =	sdelay $0x4  }
0x17e: {  	v3 =	vshll.u32 v2, $0x3  }
0x17f: {  	v2 =	vand.u32 $0x7, v2;
	v3 =	vand.u32 $0xFFFFFFC0, v3  }
0x180: {  	v2 =	vor.u32 v2, v3  }
0x181: {  	v2 =	vperm.xlane v2, v0;
	_ =	sdelay $0x1  }
0x182: {  	v2 =	vadd.s32 v1, v2;
	_ =	sdelay $0x3  }
0x183: {  	s17 =	simm.s32 $0x80;
	s4 =	simm.s32 $0x0  }
0x184: {  	[tilespmem:s17], [sflag:$0x1] =	stream.indirect_vreg.gather [hbm4b:s31+s4], $0x80, v2, vm0, $0xb8;
	[tilespmem:$0x1C080] =	vst v63  }
0x185: {  	s6 =	simm.s32 $0x880  }
0x186: {  	[tilespmem:s6], [sflag:$0x1] =	stream.indirect_vreg.gather [hbm4b:s7+s4], $0x80, v2, vm0, $0xb8;
	[tilespmem:$0x1C080] =	vst v63  }
0x187: {  	s14 =	simm.s32 $0x1080  }
0x188: {  	[tilespmem:s14], [sflag:$0x1] =	stream.indirect_vreg.gather [hbm4b:s8+s4], $0x80, v2, vm0, $0xb8;
	[tilespmem:$0x1C080] =	vst v63  }
0x189: {  	_ = 	snop  }
0x18a: {  	[tilespmem:s18], [sflag:$0x1] =	stream.indirect_vreg.gather [hbm4b:s9+s4], $0x80, v2, vm0, $0xb8;
	[tilespmem:$0x1C080] =	vst v63  }
0x18b: {  	_ =	swait.ge [sflag:s2], $0x8000  }
0x18c: {  	[sflag:s2] =	ssyncset.done $0x0  }
0x18d: {  	s15 =	rddreg [dreg:$0xc];
	[sflag:s2] =	ssyncadd.s32 $0xFFFF8000  }
0x18e: {  	[tilespmem:s23], [sflag:$0x5] =	stream.strided.gather [hbm4b:s15+s10], $0x8000, s11, s10, $0x38;
	[tilespmem:$0x1C080] =	vst v63  }
0x18f: {  	_ =	swait.ge [sflag:s24], $0x8000  }
0x190: {  	[sflag:s24] =	ssyncset.done $0x0  }
0x191: {  	[sflag:s24] =	ssyncadd.s32 $0xFFFF8000  }
0x192: {  	s16 =	sand.u32 $0x1C00, s4;
	_ =	swait.ge [sflag:s29], $0x2000  }
0x193: {  	s17 =	sor.u32 s16, s4;
	[sflag:s29] =	ssyncset.done $0x0  }
0x194: {  	s6 =	sor.u32 $0x70, s17;
	s14 =	sand.u32 $0x380, s4;
	[sflag:s29] =	ssyncadd.s32 $0xFFFFE000  }
0x195: {  	s5 =	sor.u32 s14, s16;
	v4 =	vld [tilespmem:s6+$0x2080]  }
0x196: {  	v5 =	vld [tilespmem:s5+$0x2080]  }
0x197: {  	v6 =	vld [tilespmem:s5+$0x2090]  }
0x198: {  	v7 =	vld [tilespmem:s5+$0x20A0]  }
0x199: {  	v8 =	vld [tilespmem:s5+$0x20B0]  }
0x19a: {  	v9 =	vld [tilespmem:s5+$0x20C0]  }
0x19b: {  	v3 =	vld [tilespmem:s5+$0x20D0]  }
0x19c: {  	v2 =	vld [tilespmem:s5+$0x20E0]  }
0x19d: {  	[tilespmem:s6+$0x4080] =	vst.add.f32.msk $0xffff, v4  }
0x19e: {  	[tilespmem:s5+$0x4080] =	vst.add.f32.msk $0xffff, v5  }
0x19f: {  	[tilespmem:s5+$0x6080] =	vst.add.f32.msk $0xffff, v5  }
0x1a0: {  	[tilespmem:s5+$0x8080] =	vst.add.f32.msk $0xffff, v5  }
0x1a1: {  	[tilespmem:s5+$0xA080] =	vst.add.f32.msk $0xffff, v5  }
0x1a2: {  	[tilespmem:s5+$0x4090] =	vst.add.f32.msk $0xffff, v6  }
0x1a3: {  	[tilespmem:s5+$0x6090] =	vst.add.f32.msk $0xffff, v6  }
0x1a4: {  	[tilespmem:s5+$0x8090] =	vst.add.f32.msk $0xffff, v6  }
0x1a5: {  	[tilespmem:s5+$0xA090] =	vst.add.f32.msk $0xffff, v6  }
0x1a6: {  	[tilespmem:s5+$0x40A0] =	vst.add.f32.msk $0xffff, v7  }
0x1a7: {  	[tilespmem:s5+$0x60A0] =	vst.add.f32.msk $0xffff, v7  }
0x1a8: {  	[tilespmem:s5+$0x80A0] =	vst.add.f32.msk $0xffff, v7  }
0x1a9: {  	[tilespmem:s5+$0xA0A0] =	vst.add.f32.msk $0xffff, v7  }
0x1aa: {  	[tilespmem:s5+$0x40B0] =	vst.add.f32.msk $0xffff, v8  }
0x1ab: {  	[tilespmem:s5+$0x60B0] =	vst.add.f32.msk $0xffff, v8  }
0x1ac: {  	[tilespmem:s5+$0x80B0] =	vst.add.f32.msk $0xffff, v8  }
0x1ad: {  	[tilespmem:s5+$0xA0B0] =	vst.add.f32.msk $0xffff, v8  }
0x1ae: {  	[tilespmem:s5+$0x40C0] =	vst.add.f32.msk $0xffff, v9  }
0x1af: {  	[tilespmem:s5+$0x60C0] =	vst.add.f32.msk $0xffff, v9  }
0x1b0: {  	[tilespmem:s5+$0x80C0] =	vst.add.f32.msk $0xffff, v9  }
0x1b1: {  	[tilespmem:s5+$0xA0C0] =	vst.add.f32.msk $0xffff, v9  }
0x1b2: {  	[tilespmem:s5+$0x40D0] =	vst.add.f32.msk $0xffff, v3  }
0x1b3: {  	[tilespmem:s5+$0xA0F0] =	vst.add.f32.msk $0xffff, v4  }
0x1b4: {  	[tilespmem:s5+$0x60F0] =	vst.add.f32.msk $0xffff, v4  }
0x1b5: {  	s14 =	simm.s32 $0x400;
	s6 =	simm.s32 $0x0;
	[tilespmem:s5+$0x80F0] =	vst.add.f32.msk $0xffff, v4  }
.LBB2_8:
0x1b6: {  	s15 =	sand.u32 $0x1C00, s14;
	[tilespmem:s5+$0x60D0] =	vst.add.f32.msk $0xffff, v3;
	s4 =	sadd.s32 $0x10, s4  }
0x1b7: {  	s6 =	sadd.s32 $0x8, s6;
	s16 =	sor.u32 s15, s4;
	[tilespmem:s5+$0x80D0] =	vst.add.f32.msk $0xffff, v3  }
0x1b8: {  	p0 =	slt.u32 s6, $0x1F8;
	s16 =	sor.u32 $0x70, s16;
	[tilespmem:s5+$0xA0D0] =	vst.add.f32.msk $0xffff, v3  }
0x1b9: {  	v4 =	vld [tilespmem:s16+$0x2080]  }
0x1ba: {  	[tilespmem:s5+$0x40E0] =	vst.add.f32.msk $0xffff, v2  }
0x1bb: {  	[tilespmem:s5+$0x60E0] =	vst.add.f32.msk $0xffff, v2  }
0x1bc: {  	[tilespmem:s5+$0x80E0] =	vst.add.f32.msk $0xffff, v2  }
0x1bd: {  	s17 =	sand.u32 $0x380, s4;
	[tilespmem:s5+$0xA0E0] =	vst.add.f32.msk $0xffff, v2  }
0x1be: {  	s5 =	sor.u32 s17, s15;
	[tilespmem:s16+$0x4080] =	vst.add.f32.msk $0xffff, v4  }
0x1bf: {  	[tilespmem:s5+$0xA0F0] =	vst.add.f32.msk $0xffff, v4  }
0x1c0: {  	v5 =	vld [tilespmem:s5+$0x2080]  }
0x1c1: {  	v6 =	vld [tilespmem:s5+$0x2090]  }
0x1c2: {  	v7 =	vld [tilespmem:s5+$0x20A0]  }
0x1c3: {  	v8 =	vld [tilespmem:s5+$0x20B0]  }
0x1c4: {  	v9 =	vld [tilespmem:s5+$0x20C0]  }
0x1c5: {  	v3 =	vld [tilespmem:s5+$0x20D0]  }
0x1c6: {  	v2 =	vld [tilespmem:s5+$0x20E0]  }
0x1c7: {  	[tilespmem:s5+$0x60F0] =	vst.add.f32.msk $0xffff, v4  }
0x1c8: {  	[tilespmem:s5+$0x80F0] =	vst.add.f32.msk $0xffff, v4  }
0x1c9: {  	[tilespmem:s5+$0x4080] =	vst.add.f32.msk $0xffff, v5  }
0x1ca: {  	[tilespmem:s5+$0x6080] =	vst.add.f32.msk $0xffff, v5  }
0x1cb: {  	[tilespmem:s5+$0x8080] =	vst.add.f32.msk $0xffff, v5  }
0x1cc: {  	[tilespmem:s5+$0xA080] =	vst.add.f32.msk $0xffff, v5  }
0x1cd: {  	[tilespmem:s5+$0x4090] =	vst.add.f32.msk $0xffff, v6  }
0x1ce: {  	[tilespmem:s5+$0x6090] =	vst.add.f32.msk $0xffff, v6  }
0x1cf: {  	[tilespmem:s5+$0x8090] =	vst.add.f32.msk $0xffff, v6  }
0x1d0: {  	[tilespmem:s5+$0xA090] =	vst.add.f32.msk $0xffff, v6  }
0x1d1: {  	[tilespmem:s5+$0x40A0] =	vst.add.f32.msk $0xffff, v7  }
0x1d2: {  	[tilespmem:s5+$0x60A0] =	vst.add.f32.msk $0xffff, v7  }
0x1d3: {  	[tilespmem:s5+$0x80A0] =	vst.add.f32.msk $0xffff, v7  }
0x1d4: {  	[tilespmem:s5+$0xA0A0] =	vst.add.f32.msk $0xffff, v7  }
0x1d5: {  	[tilespmem:s5+$0x40B0] =	vst.add.f32.msk $0xffff, v8  }
0x1d6: {  	[tilespmem:s5+$0x60B0] =	vst.add.f32.msk $0xffff, v8  }
0x1d7: {  	[tilespmem:s5+$0x80B0] =	vst.add.f32.msk $0xffff, v8  }
0x1d8: {  	[tilespmem:s5+$0xA0B0] =	vst.add.f32.msk $0xffff, v8  }
.Ltmp3:
0x1d9: {  	[tilespmem:s5+$0x40C0] =	vst.add.f32.msk $0xffff, v9;
	(pc) =	sbr.rel @p0 .LBB2_8-.Ltmp3, $4  }
0x1da: {  	[tilespmem:s5+$0x60C0] =	vst.add.f32.msk $0xffff, v9  }
0x1db: {  	[tilespmem:s5+$0x80C0] =	vst.add.f32.msk $0xffff, v9  }
0x1dc: {  	[tilespmem:s5+$0xA0C0] =	vst.add.f32.msk $0xffff, v9  }
0x1dd: {  	s14 =	sadd.s32 $0x400, s14;
	[tilespmem:s5+$0x40D0] =	vst.add.f32.msk $0xffff, v3  }
0x1de: {  	[tilespmem:s5+$0x60D0] =	vst.add.f32.msk $0xffff, v3  }
0x1df: {  	[tilespmem:s5+$0x80D0] =	vst.add.f32.msk $0xffff, v3  }
0x1e0: {  	[tilespmem:s5+$0xA0D0] =	vst.add.f32.msk $0xffff, v3  }
0x1e1: {  	[tilespmem:s5+$0x40E0] =	vst.add.f32.msk $0xffff, v2  }
0x1e2: {  	[tilespmem:s5+$0x60E0] =	vst.add.f32.msk $0xffff, v2  }
0x1e3: {  	[tilespmem:s5+$0x80E0] =	vst.add.f32.msk $0xffff, v2  }
0x1e4: {  	[tilespmem:s5+$0xA0E0] =	vst.add.f32.msk $0xffff, v2  }
0x1e5: {  	s4 =	rddreg [dreg:$0xd]  }
0x1e6: {  	[hbm4b:s4+s10] =	stream.strided.scatter [tilespmem:s12], [sflag:$0x6], $0x8000, s11, s10, $0x38;
	[tilespmem:$0x1C080] =	vst v63  }
0x1e7: {  	v2 =	vld.msk [tilespmem:$0x28], $0xff;
	_ =	sdelay $0x4  }
0x1e8: {  	v3 =	vshll.u32 v2, $0x3  }
0x1e9: {  	v2 =	vand.u32 $0x7, v2;
	v3 =	vand.u32 $0xFFFFFFC0, v3  }
0x1ea: {  	v2 =	vor.u32 v2, v3  }
0x1eb: {  	v2 =	vperm.xlane v2, v0;
	_ =	sdelay $0x1  }
0x1ec: {  	v2 =	vadd.s32 v1, v2;
	_ =	sdelay $0x3  }
0x1ed: {  	s4 =	simm.s32 $0x0  }
0x1ee: {  	[tilespmem:s19], [sflag:$0x2] =	stream.indirect_vreg.gather [hbm4b:s31+s4], $0x80, v2, vm0, $0xb8;
	[tilespmem:$0x1C080] =	vst v63  }
0x1ef: {  	_ = 	snop  }
0x1f0: {  	[tilespmem:s20], [sflag:$0x2] =	stream.indirect_vreg.gather [hbm4b:s7+s4], $0x80, v2, vm0, $0xb8;
	[tilespmem:$0x1C080] =	vst v63  }
0x1f1: {  	_ = 	snop  }
0x1f2: {  	[tilespmem:s21], [sflag:$0x2] =	stream.indirect_vreg.gather [hbm4b:s8+s4], $0x80, v2, vm0, $0xb8;
	[tilespmem:$0x1C080] =	vst v63  }
0x1f3: {  	_ = 	snop  }
0x1f4: {  	[tilespmem:s22], [sflag:$0x2] =	stream.indirect_vreg.gather [hbm4b:s9+s4], $0x80, v2, vm0, $0xb8;
	[tilespmem:$0x1C080] =	vst v63  }
0x1f5: {  	_ =	swait.ge [sflag:s26], $0x8000  }
0x1f6: {  	[sflag:s26] =	ssyncset.done $0x0  }
0x1f7: {  	s15 =	rddreg [dreg:$0xe];
	[sflag:s26] =	ssyncadd.s32 $0xFFFF8000  }
0x1f8: {  	[tilespmem:s12], [sflag:$0x3] =	stream.strided.gather [hbm4b:s15+s10], $0x8000, s11, s10, $0x38;
	[tilespmem:$0x1C080] =	vst v63  }
0x1f9: {  	_ =	swait.ge [sflag:s28], $0x8000  }
0x1fa: {  	[sflag:s28] =	ssyncset.done $0x0  }
0x1fb: {  	[sflag:s28] =	ssyncadd.s32 $0xFFFF8000  }
0x1fc: {  	s16 =	sand.u32 $0x1C00, s4;
	_ =	swait.ge [sflag:s25], $0x2000  }
0x1fd: {  	s6 =	sor.u32 s16, s4;
	[sflag:s25] =	ssyncset.done $0x0  }
0x1fe: {  	s17 =	sand.u32 $0x380, s4;
	s14 =	sor.u32 $0x70, s6;
	[sflag:s25] =	ssyncadd.s32 $0xFFFFE000  }
0x1ff: {  	s6 =	sor.u32 s17, s16;
	v4 =	vld [tilespmem:s14+$0x80]  }
0x200: {  	v5 =	vld [tilespmem:s6+$0x80]  }
0x201: {  	v6 =	vld [tilespmem:s6+$0x90]  }
0x202: {  	v7 =	vld [tilespmem:s6+$0xA0]  }
0x203: {  	v8 =	vld [tilespmem:s6+$0xB0]  }
0x204: {  	v9 =	vld [tilespmem:s6+$0xC0]  }
0x205: {  	v3 =	vld [tilespmem:s6+$0xD0]  }
0x206: {  	v2 =	vld [tilespmem:s6+$0xE0]  }
0x207: {  	[tilespmem:s14+$0xC080] =	vst.add.f32.msk $0xffff, v4  }
0x208: {  	[tilespmem:s6+$0xC080] =	vst.add.f32.msk $0xffff, v5  }
0x209: {  	[tilespmem:s6+$0xE080] =	vst.add.f32.msk $0xffff, v5  }
0x20a: {  	[tilespmem:s6+$0x10080] =	vst.add.f32.msk $0xffff, v5  }
0x20b: {  	[tilespmem:s6+$0x12080] =	vst.add.f32.msk $0xffff, v5  }
0x20c: {  	[tilespmem:s6+$0xC090] =	vst.add.f32.msk $0xffff, v6  }
0x20d: {  	[tilespmem:s6+$0xE090] =	vst.add.f32.msk $0xffff, v6  }
0x20e: {  	[tilespmem:s6+$0xC0A0] =	vst.add.f32.msk $0xffff, v7  }
0x20f: {  	[tilespmem:s6+$0xE0A0] =	vst.add.f32.msk $0xffff, v7  }
0x210: {  	[tilespmem:s6+$0xC0B0] =	vst.add.f32.msk $0xffff, v8  }
0x211: {  	[tilespmem:s6+$0xE0B0] =	vst.add.f32.msk $0xffff, v8  }
0x212: {  	[tilespmem:s6+$0xC0C0] =	vst.add.f32.msk $0xffff, v9  }
0x213: {  	[tilespmem:s6+$0xE0C0] =	vst.add.f32.msk $0xffff, v9  }
0x214: {  	[tilespmem:s6+$0xC0D0] =	vst.add.f32.msk $0xffff, v3  }
0x215: {  	s5 =	sadd.s32 $0xC080, s6;
	[tilespmem:s6+$0xE0F0] =	vst.add.f32.msk $0xffff, v4  }
0x216: {  	[tilespmem:s5+$0x4010] =	vst.add.f32.msk $0xffff, v6  }
0x217: {  	[tilespmem:s5+$0x6010] =	vst.add.f32.msk $0xffff, v6  }
0x218: {  	[tilespmem:s5+$0x4020] =	vst.add.f32.msk $0xffff, v7  }
0x219: {  	[tilespmem:s5+$0x6020] =	vst.add.f32.msk $0xffff, v7  }
0x21a: {  	[tilespmem:s5+$0x4030] =	vst.add.f32.msk $0xffff, v8  }
0x21b: {  	[tilespmem:s5+$0x6030] =	vst.add.f32.msk $0xffff, v8  }
0x21c: {  	[tilespmem:s5+$0x4040] =	vst.add.f32.msk $0xffff, v9  }
0x21d: {  	[tilespmem:s5+$0x6040] =	vst.add.f32.msk $0xffff, v9  }
0x21e: {  	[tilespmem:s5+$0x6070] =	vst.add.f32.msk $0xffff, v4  }
0x21f: {  	s15 =	simm.s32 $0x400;
	s14 =	simm.s32 $0x0;
	[tilespmem:s5+$0x4070] =	vst.add.f32.msk $0xffff, v4  }
.LBB2_10:
0x220: {  	s16 =	sand.u32 $0x1C00, s15;
	[tilespmem:s6+$0xE0D0] =	vst.add.f32.msk $0xffff, v3;
	s4 =	sadd.s32 $0x10, s4  }
0x221: {  	s17 =	sor.u32 s16, s4;
	[tilespmem:s5+$0x4050] =	vst.add.f32.msk $0xffff, v3  }
0x222: {  	s14 =	sadd.s32 $0x8, s14;
	s17 =	sor.u32 $0x70, s17;
	[tilespmem:s5+$0x6050] =	vst.add.f32.msk $0xffff, v3  }
0x223: {  	p0 =	slt.u32 s14, $0x1F8;
	v4 =	vld [tilespmem:s17+$0x80]  }
0x224: {  	[tilespmem:s6+$0xC0E0] =	vst.add.f32.msk $0xffff, v2  }
0x225: {  	[tilespmem:s6+$0xE0E0] =	vst.add.f32.msk $0xffff, v2  }
0x226: {  	[tilespmem:s5+$0x4060] =	vst.add.f32.msk $0xffff, v2  }
0x227: {  	s6 =	sand.u32 $0x380, s4;
	[tilespmem:s5+$0x6060] =	vst.add.f32.msk $0xffff, v2  }
0x228: {  	s6 =	sor.u32 s6, s16;
	[tilespmem:s17+$0xC080] =	vst.add.f32.msk $0xffff, v4  }
0x229: {  	s5 =	sadd.s32 $0xC080, s6;
	[tilespmem:s6+$0xE0F0] =	vst.add.f32.msk $0xffff, v4  }
0x22a: {  	[tilespmem:s5+$0x6070] =	vst.add.f32.msk $0xffff, v4  }
0x22b: {  	v5 =	vld [tilespmem:s6+$0x80]  }
0x22c: {  	v6 =	vld [tilespmem:s6+$0x90]  }
0x22d: {  	v7 =	vld [tilespmem:s6+$0xA0]  }
0x22e: {  	v8 =	vld [tilespmem:s6+$0xB0]  }
0x22f: {  	v9 =	vld [tilespmem:s6+$0xC0]  }
0x230: {  	v3 =	vld [tilespmem:s6+$0xD0]  }
0x231: {  	v2 =	vld [tilespmem:s6+$0xE0]  }
0x232: {  	[tilespmem:s5+$0x4070] =	vst.add.f32.msk $0xffff, v4  }
0x233: {  	[tilespmem:s6+$0xC080] =	vst.add.f32.msk $0xffff, v5  }
0x234: {  	[tilespmem:s6+$0xE080] =	vst.add.f32.msk $0xffff, v5  }
0x235: {  	[tilespmem:s6+$0x10080] =	vst.add.f32.msk $0xffff, v5  }
0x236: {  	[tilespmem:s6+$0x12080] =	vst.add.f32.msk $0xffff, v5  }
0x237: {  	[tilespmem:s6+$0xC090] =	vst.add.f32.msk $0xffff, v6  }
0x238: {  	[tilespmem:s6+$0xE090] =	vst.add.f32.msk $0xffff, v6  }
0x239: {  	[tilespmem:s5+$0x4010] =	vst.add.f32.msk $0xffff, v6  }
0x23a: {  	[tilespmem:s5+$0x6010] =	vst.add.f32.msk $0xffff, v6  }
0x23b: {  	[tilespmem:s6+$0xC0A0] =	vst.add.f32.msk $0xffff, v7  }
0x23c: {  	[tilespmem:s6+$0xE0A0] =	vst.add.f32.msk $0xffff, v7  }
0x23d: {  	[tilespmem:s5+$0x4020] =	vst.add.f32.msk $0xffff, v7  }
0x23e: {  	[tilespmem:s5+$0x6020] =	vst.add.f32.msk $0xffff, v7  }
0x23f: {  	[tilespmem:s6+$0xC0B0] =	vst.add.f32.msk $0xffff, v8  }
0x240: {  	[tilespmem:s6+$0xE0B0] =	vst.add.f32.msk $0xffff, v8  }
0x241: {  	[tilespmem:s5+$0x4030] =	vst.add.f32.msk $0xffff, v8  }
0x242: {  	[tilespmem:s5+$0x6030] =	vst.add.f32.msk $0xffff, v8  }
.Ltmp4:
0x243: {  	[tilespmem:s6+$0xC0C0] =	vst.add.f32.msk $0xffff, v9;
	(pc) =	sbr.rel @p0 .LBB2_10-.Ltmp4, $4  }
0x244: {  	[tilespmem:s6+$0xE0C0] =	vst.add.f32.msk $0xffff, v9  }
0x245: {  	[tilespmem:s5+$0x4040] =	vst.add.f32.msk $0xffff, v9  }
0x246: {  	[tilespmem:s5+$0x6040] =	vst.add.f32.msk $0xffff, v9  }
0x247: {  	s15 =	sadd.s32 $0x400, s15;
	[tilespmem:s6+$0xC0D0] =	vst.add.f32.msk $0xffff, v3  }
0x248: {  	[tilespmem:s6+$0xE0D0] =	vst.add.f32.msk $0xffff, v3  }
0x249: {  	[tilespmem:s6+$0xC0E0] =	vst.add.f32.msk $0xffff, v2  }
0x24a: {  	[tilespmem:s6+$0xE0E0] =	vst.add.f32.msk $0xffff, v2  }
0x24b: {  	[tilespmem:s5+$0x4050] =	vst.add.f32.msk $0xffff, v3  }
0x24c: {  	[tilespmem:s5+$0x6050] =	vst.add.f32.msk $0xffff, v3  }
0x24d: {  	[tilespmem:s5+$0x4060] =	vst.add.f32.msk $0xffff, v2  }
0x24e: {  	[tilespmem:s5+$0x6060] =	vst.add.f32.msk $0xffff, v2  }
0x24f: {  	s4 =	rddreg [dreg:$0xf]  }
0x250: {  	[hbm4b:s4+s10] =	stream.strided.scatter [tilespmem:s13], [sflag:$0x7], $0x8000, s11, s10, $0x38;
	[tilespmem:$0x1C080] =	vst v63  }
0x251: {  	v2 =	vld.msk [tilespmem:$0x30], $0xff;
	_ =	sdelay $0x4  }
0x252: {  	v3 =	vshll.u32 v2, $0x3  }
0x253: {  	v2 =	vand.u32 $0x7, v2;
	v3 =	vand.u32 $0xFFFFFFC0, v3  }
0x254: {  	v2 =	vor.u32 v2, v3  }
0x255: {  	v2 =	vperm.xlane v2, v0;
	_ =	sdelay $0x1  }
0x256: {  	v2 =	vadd.s32 v1, v2;
	_ =	sdelay $0x3  }
0x257: {  	s16 =	simm.s32 $0x80;
	s4 =	simm.s32 $0x0  }
0x258: {  	[tilespmem:s16], [sflag:$0x1] =	stream.indirect_vreg.gather [hbm4b:s31+s4], $0x80, v2, vm0, $0xb8;
	[tilespmem:$0x1C080] =	vst v63  }
0x259: {  	s17 =	simm.s32 $0x880  }
0x25a: {  	[tilespmem:s17], [sflag:$0x1] =	stream.indirect_vreg.gather [hbm4b:s7+s4], $0x80, v2, vm0, $0xb8;
	[tilespmem:$0x1C080] =	vst v63  }
0x25b: {  	s6 =	simm.s32 $0x1080  }
0x25c: {  	[tilespmem:s6], [sflag:$0x1] =	stream.indirect_vreg.gather [hbm4b:s8+s4], $0x80, v2, vm0, $0xb8;
	[tilespmem:$0x1C080] =	vst v63  }
0x25d: {  	_ = 	snop  }
0x25e: {  	[tilespmem:s18], [sflag:$0x1] =	stream.indirect_vreg.gather [hbm4b:s9+s4], $0x80, v2, vm0, $0xb8;
	[tilespmem:$0x1C080] =	vst v63  }
0x25f: {  	_ =	swait.ge [sflag:s30], $0x8000  }
0x260: {  	[sflag:s30] =	ssyncset.done $0x0  }
0x261: {  	s14 =	rddreg [dreg:$0x10];
	[sflag:s30] =	ssyncadd.s32 $0xFFFF8000  }
0x262: {  	[tilespmem:s13], [sflag:$0x4] =	stream.strided.gather [hbm4b:s14+s10], $0x8000, s11, s10, $0x38;
	[tilespmem:$0x1C080] =	vst v63  }
0x263: {  	_ =	swait.ge [sflag:s0], $0x8000  }
0x264: {  	[sflag:s0] =	ssyncset.done $0x0  }
0x265: {  	[sflag:s0] =	ssyncadd.s32 $0xFFFF8000  }
0x266: {  	s15 =	sand.u32 $0x1C00, s4;
	_ =	swait.ge [sflag:s29], $0x2000  }
0x267: {  	s16 =	sor.u32 s15, s4;
	[sflag:s29] =	ssyncset.done $0x0  }
0x268: {  	s17 =	sand.u32 $0x380, s4;
	s14 =	sor.u32 $0x70, s16;
	[sflag:s29] =	ssyncadd.s32 $0xFFFFE000  }
0x269: {  	s6 =	sor.u32 s17, s15;
	v4 =	vld [tilespmem:s14+$0x2080]  }
0x26a: {  	v5 =	vld [tilespmem:s6+$0x2080]  }
0x26b: {  	v6 =	vld [tilespmem:s6+$0x2090]  }
0x26c: {  	v7 =	vld [tilespmem:s6+$0x20A0]  }
0x26d: {  	v8 =	vld [tilespmem:s6+$0x20B0]  }
0x26e: {  	v9 =	vld [tilespmem:s6+$0x20C0]  }
0x26f: {  	v3 =	vld [tilespmem:s6+$0x20D0]  }
0x270: {  	v2 =	vld [tilespmem:s6+$0x20E0]  }
0x271: {  	[tilespmem:s14+$0x14080] =	vst.add.f32.msk $0xffff, v4  }
0x272: {  	[tilespmem:s6+$0x14080] =	vst.add.f32.msk $0xffff, v5  }
0x273: {  	[tilespmem:s6+$0x16080] =	vst.add.f32.msk $0xffff, v5  }
0x274: {  	[tilespmem:s6+$0x18080] =	vst.add.f32.msk $0xffff, v5  }
0x275: {  	[tilespmem:s6+$0x1A080] =	vst.add.f32.msk $0xffff, v5  }
0x276: {  	[tilespmem:s6+$0x14090] =	vst.add.f32.msk $0xffff, v6  }
0x277: {  	[tilespmem:s6+$0x140A0] =	vst.add.f32.msk $0xffff, v7  }
0x278: {  	[tilespmem:s6+$0x140B0] =	vst.add.f32.msk $0xffff, v8  }
0x279: {  	[tilespmem:s6+$0x140C0] =	vst.add.f32.msk $0xffff, v9  }
0x27a: {  	s5 =	sadd.s32 $0x14080, s6;
	[tilespmem:s6+$0x140D0] =	vst.add.f32.msk $0xffff, v3  }
0x27b: {  	[tilespmem:s5+$0x6070] =	vst.add.f32.msk $0xffff, v4  }
0x27c: {  	[tilespmem:s5+$0x2070] =	vst.add.f32.msk $0xffff, v4  }
0x27d: {  	[tilespmem:s5+$0x4070] =	vst.add.f32.msk $0xffff, v4  }
0x27e: {  	[tilespmem:s5+$0x2010] =	vst.add.f32.msk $0xffff, v6  }
0x27f: {  	[tilespmem:s5+$0x4010] =	vst.add.f32.msk $0xffff, v6  }
0x280: {  	[tilespmem:s5+$0x6010] =	vst.add.f32.msk $0xffff, v6  }
0x281: {  	[tilespmem:s5+$0x2020] =	vst.add.f32.msk $0xffff, v7  }
0x282: {  	[tilespmem:s5+$0x4020] =	vst.add.f32.msk $0xffff, v7  }
0x283: {  	[tilespmem:s5+$0x6020] =	vst.add.f32.msk $0xffff, v7  }
0x284: {  	[tilespmem:s5+$0x2030] =	vst.add.f32.msk $0xffff, v8  }
0x285: {  	[tilespmem:s5+$0x4030] =	vst.add.f32.msk $0xffff, v8  }
0x286: {  	[tilespmem:s5+$0x6030] =	vst.add.f32.msk $0xffff, v8  }
0x287: {  	[tilespmem:s5+$0x2040] =	vst.add.f32.msk $0xffff, v9  }
0x288: {  	[tilespmem:s5+$0x4040] =	vst.add.f32.msk $0xffff, v9  }
0x289: {  	s15 =	simm.s32 $0x400;
	s14 =	simm.s32 $0x0;
	[tilespmem:s5+$0x6040] =	vst.add.f32.msk $0xffff, v9  }
.LBB2_12:
0x28a: {  	s16 =	sand.u32 $0x1C00, s15;
	[tilespmem:s5+$0x2050] =	vst.add.f32.msk $0xffff, v3;
	s4 =	sadd.s32 $0x10, s4  }
0x28b: {  	s14 =	sadd.s32 $0x8, s14;
	s17 =	sor.u32 s16, s4;
	[tilespmem:s5+$0x4050] =	vst.add.f32.msk $0xffff, v3  }
0x28c: {  	p0 =	slt.u32 s14, $0x1F8;
	s17 =	sor.u32 $0x70, s17;
	[tilespmem:s5+$0x6050] =	vst.add.f32.msk $0xffff, v3  }
0x28d: {  	v4 =	vld [tilespmem:s17+$0x2080]  }
0x28e: {  	[tilespmem:s6+$0x140E0] =	vst.add.f32.msk $0xffff, v2  }
0x28f: {  	[tilespmem:s5+$0x2060] =	vst.add.f32.msk $0xffff, v2  }
0x290: {  	s6 =	sand.u32 $0x380, s4;
	[tilespmem:s5+$0x4060] =	vst.add.f32.msk $0xffff, v2  }
0x291: {  	s6 =	sor.u32 s6, s16;
	[tilespmem:s5+$0x6060] =	vst.add.f32.msk $0xffff, v2  }
0x292: {  	s5 =	sadd.s32 $0x14080, s6;
	[tilespmem:s17+$0x14080] =	vst.add.f32.msk $0xffff, v4  }
0x293: {  	[tilespmem:s5+$0x6070] =	vst.add.f32.msk $0xffff, v4  }
0x294: {  	v5 =	vld [tilespmem:s6+$0x2080]  }
0x295: {  	v6 =	vld [tilespmem:s6+$0x2090]  }
0x296: {  	v7 =	vld [tilespmem:s6+$0x20A0]  }
0x297: {  	v8 =	vld [tilespmem:s6+$0x20B0]  }
0x298: {  	v9 =	vld [tilespmem:s6+$0x20C0]  }
0x299: {  	v3 =	vld [tilespmem:s6+$0x20D0]  }
0x29a: {  	v2 =	vld [tilespmem:s6+$0x20E0]  }
0x29b: {  	[tilespmem:s5+$0x2070] =	vst.add.f32.msk $0xffff, v4  }
0x29c: {  	[tilespmem:s5+$0x4070] =	vst.add.f32.msk $0xffff, v4  }
0x29d: {  	[tilespmem:s6+$0x14080] =	vst.add.f32.msk $0xffff, v5  }
0x29e: {  	[tilespmem:s6+$0x16080] =	vst.add.f32.msk $0xffff, v5  }
0x29f: {  	[tilespmem:s6+$0x18080] =	vst.add.f32.msk $0xffff, v5  }
0x2a0: {  	[tilespmem:s6+$0x1A080] =	vst.add.f32.msk $0xffff, v5  }
0x2a1: {  	[tilespmem:s6+$0x14090] =	vst.add.f32.msk $0xffff, v6  }
0x2a2: {  	[tilespmem:s5+$0x2010] =	vst.add.f32.msk $0xffff, v6  }
0x2a3: {  	[tilespmem:s5+$0x4010] =	vst.add.f32.msk $0xffff, v6  }
0x2a4: {  	[tilespmem:s5+$0x6010] =	vst.add.f32.msk $0xffff, v6  }
0x2a5: {  	[tilespmem:s6+$0x140A0] =	vst.add.f32.msk $0xffff, v7  }
0x2a6: {  	[tilespmem:s5+$0x2020] =	vst.add.f32.msk $0xffff, v7  }
0x2a7: {  	[tilespmem:s5+$0x4020] =	vst.add.f32.msk $0xffff, v7  }
0x2a8: {  	[tilespmem:s5+$0x6020] =	vst.add.f32.msk $0xffff, v7  }
0x2a9: {  	[tilespmem:s6+$0x140B0] =	vst.add.f32.msk $0xffff, v8  }
0x2aa: {  	[tilespmem:s5+$0x2030] =	vst.add.f32.msk $0xffff, v8  }
0x2ab: {  	[tilespmem:s5+$0x4030] =	vst.add.f32.msk $0xffff, v8  }
0x2ac: {  	[tilespmem:s5+$0x6030] =	vst.add.f32.msk $0xffff, v8  }
.Ltmp5:
0x2ad: {  	[tilespmem:s6+$0x140C0] =	vst.add.f32.msk $0xffff, v9;
	(pc) =	sbr.rel @p0 .LBB2_12-.Ltmp5, $4  }
0x2ae: {  	[tilespmem:s5+$0x2040] =	vst.add.f32.msk $0xffff, v9  }
0x2af: {  	[tilespmem:s5+$0x4040] =	vst.add.f32.msk $0xffff, v9  }
0x2b0: {  	[tilespmem:s5+$0x6040] =	vst.add.f32.msk $0xffff, v9  }
0x2b1: {  	s15 =	sadd.s32 $0x400, s15;
	[tilespmem:s6+$0x140D0] =	vst.add.f32.msk $0xffff, v3  }
0x2b2: {  	[tilespmem:s5+$0x2050] =	vst.add.f32.msk $0xffff, v3  }
0x2b3: {  	[tilespmem:s5+$0x4050] =	vst.add.f32.msk $0xffff, v3  }
0x2b4: {  	[tilespmem:s5+$0x6050] =	vst.add.f32.msk $0xffff, v3  }
0x2b5: {  	[tilespmem:s6+$0x140E0] =	vst.add.f32.msk $0xffff, v2  }
0x2b6: {  	[tilespmem:s5+$0x2060] =	vst.add.f32.msk $0xffff, v2  }
0x2b7: {  	[tilespmem:s5+$0x4060] =	vst.add.f32.msk $0xffff, v2  }
0x2b8: {  	[tilespmem:s5+$0x6060] =	vst.add.f32.msk $0xffff, v2  }
0x2b9: {  	s4 =	rddreg [dreg:$0x11]  }
0x2ba: {  	[hbm4b:s4+s10] =	stream.strided.scatter [tilespmem:s23], [sflag:$0x8], $0x8000, s11, s10, $0x38;
	[tilespmem:$0x1C080] =	vst v63  }
0x2bb: {  	v2 =	vld.msk [tilespmem:$0x38], $0xff;
	_ =	sdelay $0x4  }
0x2bc: {  	v3 =	vshll.u32 v2, $0x3  }
0x2bd: {  	v2 =	vand.u32 $0x7, v2;
	v3 =	vand.u32 $0xFFFFFFC0, v3  }
0x2be: {  	v2 =	vor.u32 v2, v3  }
0x2bf: {  	v2 =	vperm.xlane v2, v0;
	_ =	sdelay $0x1  }
0x2c0: {  	v2 =	vadd.s32 v1, v2;
	_ =	sdelay $0x3  }
0x2c1: {  	s4 =	simm.s32 $0x0  }
0x2c2: {  	[tilespmem:s19], [sflag:$0x2] =	stream.indirect_vreg.gather [hbm4b:s31+s4], $0x80, v2, vm0, $0xb8;
	[tilespmem:$0x1C080] =	vst v63  }
0x2c3: {  	_ = 	snop  }
0x2c4: {  	[tilespmem:s20], [sflag:$0x2] =	stream.indirect_vreg.gather [hbm4b:s7+s4], $0x80, v2, vm0, $0xb8;
	[tilespmem:$0x1C080] =	vst v63  }
0x2c5: {  	_ = 	snop  }
0x2c6: {  	[tilespmem:s21], [sflag:$0x2] =	stream.indirect_vreg.gather [hbm4b:s8+s4], $0x80, v2, vm0, $0xb8;
	[tilespmem:$0x1C080] =	vst v63  }
0x2c7: {  	_ = 	snop  }
0x2c8: {  	[tilespmem:s22], [sflag:$0x2] =	stream.indirect_vreg.gather [hbm4b:s9+s4], $0x80, v2, vm0, $0xb8;
	[tilespmem:$0x1C080] =	vst v63  }
0x2c9: {  	_ =	swait.ge [sflag:s2], $0x8000  }
0x2ca: {  	[sflag:s2] =	ssyncset.done $0x0  }
0x2cb: {  	s15 =	rddreg [dreg:$0x12];
	[sflag:s2] =	ssyncadd.s32 $0xFFFF8000  }
0x2cc: {  	[tilespmem:s23], [sflag:$0x5] =	stream.strided.gather [hbm4b:s15+s10], $0x8000, s11, s10, $0x38;
	[tilespmem:$0x1C080] =	vst v63  }
0x2cd: {  	_ =	swait.ge [sflag:s24], $0x8000  }
0x2ce: {  	[sflag:s24] =	ssyncset.done $0x0  }
0x2cf: {  	[sflag:s24] =	ssyncadd.s32 $0xFFFF8000  }
0x2d0: {  	s16 =	sand.u32 $0x1C00, s4;
	_ =	swait.ge [sflag:s25], $0x2000  }
0x2d1: {  	s17 =	sor.u32 s16, s4;
	[sflag:s25] =	ssyncset.done $0x0  }
0x2d2: {  	s14 =	sand.u32 $0x380, s4;
	s6 =	sor.u32 $0x70, s17;
	[sflag:s25] =	ssyncadd.s32 $0xFFFFE000  }
0x2d3: {  	s5 =	sor.u32 s14, s16;
	v4 =	vld [tilespmem:s6+$0x80]  }
0x2d4: {  	v5 =	vld [tilespmem:s5+$0x80]  }
0x2d5: {  	v6 =	vld [tilespmem:s5+$0x90]  }
0x2d6: {  	v7 =	vld [tilespmem:s5+$0xA0]  }
0x2d7: {  	v8 =	vld [tilespmem:s5+$0xB0]  }
0x2d8: {  	v9 =	vld [tilespmem:s5+$0xC0]  }
0x2d9: {  	v3 =	vld [tilespmem:s5+$0xD0]  }
0x2da: {  	v2 =	vld [tilespmem:s5+$0xE0]  }
0x2db: {  	[tilespmem:s6+$0x4080] =	vst.add.f32.msk $0xffff, v4  }
0x2dc: {  	[tilespmem:s5+$0x4080] =	vst.add.f32.msk $0xffff, v5  }
0x2dd: {  	[tilespmem:s5+$0x6080] =	vst.add.f32.msk $0xffff, v5  }
0x2de: {  	[tilespmem:s5+$0x8080] =	vst.add.f32.msk $0xffff, v5  }
0x2df: {  	[tilespmem:s5+$0xA080] =	vst.add.f32.msk $0xffff, v5  }
0x2e0: {  	[tilespmem:s5+$0x4090] =	vst.add.f32.msk $0xffff, v6  }
0x2e1: {  	[tilespmem:s5+$0x6090] =	vst.add.f32.msk $0xffff, v6  }
0x2e2: {  	[tilespmem:s5+$0x8090] =	vst.add.f32.msk $0xffff, v6  }
0x2e3: {  	[tilespmem:s5+$0xA090] =	vst.add.f32.msk $0xffff, v6  }
0x2e4: {  	[tilespmem:s5+$0x40A0] =	vst.add.f32.msk $0xffff, v7  }
0x2e5: {  	[tilespmem:s5+$0x60A0] =	vst.add.f32.msk $0xffff, v7  }
0x2e6: {  	[tilespmem:s5+$0x80A0] =	vst.add.f32.msk $0xffff, v7  }
0x2e7: {  	[tilespmem:s5+$0xA0A0] =	vst.add.f32.msk $0xffff, v7  }
0x2e8: {  	[tilespmem:s5+$0x40B0] =	vst.add.f32.msk $0xffff, v8  }
0x2e9: {  	[tilespmem:s5+$0x60B0] =	vst.add.f32.msk $0xffff, v8  }
0x2ea: {  	[tilespmem:s5+$0x80B0] =	vst.add.f32.msk $0xffff, v8  }
0x2eb: {  	[tilespmem:s5+$0xA0B0] =	vst.add.f32.msk $0xffff, v8  }
0x2ec: {  	[tilespmem:s5+$0x40C0] =	vst.add.f32.msk $0xffff, v9  }
0x2ed: {  	[tilespmem:s5+$0x60C0] =	vst.add.f32.msk $0xffff, v9  }
0x2ee: {  	[tilespmem:s5+$0x80C0] =	vst.add.f32.msk $0xffff, v9  }
0x2ef: {  	[tilespmem:s5+$0xA0C0] =	vst.add.f32.msk $0xffff, v9  }
0x2f0: {  	[tilespmem:s5+$0x40D0] =	vst.add.f32.msk $0xffff, v3  }
0x2f1: {  	[tilespmem:s5+$0xA0F0] =	vst.add.f32.msk $0xffff, v4  }
0x2f2: {  	[tilespmem:s5+$0x60F0] =	vst.add.f32.msk $0xffff, v4  }
0x2f3: {  	s14 =	simm.s32 $0x400;
	s6 =	simm.s32 $0x0;
	[tilespmem:s5+$0x80F0] =	vst.add.f32.msk $0xffff, v4  }
.LBB2_14:
0x2f4: {  	s15 =	sand.u32 $0x1C00, s14;
	[tilespmem:s5+$0x60D0] =	vst.add.f32.msk $0xffff, v3;
	s4 =	sadd.s32 $0x10, s4  }
0x2f5: {  	s6 =	sadd.s32 $0x8, s6;
	s16 =	sor.u32 s15, s4;
	[tilespmem:s5+$0x80D0] =	vst.add.f32.msk $0xffff, v3  }
0x2f6: {  	p0 =	slt.u32 s6, $0x1F8;
	s16 =	sor.u32 $0x70, s16;
	[tilespmem:s5+$0xA0D0] =	vst.add.f32.msk $0xffff, v3  }
0x2f7: {  	v4 =	vld [tilespmem:s16+$0x80]  }
0x2f8: {  	[tilespmem:s5+$0x40E0] =	vst.add.f32.msk $0xffff, v2  }
0x2f9: {  	[tilespmem:s5+$0x60E0] =	vst.add.f32.msk $0xffff, v2  }
0x2fa: {  	[tilespmem:s5+$0x80E0] =	vst.add.f32.msk $0xffff, v2  }
0x2fb: {  	s17 =	sand.u32 $0x380, s4;
	[tilespmem:s5+$0xA0E0] =	vst.add.f32.msk $0xffff, v2  }
0x2fc: {  	s5 =	sor.u32 s17, s15;
	[tilespmem:s16+$0x4080] =	vst.add.f32.msk $0xffff, v4  }
0x2fd: {  	[tilespmem:s5+$0xA0F0] =	vst.add.f32.msk $0xffff, v4  }
0x2fe: {  	v5 =	vld [tilespmem:s5+$0x80]  }
0x2ff: {  	v6 =	vld [tilespmem:s5+$0x90]  }
0x300: {  	v7 =	vld [tilespmem:s5+$0xA0]  }
0x301: {  	v8 =	vld [tilespmem:s5+$0xB0]  }
0x302: {  	v9 =	vld [tilespmem:s5+$0xC0]  }
0x303: {  	v3 =	vld [tilespmem:s5+$0xD0]  }
0x304: {  	v2 =	vld [tilespmem:s5+$0xE0]  }
0x305: {  	[tilespmem:s5+$0x60F0] =	vst.add.f32.msk $0xffff, v4  }
0x306: {  	[tilespmem:s5+$0x80F0] =	vst.add.f32.msk $0xffff, v4  }
0x307: {  	[tilespmem:s5+$0x4080] =	vst.add.f32.msk $0xffff, v5  }
0x308: {  	[tilespmem:s5+$0x6080] =	vst.add.f32.msk $0xffff, v5  }
0x309: {  	[tilespmem:s5+$0x8080] =	vst.add.f32.msk $0xffff, v5  }
0x30a: {  	[tilespmem:s5+$0xA080] =	vst.add.f32.msk $0xffff, v5  }
0x30b: {  	[tilespmem:s5+$0x4090] =	vst.add.f32.msk $0xffff, v6  }
0x30c: {  	[tilespmem:s5+$0x6090] =	vst.add.f32.msk $0xffff, v6  }
0x30d: {  	[tilespmem:s5+$0x8090] =	vst.add.f32.msk $0xffff, v6  }
0x30e: {  	[tilespmem:s5+$0xA090] =	vst.add.f32.msk $0xffff, v6  }
0x30f: {  	[tilespmem:s5+$0x40A0] =	vst.add.f32.msk $0xffff, v7  }
0x310: {  	[tilespmem:s5+$0x60A0] =	vst.add.f32.msk $0xffff, v7  }
0x311: {  	[tilespmem:s5+$0x80A0] =	vst.add.f32.msk $0xffff, v7  }
0x312: {  	[tilespmem:s5+$0xA0A0] =	vst.add.f32.msk $0xffff, v7  }
0x313: {  	[tilespmem:s5+$0x40B0] =	vst.add.f32.msk $0xffff, v8  }
0x314: {  	[tilespmem:s5+$0x60B0] =	vst.add.f32.msk $0xffff, v8  }
0x315: {  	[tilespmem:s5+$0x80B0] =	vst.add.f32.msk $0xffff, v8  }
0x316: {  	[tilespmem:s5+$0xA0B0] =	vst.add.f32.msk $0xffff, v8  }
.Ltmp6:
0x317: {  	[tilespmem:s5+$0x40C0] =	vst.add.f32.msk $0xffff, v9;
	(pc) =	sbr.rel @p0 .LBB2_14-.Ltmp6, $4  }
0x318: {  	[tilespmem:s5+$0x60C0] =	vst.add.f32.msk $0xffff, v9  }
0x319: {  	[tilespmem:s5+$0x80C0] =	vst.add.f32.msk $0xffff, v9  }
0x31a: {  	[tilespmem:s5+$0xA0C0] =	vst.add.f32.msk $0xffff, v9  }
0x31b: {  	s14 =	sadd.s32 $0x400, s14;
	[tilespmem:s5+$0x40D0] =	vst.add.f32.msk $0xffff, v3  }
0x31c: {  	[tilespmem:s5+$0x60D0] =	vst.add.f32.msk $0xffff, v3  }
0x31d: {  	[tilespmem:s5+$0x80D0] =	vst.add.f32.msk $0xffff, v3  }
0x31e: {  	[tilespmem:s5+$0xA0D0] =	vst.add.f32.msk $0xffff, v3  }
0x31f: {  	[tilespmem:s5+$0x40E0] =	vst.add.f32.msk $0xffff, v2  }
0x320: {  	[tilespmem:s5+$0x60E0] =	vst.add.f32.msk $0xffff, v2  }
0x321: {  	[tilespmem:s5+$0x80E0] =	vst.add.f32.msk $0xffff, v2  }
0x322: {  	[tilespmem:s5+$0xA0E0] =	vst.add.f32.msk $0xffff, v2  }
0x323: {  	s4 =	rddreg [dreg:$0x13]  }
0x324: {  	[hbm4b:s4+s10] =	stream.strided.scatter [tilespmem:s12], [sflag:$0x6], $0x8000, s11, s10, $0x38;
	[tilespmem:$0x1C080] =	vst v63  }
0x325: {  	v2 =	vld.msk [tilespmem:$0x40], $0xff;
	_ =	sdelay $0x4  }
0x326: {  	v3 =	vshll.u32 v2, $0x3  }
0x327: {  	v2 =	vand.u32 $0x7, v2;
	v3 =	vand.u32 $0xFFFFFFC0, v3  }
0x328: {  	v2 =	vor.u32 v2, v3  }
0x329: {  	v2 =	vperm.xlane v2, v0;
	_ =	sdelay $0x1  }
0x32a: {  	v2 =	vadd.s32 v1, v2;
	_ =	sdelay $0x3  }
0x32b: {  	s17 =	simm.s32 $0x80;
	s4 =	simm.s32 $0x0  }
0x32c: {  	[tilespmem:s17], [sflag:$0x1] =	stream.indirect_vreg.gather [hbm4b:s31+s4], $0x80, v2, vm0, $0xb8;
	[tilespmem:$0x1C080] =	vst v63  }
0x32d: {  	s6 =	simm.s32 $0x880  }
0x32e: {  	[tilespmem:s6], [sflag:$0x1] =	stream.indirect_vreg.gather [hbm4b:s7+s4], $0x80, v2, vm0, $0xb8;
	[tilespmem:$0x1C080] =	vst v63  }
0x32f: {  	s14 =	simm.s32 $0x1080  }
0x330: {  	[tilespmem:s14], [sflag:$0x1] =	stream.indirect_vreg.gather [hbm4b:s8+s4], $0x80, v2, vm0, $0xb8;
	[tilespmem:$0x1C080] =	vst v63  }
0x331: {  	_ = 	snop  }
0x332: {  	[tilespmem:s18], [sflag:$0x1] =	stream.indirect_vreg.gather [hbm4b:s9+s4], $0x80, v2, vm0, $0xb8;
	[tilespmem:$0x1C080] =	vst v63  }
0x333: {  	_ =	swait.ge [sflag:s26], $0x8000  }
0x334: {  	[sflag:s26] =	ssyncset.done $0x0  }
0x335: {  	s15 =	rddreg [dreg:$0x14];
	[sflag:s26] =	ssyncadd.s32 $0xFFFF8000  }
0x336: {  	[tilespmem:s12], [sflag:$0x3] =	stream.strided.gather [hbm4b:s15+s10], $0x8000, s11, s10, $0x38;
	[tilespmem:$0x1C080] =	vst v63  }
0x337: {  	_ =	swait.ge [sflag:s28], $0x8000  }
0x338: {  	[sflag:s28] =	ssyncset.done $0x0  }
0x339: {  	[sflag:s28] =	ssyncadd.s32 $0xFFFF8000  }
0x33a: {  	s16 =	sand.u32 $0x1C00, s4;
	_ =	swait.ge [sflag:s29], $0x2000  }
0x33b: {  	s6 =	sor.u32 s16, s4;
	[sflag:s29] =	ssyncset.done $0x0  }
0x33c: {  	s17 =	sand.u32 $0x380, s4;
	s14 =	sor.u32 $0x70, s6;
	[sflag:s29] =	ssyncadd.s32 $0xFFFFE000  }
0x33d: {  	s6 =	sor.u32 s17, s16;
	v4 =	vld [tilespmem:s14+$0x2080]  }
0x33e: {  	v5 =	vld [tilespmem:s6+$0x2080]  }
0x33f: {  	v6 =	vld [tilespmem:s6+$0x2090]  }
0x340: {  	v7 =	vld [tilespmem:s6+$0x20A0]  }
0x341: {  	v8 =	vld [tilespmem:s6+$0x20B0]  }
0x342: {  	v9 =	vld [tilespmem:s6+$0x20C0]  }
0x343: {  	v3 =	vld [tilespmem:s6+$0x20D0]  }
0x344: {  	v2 =	vld [tilespmem:s6+$0x20E0]  }
0x345: {  	[tilespmem:s14+$0xC080] =	vst.add.f32.msk $0xffff, v4  }
0x346: {  	[tilespmem:s6+$0xC080] =	vst.add.f32.msk $0xffff, v5  }
0x347: {  	[tilespmem:s6+$0xE080] =	vst.add.f32.msk $0xffff, v5  }
0x348: {  	[tilespmem:s6+$0x10080] =	vst.add.f32.msk $0xffff, v5  }
0x349: {  	[tilespmem:s6+$0x12080] =	vst.add.f32.msk $0xffff, v5  }
0x34a: {  	[tilespmem:s6+$0xC090] =	vst.add.f32.msk $0xffff, v6  }
0x34b: {  	[tilespmem:s6+$0xE090] =	vst.add.f32.msk $0xffff, v6  }
0x34c: {  	[tilespmem:s6+$0xC0A0] =	vst.add.f32.msk $0xffff, v7  }
0x34d: {  	[tilespmem:s6+$0xE0A0] =	vst.add.f32.msk $0xffff, v7  }
0x34e: {  	[tilespmem:s6+$0xC0B0] =	vst.add.f32.msk $0xffff, v8  }
0x34f: {  	[tilespmem:s6+$0xE0B0] =	vst.add.f32.msk $0xffff, v8  }
0x350: {  	[tilespmem:s6+$0xC0C0] =	vst.add.f32.msk $0xffff, v9  }
0x351: {  	[tilespmem:s6+$0xE0C0] =	vst.add.f32.msk $0xffff, v9  }
0x352: {  	[tilespmem:s6+$0xC0D0] =	vst.add.f32.msk $0xffff, v3  }
0x353: {  	s5 =	sadd.s32 $0xC080, s6;
	[tilespmem:s6+$0xE0F0] =	vst.add.f32.msk $0xffff, v4  }
0x354: {  	[tilespmem:s5+$0x4010] =	vst.add.f32.msk $0xffff, v6  }
0x355: {  	[tilespmem:s5+$0x6010] =	vst.add.f32.msk $0xffff, v6  }
0x356: {  	[tilespmem:s5+$0x4020] =	vst.add.f32.msk $0xffff, v7  }
0x357: {  	[tilespmem:s5+$0x6020] =	vst.add.f32.msk $0xffff, v7  }
0x358: {  	[tilespmem:s5+$0x4030] =	vst.add.f32.msk $0xffff, v8  }
0x359: {  	[tilespmem:s5+$0x6030] =	vst.add.f32.msk $0xffff, v8  }
0x35a: {  	[tilespmem:s5+$0x4040] =	vst.add.f32.msk $0xffff, v9  }
0x35b: {  	[tilespmem:s5+$0x6040] =	vst.add.f32.msk $0xffff, v9  }
0x35c: {  	[tilespmem:s5+$0x6070] =	vst.add.f32.msk $0xffff, v4  }
0x35d: {  	s15 =	simm.s32 $0x400;
	s14 =	simm.s32 $0x0;
	[tilespmem:s5+$0x4070] =	vst.add.f32.msk $0xffff, v4  }
.LBB2_16:
0x35e: {  	s16 =	sand.u32 $0x1C00, s15;
	[tilespmem:s6+$0xE0D0] =	vst.add.f32.msk $0xffff, v3;
	s4 =	sadd.s32 $0x10, s4  }
0x35f: {  	s17 =	sor.u32 s16, s4;
	[tilespmem:s5+$0x4050] =	vst.add.f32.msk $0xffff, v3  }
0x360: {  	s14 =	sadd.s32 $0x8, s14;
	s17 =	sor.u32 $0x70, s17;
	[tilespmem:s5+$0x6050] =	vst.add.f32.msk $0xffff, v3  }
0x361: {  	p0 =	slt.u32 s14, $0x1F8;
	v4 =	vld [tilespmem:s17+$0x2080]  }
0x362: {  	[tilespmem:s6+$0xC0E0] =	vst.add.f32.msk $0xffff, v2  }
0x363: {  	[tilespmem:s6+$0xE0E0] =	vst.add.f32.msk $0xffff, v2  }
0x364: {  	[tilespmem:s5+$0x4060] =	vst.add.f32.msk $0xffff, v2  }
0x365: {  	s6 =	sand.u32 $0x380, s4;
	[tilespmem:s5+$0x6060] =	vst.add.f32.msk $0xffff, v2  }
0x366: {  	s6 =	sor.u32 s6, s16;
	[tilespmem:s17+$0xC080] =	vst.add.f32.msk $0xffff, v4  }
0x367: {  	s5 =	sadd.s32 $0xC080, s6;
	[tilespmem:s6+$0xE0F0] =	vst.add.f32.msk $0xffff, v4  }
0x368: {  	[tilespmem:s5+$0x6070] =	vst.add.f32.msk $0xffff, v4  }
0x369: {  	v5 =	vld [tilespmem:s6+$0x2080]  }
0x36a: {  	v6 =	vld [tilespmem:s6+$0x2090]  }
0x36b: {  	v7 =	vld [tilespmem:s6+$0x20A0]  }
0x36c: {  	v8 =	vld [tilespmem:s6+$0x20B0]  }
0x36d: {  	v9 =	vld [tilespmem:s6+$0x20C0]  }
0x36e: {  	v3 =	vld [tilespmem:s6+$0x20D0]  }
0x36f: {  	v2 =	vld [tilespmem:s6+$0x20E0]  }
0x370: {  	[tilespmem:s5+$0x4070] =	vst.add.f32.msk $0xffff, v4  }
0x371: {  	[tilespmem:s6+$0xC080] =	vst.add.f32.msk $0xffff, v5  }
0x372: {  	[tilespmem:s6+$0xE080] =	vst.add.f32.msk $0xffff, v5  }
0x373: {  	[tilespmem:s6+$0x10080] =	vst.add.f32.msk $0xffff, v5  }
0x374: {  	[tilespmem:s6+$0x12080] =	vst.add.f32.msk $0xffff, v5  }
0x375: {  	[tilespmem:s6+$0xC090] =	vst.add.f32.msk $0xffff, v6  }
0x376: {  	[tilespmem:s6+$0xE090] =	vst.add.f32.msk $0xffff, v6  }
0x377: {  	[tilespmem:s5+$0x4010] =	vst.add.f32.msk $0xffff, v6  }
0x378: {  	[tilespmem:s5+$0x6010] =	vst.add.f32.msk $0xffff, v6  }
0x379: {  	[tilespmem:s6+$0xC0A0] =	vst.add.f32.msk $0xffff, v7  }
0x37a: {  	[tilespmem:s6+$0xE0A0] =	vst.add.f32.msk $0xffff, v7  }
0x37b: {  	[tilespmem:s5+$0x4020] =	vst.add.f32.msk $0xffff, v7  }
0x37c: {  	[tilespmem:s5+$0x6020] =	vst.add.f32.msk $0xffff, v7  }
0x37d: {  	[tilespmem:s6+$0xC0B0] =	vst.add.f32.msk $0xffff, v8  }
0x37e: {  	[tilespmem:s6+$0xE0B0] =	vst.add.f32.msk $0xffff, v8  }
0x37f: {  	[tilespmem:s5+$0x4030] =	vst.add.f32.msk $0xffff, v8  }
0x380: {  	[tilespmem:s5+$0x6030] =	vst.add.f32.msk $0xffff, v8  }
.Ltmp7:
0x381: {  	[tilespmem:s6+$0xC0C0] =	vst.add.f32.msk $0xffff, v9;
	(pc) =	sbr.rel @p0 .LBB2_16-.Ltmp7, $4  }
0x382: {  	[tilespmem:s6+$0xE0C0] =	vst.add.f32.msk $0xffff, v9  }
0x383: {  	[tilespmem:s5+$0x4040] =	vst.add.f32.msk $0xffff, v9  }
0x384: {  	[tilespmem:s5+$0x6040] =	vst.add.f32.msk $0xffff, v9  }
0x385: {  	s15 =	sadd.s32 $0x400, s15;
	[tilespmem:s6+$0xC0D0] =	vst.add.f32.msk $0xffff, v3  }
0x386: {  	[tilespmem:s6+$0xE0D0] =	vst.add.f32.msk $0xffff, v3  }
0x387: {  	[tilespmem:s6+$0xC0E0] =	vst.add.f32.msk $0xffff, v2  }
0x388: {  	[tilespmem:s6+$0xE0E0] =	vst.add.f32.msk $0xffff, v2  }
0x389: {  	[tilespmem:s5+$0x4050] =	vst.add.f32.msk $0xffff, v3  }
0x38a: {  	[tilespmem:s5+$0x6050] =	vst.add.f32.msk $0xffff, v3  }
0x38b: {  	[tilespmem:s5+$0x4060] =	vst.add.f32.msk $0xffff, v2  }
0x38c: {  	[tilespmem:s5+$0x6060] =	vst.add.f32.msk $0xffff, v2  }
0x38d: {  	s4 =	rddreg [dreg:$0x15]  }
0x38e: {  	[hbm4b:s4+s10] =	stream.strided.scatter [tilespmem:s13], [sflag:$0x7], $0x8000, s11, s10, $0x38;
	[tilespmem:$0x1C080] =	vst v63  }
0x38f: {  	v2 =	vld.msk [tilespmem:$0x48], $0xff;
	_ =	sdelay $0x4  }
0x390: {  	v3 =	vshll.u32 v2, $0x3  }
0x391: {  	v2 =	vand.u32 $0x7, v2;
	v3 =	vand.u32 $0xFFFFFFC0, v3  }
0x392: {  	v2 =	vor.u32 v2, v3  }
0x393: {  	v2 =	vperm.xlane v2, v0;
	_ =	sdelay $0x1  }
0x394: {  	v2 =	vadd.s32 v1, v2;
	_ =	sdelay $0x3  }
0x395: {  	s4 =	simm.s32 $0x0  }
0x396: {  	[tilespmem:s19], [sflag:$0x2] =	stream.indirect_vreg.gather [hbm4b:s31+s4], $0x80, v2, vm0, $0xb8;
	[tilespmem:$0x1C080] =	vst v63  }
0x397: {  	_ = 	snop  }
0x398: {  	[tilespmem:s20], [sflag:$0x2] =	stream.indirect_vreg.gather [hbm4b:s7+s4], $0x80, v2, vm0, $0xb8;
	[tilespmem:$0x1C080] =	vst v63  }
0x399: {  	_ = 	snop  }
0x39a: {  	[tilespmem:s21], [sflag:$0x2] =	stream.indirect_vreg.gather [hbm4b:s8+s4], $0x80, v2, vm0, $0xb8;
	[tilespmem:$0x1C080] =	vst v63  }
0x39b: {  	_ = 	snop  }
0x39c: {  	[tilespmem:s22], [sflag:$0x2] =	stream.indirect_vreg.gather [hbm4b:s9+s4], $0x80, v2, vm0, $0xb8;
	[tilespmem:$0x1C080] =	vst v63  }
0x39d: {  	_ =	swait.ge [sflag:s30], $0x8000  }
0x39e: {  	[sflag:s30] =	ssyncset.done $0x0  }
0x39f: {  	s14 =	rddreg [dreg:$0x18];
	[sflag:s30] =	ssyncadd.s32 $0xFFFF8000  }
0x3a0: {  	[tilespmem:s13], [sflag:$0x4] =	stream.strided.gather [hbm4b:s14+s10], $0x8000, s11, s10, $0x38;
	[tilespmem:$0x1C080] =	vst v63  }
0x3a1: {  	_ =	swait.ge [sflag:s0], $0x8000  }
0x3a2: {  	[sflag:s0] =	ssyncset.done $0x0  }
0x3a3: {  	[sflag:s0] =	ssyncadd.s32 $0xFFFF8000  }
0x3a4: {  	s15 =	sand.u32 $0x1C00, s4;
	_ =	swait.ge [sflag:s25], $0x2000  }
0x3a5: {  	s16 =	sor.u32 s15, s4;
	[sflag:s25] =	ssyncset.done $0x0  }
0x3a6: {  	s17 =	sand.u32 $0x380, s4;
	s14 =	sor.u32 $0x70, s16;
	[sflag:s25] =	ssyncadd.s32 $0xFFFFE000  }
0x3a7: {  	s6 =	sor.u32 s17, s15;
	v4 =	vld [tilespmem:s14+$0x80]  }
0x3a8: {  	v5 =	vld [tilespmem:s6+$0x80]  }
0x3a9: {  	v6 =	vld [tilespmem:s6+$0x90]  }
0x3aa: {  	v7 =	vld [tilespmem:s6+$0xA0]  }
0x3ab: {  	v8 =	vld [tilespmem:s6+$0xB0]  }
0x3ac: {  	v9 =	vld [tilespmem:s6+$0xC0]  }
0x3ad: {  	v3 =	vld [tilespmem:s6+$0xD0]  }
0x3ae: {  	v2 =	vld [tilespmem:s6+$0xE0]  }
0x3af: {  	[tilespmem:s14+$0x14080] =	vst.add.f32.msk $0xffff, v4  }
0x3b0: {  	[tilespmem:s6+$0x14080] =	vst.add.f32.msk $0xffff, v5  }
0x3b1: {  	[tilespmem:s6+$0x16080] =	vst.add.f32.msk $0xffff, v5  }
0x3b2: {  	[tilespmem:s6+$0x18080] =	vst.add.f32.msk $0xffff, v5  }
0x3b3: {  	[tilespmem:s6+$0x1A080] =	vst.add.f32.msk $0xffff, v5  }
0x3b4: {  	[tilespmem:s6+$0x14090] =	vst.add.f32.msk $0xffff, v6  }
0x3b5: {  	[tilespmem:s6+$0x140A0] =	vst.add.f32.msk $0xffff, v7  }
0x3b6: {  	[tilespmem:s6+$0x140B0] =	vst.add.f32.msk $0xffff, v8  }
0x3b7: {  	[tilespmem:s6+$0x140C0] =	vst.add.f32.msk $0xffff, v9  }
0x3b8: {  	s5 =	sadd.s32 $0x14080, s6;
	[tilespmem:s6+$0x140D0] =	vst.add.f32.msk $0xffff, v3  }
0x3b9: {  	[tilespmem:s5+$0x6070] =	vst.add.f32.msk $0xffff, v4  }
0x3ba: {  	[tilespmem:s5+$0x2070] =	vst.add.f32.msk $0xffff, v4  }
0x3bb: {  	[tilespmem:s5+$0x4070] =	vst.add.f32.msk $0xffff, v4  }
0x3bc: {  	[tilespmem:s5+$0x2010] =	vst.add.f32.msk $0xffff, v6  }
0x3bd: {  	[tilespmem:s5+$0x4010] =	vst.add.f32.msk $0xffff, v6  }
0x3be: {  	[tilespmem:s5+$0x6010] =	vst.add.f32.msk $0xffff, v6  }
0x3bf: {  	[tilespmem:s5+$0x2020] =	vst.add.f32.msk $0xffff, v7  }
0x3c0: {  	[tilespmem:s5+$0x4020] =	vst.add.f32.msk $0xffff, v7  }
0x3c1: {  	[tilespmem:s5+$0x6020] =	vst.add.f32.msk $0xffff, v7  }
0x3c2: {  	[tilespmem:s5+$0x2030] =	vst.add.f32.msk $0xffff, v8  }
0x3c3: {  	[tilespmem:s5+$0x4030] =	vst.add.f32.msk $0xffff, v8  }
0x3c4: {  	[tilespmem:s5+$0x6030] =	vst.add.f32.msk $0xffff, v8  }
0x3c5: {  	[tilespmem:s5+$0x2040] =	vst.add.f32.msk $0xffff, v9  }
0x3c6: {  	[tilespmem:s5+$0x4040] =	vst.add.f32.msk $0xffff, v9  }
0x3c7: {  	s15 =	simm.s32 $0x400;
	s14 =	simm.s32 $0x0;
	[tilespmem:s5+$0x6040] =	vst.add.f32.msk $0xffff, v9  }
.LBB2_18:
0x3c8: {  	s16 =	sand.u32 $0x1C00, s15;
	[tilespmem:s5+$0x2050] =	vst.add.f32.msk $0xffff, v3;
	s4 =	sadd.s32 $0x10, s4  }
0x3c9: {  	s14 =	sadd.s32 $0x8, s14;
	s17 =	sor.u32 s16, s4;
	[tilespmem:s5+$0x4050] =	vst.add.f32.msk $0xffff, v3  }
0x3ca: {  	p0 =	slt.u32 s14, $0x1F8;
	s17 =	sor.u32 $0x70, s17;
	[tilespmem:s5+$0x6050] =	vst.add.f32.msk $0xffff, v3  }
0x3cb: {  	v4 =	vld [tilespmem:s17+$0x80]  }
0x3cc: {  	[tilespmem:s6+$0x140E0] =	vst.add.f32.msk $0xffff, v2  }
0x3cd: {  	[tilespmem:s5+$0x2060] =	vst.add.f32.msk $0xffff, v2  }
0x3ce: {  	s6 =	sand.u32 $0x380, s4;
	[tilespmem:s5+$0x4060] =	vst.add.f32.msk $0xffff, v2  }
0x3cf: {  	s6 =	sor.u32 s6, s16;
	[tilespmem:s5+$0x6060] =	vst.add.f32.msk $0xffff, v2  }
0x3d0: {  	s5 =	sadd.s32 $0x14080, s6;
	[tilespmem:s17+$0x14080] =	vst.add.f32.msk $0xffff, v4  }
0x3d1: {  	[tilespmem:s5+$0x6070] =	vst.add.f32.msk $0xffff, v4  }
0x3d2: {  	v5 =	vld [tilespmem:s6+$0x80]  }
0x3d3: {  	v6 =	vld [tilespmem:s6+$0x90]  }
0x3d4: {  	v7 =	vld [tilespmem:s6+$0xA0]  }
0x3d5: {  	v8 =	vld [tilespmem:s6+$0xB0]  }
0x3d6: {  	v9 =	vld [tilespmem:s6+$0xC0]  }
0x3d7: {  	v3 =	vld [tilespmem:s6+$0xD0]  }
0x3d8: {  	v2 =	vld [tilespmem:s6+$0xE0]  }
0x3d9: {  	[tilespmem:s5+$0x2070] =	vst.add.f32.msk $0xffff, v4  }
0x3da: {  	[tilespmem:s5+$0x4070] =	vst.add.f32.msk $0xffff, v4  }
0x3db: {  	[tilespmem:s6+$0x14080] =	vst.add.f32.msk $0xffff, v5  }
0x3dc: {  	[tilespmem:s6+$0x16080] =	vst.add.f32.msk $0xffff, v5  }
0x3dd: {  	[tilespmem:s6+$0x18080] =	vst.add.f32.msk $0xffff, v5  }
0x3de: {  	[tilespmem:s6+$0x1A080] =	vst.add.f32.msk $0xffff, v5  }
0x3df: {  	[tilespmem:s6+$0x14090] =	vst.add.f32.msk $0xffff, v6  }
0x3e0: {  	[tilespmem:s5+$0x2010] =	vst.add.f32.msk $0xffff, v6  }
0x3e1: {  	[tilespmem:s5+$0x4010] =	vst.add.f32.msk $0xffff, v6  }
0x3e2: {  	[tilespmem:s5+$0x6010] =	vst.add.f32.msk $0xffff, v6  }
0x3e3: {  	[tilespmem:s6+$0x140A0] =	vst.add.f32.msk $0xffff, v7  }
0x3e4: {  	[tilespmem:s5+$0x2020] =	vst.add.f32.msk $0xffff, v7  }
0x3e5: {  	[tilespmem:s5+$0x4020] =	vst.add.f32.msk $0xffff, v7  }
0x3e6: {  	[tilespmem:s5+$0x6020] =	vst.add.f32.msk $0xffff, v7  }
0x3e7: {  	[tilespmem:s6+$0x140B0] =	vst.add.f32.msk $0xffff, v8  }
0x3e8: {  	[tilespmem:s5+$0x2030] =	vst.add.f32.msk $0xffff, v8  }
0x3e9: {  	[tilespmem:s5+$0x4030] =	vst.add.f32.msk $0xffff, v8  }
0x3ea: {  	[tilespmem:s5+$0x6030] =	vst.add.f32.msk $0xffff, v8  }
.Ltmp8:
0x3eb: {  	[tilespmem:s6+$0x140C0] =	vst.add.f32.msk $0xffff, v9;
	(pc) =	sbr.rel @p0 .LBB2_18-.Ltmp8, $4  }
0x3ec: {  	[tilespmem:s5+$0x2040] =	vst.add.f32.msk $0xffff, v9  }
0x3ed: {  	[tilespmem:s5+$0x4040] =	vst.add.f32.msk $0xffff, v9  }
0x3ee: {  	[tilespmem:s5+$0x6040] =	vst.add.f32.msk $0xffff, v9  }
0x3ef: {  	s15 =	sadd.s32 $0x400, s15;
	[tilespmem:s6+$0x140D0] =	vst.add.f32.msk $0xffff, v3  }
0x3f0: {  	[tilespmem:s5+$0x2050] =	vst.add.f32.msk $0xffff, v3  }
0x3f1: {  	[tilespmem:s5+$0x4050] =	vst.add.f32.msk $0xffff, v3  }
0x3f2: {  	[tilespmem:s5+$0x6050] =	vst.add.f32.msk $0xffff, v3  }
0x3f3: {  	[tilespmem:s6+$0x140E0] =	vst.add.f32.msk $0xffff, v2  }
0x3f4: {  	[tilespmem:s5+$0x2060] =	vst.add.f32.msk $0xffff, v2  }
0x3f5: {  	[tilespmem:s5+$0x4060] =	vst.add.f32.msk $0xffff, v2  }
0x3f6: {  	[tilespmem:s5+$0x6060] =	vst.add.f32.msk $0xffff, v2  }
0x3f7: {  	s4 =	rddreg [dreg:$0x16]  }
0x3f8: {  	[hbm4b:s4+s10] =	stream.strided.scatter [tilespmem:s23], [sflag:$0x8], $0x8000, s11, s10, $0x38;
	[tilespmem:$0x1C080] =	vst v63  }
0x3f9: {  	v2 =	vld.msk [tilespmem:$0x50], $0xff;
	_ =	sdelay $0x4  }
0x3fa: {  	v3 =	vshll.u32 v2, $0x3  }
0x3fb: {  	v2 =	vand.u32 $0x7, v2;
	v3 =	vand.u32 $0xFFFFFFC0, v3  }
0x3fc: {  	v2 =	vor.u32 v2, v3  }
0x3fd: {  	v2 =	vperm.xlane v2, v0;
	_ =	sdelay $0x1  }
0x3fe: {  	v2 =	vadd.s32 v1, v2;
	_ =	sdelay $0x3  }
0x3ff: {  	s17 =	simm.s32 $0x80;
	s4 =	simm.s32 $0x0  }
0x400: {  	[tilespmem:s17], [sflag:$0x1] =	stream.indirect_vreg.gather [hbm4b:s31+s4], $0x80, v2, vm0, $0xb8;
	[tilespmem:$0x1C080] =	vst v63  }
0x401: {  	s6 =	simm.s32 $0x880  }
0x402: {  	[tilespmem:s6], [sflag:$0x1] =	stream.indirect_vreg.gather [hbm4b:s7+s4], $0x80, v2, vm0, $0xb8;
	[tilespmem:$0x1C080] =	vst v63  }
0x403: {  	s14 =	simm.s32 $0x1080  }
0x404: {  	[tilespmem:s14], [sflag:$0x1] =	stream.indirect_vreg.gather [hbm4b:s8+s4], $0x80, v2, vm0, $0xb8;
	[tilespmem:$0x1C080] =	vst v63  }
0x405: {  	_ = 	snop  }
0x406: {  	[tilespmem:s18], [sflag:$0x1] =	stream.indirect_vreg.gather [hbm4b:s9+s4], $0x80, v2, vm0, $0xb8;
	[tilespmem:$0x1C080] =	vst v63  }
0x407: {  	_ =	swait.ge [sflag:s2], $0x8000  }
0x408: {  	[sflag:s2] =	ssyncset.done $0x0  }
0x409: {  	s15 =	rddreg [dreg:$0x1a];
	[sflag:s2] =	ssyncadd.s32 $0xFFFF8000  }
0x40a: {  	[tilespmem:s23], [sflag:$0x5] =	stream.strided.gather [hbm4b:s15+s10], $0x8000, s11, s10, $0x38;
	[tilespmem:$0x1C080] =	vst v63  }
0x40b: {  	_ =	swait.ge [sflag:s24], $0x8000  }
0x40c: {  	[sflag:s24] =	ssyncset.done $0x0  }
0x40d: {  	[sflag:s24] =	ssyncadd.s32 $0xFFFF8000  }
0x40e: {  	s16 =	sand.u32 $0x1C00, s4;
	_ =	swait.ge [sflag:s29], $0x2000  }
0x40f: {  	s17 =	sor.u32 s16, s4;
	[sflag:s29] =	ssyncset.done $0x0  }
0x410: {  	s6 =	sor.u32 $0x70, s17;
	s14 =	sand.u32 $0x380, s4;
	[sflag:s29] =	ssyncadd.s32 $0xFFFFE000  }
0x411: {  	s5 =	sor.u32 s14, s16;
	v4 =	vld [tilespmem:s6+$0x2080]  }
0x412: {  	v5 =	vld [tilespmem:s5+$0x2080]  }
0x413: {  	v6 =	vld [tilespmem:s5+$0x2090]  }
0x414: {  	v7 =	vld [tilespmem:s5+$0x20A0]  }
0x415: {  	v8 =	vld [tilespmem:s5+$0x20B0]  }
0x416: {  	v9 =	vld [tilespmem:s5+$0x20C0]  }
0x417: {  	v3 =	vld [tilespmem:s5+$0x20D0]  }
0x418: {  	v2 =	vld [tilespmem:s5+$0x20E0]  }
0x419: {  	[tilespmem:s6+$0x4080] =	vst.add.f32.msk $0xffff, v4  }
0x41a: {  	[tilespmem:s5+$0x4080] =	vst.add.f32.msk $0xffff, v5  }
0x41b: {  	[tilespmem:s5+$0x6080] =	vst.add.f32.msk $0xffff, v5  }
0x41c: {  	[tilespmem:s5+$0x8080] =	vst.add.f32.msk $0xffff, v5  }
0x41d: {  	[tilespmem:s5+$0xA080] =	vst.add.f32.msk $0xffff, v5  }
0x41e: {  	[tilespmem:s5+$0x4090] =	vst.add.f32.msk $0xffff, v6  }
0x41f: {  	[tilespmem:s5+$0x6090] =	vst.add.f32.msk $0xffff, v6  }
0x420: {  	[tilespmem:s5+$0x8090] =	vst.add.f32.msk $0xffff, v6  }
0x421: {  	[tilespmem:s5+$0xA090] =	vst.add.f32.msk $0xffff, v6  }
0x422: {  	[tilespmem:s5+$0x40A0] =	vst.add.f32.msk $0xffff, v7  }
0x423: {  	[tilespmem:s5+$0x60A0] =	vst.add.f32.msk $0xffff, v7  }
0x424: {  	[tilespmem:s5+$0x80A0] =	vst.add.f32.msk $0xffff, v7  }
0x425: {  	[tilespmem:s5+$0xA0A0] =	vst.add.f32.msk $0xffff, v7  }
0x426: {  	[tilespmem:s5+$0x40B0] =	vst.add.f32.msk $0xffff, v8  }
0x427: {  	[tilespmem:s5+$0x60B0] =	vst.add.f32.msk $0xffff, v8  }
0x428: {  	[tilespmem:s5+$0x80B0] =	vst.add.f32.msk $0xffff, v8  }
0x429: {  	[tilespmem:s5+$0xA0B0] =	vst.add.f32.msk $0xffff, v8  }
0x42a: {  	[tilespmem:s5+$0x40C0] =	vst.add.f32.msk $0xffff, v9  }
0x42b: {  	[tilespmem:s5+$0x60C0] =	vst.add.f32.msk $0xffff, v9  }
0x42c: {  	[tilespmem:s5+$0x80C0] =	vst.add.f32.msk $0xffff, v9  }
0x42d: {  	[tilespmem:s5+$0xA0C0] =	vst.add.f32.msk $0xffff, v9  }
0x42e: {  	[tilespmem:s5+$0x40D0] =	vst.add.f32.msk $0xffff, v3  }
0x42f: {  	[tilespmem:s5+$0xA0F0] =	vst.add.f32.msk $0xffff, v4  }
0x430: {  	[tilespmem:s5+$0x60F0] =	vst.add.f32.msk $0xffff, v4  }
0x431: {  	s14 =	simm.s32 $0x400;
	s6 =	simm.s32 $0x0;
	[tilespmem:s5+$0x80F0] =	vst.add.f32.msk $0xffff, v4  }
.LBB2_20:
0x432: {  	s15 =	sand.u32 $0x1C00, s14;
	[tilespmem:s5+$0x60D0] =	vst.add.f32.msk $0xffff, v3;
	s4 =	sadd.s32 $0x10, s4  }
0x433: {  	s6 =	sadd.s32 $0x8, s6;
	s16 =	sor.u32 s15, s4;
	[tilespmem:s5+$0x80D0] =	vst.add.f32.msk $0xffff, v3  }
0x434: {  	p0 =	slt.u32 s6, $0x1F8;
	s16 =	sor.u32 $0x70, s16;
	[tilespmem:s5+$0xA0D0] =	vst.add.f32.msk $0xffff, v3  }
0x435: {  	v4 =	vld [tilespmem:s16+$0x2080]  }
0x436: {  	[tilespmem:s5+$0x40E0] =	vst.add.f32.msk $0xffff, v2  }
0x437: {  	[tilespmem:s5+$0x60E0] =	vst.add.f32.msk $0xffff, v2  }
0x438: {  	[tilespmem:s5+$0x80E0] =	vst.add.f32.msk $0xffff, v2  }
0x439: {  	s17 =	sand.u32 $0x380, s4;
	[tilespmem:s5+$0xA0E0] =	vst.add.f32.msk $0xffff, v2  }
0x43a: {  	s5 =	sor.u32 s17, s15;
	[tilespmem:s16+$0x4080] =	vst.add.f32.msk $0xffff, v4  }
0x43b: {  	[tilespmem:s5+$0xA0F0] =	vst.add.f32.msk $0xffff, v4  }
0x43c: {  	v5 =	vld [tilespmem:s5+$0x2080]  }
0x43d: {  	v6 =	vld [tilespmem:s5+$0x2090]  }
0x43e: {  	v7 =	vld [tilespmem:s5+$0x20A0]  }
0x43f: {  	v8 =	vld [tilespmem:s5+$0x20B0]  }
0x440: {  	v9 =	vld [tilespmem:s5+$0x20C0]  }
0x441: {  	v3 =	vld [tilespmem:s5+$0x20D0]  }
0x442: {  	v2 =	vld [tilespmem:s5+$0x20E0]  }
0x443: {  	[tilespmem:s5+$0x60F0] =	vst.add.f32.msk $0xffff, v4  }
0x444: {  	[tilespmem:s5+$0x80F0] =	vst.add.f32.msk $0xffff, v4  }
0x445: {  	[tilespmem:s5+$0x4080] =	vst.add.f32.msk $0xffff, v5  }
0x446: {  	[tilespmem:s5+$0x6080] =	vst.add.f32.msk $0xffff, v5  }
0x447: {  	[tilespmem:s5+$0x8080] =	vst.add.f32.msk $0xffff, v5  }
0x448: {  	[tilespmem:s5+$0xA080] =	vst.add.f32.msk $0xffff, v5  }
0x449: {  	[tilespmem:s5+$0x4090] =	vst.add.f32.msk $0xffff, v6  }
0x44a: {  	[tilespmem:s5+$0x6090] =	vst.add.f32.msk $0xffff, v6  }
0x44b: {  	[tilespmem:s5+$0x8090] =	vst.add.f32.msk $0xffff, v6  }
0x44c: {  	[tilespmem:s5+$0xA090] =	vst.add.f32.msk $0xffff, v6  }
0x44d: {  	[tilespmem:s5+$0x40A0] =	vst.add.f32.msk $0xffff, v7  }
0x44e: {  	[tilespmem:s5+$0x60A0] =	vst.add.f32.msk $0xffff, v7  }
0x44f: {  	[tilespmem:s5+$0x80A0] =	vst.add.f32.msk $0xffff, v7  }
0x450: {  	[tilespmem:s5+$0xA0A0] =	vst.add.f32.msk $0xffff, v7  }
0x451: {  	[tilespmem:s5+$0x40B0] =	vst.add.f32.msk $0xffff, v8  }
0x452: {  	[tilespmem:s5+$0x60B0] =	vst.add.f32.msk $0xffff, v8  }
0x453: {  	[tilespmem:s5+$0x80B0] =	vst.add.f32.msk $0xffff, v8  }
0x454: {  	[tilespmem:s5+$0xA0B0] =	vst.add.f32.msk $0xffff, v8  }
.Ltmp9:
0x455: {  	[tilespmem:s5+$0x40C0] =	vst.add.f32.msk $0xffff, v9;
	(pc) =	sbr.rel @p0 .LBB2_20-.Ltmp9, $4  }
0x456: {  	[tilespmem:s5+$0x60C0] =	vst.add.f32.msk $0xffff, v9  }
0x457: {  	[tilespmem:s5+$0x80C0] =	vst.add.f32.msk $0xffff, v9  }
0x458: {  	[tilespmem:s5+$0xA0C0] =	vst.add.f32.msk $0xffff, v9  }
0x459: {  	s14 =	sadd.s32 $0x400, s14;
	[tilespmem:s5+$0x40D0] =	vst.add.f32.msk $0xffff, v3  }
0x45a: {  	[tilespmem:s5+$0x60D0] =	vst.add.f32.msk $0xffff, v3  }
0x45b: {  	[tilespmem:s5+$0x80D0] =	vst.add.f32.msk $0xffff, v3  }
0x45c: {  	[tilespmem:s5+$0xA0D0] =	vst.add.f32.msk $0xffff, v3  }
0x45d: {  	[tilespmem:s5+$0x40E0] =	vst.add.f32.msk $0xffff, v2  }
0x45e: {  	[tilespmem:s5+$0x60E0] =	vst.add.f32.msk $0xffff, v2  }
0x45f: {  	[tilespmem:s5+$0x80E0] =	vst.add.f32.msk $0xffff, v2  }
0x460: {  	[tilespmem:s5+$0xA0E0] =	vst.add.f32.msk $0xffff, v2  }
0x461: {  	s4 =	rddreg [dreg:$0x17]  }
0x462: {  	[hbm4b:s4+s10] =	stream.strided.scatter [tilespmem:s12], [sflag:$0x6], $0x8000, s11, s10, $0x38;
	[tilespmem:$0x1C080] =	vst v63  }
0x463: {  	v2 =	vld.msk [tilespmem:$0x58], $0xff;
	_ =	sdelay $0x4  }
0x464: {  	v3 =	vshll.u32 v2, $0x3  }
0x465: {  	v2 =	vand.u32 $0x7, v2;
	v3 =	vand.u32 $0xFFFFFFC0, v3  }
0x466: {  	v2 =	vor.u32 v2, v3  }
0x467: {  	v2 =	vperm.xlane v2, v0;
	_ =	sdelay $0x1  }
0x468: {  	v2 =	vadd.s32 v1, v2;
	_ =	sdelay $0x3  }
0x469: {  	s4 =	simm.s32 $0x0  }
0x46a: {  	[tilespmem:s19], [sflag:$0x2] =	stream.indirect_vreg.gather [hbm4b:s31+s4], $0x80, v2, vm0, $0xb8;
	[tilespmem:$0x1C080] =	vst v63  }
0x46b: {  	_ = 	snop  }
0x46c: {  	[tilespmem:s20], [sflag:$0x2] =	stream.indirect_vreg.gather [hbm4b:s7+s4], $0x80, v2, vm0, $0xb8;
	[tilespmem:$0x1C080] =	vst v63  }
0x46d: {  	_ = 	snop  }
0x46e: {  	[tilespmem:s21], [sflag:$0x2] =	stream.indirect_vreg.gather [hbm4b:s8+s4], $0x80, v2, vm0, $0xb8;
	[tilespmem:$0x1C080] =	vst v63  }
0x46f: {  	_ = 	snop  }
0x470: {  	[tilespmem:s22], [sflag:$0x2] =	stream.indirect_vreg.gather [hbm4b:s9+s4], $0x80, v2, vm0, $0xb8;
	[tilespmem:$0x1C080] =	vst v63  }
0x471: {  	_ =	swait.ge [sflag:s26], $0x8000  }
0x472: {  	[sflag:s26] =	ssyncset.done $0x0  }
0x473: {  	s15 =	rddreg [dreg:$0x1c];
	[sflag:s26] =	ssyncadd.s32 $0xFFFF8000  }
0x474: {  	[tilespmem:s12], [sflag:$0x3] =	stream.strided.gather [hbm4b:s15+s10], $0x8000, s11, s10, $0x38;
	[tilespmem:$0x1C080] =	vst v63  }
0x475: {  	_ =	swait.ge [sflag:s28], $0x8000  }
0x476: {  	[sflag:s28] =	ssyncset.done $0x0  }
0x477: {  	[sflag:s28] =	ssyncadd.s32 $0xFFFF8000  }
0x478: {  	s16 =	sand.u32 $0x1C00, s4;
	_ =	swait.ge [sflag:s25], $0x2000  }
0x479: {  	s6 =	sor.u32 s16, s4;
	[sflag:s25] =	ssyncset.done $0x0  }
0x47a: {  	s17 =	sand.u32 $0x380, s4;
	s14 =	sor.u32 $0x70, s6;
	[sflag:s25] =	ssyncadd.s32 $0xFFFFE000  }
0x47b: {  	s6 =	sor.u32 s17, s16;
	v4 =	vld [tilespmem:s14+$0x80]  }
0x47c: {  	v5 =	vld [tilespmem:s6+$0x80]  }
0x47d: {  	v6 =	vld [tilespmem:s6+$0x90]  }
0x47e: {  	v7 =	vld [tilespmem:s6+$0xA0]  }
0x47f: {  	v8 =	vld [tilespmem:s6+$0xB0]  }
0x480: {  	v9 =	vld [tilespmem:s6+$0xC0]  }
0x481: {  	v3 =	vld [tilespmem:s6+$0xD0]  }
0x482: {  	v2 =	vld [tilespmem:s6+$0xE0]  }
0x483: {  	[tilespmem:s14+$0xC080] =	vst.add.f32.msk $0xffff, v4  }
0x484: {  	[tilespmem:s6+$0xC080] =	vst.add.f32.msk $0xffff, v5  }
0x485: {  	[tilespmem:s6+$0xE080] =	vst.add.f32.msk $0xffff, v5  }
0x486: {  	[tilespmem:s6+$0x10080] =	vst.add.f32.msk $0xffff, v5  }
0x487: {  	[tilespmem:s6+$0x12080] =	vst.add.f32.msk $0xffff, v5  }
0x488: {  	[tilespmem:s6+$0xC090] =	vst.add.f32.msk $0xffff, v6  }
0x489: {  	[tilespmem:s6+$0xE090] =	vst.add.f32.msk $0xffff, v6  }
0x48a: {  	[tilespmem:s6+$0xC0A0] =	vst.add.f32.msk $0xffff, v7  }
0x48b: {  	[tilespmem:s6+$0xE0A0] =	vst.add.f32.msk $0xffff, v7  }
0x48c: {  	[tilespmem:s6+$0xC0B0] =	vst.add.f32.msk $0xffff, v8  }
0x48d: {  	[tilespmem:s6+$0xE0B0] =	vst.add.f32.msk $0xffff, v8  }
0x48e: {  	[tilespmem:s6+$0xC0C0] =	vst.add.f32.msk $0xffff, v9  }
0x48f: {  	[tilespmem:s6+$0xE0C0] =	vst.add.f32.msk $0xffff, v9  }
0x490: {  	[tilespmem:s6+$0xC0D0] =	vst.add.f32.msk $0xffff, v3  }
0x491: {  	s5 =	sadd.s32 $0xC080, s6;
	[tilespmem:s6+$0xE0F0] =	vst.add.f32.msk $0xffff, v4  }
0x492: {  	[tilespmem:s5+$0x4010] =	vst.add.f32.msk $0xffff, v6  }
0x493: {  	[tilespmem:s5+$0x6010] =	vst.add.f32.msk $0xffff, v6  }
0x494: {  	[tilespmem:s5+$0x4020] =	vst.add.f32.msk $0xffff, v7  }
0x495: {  	[tilespmem:s5+$0x6020] =	vst.add.f32.msk $0xffff, v7  }
0x496: {  	[tilespmem:s5+$0x4030] =	vst.add.f32.msk $0xffff, v8  }
0x497: {  	[tilespmem:s5+$0x6030] =	vst.add.f32.msk $0xffff, v8  }
0x498: {  	[tilespmem:s5+$0x4040] =	vst.add.f32.msk $0xffff, v9  }
0x499: {  	[tilespmem:s5+$0x6040] =	vst.add.f32.msk $0xffff, v9  }
0x49a: {  	[tilespmem:s5+$0x6070] =	vst.add.f32.msk $0xffff, v4  }
0x49b: {  	s15 =	simm.s32 $0x400;
	s14 =	simm.s32 $0x0;
	[tilespmem:s5+$0x4070] =	vst.add.f32.msk $0xffff, v4  }
.LBB2_22:
0x49c: {  	s16 =	sand.u32 $0x1C00, s15;
	[tilespmem:s6+$0xE0D0] =	vst.add.f32.msk $0xffff, v3;
	s4 =	sadd.s32 $0x10, s4  }
0x49d: {  	s17 =	sor.u32 s16, s4;
	[tilespmem:s5+$0x4050] =	vst.add.f32.msk $0xffff, v3  }
0x49e: {  	s14 =	sadd.s32 $0x8, s14;
	s17 =	sor.u32 $0x70, s17;
	[tilespmem:s5+$0x6050] =	vst.add.f32.msk $0xffff, v3  }
0x49f: {  	p0 =	slt.u32 s14, $0x1F8;
	v4 =	vld [tilespmem:s17+$0x80]  }
0x4a0: {  	[tilespmem:s6+$0xC0E0] =	vst.add.f32.msk $0xffff, v2  }
0x4a1: {  	[tilespmem:s6+$0xE0E0] =	vst.add.f32.msk $0xffff, v2  }
0x4a2: {  	[tilespmem:s5+$0x4060] =	vst.add.f32.msk $0xffff, v2  }
0x4a3: {  	s6 =	sand.u32 $0x380, s4;
	[tilespmem:s5+$0x6060] =	vst.add.f32.msk $0xffff, v2  }
0x4a4: {  	s6 =	sor.u32 s6, s16;
	[tilespmem:s17+$0xC080] =	vst.add.f32.msk $0xffff, v4  }
0x4a5: {  	s5 =	sadd.s32 $0xC080, s6;
	[tilespmem:s6+$0xE0F0] =	vst.add.f32.msk $0xffff, v4  }
0x4a6: {  	[tilespmem:s5+$0x6070] =	vst.add.f32.msk $0xffff, v4  }
0x4a7: {  	v5 =	vld [tilespmem:s6+$0x80]  }
0x4a8: {  	v6 =	vld [tilespmem:s6+$0x90]  }
0x4a9: {  	v7 =	vld [tilespmem:s6+$0xA0]  }
0x4aa: {  	v8 =	vld [tilespmem:s6+$0xB0]  }
0x4ab: {  	v9 =	vld [tilespmem:s6+$0xC0]  }
0x4ac: {  	v3 =	vld [tilespmem:s6+$0xD0]  }
0x4ad: {  	v2 =	vld [tilespmem:s6+$0xE0]  }
0x4ae: {  	[tilespmem:s5+$0x4070] =	vst.add.f32.msk $0xffff, v4  }
0x4af: {  	[tilespmem:s6+$0xC080] =	vst.add.f32.msk $0xffff, v5  }
0x4b0: {  	[tilespmem:s6+$0xE080] =	vst.add.f32.msk $0xffff, v5  }
0x4b1: {  	[tilespmem:s6+$0x10080] =	vst.add.f32.msk $0xffff, v5  }
0x4b2: {  	[tilespmem:s6+$0x12080] =	vst.add.f32.msk $0xffff, v5  }
0x4b3: {  	[tilespmem:s6+$0xC090] =	vst.add.f32.msk $0xffff, v6  }
0x4b4: {  	[tilespmem:s6+$0xE090] =	vst.add.f32.msk $0xffff, v6  }
0x4b5: {  	[tilespmem:s5+$0x4010] =	vst.add.f32.msk $0xffff, v6  }
0x4b6: {  	[tilespmem:s5+$0x6010] =	vst.add.f32.msk $0xffff, v6  }
0x4b7: {  	[tilespmem:s6+$0xC0A0] =	vst.add.f32.msk $0xffff, v7  }
0x4b8: {  	[tilespmem:s6+$0xE0A0] =	vst.add.f32.msk $0xffff, v7  }
0x4b9: {  	[tilespmem:s5+$0x4020] =	vst.add.f32.msk $0xffff, v7  }
0x4ba: {  	[tilespmem:s5+$0x6020] =	vst.add.f32.msk $0xffff, v7  }
0x4bb: {  	[tilespmem:s6+$0xC0B0] =	vst.add.f32.msk $0xffff, v8  }
0x4bc: {  	[tilespmem:s6+$0xE0B0] =	vst.add.f32.msk $0xffff, v8  }
0x4bd: {  	[tilespmem:s5+$0x4030] =	vst.add.f32.msk $0xffff, v8  }
0x4be: {  	[tilespmem:s5+$0x6030] =	vst.add.f32.msk $0xffff, v8  }
.Ltmp10:
0x4bf: {  	[tilespmem:s6+$0xC0C0] =	vst.add.f32.msk $0xffff, v9;
	(pc) =	sbr.rel @p0 .LBB2_22-.Ltmp10, $4  }
0x4c0: {  	[tilespmem:s6+$0xE0C0] =	vst.add.f32.msk $0xffff, v9  }
0x4c1: {  	[tilespmem:s5+$0x4040] =	vst.add.f32.msk $0xffff, v9  }
0x4c2: {  	[tilespmem:s5+$0x6040] =	vst.add.f32.msk $0xffff, v9  }
0x4c3: {  	s15 =	sadd.s32 $0x400, s15;
	[tilespmem:s6+$0xC0D0] =	vst.add.f32.msk $0xffff, v3  }
0x4c4: {  	[tilespmem:s6+$0xE0D0] =	vst.add.f32.msk $0xffff, v3  }
0x4c5: {  	[tilespmem:s6+$0xC0E0] =	vst.add.f32.msk $0xffff, v2  }
0x4c6: {  	[tilespmem:s6+$0xE0E0] =	vst.add.f32.msk $0xffff, v2  }
0x4c7: {  	[tilespmem:s5+$0x4050] =	vst.add.f32.msk $0xffff, v3  }
0x4c8: {  	[tilespmem:s5+$0x6050] =	vst.add.f32.msk $0xffff, v3  }
0x4c9: {  	[tilespmem:s5+$0x4060] =	vst.add.f32.msk $0xffff, v2  }
0x4ca: {  	[tilespmem:s5+$0x6060] =	vst.add.f32.msk $0xffff, v2  }
0x4cb: {  	s4 =	rddreg [dreg:$0x19]  }
0x4cc: {  	[hbm4b:s4+s10] =	stream.strided.scatter [tilespmem:s13], [sflag:$0x7], $0x8000, s11, s10, $0x38;
	[tilespmem:$0x1C080] =	vst v63  }
0x4cd: {  	v2 =	vld.msk [tilespmem:$0x60], $0xff;
	_ =	sdelay $0x4  }
0x4ce: {  	v3 =	vshll.u32 v2, $0x3  }
0x4cf: {  	v2 =	vand.u32 $0x7, v2;
	v3 =	vand.u32 $0xFFFFFFC0, v3  }
0x4d0: {  	v2 =	vor.u32 v2, v3  }
0x4d1: {  	v2 =	vperm.xlane v2, v0;
	_ =	sdelay $0x1  }
0x4d2: {  	v2 =	vadd.s32 v1, v2;
	_ =	sdelay $0x3  }
0x4d3: {  	s16 =	simm.s32 $0x80;
	s4 =	simm.s32 $0x0  }
0x4d4: {  	[tilespmem:s16], [sflag:$0x1] =	stream.indirect_vreg.gather [hbm4b:s31+s4], $0x80, v2, vm0, $0xb8;
	[tilespmem:$0x1C080] =	vst v63  }
0x4d5: {  	s17 =	simm.s32 $0x880  }
0x4d6: {  	[tilespmem:s17], [sflag:$0x1] =	stream.indirect_vreg.gather [hbm4b:s7+s4], $0x80, v2, vm0, $0xb8;
	[tilespmem:$0x1C080] =	vst v63  }
0x4d7: {  	s6 =	simm.s32 $0x1080  }
0x4d8: {  	[tilespmem:s6], [sflag:$0x1] =	stream.indirect_vreg.gather [hbm4b:s8+s4], $0x80, v2, vm0, $0xb8;
	[tilespmem:$0x1C080] =	vst v63  }
0x4d9: {  	_ = 	snop  }
0x4da: {  	[tilespmem:s18], [sflag:$0x1] =	stream.indirect_vreg.gather [hbm4b:s9+s4], $0x80, v2, vm0, $0xb8;
	[tilespmem:$0x1C080] =	vst v63  }
0x4db: {  	_ =	swait.ge [sflag:s30], $0x8000  }
0x4dc: {  	s14 =	sld [smem:$0x7F7]  }
0x4dd: {  	[sflag:s30] =	ssyncset.done $0x0  }
0x4de: {  	[sflag:s30] =	ssyncadd.s32 $0xFFFF8000  }
0x4df: {  	[tilespmem:s13], [sflag:$0x4] =	stream.strided.gather [hbm4b:s14+s10], $0x8000, s11, s10, $0x38;
	[tilespmem:$0x1C080] =	vst v63  }
0x4e0: {  	_ =	swait.ge [sflag:s0], $0x8000  }
0x4e1: {  	[sflag:s0] =	ssyncset.done $0x0  }
0x4e2: {  	[sflag:s0] =	ssyncadd.s32 $0xFFFF8000  }
0x4e3: {  	s15 =	sand.u32 $0x1C00, s4;
	_ =	swait.ge [sflag:s29], $0x2000  }
0x4e4: {  	s16 =	sor.u32 s15, s4;
	[sflag:s29] =	ssyncset.done $0x0  }
0x4e5: {  	s17 =	sand.u32 $0x380, s4;
	s14 =	sor.u32 $0x70, s16;
	[sflag:s29] =	ssyncadd.s32 $0xFFFFE000  }
0x4e6: {  	s6 =	sor.u32 s17, s15;
	v4 =	vld [tilespmem:s14+$0x2080]  }
0x4e7: {  	v5 =	vld [tilespmem:s6+$0x2080]  }
0x4e8: {  	v6 =	vld [tilespmem:s6+$0x2090]  }
0x4e9: {  	v7 =	vld [tilespmem:s6+$0x20A0]  }
0x4ea: {  	v8 =	vld [tilespmem:s6+$0x20B0]  }
0x4eb: {  	v9 =	vld [tilespmem:s6+$0x20C0]  }
0x4ec: {  	v3 =	vld [tilespmem:s6+$0x20D0]  }
0x4ed: {  	v2 =	vld [tilespmem:s6+$0x20E0]  }
0x4ee: {  	[tilespmem:s14+$0x14080] =	vst.add.f32.msk $0xffff, v4  }
0x4ef: {  	[tilespmem:s6+$0x14080] =	vst.add.f32.msk $0xffff, v5  }
0x4f0: {  	[tilespmem:s6+$0x16080] =	vst.add.f32.msk $0xffff, v5  }
0x4f1: {  	[tilespmem:s6+$0x18080] =	vst.add.f32.msk $0xffff, v5  }
0x4f2: {  	[tilespmem:s6+$0x1A080] =	vst.add.f32.msk $0xffff, v5  }
0x4f3: {  	[tilespmem:s6+$0x14090] =	vst.add.f32.msk $0xffff, v6  }
0x4f4: {  	[tilespmem:s6+$0x140A0] =	vst.add.f32.msk $0xffff, v7  }
0x4f5: {  	[tilespmem:s6+$0x140B0] =	vst.add.f32.msk $0xffff, v8  }
0x4f6: {  	[tilespmem:s6+$0x140C0] =	vst.add.f32.msk $0xffff, v9  }
0x4f7: {  	s5 =	sadd.s32 $0x14080, s6;
	[tilespmem:s6+$0x140D0] =	vst.add.f32.msk $0xffff, v3  }
0x4f8: {  	[tilespmem:s5+$0x6070] =	vst.add.f32.msk $0xffff, v4  }
0x4f9: {  	[tilespmem:s5+$0x2070] =	vst.add.f32.msk $0xffff, v4  }
0x4fa: {  	[tilespmem:s5+$0x4070] =	vst.add.f32.msk $0xffff, v4  }
0x4fb: {  	[tilespmem:s5+$0x2010] =	vst.add.f32.msk $0xffff, v6  }
0x4fc: {  	[tilespmem:s5+$0x4010] =	vst.add.f32.msk $0xffff, v6  }
0x4fd: {  	[tilespmem:s5+$0x6010] =	vst.add.f32.msk $0xffff, v6  }
0x4fe: {  	[tilespmem:s5+$0x2020] =	vst.add.f32.msk $0xffff, v7  }
0x4ff: {  	[tilespmem:s5+$0x4020] =	vst.add.f32.msk $0xffff, v7  }
0x500: {  	[tilespmem:s5+$0x6020] =	vst.add.f32.msk $0xffff, v7  }
0x501: {  	[tilespmem:s5+$0x2030] =	vst.add.f32.msk $0xffff, v8  }
0x502: {  	[tilespmem:s5+$0x4030] =	vst.add.f32.msk $0xffff, v8  }
0x503: {  	[tilespmem:s5+$0x6030] =	vst.add.f32.msk $0xffff, v8  }
0x504: {  	[tilespmem:s5+$0x2040] =	vst.add.f32.msk $0xffff, v9  }
0x505: {  	[tilespmem:s5+$0x4040] =	vst.add.f32.msk $0xffff, v9  }
0x506: {  	s15 =	simm.s32 $0x400;
	s14 =	simm.s32 $0x0;
	[tilespmem:s5+$0x6040] =	vst.add.f32.msk $0xffff, v9  }
.LBB2_24:
0x507: {  	s16 =	sand.u32 $0x1C00, s15;
	[tilespmem:s5+$0x2050] =	vst.add.f32.msk $0xffff, v3;
	s4 =	sadd.s32 $0x10, s4  }
0x508: {  	s14 =	sadd.s32 $0x8, s14;
	s17 =	sor.u32 s16, s4;
	[tilespmem:s5+$0x4050] =	vst.add.f32.msk $0xffff, v3  }
0x509: {  	p0 =	slt.u32 s14, $0x1F8;
	s17 =	sor.u32 $0x70, s17;
	[tilespmem:s5+$0x6050] =	vst.add.f32.msk $0xffff, v3  }
0x50a: {  	v4 =	vld [tilespmem:s17+$0x2080]  }
0x50b: {  	[tilespmem:s6+$0x140E0] =	vst.add.f32.msk $0xffff, v2  }
0x50c: {  	[tilespmem:s5+$0x2060] =	vst.add.f32.msk $0xffff, v2  }
0x50d: {  	s6 =	sand.u32 $0x380, s4;
	[tilespmem:s5+$0x4060] =	vst.add.f32.msk $0xffff, v2  }
0x50e: {  	s6 =	sor.u32 s6, s16;
	[tilespmem:s5+$0x6060] =	vst.add.f32.msk $0xffff, v2  }
0x50f: {  	s5 =	sadd.s32 $0x14080, s6;
	[tilespmem:s17+$0x14080] =	vst.add.f32.msk $0xffff, v4  }
0x510: {  	[tilespmem:s5+$0x6070] =	vst.add.f32.msk $0xffff, v4  }
0x511: {  	v5 =	vld [tilespmem:s6+$0x2080]  }
0x512: {  	v6 =	vld [tilespmem:s6+$0x2090]  }
0x513: {  	v7 =	vld [tilespmem:s6+$0x20A0]  }
0x514: {  	v8 =	vld [tilespmem:s6+$0x20B0]  }
0x515: {  	v9 =	vld [tilespmem:s6+$0x20C0]  }
0x516: {  	v3 =	vld [tilespmem:s6+$0x20D0]  }
0x517: {  	v2 =	vld [tilespmem:s6+$0x20E0]  }
0x518: {  	[tilespmem:s5+$0x2070] =	vst.add.f32.msk $0xffff, v4  }
0x519: {  	[tilespmem:s5+$0x4070] =	vst.add.f32.msk $0xffff, v4  }
0x51a: {  	[tilespmem:s6+$0x14080] =	vst.add.f32.msk $0xffff, v5  }
0x51b: {  	[tilespmem:s6+$0x16080] =	vst.add.f32.msk $0xffff, v5  }
0x51c: {  	[tilespmem:s6+$0x18080] =	vst.add.f32.msk $0xffff, v5  }
0x51d: {  	[tilespmem:s6+$0x1A080] =	vst.add.f32.msk $0xffff, v5  }
0x51e: {  	[tilespmem:s6+$0x14090] =	vst.add.f32.msk $0xffff, v6  }
0x51f: {  	[tilespmem:s5+$0x2010] =	vst.add.f32.msk $0xffff, v6  }
0x520: {  	[tilespmem:s5+$0x4010] =	vst.add.f32.msk $0xffff, v6  }
0x521: {  	[tilespmem:s5+$0x6010] =	vst.add.f32.msk $0xffff, v6  }
0x522: {  	[tilespmem:s6+$0x140A0] =	vst.add.f32.msk $0xffff, v7  }
0x523: {  	[tilespmem:s5+$0x2020] =	vst.add.f32.msk $0xffff, v7  }
0x524: {  	[tilespmem:s5+$0x4020] =	vst.add.f32.msk $0xffff, v7  }
0x525: {  	[tilespmem:s5+$0x6020] =	vst.add.f32.msk $0xffff, v7  }
0x526: {  	[tilespmem:s6+$0x140B0] =	vst.add.f32.msk $0xffff, v8  }
0x527: {  	[tilespmem:s5+$0x2030] =	vst.add.f32.msk $0xffff, v8  }
0x528: {  	[tilespmem:s5+$0x4030] =	vst.add.f32.msk $0xffff, v8  }
0x529: {  	[tilespmem:s5+$0x6030] =	vst.add.f32.msk $0xffff, v8  }
.Ltmp11:
0x52a: {  	[tilespmem:s6+$0x140C0] =	vst.add.f32.msk $0xffff, v9;
	(pc) =	sbr.rel @p0 .LBB2_24-.Ltmp11, $4  }
0x52b: {  	[tilespmem:s5+$0x2040] =	vst.add.f32.msk $0xffff, v9  }
0x52c: {  	[tilespmem:s5+$0x4040] =	vst.add.f32.msk $0xffff, v9  }
0x52d: {  	[tilespmem:s5+$0x6040] =	vst.add.f32.msk $0xffff, v9  }
0x52e: {  	s15 =	sadd.s32 $0x400, s15;
	[tilespmem:s6+$0x140D0] =	vst.add.f32.msk $0xffff, v3  }
0x52f: {  	[tilespmem:s5+$0x2050] =	vst.add.f32.msk $0xffff, v3  }
0x530: {  	[tilespmem:s5+$0x4050] =	vst.add.f32.msk $0xffff, v3  }
0x531: {  	[tilespmem:s5+$0x6050] =	vst.add.f32.msk $0xffff, v3  }
0x532: {  	[tilespmem:s6+$0x140E0] =	vst.add.f32.msk $0xffff, v2  }
0x533: {  	[tilespmem:s5+$0x2060] =	vst.add.f32.msk $0xffff, v2  }
0x534: {  	[tilespmem:s5+$0x4060] =	vst.add.f32.msk $0xffff, v2  }
0x535: {  	[tilespmem:s5+$0x6060] =	vst.add.f32.msk $0xffff, v2  }
0x536: {  	s4 =	rddreg [dreg:$0x1b]  }
0x537: {  	[hbm4b:s4+s10] =	stream.strided.scatter [tilespmem:s23], [sflag:$0x8], $0x8000, s11, s10, $0x38;
	[tilespmem:$0x1C080] =	vst v63  }
0x538: {  	v2 =	vld.msk [tilespmem:$0x68], $0xff;
	_ =	sdelay $0x4  }
0x539: {  	v3 =	vshll.u32 v2, $0x3  }
0x53a: {  	v2 =	vand.u32 $0x7, v2;
	v3 =	vand.u32 $0xFFFFFFC0, v3  }
0x53b: {  	v2 =	vor.u32 v2, v3  }
0x53c: {  	v2 =	vperm.xlane v2, v0;
	_ =	sdelay $0x1  }
0x53d: {  	v2 =	vadd.s32 v1, v2;
	_ =	sdelay $0x3  }
0x53e: {  	s4 =	simm.s32 $0x0  }
0x53f: {  	[tilespmem:s19], [sflag:$0x2] =	stream.indirect_vreg.gather [hbm4b:s31+s4], $0x80, v2, vm0, $0xb8;
	[tilespmem:$0x1C080] =	vst v63  }
0x540: {  	_ = 	snop  }
0x541: {  	[tilespmem:s20], [sflag:$0x2] =	stream.indirect_vreg.gather [hbm4b:s7+s4], $0x80, v2, vm0, $0xb8;
	[tilespmem:$0x1C080] =	vst v63  }
0x542: {  	_ = 	snop  }
0x543: {  	[tilespmem:s21], [sflag:$0x2] =	stream.indirect_vreg.gather [hbm4b:s8+s4], $0x80, v2, vm0, $0xb8;
	[tilespmem:$0x1C080] =	vst v63  }
0x544: {  	_ = 	snop  }
0x545: {  	[tilespmem:s22], [sflag:$0x2] =	stream.indirect_vreg.gather [hbm4b:s9+s4], $0x80, v2, vm0, $0xb8;
	[tilespmem:$0x1C080] =	vst v63  }
0x546: {  	_ =	swait.ge [sflag:s2], $0x8000  }
0x547: {  	s15 =	sld [smem:$0x7F8]  }
0x548: {  	[sflag:s2] =	ssyncset.done $0x0  }
0x549: {  	[sflag:s2] =	ssyncadd.s32 $0xFFFF8000  }
0x54a: {  	[tilespmem:s23], [sflag:$0x5] =	stream.strided.gather [hbm4b:s15+s10], $0x8000, s11, s10, $0x38;
	[tilespmem:$0x1C080] =	vst v63  }
0x54b: {  	_ =	swait.ge [sflag:s24], $0x8000  }
0x54c: {  	[sflag:s24] =	ssyncset.done $0x0  }
0x54d: {  	[sflag:s24] =	ssyncadd.s32 $0xFFFF8000  }
0x54e: {  	s16 =	sand.u32 $0x1C00, s4;
	_ =	swait.ge [sflag:s25], $0x2000  }
0x54f: {  	s17 =	sor.u32 s16, s4;
	[sflag:s25] =	ssyncset.done $0x0  }
0x550: {  	s14 =	sand.u32 $0x380, s4;
	s6 =	sor.u32 $0x70, s17;
	[sflag:s25] =	ssyncadd.s32 $0xFFFFE000  }
0x551: {  	s5 =	sor.u32 s14, s16;
	v4 =	vld [tilespmem:s6+$0x80]  }
0x552: {  	v5 =	vld [tilespmem:s5+$0x80]  }
0x553: {  	v6 =	vld [tilespmem:s5+$0x90]  }
0x554: {  	v7 =	vld [tilespmem:s5+$0xA0]  }
0x555: {  	v8 =	vld [tilespmem:s5+$0xB0]  }
0x556: {  	v9 =	vld [tilespmem:s5+$0xC0]  }
0x557: {  	v3 =	vld [tilespmem:s5+$0xD0]  }
0x558: {  	v2 =	vld [tilespmem:s5+$0xE0]  }
0x559: {  	[tilespmem:s6+$0x4080] =	vst.add.f32.msk $0xffff, v4  }
0x55a: {  	[tilespmem:s5+$0x4080] =	vst.add.f32.msk $0xffff, v5  }
0x55b: {  	[tilespmem:s5+$0x6080] =	vst.add.f32.msk $0xffff, v5  }
0x55c: {  	[tilespmem:s5+$0x8080] =	vst.add.f32.msk $0xffff, v5  }
0x55d: {  	[tilespmem:s5+$0xA080] =	vst.add.f32.msk $0xffff, v5  }
0x55e: {  	[tilespmem:s5+$0x4090] =	vst.add.f32.msk $0xffff, v6  }
0x55f: {  	[tilespmem:s5+$0x6090] =	vst.add.f32.msk $0xffff, v6  }
0x560: {  	[tilespmem:s5+$0x8090] =	vst.add.f32.msk $0xffff, v6  }
0x561: {  	[tilespmem:s5+$0xA090] =	vst.add.f32.msk $0xffff, v6  }
0x562: {  	[tilespmem:s5+$0x40A0] =	vst.add.f32.msk $0xffff, v7  }
0x563: {  	[tilespmem:s5+$0x60A0] =	vst.add.f32.msk $0xffff, v7  }
0x564: {  	[tilespmem:s5+$0x80A0] =	vst.add.f32.msk $0xffff, v7  }
0x565: {  	[tilespmem:s5+$0xA0A0] =	vst.add.f32.msk $0xffff, v7  }
0x566: {  	[tilespmem:s5+$0x40B0] =	vst.add.f32.msk $0xffff, v8  }
0x567: {  	[tilespmem:s5+$0x60B0] =	vst.add.f32.msk $0xffff, v8  }
0x568: {  	[tilespmem:s5+$0x80B0] =	vst.add.f32.msk $0xffff, v8  }
0x569: {  	[tilespmem:s5+$0xA0B0] =	vst.add.f32.msk $0xffff, v8  }
0x56a: {  	[tilespmem:s5+$0x40C0] =	vst.add.f32.msk $0xffff, v9  }
0x56b: {  	[tilespmem:s5+$0x60C0] =	vst.add.f32.msk $0xffff, v9  }
0x56c: {  	[tilespmem:s5+$0x80C0] =	vst.add.f32.msk $0xffff, v9  }
0x56d: {  	[tilespmem:s5+$0xA0C0] =	vst.add.f32.msk $0xffff, v9  }
0x56e: {  	[tilespmem:s5+$0x40D0] =	vst.add.f32.msk $0xffff, v3  }
0x56f: {  	[tilespmem:s5+$0xA0F0] =	vst.add.f32.msk $0xffff, v4  }
0x570: {  	[tilespmem:s5+$0x60F0] =	vst.add.f32.msk $0xffff, v4  }
0x571: {  	s14 =	simm.s32 $0x400;
	s6 =	simm.s32 $0x0;
	[tilespmem:s5+$0x80F0] =	vst.add.f32.msk $0xffff, v4  }
.LBB2_26:
0x572: {  	s15 =	sand.u32 $0x1C00, s14;
	[tilespmem:s5+$0x60D0] =	vst.add.f32.msk $0xffff, v3;
	s4 =	sadd.s32 $0x10, s4  }
0x573: {  	s6 =	sadd.s32 $0x8, s6;
	s16 =	sor.u32 s15, s4;
	[tilespmem:s5+$0x80D0] =	vst.add.f32.msk $0xffff, v3  }
0x574: {  	p0 =	slt.u32 s6, $0x1F8;
	s16 =	sor.u32 $0x70, s16;
	[tilespmem:s5+$0xA0D0] =	vst.add.f32.msk $0xffff, v3  }
0x575: {  	v4 =	vld [tilespmem:s16+$0x80]  }
0x576: {  	[tilespmem:s5+$0x40E0] =	vst.add.f32.msk $0xffff, v2  }
0x577: {  	[tilespmem:s5+$0x60E0] =	vst.add.f32.msk $0xffff, v2  }
0x578: {  	[tilespmem:s5+$0x80E0] =	vst.add.f32.msk $0xffff, v2  }
0x579: {  	s17 =	sand.u32 $0x380, s4;
	[tilespmem:s5+$0xA0E0] =	vst.add.f32.msk $0xffff, v2  }
0x57a: {  	s5 =	sor.u32 s17, s15;
	[tilespmem:s16+$0x4080] =	vst.add.f32.msk $0xffff, v4  }
0x57b: {  	[tilespmem:s5+$0xA0F0] =	vst.add.f32.msk $0xffff, v4  }
0x57c: {  	v5 =	vld [tilespmem:s5+$0x80]  }
0x57d: {  	v6 =	vld [tilespmem:s5+$0x90]  }
0x57e: {  	v7 =	vld [tilespmem:s5+$0xA0]  }
0x57f: {  	v8 =	vld [tilespmem:s5+$0xB0]  }
0x580: {  	v9 =	vld [tilespmem:s5+$0xC0]  }
0x581: {  	v3 =	vld [tilespmem:s5+$0xD0]  }
0x582: {  	v2 =	vld [tilespmem:s5+$0xE0]  }
0x583: {  	[tilespmem:s5+$0x60F0] =	vst.add.f32.msk $0xffff, v4  }
0x584: {  	[tilespmem:s5+$0x80F0] =	vst.add.f32.msk $0xffff, v4  }
0x585: {  	[tilespmem:s5+$0x4080] =	vst.add.f32.msk $0xffff, v5  }
0x586: {  	[tilespmem:s5+$0x6080] =	vst.add.f32.msk $0xffff, v5  }
0x587: {  	[tilespmem:s5+$0x8080] =	vst.add.f32.msk $0xffff, v5  }
0x588: {  	[tilespmem:s5+$0xA080] =	vst.add.f32.msk $0xffff, v5  }
0x589: {  	[tilespmem:s5+$0x4090] =	vst.add.f32.msk $0xffff, v6  }
0x58a: {  	[tilespmem:s5+$0x6090] =	vst.add.f32.msk $0xffff, v6  }
0x58b: {  	[tilespmem:s5+$0x8090] =	vst.add.f32.msk $0xffff, v6  }
0x58c: {  	[tilespmem:s5+$0xA090] =	vst.add.f32.msk $0xffff, v6  }
0x58d: {  	[tilespmem:s5+$0x40A0] =	vst.add.f32.msk $0xffff, v7  }
0x58e: {  	[tilespmem:s5+$0x60A0] =	vst.add.f32.msk $0xffff, v7  }
0x58f: {  	[tilespmem:s5+$0x80A0] =	vst.add.f32.msk $0xffff, v7  }
0x590: {  	[tilespmem:s5+$0xA0A0] =	vst.add.f32.msk $0xffff, v7  }
0x591: {  	[tilespmem:s5+$0x40B0] =	vst.add.f32.msk $0xffff, v8  }
0x592: {  	[tilespmem:s5+$0x60B0] =	vst.add.f32.msk $0xffff, v8  }
0x593: {  	[tilespmem:s5+$0x80B0] =	vst.add.f32.msk $0xffff, v8  }
0x594: {  	[tilespmem:s5+$0xA0B0] =	vst.add.f32.msk $0xffff, v8  }
.Ltmp12:
0x595: {  	[tilespmem:s5+$0x40C0] =	vst.add.f32.msk $0xffff, v9;
	(pc) =	sbr.rel @p0 .LBB2_26-.Ltmp12, $4  }
0x596: {  	[tilespmem:s5+$0x60C0] =	vst.add.f32.msk $0xffff, v9  }
0x597: {  	[tilespmem:s5+$0x80C0] =	vst.add.f32.msk $0xffff, v9  }
0x598: {  	[tilespmem:s5+$0xA0C0] =	vst.add.f32.msk $0xffff, v9  }
0x599: {  	s14 =	sadd.s32 $0x400, s14;
	[tilespmem:s5+$0x40D0] =	vst.add.f32.msk $0xffff, v3  }
0x59a: {  	[tilespmem:s5+$0x60D0] =	vst.add.f32.msk $0xffff, v3  }
0x59b: {  	[tilespmem:s5+$0x80D0] =	vst.add.f32.msk $0xffff, v3  }
0x59c: {  	[tilespmem:s5+$0xA0D0] =	vst.add.f32.msk $0xffff, v3  }
0x59d: {  	[tilespmem:s5+$0x40E0] =	vst.add.f32.msk $0xffff, v2  }
0x59e: {  	[tilespmem:s5+$0x60E0] =	vst.add.f32.msk $0xffff, v2  }
0x59f: {  	[tilespmem:s5+$0x80E0] =	vst.add.f32.msk $0xffff, v2  }
0x5a0: {  	[tilespmem:s5+$0xA0E0] =	vst.add.f32.msk $0xffff, v2  }
0x5a1: {  	s4 =	rddreg [dreg:$0x1d]  }
0x5a2: {  	[hbm4b:s4+s10] =	stream.strided.scatter [tilespmem:s12], [sflag:$0x6], $0x8000, s11, s10, $0x38;
	[tilespmem:$0x1C080] =	vst v63  }
0x5a3: {  	v2 =	vld.msk [tilespmem:$0x70], $0xff;
	_ =	sdelay $0x4  }
0x5a4: {  	v3 =	vshll.u32 v2, $0x3  }
0x5a5: {  	v2 =	vand.u32 $0x7, v2;
	v3 =	vand.u32 $0xFFFFFFC0, v3  }
0x5a6: {  	v2 =	vor.u32 v2, v3  }
0x5a7: {  	v2 =	vperm.xlane v2, v0;
	_ =	sdelay $0x1  }
0x5a8: {  	v2 =	vadd.s32 v1, v2;
	_ =	sdelay $0x3  }
0x5a9: {  	s17 =	simm.s32 $0x80;
	s4 =	simm.s32 $0x0  }
0x5aa: {  	[tilespmem:s17], [sflag:$0x1] =	stream.indirect_vreg.gather [hbm4b:s31+s4], $0x80, v2, vm0, $0xb8;
	[tilespmem:$0x1C080] =	vst v63  }
0x5ab: {  	s6 =	simm.s32 $0x880  }
0x5ac: {  	[tilespmem:s6], [sflag:$0x1] =	stream.indirect_vreg.gather [hbm4b:s7+s4], $0x80, v2, vm0, $0xb8;
	[tilespmem:$0x1C080] =	vst v63  }
0x5ad: {  	s14 =	simm.s32 $0x1080  }
0x5ae: {  	[tilespmem:s14], [sflag:$0x1] =	stream.indirect_vreg.gather [hbm4b:s8+s4], $0x80, v2, vm0, $0xb8;
	[tilespmem:$0x1C080] =	vst v63  }
0x5af: {  	_ = 	snop  }
0x5b0: {  	[tilespmem:s18], [sflag:$0x1] =	stream.indirect_vreg.gather [hbm4b:s9+s4], $0x80, v2, vm0, $0xb8;
	[tilespmem:$0x1C080] =	vst v63  }
0x5b1: {  	_ =	swait.ge [sflag:s26], $0x8000  }
0x5b2: {  	s15 =	sld [smem:$0x7F9]  }
0x5b3: {  	[sflag:s26] =	ssyncset.done $0x0  }
0x5b4: {  	[sflag:s26] =	ssyncadd.s32 $0xFFFF8000  }
0x5b5: {  	[tilespmem:s12], [sflag:$0x3] =	stream.strided.gather [hbm4b:s15+s10], $0x8000, s11, s10, $0x38;
	[tilespmem:$0x1C080] =	vst v63  }
0x5b6: {  	_ =	swait.ge [sflag:s28], $0x8000  }
0x5b7: {  	[sflag:s28] =	ssyncset.done $0x0  }
0x5b8: {  	[sflag:s28] =	ssyncadd.s32 $0xFFFF8000  }
0x5b9: {  	s16 =	sand.u32 $0x1C00, s4;
	_ =	swait.ge [sflag:s29], $0x2000  }
0x5ba: {  	s6 =	sor.u32 s16, s4;
	[sflag:s29] =	ssyncset.done $0x0  }
0x5bb: {  	s17 =	sand.u32 $0x380, s4;
	s14 =	sor.u32 $0x70, s6;
	[sflag:s29] =	ssyncadd.s32 $0xFFFFE000  }
0x5bc: {  	s6 =	sor.u32 s17, s16;
	v4 =	vld [tilespmem:s14+$0x2080]  }
0x5bd: {  	v5 =	vld [tilespmem:s6+$0x2080]  }
0x5be: {  	v6 =	vld [tilespmem:s6+$0x2090]  }
0x5bf: {  	v7 =	vld [tilespmem:s6+$0x20A0]  }
0x5c0: {  	v8 =	vld [tilespmem:s6+$0x20B0]  }
0x5c1: {  	v9 =	vld [tilespmem:s6+$0x20C0]  }
0x5c2: {  	v3 =	vld [tilespmem:s6+$0x20D0]  }
0x5c3: {  	v2 =	vld [tilespmem:s6+$0x20E0]  }
0x5c4: {  	[tilespmem:s14+$0xC080] =	vst.add.f32.msk $0xffff, v4  }
0x5c5: {  	[tilespmem:s6+$0xC080] =	vst.add.f32.msk $0xffff, v5  }
0x5c6: {  	[tilespmem:s6+$0xE080] =	vst.add.f32.msk $0xffff, v5  }
0x5c7: {  	[tilespmem:s6+$0x10080] =	vst.add.f32.msk $0xffff, v5  }
0x5c8: {  	[tilespmem:s6+$0x12080] =	vst.add.f32.msk $0xffff, v5  }
0x5c9: {  	[tilespmem:s6+$0xC090] =	vst.add.f32.msk $0xffff, v6  }
0x5ca: {  	[tilespmem:s6+$0xE090] =	vst.add.f32.msk $0xffff, v6  }
0x5cb: {  	[tilespmem:s6+$0xC0A0] =	vst.add.f32.msk $0xffff, v7  }
0x5cc: {  	[tilespmem:s6+$0xE0A0] =	vst.add.f32.msk $0xffff, v7  }
0x5cd: {  	[tilespmem:s6+$0xC0B0] =	vst.add.f32.msk $0xffff, v8  }
0x5ce: {  	[tilespmem:s6+$0xE0B0] =	vst.add.f32.msk $0xffff, v8  }
0x5cf: {  	[tilespmem:s6+$0xC0C0] =	vst.add.f32.msk $0xffff, v9  }
0x5d0: {  	[tilespmem:s6+$0xE0C0] =	vst.add.f32.msk $0xffff, v9  }
0x5d1: {  	[tilespmem:s6+$0xC0D0] =	vst.add.f32.msk $0xffff, v3  }
0x5d2: {  	s5 =	sadd.s32 $0xC080, s6;
	[tilespmem:s6+$0xE0F0] =	vst.add.f32.msk $0xffff, v4  }
0x5d3: {  	[tilespmem:s5+$0x4010] =	vst.add.f32.msk $0xffff, v6  }
0x5d4: {  	[tilespmem:s5+$0x6010] =	vst.add.f32.msk $0xffff, v6  }
0x5d5: {  	[tilespmem:s5+$0x4020] =	vst.add.f32.msk $0xffff, v7  }
0x5d6: {  	[tilespmem:s5+$0x6020] =	vst.add.f32.msk $0xffff, v7  }
0x5d7: {  	[tilespmem:s5+$0x4030] =	vst.add.f32.msk $0xffff, v8  }
0x5d8: {  	[tilespmem:s5+$0x6030] =	vst.add.f32.msk $0xffff, v8  }
0x5d9: {  	[tilespmem:s5+$0x4040] =	vst.add.f32.msk $0xffff, v9  }
0x5da: {  	[tilespmem:s5+$0x6040] =	vst.add.f32.msk $0xffff, v9  }
0x5db: {  	[tilespmem:s5+$0x6070] =	vst.add.f32.msk $0xffff, v4  }
0x5dc: {  	s15 =	simm.s32 $0x400;
	s14 =	simm.s32 $0x0;
	[tilespmem:s5+$0x4070] =	vst.add.f32.msk $0xffff, v4  }
.LBB2_28:
0x5dd: {  	s16 =	sand.u32 $0x1C00, s15;
	[tilespmem:s6+$0xE0D0] =	vst.add.f32.msk $0xffff, v3;
	s4 =	sadd.s32 $0x10, s4  }
0x5de: {  	s17 =	sor.u32 s16, s4;
	[tilespmem:s5+$0x4050] =	vst.add.f32.msk $0xffff, v3  }
0x5df: {  	s14 =	sadd.s32 $0x8, s14;
	s17 =	sor.u32 $0x70, s17;
	[tilespmem:s5+$0x6050] =	vst.add.f32.msk $0xffff, v3  }
0x5e0: {  	p0 =	slt.u32 s14, $0x1F8;
	v4 =	vld [tilespmem:s17+$0x2080]  }
0x5e1: {  	[tilespmem:s6+$0xC0E0] =	vst.add.f32.msk $0xffff, v2  }
0x5e2: {  	[tilespmem:s6+$0xE0E0] =	vst.add.f32.msk $0xffff, v2  }
0x5e3: {  	[tilespmem:s5+$0x4060] =	vst.add.f32.msk $0xffff, v2  }
0x5e4: {  	s6 =	sand.u32 $0x380, s4;
	[tilespmem:s5+$0x6060] =	vst.add.f32.msk $0xffff, v2  }
0x5e5: {  	s6 =	sor.u32 s6, s16;
	[tilespmem:s17+$0xC080] =	vst.add.f32.msk $0xffff, v4  }
0x5e6: {  	s5 =	sadd.s32 $0xC080, s6;
	[tilespmem:s6+$0xE0F0] =	vst.add.f32.msk $0xffff, v4  }
0x5e7: {  	[tilespmem:s5+$0x6070] =	vst.add.f32.msk $0xffff, v4  }
0x5e8: {  	v5 =	vld [tilespmem:s6+$0x2080]  }
0x5e9: {  	v6 =	vld [tilespmem:s6+$0x2090]  }
0x5ea: {  	v7 =	vld [tilespmem:s6+$0x20A0]  }
0x5eb: {  	v8 =	vld [tilespmem:s6+$0x20B0]  }
0x5ec: {  	v9 =	vld [tilespmem:s6+$0x20C0]  }
0x5ed: {  	v3 =	vld [tilespmem:s6+$0x20D0]  }
0x5ee: {  	v2 =	vld [tilespmem:s6+$0x20E0]  }
0x5ef: {  	[tilespmem:s5+$0x4070] =	vst.add.f32.msk $0xffff, v4  }
0x5f0: {  	[tilespmem:s6+$0xC080] =	vst.add.f32.msk $0xffff, v5  }
0x5f1: {  	[tilespmem:s6+$0xE080] =	vst.add.f32.msk $0xffff, v5  }
0x5f2: {  	[tilespmem:s6+$0x10080] =	vst.add.f32.msk $0xffff, v5  }
0x5f3: {  	[tilespmem:s6+$0x12080] =	vst.add.f32.msk $0xffff, v5  }
0x5f4: {  	[tilespmem:s6+$0xC090] =	vst.add.f32.msk $0xffff, v6  }
0x5f5: {  	[tilespmem:s6+$0xE090] =	vst.add.f32.msk $0xffff, v6  }
0x5f6: {  	[tilespmem:s5+$0x4010] =	vst.add.f32.msk $0xffff, v6  }
0x5f7: {  	[tilespmem:s5+$0x6010] =	vst.add.f32.msk $0xffff, v6  }
0x5f8: {  	[tilespmem:s6+$0xC0A0] =	vst.add.f32.msk $0xffff, v7  }
0x5f9: {  	[tilespmem:s6+$0xE0A0] =	vst.add.f32.msk $0xffff, v7  }
0x5fa: {  	[tilespmem:s5+$0x4020] =	vst.add.f32.msk $0xffff, v7  }
0x5fb: {  	[tilespmem:s5+$0x6020] =	vst.add.f32.msk $0xffff, v7  }
0x5fc: {  	[tilespmem:s6+$0xC0B0] =	vst.add.f32.msk $0xffff, v8  }
0x5fd: {  	[tilespmem:s6+$0xE0B0] =	vst.add.f32.msk $0xffff, v8  }
0x5fe: {  	[tilespmem:s5+$0x4030] =	vst.add.f32.msk $0xffff, v8  }
0x5ff: {  	[tilespmem:s5+$0x6030] =	vst.add.f32.msk $0xffff, v8  }
.Ltmp13:
0x600: {  	[tilespmem:s6+$0xC0C0] =	vst.add.f32.msk $0xffff, v9;
	(pc) =	sbr.rel @p0 .LBB2_28-.Ltmp13, $4  }
0x601: {  	[tilespmem:s6+$0xE0C0] =	vst.add.f32.msk $0xffff, v9  }
0x602: {  	[tilespmem:s5+$0x4040] =	vst.add.f32.msk $0xffff, v9  }
0x603: {  	[tilespmem:s5+$0x6040] =	vst.add.f32.msk $0xffff, v9  }
0x604: {  	s15 =	sadd.s32 $0x400, s15;
	[tilespmem:s6+$0xC0D0] =	vst.add.f32.msk $0xffff, v3  }
0x605: {  	[tilespmem:s6+$0xE0D0] =	vst.add.f32.msk $0xffff, v3  }
0x606: {  	[tilespmem:s6+$0xC0E0] =	vst.add.f32.msk $0xffff, v2  }
0x607: {  	[tilespmem:s6+$0xE0E0] =	vst.add.f32.msk $0xffff, v2  }
0x608: {  	[tilespmem:s5+$0x4050] =	vst.add.f32.msk $0xffff, v3  }
0x609: {  	[tilespmem:s5+$0x6050] =	vst.add.f32.msk $0xffff, v3  }
0x60a: {  	[tilespmem:s5+$0x4060] =	vst.add.f32.msk $0xffff, v2  }
0x60b: {  	[tilespmem:s5+$0x6060] =	vst.add.f32.msk $0xffff, v2  }
0x60c: {  	s4 =	sld [smem:$0x7FA];
	_ =	sdelay $0x2  }
0x60d: {  	[hbm4b:s4+s10] =	stream.strided.scatter [tilespmem:s13], [sflag:$0x7], $0x8000, s11, s10, $0x38;
	[tilespmem:$0x1C080] =	vst v63  }
0x60e: {  	v2 =	vld.msk [tilespmem:$0x78], $0xff;
	_ =	sdelay $0x4  }
0x60f: {  	v3 =	vshll.u32 v2, $0x3  }
0x610: {  	v2 =	vand.u32 $0x7, v2;
	v3 =	vand.u32 $0xFFFFFFC0, v3  }
0x611: {  	v2 =	vor.u32 v2, v3  }
0x612: {  	v2 =	vperm.xlane v2, v0;
	_ =	sdelay $0x1  }
0x613: {  	v2 =	vadd.s32 v1, v2;
	_ =	sdelay $0x3  }
0x614: {  	s4 =	simm.s32 $0x0  }
0x615: {  	[tilespmem:s19], [sflag:$0x2] =	stream.indirect_vreg.gather [hbm4b:s31+s4], $0x80, v2, vm0, $0xb8;
	[tilespmem:$0x1C080] =	vst v63  }
0x616: {  	_ = 	snop  }
0x617: {  	[tilespmem:s20], [sflag:$0x2] =	stream.indirect_vreg.gather [hbm4b:s7+s4], $0x80, v2, vm0, $0xb8;
	[tilespmem:$0x1C080] =	vst v63  }
0x618: {  	_ = 	snop  }
0x619: {  	[tilespmem:s21], [sflag:$0x2] =	stream.indirect_vreg.gather [hbm4b:s8+s4], $0x80, v2, vm0, $0xb8;
	[tilespmem:$0x1C080] =	vst v63  }
0x61a: {  	_ = 	snop  }
0x61b: {  	[tilespmem:s22], [sflag:$0x2] =	stream.indirect_vreg.gather [hbm4b:s9+s4], $0x80, v2, vm0, $0xb8;
	[tilespmem:$0x1C080] =	vst v63  }
0x61c: {  	_ =	swait.ge [sflag:s0], $0x8000  }
0x61d: {  	[sflag:s0] =	ssyncset.done $0x0  }
0x61e: {  	[sflag:s0] =	ssyncadd.s32 $0xFFFF8000  }
0x61f: {  	s15 =	sand.u32 $0x1C00, s4;
	_ =	swait.ge [sflag:s25], $0x2000  }
0x620: {  	s16 =	sor.u32 s15, s4;
	[sflag:s25] =	ssyncset.done $0x0  }
0x621: {  	s17 =	sand.u32 $0x380, s4;
	s14 =	sor.u32 $0x70, s16;
	[sflag:s25] =	ssyncadd.s32 $0xFFFFE000  }
0x622: {  	s6 =	sor.u32 s17, s15;
	v4 =	vld [tilespmem:s14+$0x80]  }
0x623: {  	v5 =	vld [tilespmem:s6+$0x80]  }
0x624: {  	v6 =	vld [tilespmem:s6+$0x90]  }
0x625: {  	v7 =	vld [tilespmem:s6+$0xA0]  }
0x626: {  	v8 =	vld [tilespmem:s6+$0xB0]  }
0x627: {  	v9 =	vld [tilespmem:s6+$0xC0]  }
0x628: {  	v3 =	vld [tilespmem:s6+$0xD0]  }
0x629: {  	v2 =	vld [tilespmem:s6+$0xE0]  }
0x62a: {  	[tilespmem:s14+$0x14080] =	vst.add.f32.msk $0xffff, v4  }
0x62b: {  	[tilespmem:s6+$0x14080] =	vst.add.f32.msk $0xffff, v5  }
0x62c: {  	[tilespmem:s6+$0x16080] =	vst.add.f32.msk $0xffff, v5  }
0x62d: {  	[tilespmem:s6+$0x18080] =	vst.add.f32.msk $0xffff, v5  }
0x62e: {  	[tilespmem:s6+$0x1A080] =	vst.add.f32.msk $0xffff, v5  }
0x62f: {  	[tilespmem:s6+$0x14090] =	vst.add.f32.msk $0xffff, v6  }
0x630: {  	[tilespmem:s6+$0x140A0] =	vst.add.f32.msk $0xffff, v7  }
0x631: {  	[tilespmem:s6+$0x140B0] =	vst.add.f32.msk $0xffff, v8  }
0x632: {  	[tilespmem:s6+$0x140C0] =	vst.add.f32.msk $0xffff, v9  }
0x633: {  	s5 =	sadd.s32 $0x14080, s6;
	[tilespmem:s6+$0x140D0] =	vst.add.f32.msk $0xffff, v3  }
0x634: {  	[tilespmem:s5+$0x6070] =	vst.add.f32.msk $0xffff, v4  }
0x635: {  	[tilespmem:s5+$0x2070] =	vst.add.f32.msk $0xffff, v4  }
0x636: {  	[tilespmem:s5+$0x4070] =	vst.add.f32.msk $0xffff, v4  }
0x637: {  	[tilespmem:s5+$0x2010] =	vst.add.f32.msk $0xffff, v6  }
0x638: {  	[tilespmem:s5+$0x4010] =	vst.add.f32.msk $0xffff, v6  }
0x639: {  	[tilespmem:s5+$0x6010] =	vst.add.f32.msk $0xffff, v6  }
0x63a: {  	[tilespmem:s5+$0x2020] =	vst.add.f32.msk $0xffff, v7  }
0x63b: {  	[tilespmem:s5+$0x4020] =	vst.add.f32.msk $0xffff, v7  }
0x63c: {  	[tilespmem:s5+$0x6020] =	vst.add.f32.msk $0xffff, v7  }
0x63d: {  	[tilespmem:s5+$0x2030] =	vst.add.f32.msk $0xffff, v8  }
0x63e: {  	[tilespmem:s5+$0x4030] =	vst.add.f32.msk $0xffff, v8  }
0x63f: {  	[tilespmem:s5+$0x6030] =	vst.add.f32.msk $0xffff, v8  }
0x640: {  	[tilespmem:s5+$0x2040] =	vst.add.f32.msk $0xffff, v9  }
0x641: {  	[tilespmem:s5+$0x4040] =	vst.add.f32.msk $0xffff, v9  }
0x642: {  	s15 =	simm.s32 $0x400;
	s14 =	simm.s32 $0x0;
	[tilespmem:s5+$0x6040] =	vst.add.f32.msk $0xffff, v9  }
.LBB2_30:
0x643: {  	s16 =	sand.u32 $0x1C00, s15;
	[tilespmem:s5+$0x2050] =	vst.add.f32.msk $0xffff, v3;
	s4 =	sadd.s32 $0x10, s4  }
0x644: {  	s14 =	sadd.s32 $0x8, s14;
	s17 =	sor.u32 s16, s4;
	[tilespmem:s5+$0x4050] =	vst.add.f32.msk $0xffff, v3  }
0x645: {  	p0 =	slt.u32 s14, $0x1F8;
	s17 =	sor.u32 $0x70, s17;
	[tilespmem:s5+$0x6050] =	vst.add.f32.msk $0xffff, v3  }
0x646: {  	v4 =	vld [tilespmem:s17+$0x80]  }
0x647: {  	[tilespmem:s6+$0x140E0] =	vst.add.f32.msk $0xffff, v2  }
0x648: {  	[tilespmem:s5+$0x2060] =	vst.add.f32.msk $0xffff, v2  }
0x649: {  	s6 =	sand.u32 $0x380, s4;
	[tilespmem:s5+$0x4060] =	vst.add.f32.msk $0xffff, v2  }
0x64a: {  	s6 =	sor.u32 s6, s16;
	[tilespmem:s5+$0x6060] =	vst.add.f32.msk $0xffff, v2  }
0x64b: {  	s5 =	sadd.s32 $0x14080, s6;
	[tilespmem:s17+$0x14080] =	vst.add.f32.msk $0xffff, v4  }
0x64c: {  	[tilespmem:s5+$0x6070] =	vst.add.f32.msk $0xffff, v4  }
0x64d: {  	v5 =	vld [tilespmem:s6+$0x80]  }
0x64e: {  	v6 =	vld [tilespmem:s6+$0x90]  }
0x64f: {  	v7 =	vld [tilespmem:s6+$0xA0]  }
0x650: {  	v8 =	vld [tilespmem:s6+$0xB0]  }
0x651: {  	v9 =	vld [tilespmem:s6+$0xC0]  }
0x652: {  	v3 =	vld [tilespmem:s6+$0xD0]  }
0x653: {  	v2 =	vld [tilespmem:s6+$0xE0]  }
0x654: {  	[tilespmem:s5+$0x2070] =	vst.add.f32.msk $0xffff, v4  }
0x655: {  	[tilespmem:s5+$0x4070] =	vst.add.f32.msk $0xffff, v4  }
0x656: {  	[tilespmem:s6+$0x14080] =	vst.add.f32.msk $0xffff, v5  }
0x657: {  	[tilespmem:s6+$0x16080] =	vst.add.f32.msk $0xffff, v5  }
0x658: {  	[tilespmem:s6+$0x18080] =	vst.add.f32.msk $0xffff, v5  }
0x659: {  	[tilespmem:s6+$0x1A080] =	vst.add.f32.msk $0xffff, v5  }
0x65a: {  	[tilespmem:s6+$0x14090] =	vst.add.f32.msk $0xffff, v6  }
0x65b: {  	[tilespmem:s5+$0x2010] =	vst.add.f32.msk $0xffff, v6  }
0x65c: {  	[tilespmem:s5+$0x4010] =	vst.add.f32.msk $0xffff, v6  }
0x65d: {  	[tilespmem:s5+$0x6010] =	vst.add.f32.msk $0xffff, v6  }
0x65e: {  	[tilespmem:s6+$0x140A0] =	vst.add.f32.msk $0xffff, v7  }
0x65f: {  	[tilespmem:s5+$0x2020] =	vst.add.f32.msk $0xffff, v7  }
0x660: {  	[tilespmem:s5+$0x4020] =	vst.add.f32.msk $0xffff, v7  }
0x661: {  	[tilespmem:s5+$0x6020] =	vst.add.f32.msk $0xffff, v7  }
0x662: {  	[tilespmem:s6+$0x140B0] =	vst.add.f32.msk $0xffff, v8  }
0x663: {  	[tilespmem:s5+$0x2030] =	vst.add.f32.msk $0xffff, v8  }
0x664: {  	[tilespmem:s5+$0x4030] =	vst.add.f32.msk $0xffff, v8  }
0x665: {  	[tilespmem:s5+$0x6030] =	vst.add.f32.msk $0xffff, v8  }
.Ltmp14:
0x666: {  	[tilespmem:s6+$0x140C0] =	vst.add.f32.msk $0xffff, v9;
	(pc) =	sbr.rel @p0 .LBB2_30-.Ltmp14, $4  }
0x667: {  	[tilespmem:s5+$0x2040] =	vst.add.f32.msk $0xffff, v9  }
0x668: {  	[tilespmem:s5+$0x4040] =	vst.add.f32.msk $0xffff, v9  }
0x669: {  	[tilespmem:s5+$0x6040] =	vst.add.f32.msk $0xffff, v9  }
0x66a: {  	s15 =	sadd.s32 $0x400, s15;
	[tilespmem:s6+$0x140D0] =	vst.add.f32.msk $0xffff, v3  }
0x66b: {  	[tilespmem:s5+$0x2050] =	vst.add.f32.msk $0xffff, v3  }
0x66c: {  	[tilespmem:s5+$0x4050] =	vst.add.f32.msk $0xffff, v3  }
0x66d: {  	[tilespmem:s5+$0x6050] =	vst.add.f32.msk $0xffff, v3  }
0x66e: {  	[tilespmem:s6+$0x140E0] =	vst.add.f32.msk $0xffff, v2  }
0x66f: {  	[tilespmem:s5+$0x2060] =	vst.add.f32.msk $0xffff, v2  }
0x670: {  	[tilespmem:s5+$0x4060] =	vst.add.f32.msk $0xffff, v2  }
0x671: {  	[tilespmem:s5+$0x6060] =	vst.add.f32.msk $0xffff, v2  }
0x672: {  	s4 =	sld [smem:$0x7FB];
	_ =	sdelay $0x2  }
0x673: {  	[hbm4b:s4+s10] =	stream.strided.scatter [tilespmem:s23], [sflag:$0x8], $0x8000, s11, s10, $0x38;
	[tilespmem:$0x1C080] =	vst v63  }
0x674: {  	_ =	swait.ge [sflag:s24], $0x8000  }
0x675: {  	[sflag:s24] =	ssyncset.done $0x0  }
0x676: {  	s4 =	simm.s32 $0x0;
	[sflag:s24] =	ssyncadd.s32 $0xFFFF8000  }
0x677: {  	s16 =	sand.u32 $0x1C00, s4;
	_ =	swait.ge [sflag:s29], $0x2000  }
0x678: {  	s17 =	sor.u32 s16, s4;
	[sflag:s29] =	ssyncset.done $0x0  }
0x679: {  	s14 =	sand.u32 $0x380, s4;
	s6 =	sor.u32 $0x70, s17;
	[sflag:s29] =	ssyncadd.s32 $0xFFFFE000  }
0x67a: {  	s5 =	sor.u32 s14, s16;
	v4 =	vld [tilespmem:s6+$0x2080]  }
0x67b: {  	v5 =	vld [tilespmem:s5+$0x2080]  }
0x67c: {  	v6 =	vld [tilespmem:s5+$0x2090]  }
0x67d: {  	v7 =	vld [tilespmem:s5+$0x20A0]  }
0x67e: {  	v8 =	vld [tilespmem:s5+$0x20B0]  }
0x67f: {  	v9 =	vld [tilespmem:s5+$0x20C0]  }
0x680: {  	v3 =	vld [tilespmem:s5+$0x20D0]  }
0x681: {  	v2 =	vld [tilespmem:s5+$0x20E0]  }
0x682: {  	[tilespmem:s6+$0x4080] =	vst.add.f32.msk $0xffff, v4  }
0x683: {  	[tilespmem:s5+$0x4080] =	vst.add.f32.msk $0xffff, v5  }
0x684: {  	[tilespmem:s5+$0x6080] =	vst.add.f32.msk $0xffff, v5  }
0x685: {  	[tilespmem:s5+$0x8080] =	vst.add.f32.msk $0xffff, v5  }
0x686: {  	[tilespmem:s5+$0xA080] =	vst.add.f32.msk $0xffff, v5  }
0x687: {  	[tilespmem:s5+$0x4090] =	vst.add.f32.msk $0xffff, v6  }
0x688: {  	[tilespmem:s5+$0x6090] =	vst.add.f32.msk $0xffff, v6  }
0x689: {  	[tilespmem:s5+$0x8090] =	vst.add.f32.msk $0xffff, v6  }
0x68a: {  	[tilespmem:s5+$0xA090] =	vst.add.f32.msk $0xffff, v6  }
0x68b: {  	[tilespmem:s5+$0x40A0] =	vst.add.f32.msk $0xffff, v7  }
0x68c: {  	[tilespmem:s5+$0x60A0] =	vst.add.f32.msk $0xffff, v7  }
0x68d: {  	[tilespmem:s5+$0x80A0] =	vst.add.f32.msk $0xffff, v7  }
0x68e: {  	[tilespmem:s5+$0xA0A0] =	vst.add.f32.msk $0xffff, v7  }
0x68f: {  	[tilespmem:s5+$0x40B0] =	vst.add.f32.msk $0xffff, v8  }
0x690: {  	[tilespmem:s5+$0x60B0] =	vst.add.f32.msk $0xffff, v8  }
0x691: {  	[tilespmem:s5+$0x80B0] =	vst.add.f32.msk $0xffff, v8  }
0x692: {  	[tilespmem:s5+$0xA0B0] =	vst.add.f32.msk $0xffff, v8  }
0x693: {  	[tilespmem:s5+$0x40C0] =	vst.add.f32.msk $0xffff, v9  }
0x694: {  	[tilespmem:s5+$0x60C0] =	vst.add.f32.msk $0xffff, v9  }
0x695: {  	[tilespmem:s5+$0x80C0] =	vst.add.f32.msk $0xffff, v9  }
0x696: {  	[tilespmem:s5+$0xA0C0] =	vst.add.f32.msk $0xffff, v9  }
0x697: {  	[tilespmem:s5+$0x40D0] =	vst.add.f32.msk $0xffff, v3  }
0x698: {  	[tilespmem:s5+$0xA0F0] =	vst.add.f32.msk $0xffff, v4  }
0x699: {  	[tilespmem:s5+$0x60F0] =	vst.add.f32.msk $0xffff, v4  }
0x69a: {  	s14 =	simm.s32 $0x400;
	s6 =	simm.s32 $0x0;
	[tilespmem:s5+$0x80F0] =	vst.add.f32.msk $0xffff, v4  }
.LBB2_32:
0x69b: {  	s15 =	sand.u32 $0x1C00, s14;
	[tilespmem:s5+$0x60D0] =	vst.add.f32.msk $0xffff, v3;
	s4 =	sadd.s32 $0x10, s4  }
0x69c: {  	s6 =	sadd.s32 $0x8, s6;
	s16 =	sor.u32 s15, s4;
	[tilespmem:s5+$0x80D0] =	vst.add.f32.msk $0xffff, v3  }
0x69d: {  	p0 =	slt.u32 s6, $0x1F8;
	s16 =	sor.u32 $0x70, s16;
	[tilespmem:s5+$0xA0D0] =	vst.add.f32.msk $0xffff, v3  }
0x69e: {  	v4 =	vld [tilespmem:s16+$0x2080]  }
0x69f: {  	[tilespmem:s5+$0x40E0] =	vst.add.f32.msk $0xffff, v2  }
0x6a0: {  	[tilespmem:s5+$0x60E0] =	vst.add.f32.msk $0xffff, v2  }
0x6a1: {  	[tilespmem:s5+$0x80E0] =	vst.add.f32.msk $0xffff, v2  }
0x6a2: {  	s17 =	sand.u32 $0x380, s4;
	[tilespmem:s5+$0xA0E0] =	vst.add.f32.msk $0xffff, v2  }
0x6a3: {  	s5 =	sor.u32 s17, s15;
	[tilespmem:s16+$0x4080] =	vst.add.f32.msk $0xffff, v4  }
0x6a4: {  	[tilespmem:s5+$0xA0F0] =	vst.add.f32.msk $0xffff, v4  }
0x6a5: {  	v5 =	vld [tilespmem:s5+$0x2080]  }
0x6a6: {  	v6 =	vld [tilespmem:s5+$0x2090]  }
0x6a7: {  	v7 =	vld [tilespmem:s5+$0x20A0]  }
0x6a8: {  	v8 =	vld [tilespmem:s5+$0x20B0]  }
0x6a9: {  	v9 =	vld [tilespmem:s5+$0x20C0]  }
0x6aa: {  	v3 =	vld [tilespmem:s5+$0x20D0]  }
0x6ab: {  	v2 =	vld [tilespmem:s5+$0x20E0]  }
0x6ac: {  	[tilespmem:s5+$0x60F0] =	vst.add.f32.msk $0xffff, v4  }
0x6ad: {  	[tilespmem:s5+$0x80F0] =	vst.add.f32.msk $0xffff, v4  }
0x6ae: {  	[tilespmem:s5+$0x4080] =	vst.add.f32.msk $0xffff, v5  }
0x6af: {  	[tilespmem:s5+$0x6080] =	vst.add.f32.msk $0xffff, v5  }
0x6b0: {  	[tilespmem:s5+$0x8080] =	vst.add.f32.msk $0xffff, v5  }
0x6b1: {  	[tilespmem:s5+$0xA080] =	vst.add.f32.msk $0xffff, v5  }
0x6b2: {  	[tilespmem:s5+$0x4090] =	vst.add.f32.msk $0xffff, v6  }
0x6b3: {  	[tilespmem:s5+$0x6090] =	vst.add.f32.msk $0xffff, v6  }
0x6b4: {  	[tilespmem:s5+$0x8090] =	vst.add.f32.msk $0xffff, v6  }
0x6b5: {  	[tilespmem:s5+$0xA090] =	vst.add.f32.msk $0xffff, v6  }
0x6b6: {  	[tilespmem:s5+$0x40A0] =	vst.add.f32.msk $0xffff, v7  }
0x6b7: {  	[tilespmem:s5+$0x60A0] =	vst.add.f32.msk $0xffff, v7  }
0x6b8: {  	[tilespmem:s5+$0x80A0] =	vst.add.f32.msk $0xffff, v7  }
0x6b9: {  	[tilespmem:s5+$0xA0A0] =	vst.add.f32.msk $0xffff, v7  }
0x6ba: {  	[tilespmem:s5+$0x40B0] =	vst.add.f32.msk $0xffff, v8  }
0x6bb: {  	[tilespmem:s5+$0x60B0] =	vst.add.f32.msk $0xffff, v8  }
0x6bc: {  	[tilespmem:s5+$0x80B0] =	vst.add.f32.msk $0xffff, v8  }
0x6bd: {  	[tilespmem:s5+$0xA0B0] =	vst.add.f32.msk $0xffff, v8  }
.Ltmp15:
0x6be: {  	[tilespmem:s5+$0x40C0] =	vst.add.f32.msk $0xffff, v9;
	(pc) =	sbr.rel @p0 .LBB2_32-.Ltmp15, $4  }
0x6bf: {  	[tilespmem:s5+$0x60C0] =	vst.add.f32.msk $0xffff, v9  }
0x6c0: {  	[tilespmem:s5+$0x80C0] =	vst.add.f32.msk $0xffff, v9  }
0x6c1: {  	[tilespmem:s5+$0xA0C0] =	vst.add.f32.msk $0xffff, v9  }
0x6c2: {  	s14 =	sadd.s32 $0x400, s14;
	[tilespmem:s5+$0x40D0] =	vst.add.f32.msk $0xffff, v3  }
0x6c3: {  	[tilespmem:s5+$0x60D0] =	vst.add.f32.msk $0xffff, v3  }
0x6c4: {  	[tilespmem:s5+$0x80D0] =	vst.add.f32.msk $0xffff, v3  }
0x6c5: {  	[tilespmem:s5+$0xA0D0] =	vst.add.f32.msk $0xffff, v3  }
0x6c6: {  	[tilespmem:s5+$0x40E0] =	vst.add.f32.msk $0xffff, v2  }
0x6c7: {  	[tilespmem:s5+$0x60E0] =	vst.add.f32.msk $0xffff, v2  }
0x6c8: {  	[tilespmem:s5+$0x80E0] =	vst.add.f32.msk $0xffff, v2  }
0x6c9: {  	[tilespmem:s5+$0xA0E0] =	vst.add.f32.msk $0xffff, v2  }
0x6ca: {  	s4 =	sld [smem:$0x7FC];
	_ =	sdelay $0x2  }
0x6cb: {  	[hbm4b:s4+s10] =	stream.strided.scatter [tilespmem:s12], [sflag:$0x6], $0x8000, s11, s10, $0x38;
	[tilespmem:$0x1C080] =	vst v63  }
0x6cc: {  	_ =	swait.ge [sflag:s30], $0x8000  }
0x6cd: {  	[sflag:s30] =	ssyncset.done $0x0  }
0x6ce: {  	[sflag:s30] =	ssyncadd.s32 $0xFFFF8000  }
0x6cf: {  	_ =	swait.ge [sflag:s2], $0x8000  }
0x6d0: {  	[sflag:s2] =	ssyncset.done $0x0  }
0x6d1: {  	[sflag:s2] =	ssyncadd.s32 $0xFFFF8000  }
0x6d2: {  	_ =	swait.ge [sflag:s26], $0x8000  }
0x6d3: {  	s17 =	sld [smem:$0x7FD];
	_ =	sdelay $0x1  }
0x6d4: {  	s3 =	sadd.s32 $0x1, s3  }
0x6d5: {  	p0 =	sne.s32 s3, s17  }
.Ltmp16:
0x6d6: {  	_ = 	snop;
	(pc) =	sbr.rel @p0 .LBB2_1-.Ltmp16, $3  }
0x6d7: {  	_ =	sdelay $0x1  }
0x6d8: {  	[sflag:s26] =	ssyncset.done $0x0  }
0x6d9: {  	[sflag:s26] =	ssyncadd.s32 $0xFFFF8000  }
0x6da: {  	_ =	sfence.sel $0x180000  }
0x6db: {  	[bflag:$0x0] =	sbarrier.arrive $0xFFFF  }
0x6dc: {  	_ =	strace $0x90000047  }
0x6dd: {  	s0 =	stileid.u32;
	[bflag:$0x2] =	sbarrier.arrive $0xFFFF  }
0x6de: {  	p0 =	sne.s32 s0, $0x0;
	s0 =	rddreg [dreg:$0x4]  }
0x6df: {  	s0 =	sadd.s32 @!p0 $0x100000, s0  }
0x6e0: {  	[sflag:s0] =	ssyncadd.tile.s32 @!p0 $0x1;
	_ =	shalt  }
.Lfunc_end2:
_tile_overlayer_lowered:
.L_overlay_start_2:
0x6e1: {  	(tag) =	ssettag $0x2  }
0x6e2: {  	s0 =	rddreg [dreg:$0x0];
	s2 =	stileid.u32  }
0x6e3: {  	s1 =	rddreg [dreg:$0x1];
	p0 =	sne.s32 s2, $0x0  }
0x6e4: {  	s3 =	rddreg [dreg:$0x2];
	[bflag:$0x3] =	sbarrier.arrive $0xFFFF;
	s2 =	simm.s32 @!p0 $0x1C09  }
0x6e5: {  	[timem:s3], [sflag:s2] =	dma.local @!p0 [hbm:s0], s1  }
0x6e6: {  	s0 =	simm.s32 @!p0 $0x9  }
0x6e7: {  	_ =	swait.ge @!p0 [sflag:s0], s1  }
0x6e8: {  	s1 =	ssub.s32 @!p0 $0x0, s1;
	[sflag:s0] =	ssyncset.done @!p0 $0x0  }
0x6e9: {  	[sflag:s0] =	ssyncadd.s32 @!p0 s1  }
0x6ea: {  	[bflag:$0x3] =	sbarrier.arrive $0xFFFF  }
0x6eb: {  	_ =	shalt  }

</sc_bundles>
